<compile_context>
chip_gen: v7x
topology: tpu7x:2x2x1
jax: 0.10.2.dev20260603
libtpu: 0.0.44.dev20260713+nightly
codegen_flags: <defaults>
</compile_context>

<pallas_src>
import functools

import jax
import jax.numpy as jnp
from jax import lax
from jax.experimental import pallas as pl
from jax.experimental.pallas import tpu as pltpu
from jax.experimental.pallas import tpu_sc as plsc

N = 10000
E = 320000
D = 128
T = 128
NF = 9
V = 128
G = 256

NC = 2
NS = 16
NW = NC * NS
CB = 128
NP = 10240
NCHUNK = NP // CB
ECH = 80
EP = NW * ECH * CB
RPT = NP // NS

_mesh = plsc.VectorSubcoreMesh(core_axis_name="c", subcore_axis_name="s")


@functools.partial(
    pl.kernel,
    out_type=(
        jax.ShapeDtypeStruct((NP, D), jnp.float32),
        jax.ShapeDtypeStruct((NC, NP), jnp.float32),
    ),
    mesh=_mesh,
    scratch_types=(
        pltpu.VMEM((NF, CB), jnp.int32),
        pltpu.VMEM((NF, CB), jnp.int32),
        pltpu.VMEM((CB, D), jnp.float32),
        pltpu.VMEM((CB, D), jnp.float32),
        pltpu.VMEM((ECH, CB), jnp.int32),
        pltpu.VMEM((CB,), jnp.float32),
        pltpu.VMEM((RPT,), jnp.float32),
        pltpu.VMEM_SHARED((NP,), jnp.float32),
        pltpu.VMEM_SHARED((NF * V, D), jnp.float32),
        pltpu.SemaphoreType.DMA,
        pltpu.SemaphoreType.DMA,
        pltpu.SemaphoreType.DMA,
        pltpu.SemaphoreType.DMA,
    ),
)
def _phase_a(xT_hbm, emb_hbm, epR_hbm, h_hbm, deg_hbm,
             idx0, idx1, rows0, rows1, didx_v, ones_v, zeros_v,
             deg_sh, emb_sh, sg0, sg1, sw, sd):
    cid = lax.axis_index("c")
    sid = lax.axis_index("s")
    wid = sid * NC + cid
    idxs = (idx0, idx1)
    rows = (rows0, rows1)
    sgs = (sg0, sg1)

    for i in range(CB // 16):
        ones_v[pl.ds(i * 16, 16)] = jnp.full((16,), 1.0, jnp.float32)

    @pl.loop(0, RPT // 16)
    def _zero(i):
        zeros_v[pl.ds(i * 16, 16)] = jnp.zeros((16,), jnp.float32)

    pltpu.sync_copy(zeros_v, deg_sh.at[pl.ds(sid * RPT, RPT)])
    TROWS = NF * V // NS
    pltpu.sync_copy(emb_hbm.at[pl.ds(sid * TROWS, TROWS)],
                    emb_sh.at[pl.ds(sid * TROWS, TROWS)])
    plsc.subcore_barrier()
    pltpu.sync_copy(epR_hbm.at[1, wid], didx_v)

    def stage(k):
        b = k % 2
        base = (wid + k * NW) * CB
        pltpu.sync_copy(xT_hbm.at[:, pl.ds(base, CB)], idxs[b])
        for f in range(1, NF):
            for i in range(CB // 16):
                sl = pl.ds(i * 16, 16)
                idxs[b][f, sl] = idxs[b][f, sl] + f * V

        @pl.loop(0, CB)
        def _zr(r):
            for i in range(D // 16):
                rows[b][r, pl.ds(i * 16, 16)] = jnp.zeros((16,), jnp.float32)

        for f in range(NF):
            pltpu.async_copy(emb_sh.at[idxs[b].at[f]], rows[b], sgs[b],
                             add=True)

    def drain(k):
        b = k % 2
        base = (wid + k * NW) * CB
        for f in range(NF):
            pltpu.make_async_copy(emb_sh.at[idxs[b].at[f]], rows[b],
                                  sgs[b]).wait()
        pltpu.async_copy(rows[b], h_hbm.at[pl.ds(base, CB)], sw)

    def wait_writeout(k):
        b = k % 2
        base = (wid + k * NW) * CB
        pltpu.make_async_copy(rows[b], h_hbm.at[pl.ds(base, CB)], sw).wait()

    stage(0)
    stage(1)

    @pl.loop(0, ECH // 16)
    def _deg(g):
        @pl.loop(0, 16)
        def _fire(i):
            pltpu.async_copy(ones_v, deg_sh.at[didx_v.at[g * 16 + i]], sd,
                             add=True)

        @pl.loop(0, 16)
        def _drain(i):
            pltpu.make_async_copy(ones_v, deg_sh.at[didx_v.at[g * 16 + i]],
                                  sd).wait()

    drain(0)
    wait_writeout(0)
    has3 = wid + 2 * NW < NCHUNK

    @pl.when(has3)
    def _stage2():
        stage(2)

    drain(1)
    wait_writeout(1)

    @pl.when(has3)
    def _finish2():
        drain(2)
        wait_writeout(2)

    plsc.subcore_barrier()
    pltpu.sync_copy(deg_sh.at[pl.ds(sid * RPT, RPT)],
                    deg_hbm.at[cid, pl.ds(sid * RPT, RPT)])


GC = 40
NG = ECH // GC


@functools.partial(
    pl.kernel,
    out_type=jax.ShapeDtypeStruct((NC, NP, D), jnp.float32),
    mesh=_mesh,
    scratch_types=(
        pltpu.VMEM((GC, CB), jnp.int32),
        pltpu.VMEM((GC, CB), jnp.int32),
        pltpu.VMEM((CB, D), jnp.float32),
        pltpu.VMEM((CB, D), jnp.float32),
        pltpu.VMEM_SHARED((NP, D), jnp.float32),
        pltpu.SemaphoreType.DMA,
        pltpu.SemaphoreType.DMA,
        pltpu.SemaphoreType.DMA,
        pltpu.SemaphoreType.DMA,
    ),
)
def _phase_c(epR_hbm, hws_hbm, acc_hbm,
             sidx_v, didx_v, buf0, buf1, acc_sh, sg0, sg1, ss0, ss1):
    cid = lax.axis_index("c")
    sid = lax.axis_index("s")
    wid = sid * NC + cid
    bufs = (buf0, buf1)
    sgs = (sg0, sg1)
    sss = (ss0, ss1)

    @pl.loop(0, CB)
    def _zero(r):
        for i in range(D // 16):
            buf0[r, pl.ds(i * 16, 16)] = jnp.zeros((16,), jnp.float32)

    for k in range(RPT // CB):
        pltpu.sync_copy(buf0, acc_sh.at[pl.ds(sid * RPT + k * CB, CB)])
    plsc.subcore_barrier()

    @pl.loop(0, NG)
    def _group(g):
        pltpu.sync_copy(epR_hbm.at[0, wid, pl.ds(g * GC, GC)], sidx_v)
        pltpu.sync_copy(epR_hbm.at[1, wid, pl.ds(g * GC, GC)], didx_v)
        pltpu.async_copy(hws_hbm.at[sidx_v.at[0]], buf0, sg0)
        pltpu.async_copy(hws_hbm.at[sidx_v.at[1]], buf1, sg1)

        @pl.loop(0, GC, step=2)
        def _pair(j):
            for b in range(2):
                jj = j + b
                pltpu.make_async_copy(hws_hbm.at[sidx_v.at[jj]], bufs[b],
                                      sgs[b]).wait()
                pltpu.sync_copy(bufs[b], acc_sh.at[didx_v.at[jj]], add=True)
                nxt = jj + 2

                @pl.when(nxt < GC)
                def _prefetch():
                    pltpu.async_copy(hws_hbm.at[sidx_v.at[nxt]], bufs[b],
                                     sgs[b])

    plsc.subcore_barrier()
    for k in range(RPT // CB):
        off = sid * RPT + k * CB
        pltpu.sync_copy(acc_sh.at[pl.ds(off, CB)],
                        acc_hbm.at[cid, pl.ds(off, CB)])


def _phase_b_body(h_ref, degs_ref, w_ref, hws_ref, dinv_ref):
    ones2 = jnp.ones((2, 1), jnp.float32)
    deg = 1.0 + lax.dot_general(degs_ref[...], ones2, (((0,), (0,)), ((), ())),
                                preferred_element_type=jnp.float32)
    rows = lax.broadcasted_iota(jnp.int32, (NP, 1), 0)
    dinv = jnp.where(rows < N, lax.rsqrt(deg), 0.0)
    hw = jnp.dot(h_ref[...], w_ref[...],
                 preferred_element_type=jnp.float32)
    hws_ref[...] = hw * dinv
    dinv_ref[...] = dinv


_phase_b = pl.pallas_call(
    _phase_b_body,
    out_shape=(
        jax.ShapeDtypeStruct((NP, D), jnp.float32),
        jax.ShapeDtypeStruct((NP, 1), jnp.float32),
    ),
)


def _phase_d_body(acc_ref, hws_ref, dinv_ref, bconv_ref, gamma_ref, beta_ref,
                  batch_ref, wlin_ref, blin_ref, out_ref):
    rows = lax.broadcasted_iota(jnp.int32, (NP, 1), 0)
    mask = rows < N
    node = dinv_ref[...] * (acc_ref[0] + acc_ref[1] + hws_ref[...])
    node = node + bconv_ref[...]
    node = jnp.where(mask, node, 0.0)
    mean = jnp.sum(node, axis=0, keepdims=True) * (1.0 / N)
    cent = jnp.where(mask, node - mean, 0.0)
    var = jnp.sum(cent * cent, axis=0, keepdims=True) * (1.0 / N)
    y = gamma_ref[...] * cent * lax.rsqrt(var + 1e-5) + beta_ref[...]
    y = jnp.where(mask, jnp.maximum(y, 0.0), 0.0)

    gids = lax.broadcasted_iota(jnp.int32, (NP, G), 1)
    onehot = (batch_ref[...] == gids).astype(jnp.float32)
    dn = (((0,), (0,)), ((), ()))
    sums = lax.dot_general(onehot, y, dn,
                           preferred_element_type=jnp.float32)
    ones_col = jnp.where(mask, 1.0, 0.0)
    cnt = lax.dot_general(onehot, ones_col, dn,
                          preferred_element_type=jnp.float32)
    pooled = sums / jnp.maximum(cnt, 1.0)
    out_ref[...] = jnp.dot(pooled, wlin_ref[...],
                           preferred_element_type=jnp.float32) + blin_ref[...]


_phase_d = pl.pallas_call(
    _phase_d_body,
    out_shape=jax.ShapeDtypeStruct((G, T), jnp.float32),
)


def kernel(x, edge_index, batch, atom_emb, W_conv, b_conv, gamma, beta,
           W_lin, b_lin):
    padv = N + (jnp.arange(EP - E, dtype=jnp.int32) % (NP - N))
    padv2 = jnp.broadcast_to(padv, (2, EP - E))
    epp = jnp.concatenate([edge_index.astype(jnp.int32), padv2],
                          axis=1).reshape(2, NW, ECH, CB)
    x = x.astype(jnp.int32)
    xT = jnp.pad(x.T, ((0, 0), (0, NP - N)))
    emb = atom_emb.reshape(NF * V, D)
    batp = jnp.pad(batch.astype(jnp.int32), (0, NP - N),
                   constant_values=G)[:, None]

    h, degs = _phase_a(xT, emb, epp)
    hws, dinv = _phase_b(h, degs, W_conv)
    acc = _phase_c(epp, hws)
    return _phase_d(acc, hws, dinv, b_conv[None], gamma[None], beta[None],
                    batp, W_lin, b_lin[None])

# --- scband reference (transcript-rebuilt; emitter-appended) ---
"""Pipeline reference for scband-gcn-64982855188789 (READ-ONLY COPY).

The authoritative reference and input builder live on the scoring server;
editing this copy changes nothing except your own understanding.
"""

import jax, jax.numpy as jnp
import numpy as np

N = 10000
E = 320000
D = 128
T = 128
NF = 9
V = 128
G = 256

def setup_inputs(seed: int = 0) -> dict:
    key = jax.random.key(seed)
    ks = jax.random.split(key, 10)
    x = jax.random.randint(ks[0], (N, NF), 0, V)
    edge_index = jax.random.randint(ks[1], (2, E), 0, N)
    batch = jnp.sort(jax.random.randint(ks[2], (N,), 0, G))
    atom_emb = jax.random.normal(ks[3], (NF, V, D), dtype=jnp.float32) * 0.02
    W_conv = jax.random.normal(ks[4], (D, D), dtype=jnp.float32) * (1.0 / np.sqrt(D))
    b_conv = jnp.zeros((D,), dtype=jnp.float32)
    gamma = jnp.ones((D,), dtype=jnp.float32)
    beta = jnp.zeros((D,), dtype=jnp.float32)
    W_lin = jax.random.normal(ks[5], (D, T), dtype=jnp.float32) * (1.0 / np.sqrt(D))
    b_lin = jnp.zeros((T,), dtype=jnp.float32)
    return {"x": x, "edge_index": edge_index, "batch": batch,
            "atom_emb": atom_emb, "W_conv": W_conv, "b_conv": b_conv,
            "gamma": gamma, "beta": beta, "W_lin": W_lin, "b_lin": b_lin}

def reference(x, edge_index, batch, atom_emb, W_conv, b_conv, gamma, beta, W_lin, b_lin):
    # AtomEncoder: sum of per-feature embedding lookups
    h = jnp.zeros((N, D), dtype=jnp.float32)
    for f in range(NF):
        h = h + atom_emb[f][x[:, f]]
    # GCNConv: D^{-1/2} (A + I) D^{-1/2} (h W) + b
    self_idx = jnp.arange(N)
    src = jnp.concatenate([edge_index[0], self_idx])
    dst = jnp.concatenate([edge_index[1], self_idx])
    deg = jax.ops.segment_sum(jnp.ones_like(dst, dtype=jnp.float32), dst, num_segments=N)
    dinv = jnp.where(deg > 0, 1.0 / jnp.sqrt(deg), 0.0)
    hw = h @ W_conv
    coef = (dinv[src] * dinv[dst])[:, None]
    msg = hw[src] * coef
    node = jax.ops.segment_sum(msg, dst, num_segments=N) + b_conv
    # BatchNorm1d (batch statistics)
    mean = jnp.mean(node, axis=0)
    var = jnp.var(node, axis=0)
    node = gamma * (node - mean) / jnp.sqrt(var + 1e-5) + beta
    # ReLU (dropout is identity in eval/deterministic reference)
    node = jax.nn.relu(node)
    # global_mean_pool
    sums = jax.ops.segment_sum(node, batch, num_segments=G)
    cnt = jax.ops.segment_sum(jnp.ones((N,), dtype=jnp.float32), batch, num_segments=G)
    pooled = sums / jnp.maximum(cnt, 1.0)[:, None]
    # graph_pred_linear
    return pooled @ W_lin + b_lin

if __name__ == "__main__":
    import jax
    _d = setup_inputs()
    print(jax.jit(kernel)(*tuple(_d.values())))

</pallas_src>

<mosaic_0001>
#map = affine_map<(d0, d1) -> (0, 0, 0, 0)>
#map1 = affine_map<(d0, d1) -> (0, 0)>
#map2 = affine_map<(d0, d1) -> (0, 0, 0)>
module attributes {stable_mosaic.version = 14 : i64} {
  func.func @_phase_c(%arg0: i32, %arg1: i32, %arg2: memref<2x32x80x128xi32, #tpu.memory_space<hbm>>, %arg3: memref<10240x128xf32, #tpu.memory_space<hbm>>, %arg4: memref<2x10240x128xf32, #tpu.memory_space<hbm>>, %arg5: memref<40x128xi32, #tpu.memory_space<vmem>>, %arg6: memref<40x128xi32, #tpu.memory_space<vmem>>, %arg7: memref<128x128xf32, #tpu.memory_space<vmem>>, %arg8: memref<128x128xf32, #tpu.memory_space<vmem>>, %arg9: memref<10240x128xf32, #tpu.memory_space<vmem_shared>>, %arg10: memref<!tpu.dma_semaphore, #tpu.memory_space<semaphore_mem>>, %arg11: memref<!tpu.dma_semaphore, #tpu.memory_space<semaphore_mem>>, %arg12: memref<!tpu.dma_semaphore, #tpu.memory_space<semaphore_mem>>, %arg13: memref<!tpu.dma_semaphore, #tpu.memory_space<semaphore_mem>>) attributes {dimension_semantics = [#tpu.dimension_semantics<core_parallel>, #tpu.dimension_semantics<subcore_parallel>], iteration_bounds = array<i64: 2, 16>, scalar_prefetch = 0 : i64, scratch_operands = 9 : i64, tpu.core_type = #tpu.core_type<sc_vector_subcore>, window_params = [{transform_indices = #map}, {transform_indices = #map1}, {transform_indices = #map2}]} {
    %mul3A = arith.constant 2 : i32
    %mul3A_0 = arith.muli %arg1, %mul3A : i32
    %add3A = arith.addi %mul3A_0, %arg0 : i32
    %scan3A = arith.constant 0 : i32
    %scan3A_1 = arith.constant 128 : i32
    %scan3A_2 = arith.addi %scan3A, %scan3A_1 : i32
    %scan3A_3 = arith.constant 1 : i32
    scf.for %scan3A_51 = %scan3A to %scan3A_2 step %scan3A_3  : i32 {
      %mul3A_52 = arith.constant 1 : i32
      %mul3A_53 = arith.muli %scan3A_51, %mul3A_52 : i32
      %add3A_54 = arith.constant 0 : i32
      %add3A_55 = arith.addi %add3A_54, %mul3A_53 : i32
      %broadcast_in_dim3A = arith.constant 0.000000e+00 : f32
      %broadcast_in_dim3A_56 = vector.broadcast %broadcast_in_dim3A : f32 to vector<16xf32>
      %swap3A = arith.index_cast %add3A_55 : i32 to index
      %swap3A_57 = arith.constant 0 : index
      %swap3A_58 = tpu.vector_load %arg7[%swap3A, %swap3A_57] {strides = array<i32>} : memref<128x128xf32, #tpu.memory_space<vmem>>, vector<1x16xf32>,
      %swap3A_59 = vector.shape_cast %swap3A_58 : vector<1x16xf32> to vector<16xf32>
      %swap3A_60 = vector.shape_cast %broadcast_in_dim3A_56 : vector<16xf32> to vector<1x16xf32>
      tpu.vector_store %arg7[%swap3A, %swap3A_57], %swap3A_60 {strides = array<i32>} : memref<128x128xf32, #tpu.memory_space<vmem>>, vector<1x16xf32>,
      %broadcast_in_dim3A_61 = arith.constant 0.000000e+00 : f32
      %broadcast_in_dim3A_62 = vector.broadcast %broadcast_in_dim3A_61 : f32 to vector<16xf32>
      %swap3A_63 = arith.index_cast %add3A_55 : i32 to index
      %swap3A_64 = arith.constant 16 : index
      %swap3A_65 = tpu.vector_load %arg7[%swap3A_63, %swap3A_64] {strides = array<i32>} : memref<128x128xf32, #tpu.memory_space<vmem>>, vector<1x16xf32>,
      %swap3A_66 = vector.shape_cast %swap3A_65 : vector<1x16xf32> to vector<16xf32>
      %swap3A_67 = vector.shape_cast %broadcast_in_dim3A_62 : vector<16xf32> to vector<1x16xf32>
      tpu.vector_store %arg7[%swap3A_63, %swap3A_64], %swap3A_67 {strides = array<i32>} : memref<128x128xf32, #tpu.memory_space<vmem>>, vector<1x16xf32>,
      %broadcast_in_dim3A_68 = arith.constant 0.000000e+00 : f32
      %broadcast_in_dim3A_69 = vector.broadcast %broadcast_in_dim3A_68 : f32 to vector<16xf32>
      %swap3A_70 = arith.index_cast %add3A_55 : i32 to index
      %swap3A_71 = arith.constant 32 : index
      %swap3A_72 = tpu.vector_load %arg7[%swap3A_70, %swap3A_71] {strides = array<i32>} : memref<128x128xf32, #tpu.memory_space<vmem>>, vector<1x16xf32>,
      %swap3A_73 = vector.shape_cast %swap3A_72 : vector<1x16xf32> to vector<16xf32>
      %swap3A_74 = vector.shape_cast %broadcast_in_dim3A_69 : vector<16xf32> to vector<1x16xf32>
      tpu.vector_store %arg7[%swap3A_70, %swap3A_71], %swap3A_74 {strides = array<i32>} : memref<128x128xf32, #tpu.memory_space<vmem>>, vector<1x16xf32>,
      %broadcast_in_dim3A_75 = arith.constant 0.000000e+00 : f32
      %broadcast_in_dim3A_76 = vector.broadcast %broadcast_in_dim3A_75 : f32 to vector<16xf32>
      %swap3A_77 = arith.index_cast %add3A_55 : i32 to index
      %swap3A_78 = arith.constant 48 : index
      %swap3A_79 = tpu.vector_load %arg7[%swap3A_77, %swap3A_78] {strides = array<i32>} : memref<128x128xf32, #tpu.memory_space<vmem>>, vector<1x16xf32>,
      %swap3A_80 = vector.shape_cast %swap3A_79 : vector<1x16xf32> to vector<16xf32>
      %swap3A_81 = vector.shape_cast %broadcast_in_dim3A_76 : vector<16xf32> to vector<1x16xf32>
      tpu.vector_store %arg7[%swap3A_77, %swap3A_78], %swap3A_81 {strides = array<i32>} : memref<128x128xf32, #tpu.memory_space<vmem>>, vector<1x16xf32>,
      %broadcast_in_dim3A_82 = arith.constant 0.000000e+00 : f32
      %broadcast_in_dim3A_83 = vector.broadcast %broadcast_in_dim3A_82 : f32 to vector<16xf32>
      %swap3A_84 = arith.index_cast %add3A_55 : i32 to index
      %swap3A_85 = arith.constant 64 : index
      %swap3A_86 = tpu.vector_load %arg7[%swap3A_84, %swap3A_85] {strides = array<i32>} : memref<128x128xf32, #tpu.memory_space<vmem>>, vector<1x16xf32>,
      %swap3A_87 = vector.shape_cast %swap3A_86 : vector<1x16xf32> to vector<16xf32>
      %swap3A_88 = vector.shape_cast %broadcast_in_dim3A_83 : vector<16xf32> to vector<1x16xf32>
      tpu.vector_store %arg7[%swap3A_84, %swap3A_85], %swap3A_88 {strides = array<i32>} : memref<128x128xf32, #tpu.memory_space<vmem>>, vector<1x16xf32>,
      %broadcast_in_dim3A_89 = arith.constant 0.000000e+00 : f32
      %broadcast_in_dim3A_90 = vector.broadcast %broadcast_in_dim3A_89 : f32 to vector<16xf32>
      %swap3A_91 = arith.index_cast %add3A_55 : i32 to index
      %swap3A_92 = arith.constant 80 : index
      %swap3A_93 = tpu.vector_load %arg7[%swap3A_91, %swap3A_92] {strides = array<i32>} : memref<128x128xf32, #tpu.memory_space<vmem>>, vector<1x16xf32>,
      %swap3A_94 = vector.shape_cast %swap3A_93 : vector<1x16xf32> to vector<16xf32>
      %swap3A_95 = vector.shape_cast %broadcast_in_dim3A_90 : vector<16xf32> to vector<1x16xf32>
      tpu.vector_store %arg7[%swap3A_91, %swap3A_92], %swap3A_95 {strides = array<i32>} : memref<128x128xf32, #tpu.memory_space<vmem>>, vector<1x16xf32>,
      %broadcast_in_dim3A_96 = arith.constant 0.000000e+00 : f32
      %broadcast_in_dim3A_97 = vector.broadcast %broadcast_in_dim3A_96 : f32 to vector<16xf32>
      %swap3A_98 = arith.index_cast %add3A_55 : i32 to index
      %swap3A_99 = arith.constant 96 : index
      %swap3A_100 = tpu.vector_load %arg7[%swap3A_98, %swap3A_99] {strides = array<i32>} : memref<128x128xf32, #tpu.memory_space<vmem>>, vector<1x16xf32>,
      %swap3A_101 = vector.shape_cast %swap3A_100 : vector<1x16xf32> to vector<16xf32>
      %swap3A_102 = vector.shape_cast %broadcast_in_dim3A_97 : vector<16xf32> to vector<1x16xf32>
      tpu.vector_store %arg7[%swap3A_98, %swap3A_99], %swap3A_102 {strides = array<i32>} : memref<128x128xf32, #tpu.memory_space<vmem>>, vector<1x16xf32>,
      %broadcast_in_dim3A_103 = arith.constant 0.000000e+00 : f32
      %broadcast_in_dim3A_104 = vector.broadcast %broadcast_in_dim3A_103 : f32 to vector<16xf32>
      %swap3A_105 = arith.index_cast %add3A_55 : i32 to index
      %swap3A_106 = arith.constant 112 : index
      %swap3A_107 = tpu.vector_load %arg7[%swap3A_105, %swap3A_106] {strides = array<i32>} : memref<128x128xf32, #tpu.memory_space<vmem>>, vector<1x16xf32>,
      %swap3A_108 = vector.shape_cast %swap3A_107 : vector<1x16xf32> to vector<16xf32>
      %swap3A_109 = vector.shape_cast %broadcast_in_dim3A_104 : vector<16xf32> to vector<1x16xf32>
      tpu.vector_store %arg7[%swap3A_105, %swap3A_106], %swap3A_109 {strides = array<i32>} : memref<128x128xf32, #tpu.memory_space<vmem>>, vector<1x16xf32>,
    }
    %scan3A_4 = arith.constant 128 : i32
    %mul3A_5 = arith.constant 640 : i32
    %mul3A_6 = arith.muli %arg1, %mul3A_5 : i32
    %add3A_7 = arith.constant 0 : i32
    %add3A_8 = arith.addi %mul3A_6, %add3A_7 : i32
    "tpu.region"() ({
      %run_scoped3A = tpu.sem_alloc : memref<!tpu.dma_semaphore, #tpu.memory_space<semaphore_mem>>
      %dma_start3A = arith.constant 0 : i32
      %dma_start3A_51 = tpu.memref_slice %arg9[%add3A_8, %dma_start3A] : memref<10240x128xf32, #tpu.memory_space<vmem_shared>> -> memref<128x128xf32, #tpu.memory_space<vmem_shared>>
      %dma_start3A_52 = arith.constant 0 : i32
      %dma_start3A_53 = tpu.memref_slice %arg9[%add3A_8, %dma_start3A_52] : memref<10240x128xf32, #tpu.memory_space<vmem_shared>> -> memref<128x128xf32, #tpu.memory_space<vmem_shared>>
      tpu.enqueue_dma source(%arg7 : memref<128x128xf32, #tpu.memory_space<vmem>>) target(%dma_start3A_53 : memref<128x128xf32, #tpu.memory_space<vmem_shared>>) target_semaphore(%run_scoped3A : memref<!tpu.dma_semaphore, #tpu.memory_space<semaphore_mem>>)
      %dma_wait3A = arith.constant 0 : i32
      %dma_wait3A_54 = tpu.memref_slice %arg9[%add3A_8, %dma_wait3A] : memref<10240x128xf32, #tpu.memory_space<vmem_shared>> -> memref<128x128xf32, #tpu.memory_space<vmem_shared>>
      %dma_wait3A_55 = arith.constant 0 : i32
      %dma_wait3A_56 = tpu.memref_slice %arg9[%add3A_8, %dma_wait3A_55] : memref<10240x128xf32, #tpu.memory_space<vmem_shared>> -> memref<128x128xf32, #tpu.memory_space<vmem_shared>>
      tpu.wait_dma2 semaphore(%run_scoped3A : memref<!tpu.dma_semaphore, #tpu.memory_space<semaphore_mem>>) src(%arg7 : memref<128x128xf32, #tpu.memory_space<vmem>>) dst(%dma_wait3A_56 : memref<128x128xf32, #tpu.memory_space<vmem_shared>>)
      tpu.yield
    }) : () -> ()
    %mul3A_9 = arith.constant 640 : i32
    %mul3A_10 = arith.muli %arg1, %mul3A_9 : i32
    %add3A_11 = arith.constant 128 : i32
    %add3A_12 = arith.addi %mul3A_10, %add3A_11 : i32
    "tpu.region"() ({
      %run_scoped3A = tpu.sem_alloc : memref<!tpu.dma_semaphore, #tpu.memory_space<semaphore_mem>>
      %dma_start3A = arith.constant 0 : i32
      %dma_start3A_51 = tpu.memref_slice %arg9[%add3A_12, %dma_start3A] : memref<10240x128xf32, #tpu.memory_space<vmem_shared>> -> memref<128x128xf32, #tpu.memory_space<vmem_shared>>
      %dma_start3A_52 = arith.constant 0 : i32
      %dma_start3A_53 = tpu.memref_slice %arg9[%add3A_12, %dma_start3A_52] : memref<10240x128xf32, #tpu.memory_space<vmem_shared>> -> memref<128x128xf32, #tpu.memory_space<vmem_shared>>
      tpu.enqueue_dma source(%arg7 : memref<128x128xf32, #tpu.memory_space<vmem>>) target(%dma_start3A_53 : memref<128x128xf32, #tpu.memory_space<vmem_shared>>) target_semaphore(%run_scoped3A : memref<!tpu.dma_semaphore, #tpu.memory_space<semaphore_mem>>)
      %dma_wait3A = arith.constant 0 : i32
      %dma_wait3A_54 = tpu.memref_slice %arg9[%add3A_12, %dma_wait3A] : memref<10240x128xf32, #tpu.memory_space<vmem_shared>> -> memref<128x128xf32, #tpu.memory_space<vmem_shared>>
      %dma_wait3A_55 = arith.constant 0 : i32
      %dma_wait3A_56 = tpu.memref_slice %arg9[%add3A_12, %dma_wait3A_55] : memref<10240x128xf32, #tpu.memory_space<vmem_shared>> -> memref<128x128xf32, #tpu.memory_space<vmem_shared>>
      tpu.wait_dma2 semaphore(%run_scoped3A : memref<!tpu.dma_semaphore, #tpu.memory_space<semaphore_mem>>) src(%arg7 : memref<128x128xf32, #tpu.memory_space<vmem>>) dst(%dma_wait3A_56 : memref<128x128xf32, #tpu.memory_space<vmem_shared>>)
      tpu.yield
    }) : () -> ()
    %mul3A_13 = arith.constant 640 : i32
    %mul3A_14 = arith.muli %arg1, %mul3A_13 : i32
    %add3A_15 = arith.constant 256 : i32
    %add3A_16 = arith.addi %mul3A_14, %add3A_15 : i32
    "tpu.region"() ({
      %run_scoped3A = tpu.sem_alloc : memref<!tpu.dma_semaphore, #tpu.memory_space<semaphore_mem>>
      %dma_start3A = arith.constant 0 : i32
      %dma_start3A_51 = tpu.memref_slice %arg9[%add3A_16, %dma_start3A] : memref<10240x128xf32, #tpu.memory_space<vmem_shared>> -> memref<128x128xf32, #tpu.memory_space<vmem_shared>>
      %dma_start3A_52 = arith.constant 0 : i32
      %dma_start3A_53 = tpu.memref_slice %arg9[%add3A_16, %dma_start3A_52] : memref<10240x128xf32, #tpu.memory_space<vmem_shared>> -> memref<128x128xf32, #tpu.memory_space<vmem_shared>>
      tpu.enqueue_dma source(%arg7 : memref<128x128xf32, #tpu.memory_space<vmem>>) target(%dma_start3A_53 : memref<128x128xf32, #tpu.memory_space<vmem_shared>>) target_semaphore(%run_scoped3A : memref<!tpu.dma_semaphore, #tpu.memory_space<semaphore_mem>>)
      %dma_wait3A = arith.constant 0 : i32
      %dma_wait3A_54 = tpu.memref_slice %arg9[%add3A_16, %dma_wait3A] : memref<10240x128xf32, #tpu.memory_space<vmem_shared>> -> memref<128x128xf32, #tpu.memory_space<vmem_shared>>
      %dma_wait3A_55 = arith.constant 0 : i32
      %dma_wait3A_56 = tpu.memref_slice %arg9[%add3A_16, %dma_wait3A_55] : memref<10240x128xf32, #tpu.memory_space<vmem_shared>> -> memref<128x128xf32, #tpu.memory_space<vmem_shared>>
      tpu.wait_dma2 semaphore(%run_scoped3A : memref<!tpu.dma_semaphore, #tpu.memory_space<semaphore_mem>>) src(%arg7 : memref<128x128xf32, #tpu.memory_space<vmem>>) dst(%dma_wait3A_56 : memref<128x128xf32, #tpu.memory_space<vmem_shared>>)
      tpu.yield
    }) : () -> ()
    %mul3A_17 = arith.constant 640 : i32
    %mul3A_18 = arith.muli %arg1, %mul3A_17 : i32
    %add3A_19 = arith.constant 384 : i32
    %add3A_20 = arith.addi %mul3A_18, %add3A_19 : i32
    "tpu.region"() ({
      %run_scoped3A = tpu.sem_alloc : memref<!tpu.dma_semaphore, #tpu.memory_space<semaphore_mem>>
      %dma_start3A = arith.constant 0 : i32
      %dma_start3A_51 = tpu.memref_slice %arg9[%add3A_20, %dma_start3A] : memref<10240x128xf32, #tpu.memory_space<vmem_shared>> -> memref<128x128xf32, #tpu.memory_space<vmem_shared>>
      %dma_start3A_52 = arith.constant 0 : i32
      %dma_start3A_53 = tpu.memref_slice %arg9[%add3A_20, %dma_start3A_52] : memref<10240x128xf32, #tpu.memory_space<vmem_shared>> -> memref<128x128xf32, #tpu.memory_space<vmem_shared>>
      tpu.enqueue_dma source(%arg7 : memref<128x128xf32, #tpu.memory_space<vmem>>) target(%dma_start3A_53 : memref<128x128xf32, #tpu.memory_space<vmem_shared>>) target_semaphore(%run_scoped3A : memref<!tpu.dma_semaphore, #tpu.memory_space<semaphore_mem>>)
      %dma_wait3A = arith.constant 0 : i32
      %dma_wait3A_54 = tpu.memref_slice %arg9[%add3A_20, %dma_wait3A] : memref<10240x128xf32, #tpu.memory_space<vmem_shared>> -> memref<128x128xf32, #tpu.memory_space<vmem_shared>>
      %dma_wait3A_55 = arith.constant 0 : i32
      %dma_wait3A_56 = tpu.memref_slice %arg9[%add3A_20, %dma_wait3A_55] : memref<10240x128xf32, #tpu.memory_space<vmem_shared>> -> memref<128x128xf32, #tpu.memory_space<vmem_shared>>
      tpu.wait_dma2 semaphore(%run_scoped3A : memref<!tpu.dma_semaphore, #tpu.memory_space<semaphore_mem>>) src(%arg7 : memref<128x128xf32, #tpu.memory_space<vmem>>) dst(%dma_wait3A_56 : memref<128x128xf32, #tpu.memory_space<vmem_shared>>)
      tpu.yield
    }) : () -> ()
    %mul3A_21 = arith.constant 640 : i32
    %mul3A_22 = arith.muli %arg1, %mul3A_21 : i32
    %add3A_23 = arith.constant 512 : i32
    %add3A_24 = arith.addi %mul3A_22, %add3A_23 : i32
    "tpu.region"() ({
      %run_scoped3A = tpu.sem_alloc : memref<!tpu.dma_semaphore, #tpu.memory_space<semaphore_mem>>
      %dma_start3A = arith.constant 0 : i32
      %dma_start3A_51 = tpu.memref_slice %arg9[%add3A_24, %dma_start3A] : memref<10240x128xf32, #tpu.memory_space<vmem_shared>> -> memref<128x128xf32, #tpu.memory_space<vmem_shared>>
      %dma_start3A_52 = arith.constant 0 : i32
      %dma_start3A_53 = tpu.memref_slice %arg9[%add3A_24, %dma_start3A_52] : memref<10240x128xf32, #tpu.memory_space<vmem_shared>> -> memref<128x128xf32, #tpu.memory_space<vmem_shared>>
      tpu.enqueue_dma source(%arg7 : memref<128x128xf32, #tpu.memory_space<vmem>>) target(%dma_start3A_53 : memref<128x128xf32, #tpu.memory_space<vmem_shared>>) target_semaphore(%run_scoped3A : memref<!tpu.dma_semaphore, #tpu.memory_space<semaphore_mem>>)
      %dma_wait3A = arith.constant 0 : i32
      %dma_wait3A_54 = tpu.memref_slice %arg9[%add3A_24, %dma_wait3A] : memref<10240x128xf32, #tpu.memory_space<vmem_shared>> -> memref<128x128xf32, #tpu.memory_space<vmem_shared>>
      %dma_wait3A_55 = arith.constant 0 : i32
      %dma_wait3A_56 = tpu.memref_slice %arg9[%add3A_24, %dma_wait3A_55] : memref<10240x128xf32, #tpu.memory_space<vmem_shared>> -> memref<128x128xf32, #tpu.memory_space<vmem_shared>>
      tpu.wait_dma2 semaphore(%run_scoped3A : memref<!tpu.dma_semaphore, #tpu.memory_space<semaphore_mem>>) src(%arg7 : memref<128x128xf32, #tpu.memory_space<vmem>>) dst(%dma_wait3A_56 : memref<128x128xf32, #tpu.memory_space<vmem_shared>>)
      tpu.yield
    }) : () -> ()
    %barrier3A = arith.constant 0 : index
    tpu.barrier barrier_id(%barrier3A)
    %scan3A_25 = arith.constant 0 : i32
    %scan3A_26 = arith.constant 2 : i32
    %scan3A_27 = arith.addi %scan3A_25, %scan3A_26 : i32
    %scan3A_28 = arith.constant 1 : i32
    scf.for %scan3A_51 = %scan3A_25 to %scan3A_27 step %scan3A_28  : i32 {
      %mul3A_52 = arith.constant 1 : i32
      %mul3A_53 = arith.muli %scan3A_51, %mul3A_52 : i32
      %add3A_54 = arith.constant 0 : i32
      %add3A_55 = arith.addi %add3A_54, %mul3A_53 : i32
      %mul3A_56 = arith.constant 40 : i32
      %mul3A_57 = arith.muli %add3A_55, %mul3A_56 : i32
      %run_scoped3A = arith.constant 0 : i32
      "tpu.region"() ({
        %run_scoped3A_79 = tpu.sem_alloc : memref<!tpu.dma_semaphore, #tpu.memory_space<semaphore_mem>>
        %dma_start3A_80 = arith.constant 0 : i32
        %dma_start3A_81 = tpu.memref_slice %arg2[%run_scoped3A, %add3A, %mul3A_57, %dma_start3A_80] : memref<2x32x80x128xi32, #tpu.memory_space<hbm>> -> memref<1x1x40x128xi32, #tpu.memory_space<hbm>>
        %dma_start3A_82 = tpu.memref_squeeze %dma_start3A_81 : memref<1x1x40x128xi32, #tpu.memory_space<hbm>> -> memref<40x128xi32, #tpu.memory_space<hbm>>
        %dma_start3A_83 = arith.constant 0 : i32
        %dma_start3A_84 = tpu.memref_slice %arg2[%run_scoped3A, %add3A, %mul3A_57, %dma_start3A_83] : memref<2x32x80x128xi32, #tpu.memory_space<hbm>> -> memref<1x1x40x128xi32, #tpu.memory_space<hbm>>
        %dma_start3A_85 = tpu.memref_squeeze %dma_start3A_84 : memref<1x1x40x128xi32, #tpu.memory_space<hbm>> -> memref<40x128xi32, #tpu.memory_space<hbm>>
        tpu.enqueue_dma source(%dma_start3A_85 : memref<40x128xi32, #tpu.memory_space<hbm>>) target(%arg5 : memref<40x128xi32, #tpu.memory_space<vmem>>) target_semaphore(%run_scoped3A_79 : memref<!tpu.dma_semaphore, #tpu.memory_space<semaphore_mem>>)
        %dma_wait3A = arith.constant 0 : i32
        %dma_wait3A_86 = tpu.memref_slice %arg2[%run_scoped3A, %add3A, %mul3A_57, %dma_wait3A] : memref<2x32x80x128xi32, #tpu.memory_space<hbm>> -> memref<1x1x40x128xi32, #tpu.memory_space<hbm>>
        %dma_wait3A_87 = tpu.memref_squeeze %dma_wait3A_86 : memref<1x1x40x128xi32, #tpu.memory_space<hbm>> -> memref<40x128xi32, #tpu.memory_space<hbm>>
        %dma_wait3A_88 = arith.constant 0 : i32
        %dma_wait3A_89 = tpu.memref_slice %arg2[%run_scoped3A, %add3A, %mul3A_57, %dma_wait3A_88] : memref<2x32x80x128xi32, #tpu.memory_space<hbm>> -> memref<1x1x40x128xi32, #tpu.memory_space<hbm>>
        %dma_wait3A_90 = tpu.memref_squeeze %dma_wait3A_89 : memref<1x1x40x128xi32, #tpu.memory_space<hbm>> -> memref<40x128xi32, #tpu.memory_space<hbm>>
        tpu.wait_dma2 semaphore(%run_scoped3A_79 : memref<!tpu.dma_semaphore, #tpu.memory_space<semaphore_mem>>) src(%dma_wait3A_90 : memref<40x128xi32, #tpu.memory_space<hbm>>) dst(%arg5 : memref<40x128xi32, #tpu.memory_space<vmem>>)
        tpu.yield
      }) : () -> ()
      %mul3A_58 = arith.constant 40 : i32
      %mul3A_59 = arith.muli %add3A_55, %mul3A_58 : i32
      %run_scoped3A_60 = arith.constant 1 : i32
      "tpu.region"() ({
        %run_scoped3A_79 = tpu.sem_alloc : memref<!tpu.dma_semaphore, #tpu.memory_space<semaphore_mem>>
        %dma_start3A_80 = arith.constant 0 : i32
        %dma_start3A_81 = tpu.memref_slice %arg2[%run_scoped3A_60, %add3A, %mul3A_59, %dma_start3A_80] : memref<2x32x80x128xi32, #tpu.memory_space<hbm>> -> memref<1x1x40x128xi32, #tpu.memory_space<hbm>>
        %dma_start3A_82 = tpu.memref_squeeze %dma_start3A_81 : memref<1x1x40x128xi32, #tpu.memory_space<hbm>> -> memref<40x128xi32, #tpu.memory_space<hbm>>
        %dma_start3A_83 = arith.constant 0 : i32
        %dma_start3A_84 = tpu.memref_slice %arg2[%run_scoped3A_60, %add3A, %mul3A_59, %dma_start3A_83] : memref<2x32x80x128xi32, #tpu.memory_space<hbm>> -> memref<1x1x40x128xi32, #tpu.memory_space<hbm>>
        %dma_start3A_85 = tpu.memref_squeeze %dma_start3A_84 : memref<1x1x40x128xi32, #tpu.memory_space<hbm>> -> memref<40x128xi32, #tpu.memory_space<hbm>>
        tpu.enqueue_dma source(%dma_start3A_85 : memref<40x128xi32, #tpu.memory_space<hbm>>) target(%arg6 : memref<40x128xi32, #tpu.memory_space<vmem>>) target_semaphore(%run_scoped3A_79 : memref<!tpu.dma_semaphore, #tpu.memory_space<semaphore_mem>>)
        %dma_wait3A = arith.constant 0 : i32
        %dma_wait3A_86 = tpu.memref_slice %arg2[%run_scoped3A_60, %add3A, %mul3A_59, %dma_wait3A] : memref<2x32x80x128xi32, #tpu.memory_space<hbm>> -> memref<1x1x40x128xi32, #tpu.memory_space<hbm>>
        %dma_wait3A_87 = tpu.memref_squeeze %dma_wait3A_86 : memref<1x1x40x128xi32, #tpu.memory_space<hbm>> -> memref<40x128xi32, #tpu.memory_space<hbm>>
        %dma_wait3A_88 = arith.constant 0 : i32
        %dma_wait3A_89 = tpu.memref_slice %arg2[%run_scoped3A_60, %add3A, %mul3A_59, %dma_wait3A_88] : memref<2x32x80x128xi32, #tpu.memory_space<hbm>> -> memref<1x1x40x128xi32, #tpu.memory_space<hbm>>
        %dma_wait3A_90 = tpu.memref_squeeze %dma_wait3A_89 : memref<1x1x40x128xi32, #tpu.memory_space<hbm>> -> memref<40x128xi32, #tpu.memory_space<hbm>>
        tpu.wait_dma2 semaphore(%run_scoped3A_79 : memref<!tpu.dma_semaphore, #tpu.memory_space<semaphore_mem>>) src(%dma_wait3A_90 : memref<40x128xi32, #tpu.memory_space<hbm>>) dst(%arg6 : memref<40x128xi32, #tpu.memory_space<vmem>>)
        tpu.yield
      }) : () -> ()
      %dma_start3A = arith.constant 0 : i32
      %dma_start3A_61 = arith.constant 0 : i32
      %dma_start3A_62 = tpu.memref_slice %arg5[%dma_start3A, %dma_start3A_61] : memref<40x128xi32, #tpu.memory_space<vmem>> -> memref<1x128xi32, #tpu.memory_space<vmem>>
      %dma_start3A_63 = tpu.memref_squeeze %dma_start3A_62 : memref<1x128xi32, #tpu.memory_space<vmem>> -> memref<128xi32, #tpu.memory_space<vmem>>
      %dma_start3A_64 = arith.constant 0 : i32
      %dma_start3A_65 = arith.constant 0 : i32
      %dma_start3A_66 = tpu.memref_slice %arg3[%dma_start3A_64, %dma_start3A_65] : memref<10240x128xf32, #tpu.memory_space<hbm>> -> memref<10240x128xf32, #tpu.memory_space<hbm>>
      tpu.enqueue_indirect_dma source(%dma_start3A_66 : memref<10240x128xf32, #tpu.memory_space<hbm>>) target(%arg7 : memref<128x128xf32, #tpu.memory_space<vmem>>) offsets(%dma_start3A_63 : memref<128xi32, #tpu.memory_space<vmem>>) semaphore(%arg10 : memref<!tpu.dma_semaphore, #tpu.memory_space<semaphore_mem>>)
      %dma_start3A_67 = arith.constant 1 : i32
      %dma_start3A_68 = arith.constant 0 : i32
      %dma_start3A_69 = tpu.memref_slice %arg5[%dma_start3A_67, %dma_start3A_68] : memref<40x128xi32, #tpu.memory_space<vmem>> -> memref<1x128xi32, #tpu.memory_space<vmem>>
      %dma_start3A_70 = tpu.memref_squeeze %dma_start3A_69 : memref<1x128xi32, #tpu.memory_space<vmem>> -> memref<128xi32, #tpu.memory_space<vmem>>
      %dma_start3A_71 = arith.constant 0 : i32
      %dma_start3A_72 = arith.constant 0 : i32
      %dma_start3A_73 = tpu.memref_slice %arg3[%dma_start3A_71, %dma_start3A_72] : memref<10240x128xf32, #tpu.memory_space<hbm>> -> memref<10240x128xf32, #tpu.memory_space<hbm>>
      tpu.enqueue_indirect_dma source(%dma_start3A_73 : memref<10240x128xf32, #tpu.memory_space<hbm>>) target(%arg8 : memref<128x128xf32, #tpu.memory_space<vmem>>) offsets(%dma_start3A_70 : memref<128xi32, #tpu.memory_space<vmem>>) semaphore(%arg11 : memref<!tpu.dma_semaphore, #tpu.memory_space<semaphore_mem>>)
      %scan3A_74 = arith.constant 0 : i32
      %scan3A_75 = arith.constant 20 : i32
      %scan3A_76 = arith.addi %scan3A_74, %scan3A_75 : i32
      %scan3A_77 = arith.constant 1 : i32
      scf.for %scan3A_79 = %scan3A_74 to %scan3A_76 step %scan3A_77  : i32 {
        %mul3A_80 = arith.constant 2 : i32
        %mul3A_81 = arith.muli %scan3A_79, %mul3A_80 : i32
        %add3A_82 = arith.constant 0 : i32
        %add3A_83 = arith.addi %add3A_82, %mul3A_81 : i32
        %add3A_84 = arith.constant 0 : i32
        %add3A_85 = arith.addi %add3A_83, %add3A_84 : i32
        %dma_wait3A = arith.constant 0 : i32
        %dma_wait3A_86 = tpu.memref_slice %arg5[%add3A_85, %dma_wait3A] : memref<40x128xi32, #tpu.memory_space<vmem>> -> memref<1x128xi32, #tpu.memory_space<vmem>>
        %dma_wait3A_87 = tpu.memref_squeeze %dma_wait3A_86 : memref<1x128xi32, #tpu.memory_space<vmem>> -> memref<128xi32, #tpu.memory_space<vmem>>
        %dma_wait3A_88 = arith.constant 0 : i32
        %dma_wait3A_89 = arith.constant 0 : i32
        %dma_wait3A_90 = tpu.memref_slice %arg3[%dma_wait3A_88, %dma_wait3A_89] : memref<10240x128xf32, #tpu.memory_space<hbm>> -> memref<10240x128xf32, #tpu.memory_space<hbm>>
        tpu.wait_indirect_dma semaphore(%arg10 : memref<!tpu.dma_semaphore, #tpu.memory_space<semaphore_mem>>) src(%dma_wait3A_90 : memref<10240x128xf32, #tpu.memory_space<hbm>>) dst(%arg7 : memref<128x128xf32, #tpu.memory_space<vmem>>)
        "tpu.region"() ({
          %run_scoped3A_110 = tpu.sem_alloc : memref<!tpu.dma_semaphore, #tpu.memory_space<semaphore_mem>>
          %dma_start3A_111 = arith.constant 0 : i32
          %dma_start3A_112 = tpu.memref_slice %arg6[%add3A_85, %dma_start3A_111] : memref<40x128xi32, #tpu.memory_space<vmem>> -> memref<1x128xi32, #tpu.memory_space<vmem>>
          %dma_start3A_113 = tpu.memref_squeeze %dma_start3A_112 : memref<1x128xi32, #tpu.memory_space<vmem>> -> memref<128xi32, #tpu.memory_space<vmem>>
          %dma_start3A_114 = arith.constant 0 : i32
          %dma_start3A_115 = arith.constant 0 : i32
          %dma_start3A_116 = tpu.memref_slice %arg9[%dma_start3A_114, %dma_start3A_115] : memref<10240x128xf32, #tpu.memory_space<vmem_shared>> -> memref<10240x128xf32, #tpu.memory_space<vmem_shared>>
          tpu.enqueue_indirect_dma source(%arg7 : memref<128x128xf32, #tpu.memory_space<vmem>>) target(%dma_start3A_116 : memref<10240x128xf32, #tpu.memory_space<vmem_shared>>) offsets(%dma_start3A_113 : memref<128xi32, #tpu.memory_space<vmem>>) semaphore(%run_scoped3A_110 : memref<!tpu.dma_semaphore, #tpu.memory_space<semaphore_mem>>) {add = true}
          %dma_wait3A_117 = arith.constant 0 : i32
          %dma_wait3A_118 = tpu.memref_slice %arg6[%add3A_85, %dma_wait3A_117] : memref<40x128xi32, #tpu.memory_space<vmem>> -> memref<1x128xi32, #tpu.memory_space<vmem>>
          %dma_wait3A_119 = tpu.memref_squeeze %dma_wait3A_118 : memref<1x128xi32, #tpu.memory_space<vmem>> -> memref<128xi32, #tpu.memory_space<vmem>>
          %dma_wait3A_120 = arith.constant 0 : i32
          %dma_wait3A_121 = arith.constant 0 : i32
          %dma_wait3A_122 = tpu.memref_slice %arg9[%dma_wait3A_120, %dma_wait3A_121] : memref<10240x128xf32, #tpu.memory_space<vmem_shared>> -> memref<10240x128xf32, #tpu.memory_space<vmem_shared>>
          tpu.wait_indirect_dma semaphore(%run_scoped3A_110 : memref<!tpu.dma_semaphore, #tpu.memory_space<semaphore_mem>>) src(%arg7 : memref<128x128xf32, #tpu.memory_space<vmem>>) dst(%dma_wait3A_122 : memref<10240x128xf32, #tpu.memory_space<vmem_shared>>)
          tpu.yield
        }) : () -> ()
        %add3A_91 = arith.constant 2 : i32
        %add3A_92 = arith.addi %add3A_85, %add3A_91 : i32
        %lt3A = arith.constant 40 : i32
        %lt3A_93 = arith.cmpi slt, %add3A_92, %lt3A : i32
        %convert_element_type3A = arith.extui %lt3A_93 : i1 to i32
        %cond3A = arith.constant 0 : i32
        %cond3A_94 = arith.cmpi ne, %convert_element_type3A, %cond3A : i32
        scf.if %cond3A_94 {
          %dma_start3A_110 = arith.constant 0 : i32
          %dma_start3A_111 = tpu.memref_slice %arg5[%add3A_92, %dma_start3A_110] : memref<40x128xi32, #tpu.memory_space<vmem>> -> memref<1x128xi32, #tpu.memory_space<vmem>>
          %dma_start3A_112 = tpu.memref_squeeze %dma_start3A_111 : memref<1x128xi32, #tpu.memory_space<vmem>> -> memref<128xi32, #tpu.memory_space<vmem>>
          %dma_start3A_113 = arith.constant 0 : i32
          %dma_start3A_114 = arith.constant 0 : i32
          %dma_start3A_115 = tpu.memref_slice %arg3[%dma_start3A_113, %dma_start3A_114] : memref<10240x128xf32, #tpu.memory_space<hbm>> -> memref<10240x128xf32, #tpu.memory_space<hbm>>
          tpu.enqueue_indirect_dma source(%dma_start3A_115 : memref<10240x128xf32, #tpu.memory_space<hbm>>) target(%arg7 : memref<128x128xf32, #tpu.memory_space<vmem>>) offsets(%dma_start3A_112 : memref<128xi32, #tpu.memory_space<vmem>>) semaphore(%arg10 : memref<!tpu.dma_semaphore, #tpu.memory_space<semaphore_mem>>)
        } else {
        }
        %add3A_95 = arith.constant 1 : i32
        %add3A_96 = arith.addi %add3A_83, %add3A_95 : i32
        %dma_wait3A_97 = arith.constant 0 : i32
        %dma_wait3A_98 = tpu.memref_slice %arg5[%add3A_96, %dma_wait3A_97] : memref<40x128xi32, #tpu.memory_space<vmem>> -> memref<1x128xi32, #tpu.memory_space<vmem>>
        %dma_wait3A_99 = tpu.memref_squeeze %dma_wait3A_98 : memref<1x128xi32, #tpu.memory_space<vmem>> -> memref<128xi32, #tpu.memory_space<vmem>>
        %dma_wait3A_100 = arith.constant 0 : i32
        %dma_wait3A_101 = arith.constant 0 : i32
        %dma_wait3A_102 = tpu.memref_slice %arg3[%dma_wait3A_100, %dma_wait3A_101] : memref<10240x128xf32, #tpu.memory_space<hbm>> -> memref<10240x128xf32, #tpu.memory_space<hbm>>
        tpu.wait_indirect_dma semaphore(%arg11 : memref<!tpu.dma_semaphore, #tpu.memory_space<semaphore_mem>>) src(%dma_wait3A_102 : memref<10240x128xf32, #tpu.memory_space<hbm>>) dst(%arg8 : memref<128x128xf32, #tpu.memory_space<vmem>>)
        "tpu.region"() ({
          %run_scoped3A_110 = tpu.sem_alloc : memref<!tpu.dma_semaphore, #tpu.memory_space<semaphore_mem>>
          %dma_start3A_111 = arith.constant 0 : i32
          %dma_start3A_112 = tpu.memref_slice %arg6[%add3A_96, %dma_start3A_111] : memref<40x128xi32, #tpu.memory_space<vmem>> -> memref<1x128xi32, #tpu.memory_space<vmem>>
          %dma_start3A_113 = tpu.memref_squeeze %dma_start3A_112 : memref<1x128xi32, #tpu.memory_space<vmem>> -> memref<128xi32, #tpu.memory_space<vmem>>
          %dma_start3A_114 = arith.constant 0 : i32
          %dma_start3A_115 = arith.constant 0 : i32
          %dma_start3A_116 = tpu.memref_slice %arg9[%dma_start3A_114, %dma_start3A_115] : memref<10240x128xf32, #tpu.memory_space<vmem_shared>> -> memref<10240x128xf32, #tpu.memory_space<vmem_shared>>
          tpu.enqueue_indirect_dma source(%arg8 : memref<128x128xf32, #tpu.memory_space<vmem>>) target(%dma_start3A_116 : memref<10240x128xf32, #tpu.memory_space<vmem_shared>>) offsets(%dma_start3A_113 : memref<128xi32, #tpu.memory_space<vmem>>) semaphore(%run_scoped3A_110 : memref<!tpu.dma_semaphore, #tpu.memory_space<semaphore_mem>>) {add = true}
          %dma_wait3A_117 = arith.constant 0 : i32
          %dma_wait3A_118 = tpu.memref_slice %arg6[%add3A_96, %dma_wait3A_117] : memref<40x128xi32, #tpu.memory_space<vmem>> -> memref<1x128xi32, #tpu.memory_space<vmem>>
          %dma_wait3A_119 = tpu.memref_squeeze %dma_wait3A_118 : memref<1x128xi32, #tpu.memory_space<vmem>> -> memref<128xi32, #tpu.memory_space<vmem>>
          %dma_wait3A_120 = arith.constant 0 : i32
          %dma_wait3A_121 = arith.constant 0 : i32
          %dma_wait3A_122 = tpu.memref_slice %arg9[%dma_wait3A_120, %dma_wait3A_121] : memref<10240x128xf32, #tpu.memory_space<vmem_shared>> -> memref<10240x128xf32, #tpu.memory_space<vmem_shared>>
          tpu.wait_indirect_dma semaphore(%run_scoped3A_110 : memref<!tpu.dma_semaphore, #tpu.memory_space<semaphore_mem>>) src(%arg8 : memref<128x128xf32, #tpu.memory_space<vmem>>) dst(%dma_wait3A_122 : memref<10240x128xf32, #tpu.memory_space<vmem_shared>>)
          tpu.yield
        }) : () -> ()
        %add3A_103 = arith.constant 2 : i32
        %add3A_104 = arith.addi %add3A_96, %add3A_103 : i32
        %lt3A_105 = arith.constant 40 : i32
        %lt3A_106 = arith.cmpi slt, %add3A_104, %lt3A_105 : i32
        %convert_element_type3A_107 = arith.extui %lt3A_106 : i1 to i32
        %cond3A_108 = arith.constant 0 : i32
        %cond3A_109 = arith.cmpi ne, %convert_element_type3A_107, %cond3A_108 : i32
        scf.if %cond3A_109 {
          %dma_start3A_110 = arith.constant 0 : i32
          %dma_start3A_111 = tpu.memref_slice %arg5[%add3A_104, %dma_start3A_110] : memref<40x128xi32, #tpu.memory_space<vmem>> -> memref<1x128xi32, #tpu.memory_space<vmem>>
          %dma_start3A_112 = tpu.memref_squeeze %dma_start3A_111 : memref<1x128xi32, #tpu.memory_space<vmem>> -> memref<128xi32, #tpu.memory_space<vmem>>
          %dma_start3A_113 = arith.constant 0 : i32
          %dma_start3A_114 = arith.constant 0 : i32
          %dma_start3A_115 = tpu.memref_slice %arg3[%dma_start3A_113, %dma_start3A_114] : memref<10240x128xf32, #tpu.memory_space<hbm>> -> memref<10240x128xf32, #tpu.memory_space<hbm>>
          tpu.enqueue_indirect_dma source(%dma_start3A_115 : memref<10240x128xf32, #tpu.memory_space<hbm>>) target(%arg8 : memref<128x128xf32, #tpu.memory_space<vmem>>) offsets(%dma_start3A_112 : memref<128xi32, #tpu.memory_space<vmem>>) semaphore(%arg11 : memref<!tpu.dma_semaphore, #tpu.memory_space<semaphore_mem>>)
        } else {
        }
      }
      %scan3A_78 = arith.constant 20 : i32
    }
    %scan3A_29 = arith.constant 2 : i32
    %barrier3A_30 = arith.constant 0 : index
    tpu.barrier barrier_id(%barrier3A_30)
    %mul3A_31 = arith.constant 640 : i32
    %mul3A_32 = arith.muli %arg1, %mul3A_31 : i32
    %add3A_33 = arith.constant 0 : i32
    %add3A_34 = arith.addi %mul3A_32, %add3A_33 : i32
    "tpu.region"() ({
      %run_scoped3A = tpu.sem_alloc : memref<!tpu.dma_semaphore, #tpu.memory_space<semaphore_mem>>
      %dma_start3A = arith.constant 0 : i32
      %dma_start3A_51 = tpu.memref_slice %arg4[%arg0, %add3A_34, %dma_start3A] : memref<2x10240x128xf32, #tpu.memory_space<hbm>> -> memref<1x128x128xf32, #tpu.memory_space<hbm>>
      %dma_start3A_52 = tpu.memref_squeeze %dma_start3A_51 : memref<1x128x128xf32, #tpu.memory_space<hbm>> -> memref<128x128xf32, #tpu.memory_space<hbm>>
      %dma_start3A_53 = arith.constant 0 : i32
      %dma_start3A_54 = tpu.memref_slice %arg9[%add3A_34, %dma_start3A_53] : memref<10240x128xf32, #tpu.memory_space<vmem_shared>> -> memref<128x128xf32, #tpu.memory_space<vmem_shared>>
      tpu.enqueue_dma source(%dma_start3A_54 : memref<128x128xf32, #tpu.memory_space<vmem_shared>>) target(%dma_start3A_52 : memref<128x128xf32, #tpu.memory_space<hbm>>) target_semaphore(%run_scoped3A : memref<!tpu.dma_semaphore, #tpu.memory_space<semaphore_mem>>)
      %dma_wait3A = arith.constant 0 : i32
      %dma_wait3A_55 = tpu.memref_slice %arg4[%arg0, %add3A_34, %dma_wait3A] : memref<2x10240x128xf32, #tpu.memory_space<hbm>> -> memref<1x128x128xf32, #tpu.memory_space<hbm>>
      %dma_wait3A_56 = tpu.memref_squeeze %dma_wait3A_55 : memref<1x128x128xf32, #tpu.memory_space<hbm>> -> memref<128x128xf32, #tpu.memory_space<hbm>>
      %dma_wait3A_57 = arith.constant 0 : i32
      %dma_wait3A_58 = tpu.memref_slice %arg9[%add3A_34, %dma_wait3A_57] : memref<10240x128xf32, #tpu.memory_space<vmem_shared>> -> memref<128x128xf32, #tpu.memory_space<vmem_shared>>
      tpu.wait_dma2 semaphore(%run_scoped3A : memref<!tpu.dma_semaphore, #tpu.memory_space<semaphore_mem>>) src(%dma_wait3A_58 : memref<128x128xf32, #tpu.memory_space<vmem_shared>>) dst(%dma_wait3A_56 : memref<128x128xf32, #tpu.memory_space<hbm>>)
      tpu.yield
    }) : () -> ()
    %mul3A_35 = arith.constant 640 : i32
    %mul3A_36 = arith.muli %arg1, %mul3A_35 : i32
    %add3A_37 = arith.constant 128 : i32
    %add3A_38 = arith.addi %mul3A_36, %add3A_37 : i32
    "tpu.region"() ({
      %run_scoped3A = tpu.sem_alloc : memref<!tpu.dma_semaphore, #tpu.memory_space<semaphore_mem>>
      %dma_start3A = arith.constant 0 : i32
      %dma_start3A_51 = tpu.memref_slice %arg4[%arg0, %add3A_38, %dma_start3A] : memref<2x10240x128xf32, #tpu.memory_space<hbm>> -> memref<1x128x128xf32, #tpu.memory_space<hbm>>
      %dma_start3A_52 = tpu.memref_squeeze %dma_start3A_51 : memref<1x128x128xf32, #tpu.memory_space<hbm>> -> memref<128x128xf32, #tpu.memory_space<hbm>>
      %dma_start3A_53 = arith.constant 0 : i32
      %dma_start3A_54 = tpu.memref_slice %arg9[%add3A_38, %dma_start3A_53] : memref<10240x128xf32, #tpu.memory_space<vmem_shared>> -> memref<128x128xf32, #tpu.memory_space<vmem_shared>>
      tpu.enqueue_dma source(%dma_start3A_54 : memref<128x128xf32, #tpu.memory_space<vmem_shared>>) target(%dma_start3A_52 : memref<128x128xf32, #tpu.memory_space<hbm>>) target_semaphore(%run_scoped3A : memref<!tpu.dma_semaphore, #tpu.memory_space<semaphore_mem>>)
      %dma_wait3A = arith.constant 0 : i32
      %dma_wait3A_55 = tpu.memref_slice %arg4[%arg0, %add3A_38, %dma_wait3A] : memref<2x10240x128xf32, #tpu.memory_space<hbm>> -> memref<1x128x128xf32, #tpu.memory_space<hbm>>
      %dma_wait3A_56 = tpu.memref_squeeze %dma_wait3A_55 : memref<1x128x128xf32, #tpu.memory_space<hbm>> -> memref<128x128xf32, #tpu.memory_space<hbm>>
      %dma_wait3A_57 = arith.constant 0 : i32
      %dma_wait3A_58 = tpu.memref_slice %arg9[%add3A_38, %dma_wait3A_57] : memref<10240x128xf32, #tpu.memory_space<vmem_shared>> -> memref<128x128xf32, #tpu.memory_space<vmem_shared>>
      tpu.wait_dma2 semaphore(%run_scoped3A : memref<!tpu.dma_semaphore, #tpu.memory_space<semaphore_mem>>) src(%dma_wait3A_58 : memref<128x128xf32, #tpu.memory_space<vmem_shared>>) dst(%dma_wait3A_56 : memref<128x128xf32, #tpu.memory_space<hbm>>)
      tpu.yield
    }) : () -> ()
    %mul3A_39 = arith.constant 640 : i32
    %mul3A_40 = arith.muli %arg1, %mul3A_39 : i32
    %add3A_41 = arith.constant 256 : i32
    %add3A_42 = arith.addi %mul3A_40, %add3A_41 : i32
    "tpu.region"() ({
      %run_scoped3A = tpu.sem_alloc : memref<!tpu.dma_semaphore, #tpu.memory_space<semaphore_mem>>
      %dma_start3A = arith.constant 0 : i32
      %dma_start3A_51 = tpu.memref_slice %arg4[%arg0, %add3A_42, %dma_start3A] : memref<2x10240x128xf32, #tpu.memory_space<hbm>> -> memref<1x128x128xf32, #tpu.memory_space<hbm>>
      %dma_start3A_52 = tpu.memref_squeeze %dma_start3A_51 : memref<1x128x128xf32, #tpu.memory_space<hbm>> -> memref<128x128xf32, #tpu.memory_space<hbm>>
      %dma_start3A_53 = arith.constant 0 : i32
      %dma_start3A_54 = tpu.memref_slice %arg9[%add3A_42, %dma_start3A_53] : memref<10240x128xf32, #tpu.memory_space<vmem_shared>> -> memref<128x128xf32, #tpu.memory_space<vmem_shared>>
      tpu.enqueue_dma source(%dma_start3A_54 : memref<128x128xf32, #tpu.memory_space<vmem_shared>>) target(%dma_start3A_52 : memref<128x128xf32, #tpu.memory_space<hbm>>) target_semaphore(%run_scoped3A : memref<!tpu.dma_semaphore, #tpu.memory_space<semaphore_mem>>)
      %dma_wait3A = arith.constant 0 : i32
      %dma_wait3A_55 = tpu.memref_slice %arg4[%arg0, %add3A_42, %dma_wait3A] : memref<2x10240x128xf32, #tpu.memory_space<hbm>> -> memref<1x128x128xf32, #tpu.memory_space<hbm>>
      %dma_wait3A_56 = tpu.memref_squeeze %dma_wait3A_55 : memref<1x128x128xf32, #tpu.memory_space<hbm>> -> memref<128x128xf32, #tpu.memory_space<hbm>>
      %dma_wait3A_57 = arith.constant 0 : i32
      %dma_wait3A_58 = tpu.memref_slice %arg9[%add3A_42, %dma_wait3A_57] : memref<10240x128xf32, #tpu.memory_space<vmem_shared>> -> memref<128x128xf32, #tpu.memory_space<vmem_shared>>
      tpu.wait_dma2 semaphore(%run_scoped3A : memref<!tpu.dma_semaphore, #tpu.memory_space<semaphore_mem>>) src(%dma_wait3A_58 : memref<128x128xf32, #tpu.memory_space<vmem_shared>>) dst(%dma_wait3A_56 : memref<128x128xf32, #tpu.memory_space<hbm>>)
      tpu.yield
    }) : () -> ()
    %mul3A_43 = arith.constant 640 : i32
    %mul3A_44 = arith.muli %arg1, %mul3A_43 : i32
    %add3A_45 = arith.constant 384 : i32
    %add3A_46 = arith.addi %mul3A_44, %add3A_45 : i32
    "tpu.region"() ({
      %run_scoped3A = tpu.sem_alloc : memref<!tpu.dma_semaphore, #tpu.memory_space<semaphore_mem>>
      %dma_start3A = arith.constant 0 : i32
      %dma_start3A_51 = tpu.memref_slice %arg4[%arg0, %add3A_46, %dma_start3A] : memref<2x10240x128xf32, #tpu.memory_space<hbm>> -> memref<1x128x128xf32, #tpu.memory_space<hbm>>
      %dma_start3A_52 = tpu.memref_squeeze %dma_start3A_51 : memref<1x128x128xf32, #tpu.memory_space<hbm>> -> memref<128x128xf32, #tpu.memory_space<hbm>>
      %dma_start3A_53 = arith.constant 0 : i32
      %dma_start3A_54 = tpu.memref_slice %arg9[%add3A_46, %dma_start3A_53] : memref<10240x128xf32, #tpu.memory_space<vmem_shared>> -> memref<128x128xf32, #tpu.memory_space<vmem_shared>>
      tpu.enqueue_dma source(%dma_start3A_54 : memref<128x128xf32, #tpu.memory_space<vmem_shared>>) target(%dma_start3A_52 : memref<128x128xf32, #tpu.memory_space<hbm>>) target_semaphore(%run_scoped3A : memref<!tpu.dma_semaphore, #tpu.memory_space<semaphore_mem>>)
      %dma_wait3A = arith.constant 0 : i32
      %dma_wait3A_55 = tpu.memref_slice %arg4[%arg0, %add3A_46, %dma_wait3A] : memref<2x10240x128xf32, #tpu.memory_space<hbm>> -> memref<1x128x128xf32, #tpu.memory_space<hbm>>
      %dma_wait3A_56 = tpu.memref_squeeze %dma_wait3A_55 : memref<1x128x128xf32, #tpu.memory_space<hbm>> -> memref<128x128xf32, #tpu.memory_space<hbm>>
      %dma_wait3A_57 = arith.constant 0 : i32
      %dma_wait3A_58 = tpu.memref_slice %arg9[%add3A_46, %dma_wait3A_57] : memref<10240x128xf32, #tpu.memory_space<vmem_shared>> -> memref<128x128xf32, #tpu.memory_space<vmem_shared>>
      tpu.wait_dma2 semaphore(%run_scoped3A : memref<!tpu.dma_semaphore, #tpu.memory_space<semaphore_mem>>) src(%dma_wait3A_58 : memref<128x128xf32, #tpu.memory_space<vmem_shared>>) dst(%dma_wait3A_56 : memref<128x128xf32, #tpu.memory_space<hbm>>)
      tpu.yield
    }) : () -> ()
    %mul3A_47 = arith.constant 640 : i32
    %mul3A_48 = arith.muli %arg1, %mul3A_47 : i32
    %add3A_49 = arith.constant 512 : i32
    %add3A_50 = arith.addi %mul3A_48, %add3A_49 : i32
    "tpu.region"() ({
      %run_scoped3A = tpu.sem_alloc : memref<!tpu.dma_semaphore, #tpu.memory_space<semaphore_mem>>
      %dma_start3A = arith.constant 0 : i32
      %dma_start3A_51 = tpu.memref_slice %arg4[%arg0, %add3A_50, %dma_start3A] : memref<2x10240x128xf32, #tpu.memory_space<hbm>> -> memref<1x128x128xf32, #tpu.memory_space<hbm>>
      %dma_start3A_52 = tpu.memref_squeeze %dma_start3A_51 : memref<1x128x128xf32, #tpu.memory_space<hbm>> -> memref<128x128xf32, #tpu.memory_space<hbm>>
      %dma_start3A_53 = arith.constant 0 : i32
      %dma_start3A_54 = tpu.memref_slice %arg9[%add3A_50, %dma_start3A_53] : memref<10240x128xf32, #tpu.memory_space<vmem_shared>> -> memref<128x128xf32, #tpu.memory_space<vmem_shared>>
      tpu.enqueue_dma source(%dma_start3A_54 : memref<128x128xf32, #tpu.memory_space<vmem_shared>>) target(%dma_start3A_52 : memref<128x128xf32, #tpu.memory_space<hbm>>) target_semaphore(%run_scoped3A : memref<!tpu.dma_semaphore, #tpu.memory_space<semaphore_mem>>)
      %dma_wait3A = arith.constant 0 : i32
      %dma_wait3A_55 = tpu.memref_slice %arg4[%arg0, %add3A_50, %dma_wait3A] : memref<2x10240x128xf32, #tpu.memory_space<hbm>> -> memref<1x128x128xf32, #tpu.memory_space<hbm>>
      %dma_wait3A_56 = tpu.memref_squeeze %dma_wait3A_55 : memref<1x128x128xf32, #tpu.memory_space<hbm>> -> memref<128x128xf32, #tpu.memory_space<hbm>>
      %dma_wait3A_57 = arith.constant 0 : i32
      %dma_wait3A_58 = tpu.memref_slice %arg9[%add3A_50, %dma_wait3A_57] : memref<10240x128xf32, #tpu.memory_space<vmem_shared>> -> memref<128x128xf32, #tpu.memory_space<vmem_shared>>
      tpu.wait_dma2 semaphore(%run_scoped3A : memref<!tpu.dma_semaphore, #tpu.memory_space<semaphore_mem>>) src(%dma_wait3A_58 : memref<128x128xf32, #tpu.memory_space<vmem_shared>>) dst(%dma_wait3A_56 : memref<128x128xf32, #tpu.memory_space<hbm>>)
      tpu.yield
    }) : () -> ()
    return
  }
}

#map = affine_map<(d0, d1) -> (0, 0)>
#map1 = affine_map<(d0, d1) -> (0, 0, 0, 0)>
module attributes {stable_mosaic.version = 14 : i64} {
  func.func @_phase_a(%arg0: i32, %arg1: i32, %arg2: memref<9x10240xi32, #tpu.memory_space<hbm>>, %arg3: memref<1152x128xf32, #tpu.memory_space<hbm>>, %arg4: memref<2x32x80x128xi32, #tpu.memory_space<hbm>>, %arg5: memref<10240x128xf32, #tpu.memory_space<hbm>>, %arg6: memref<2x10240xf32, #tpu.memory_space<hbm>>, %arg7: memref<9x128xi32, #tpu.memory_space<vmem>>, %arg8: memref<9x128xi32, #tpu.memory_space<vmem>>, %arg9: memref<128x128xf32, #tpu.memory_space<vmem>>, %arg10: memref<128x128xf32, #tpu.memory_space<vmem>>, %arg11: memref<80x128xi32, #tpu.memory_space<vmem>>, %arg12: memref<128xf32, #tpu.memory_space<vmem>>, %arg13: memref<640xf32, #tpu.memory_space<vmem>>, %arg14: memref<10240xf32, #tpu.memory_space<vmem_shared>>, %arg15: memref<1152x128xf32, #tpu.memory_space<vmem_shared>>, %arg16: memref<!tpu.dma_semaphore, #tpu.memory_space<semaphore_mem>>, %arg17: memref<!tpu.dma_semaphore, #tpu.memory_space<semaphore_mem>>, %arg18: memref<!tpu.dma_semaphore, #tpu.memory_space<semaphore_mem>>, %arg19: memref<!tpu.dma_semaphore, #tpu.memory_space<semaphore_mem>>) attributes {dimension_semantics = [#tpu.dimension_semantics<core_parallel>, #tpu.dimension_semantics<subcore_parallel>], iteration_bounds = array<i64: 2, 16>, scalar_prefetch = 0 : i64, scratch_operands = 13 : i64, tpu.core_type = #tpu.core_type<sc_vector_subcore>, window_params = [{transform_indices = #map}, {transform_indices = #map}, {transform_indices = #map1}, {transform_indices = #map}, {transform_indices = #map}]} {
    %mul3A = arith.constant 2 : i32
    %mul3A_0 = arith.muli %arg1, %mul3A : i32
    %add3A = arith.addi %mul3A_0, %arg0 : i32
    %broadcast_in_dim3A = arith.constant 1.000000e+00 : f32
    %broadcast_in_dim3A_1 = vector.broadcast %broadcast_in_dim3A : f32 to vector<16xf32>
    %swap3A = arith.constant 0 : index
    %swap3A_2 = tpu.vector_load %arg12[%swap3A] {strides = array<i32>} : memref<128xf32, #tpu.memory_space<vmem>>, vector<16xf32>,
    %swap3A_3 = vector.shape_cast %swap3A_2 : vector<16xf32> to vector<16xf32>
    %swap3A_4 = vector.shape_cast %broadcast_in_dim3A_1 : vector<16xf32> to vector<16xf32>
    tpu.vector_store %arg12[%swap3A], %swap3A_4 {strides = array<i32>} : memref<128xf32, #tpu.memory_space<vmem>>, vector<16xf32>,
    %broadcast_in_dim3A_5 = arith.constant 1.000000e+00 : f32
    %broadcast_in_dim3A_6 = vector.broadcast %broadcast_in_dim3A_5 : f32 to vector<16xf32>
    %swap3A_7 = arith.constant 16 : index
    %swap3A_8 = tpu.vector_load %arg12[%swap3A_7] {strides = array<i32>} : memref<128xf32, #tpu.memory_space<vmem>>, vector<16xf32>,
    %swap3A_9 = vector.shape_cast %swap3A_8 : vector<16xf32> to vector<16xf32>
    %swap3A_10 = vector.shape_cast %broadcast_in_dim3A_6 : vector<16xf32> to vector<16xf32>
    tpu.vector_store %arg12[%swap3A_7], %swap3A_10 {strides = array<i32>} : memref<128xf32, #tpu.memory_space<vmem>>, vector<16xf32>,
    %broadcast_in_dim3A_11 = arith.constant 1.000000e+00 : f32
    %broadcast_in_dim3A_12 = vector.broadcast %broadcast_in_dim3A_11 : f32 to vector<16xf32>
    %swap3A_13 = arith.constant 32 : index
    %swap3A_14 = tpu.vector_load %arg12[%swap3A_13] {strides = array<i32>} : memref<128xf32, #tpu.memory_space<vmem>>, vector<16xf32>,
    %swap3A_15 = vector.shape_cast %swap3A_14 : vector<16xf32> to vector<16xf32>
    %swap3A_16 = vector.shape_cast %broadcast_in_dim3A_12 : vector<16xf32> to vector<16xf32>
    tpu.vector_store %arg12[%swap3A_13], %swap3A_16 {strides = array<i32>} : memref<128xf32, #tpu.memory_space<vmem>>, vector<16xf32>,
    %broadcast_in_dim3A_17 = arith.constant 1.000000e+00 : f32
    %broadcast_in_dim3A_18 = vector.broadcast %broadcast_in_dim3A_17 : f32 to vector<16xf32>
    %swap3A_19 = arith.constant 48 : index
    %swap3A_20 = tpu.vector_load %arg12[%swap3A_19] {strides = array<i32>} : memref<128xf32, #tpu.memory_space<vmem>>, vector<16xf32>,
    %swap3A_21 = vector.shape_cast %swap3A_20 : vector<16xf32> to vector<16xf32>
    %swap3A_22 = vector.shape_cast %broadcast_in_dim3A_18 : vector<16xf32> to vector<16xf32>
    tpu.vector_store %arg12[%swap3A_19], %swap3A_22 {strides = array<i32>} : memref<128xf32, #tpu.memory_space<vmem>>, vector<16xf32>,
    %broadcast_in_dim3A_23 = arith.constant 1.000000e+00 : f32
    %broadcast_in_dim3A_24 = vector.broadcast %broadcast_in_dim3A_23 : f32 to vector<16xf32>
    %swap3A_25 = arith.constant 64 : index
    %swap3A_26 = tpu.vector_load %arg12[%swap3A_25] {strides = array<i32>} : memref<128xf32, #tpu.memory_space<vmem>>, vector<16xf32>,
    %swap3A_27 = vector.shape_cast %swap3A_26 : vector<16xf32> to vector<16xf32>
    %swap3A_28 = vector.shape_cast %broadcast_in_dim3A_24 : vector<16xf32> to vector<16xf32>
    tpu.vector_store %arg12[%swap3A_25], %swap3A_28 {strides = array<i32>} : memref<128xf32, #tpu.memory_space<vmem>>, vector<16xf32>,
    %broadcast_in_dim3A_29 = arith.constant 1.000000e+00 : f32
    %broadcast_in_dim3A_30 = vector.broadcast %broadcast_in_dim3A_29 : f32 to vector<16xf32>
    %swap3A_31 = arith.constant 80 : index
    %swap3A_32 = tpu.vector_load %arg12[%swap3A_31] {strides = array<i32>} : memref<128xf32, #tpu.memory_space<vmem>>, vector<16xf32>,
    %swap3A_33 = vector.shape_cast %swap3A_32 : vector<16xf32> to vector<16xf32>
    %swap3A_34 = vector.shape_cast %broadcast_in_dim3A_30 : vector<16xf32> to vector<16xf32>
    tpu.vector_store %arg12[%swap3A_31], %swap3A_34 {strides = array<i32>} : memref<128xf32, #tpu.memory_space<vmem>>, vector<16xf32>,
    %broadcast_in_dim3A_35 = arith.constant 1.000000e+00 : f32
    %broadcast_in_dim3A_36 = vector.broadcast %broadcast_in_dim3A_35 : f32 to vector<16xf32>
    %swap3A_37 = arith.constant 96 : index
    %swap3A_38 = tpu.vector_load %arg12[%swap3A_37] {strides = array<i32>} : memref<128xf32, #tpu.memory_space<vmem>>, vector<16xf32>,
    %swap3A_39 = vector.shape_cast %swap3A_38 : vector<16xf32> to vector<16xf32>
    %swap3A_40 = vector.shape_cast %broadcast_in_dim3A_36 : vector<16xf32> to vector<16xf32>
    tpu.vector_store %arg12[%swap3A_37], %swap3A_40 {strides = array<i32>} : memref<128xf32, #tpu.memory_space<vmem>>, vector<16xf32>,
    %broadcast_in_dim3A_41 = arith.constant 1.000000e+00 : f32
    %broadcast_in_dim3A_42 = vector.broadcast %broadcast_in_dim3A_41 : f32 to vector<16xf32>
    %swap3A_43 = arith.constant 112 : index
    %swap3A_44 = tpu.vector_load %arg12[%swap3A_43] {strides = array<i32>} : memref<128xf32, #tpu.memory_space<vmem>>, vector<16xf32>,
    %swap3A_45 = vector.shape_cast %swap3A_44 : vector<16xf32> to vector<16xf32>
    %swap3A_46 = vector.shape_cast %broadcast_in_dim3A_42 : vector<16xf32> to vector<16xf32>
    tpu.vector_store %arg12[%swap3A_43], %swap3A_46 {strides = array<i32>} : memref<128xf32, #tpu.memory_space<vmem>>, vector<16xf32>,
    %scan3A = arith.constant 0 : i32
    %scan3A_47 = arith.constant 40 : i32
    %scan3A_48 = arith.addi %scan3A, %scan3A_47 : i32
    %scan3A_49 = arith.constant 1 : i32
    scf.for %scan3A_2165 = %scan3A to %scan3A_48 step %scan3A_49  : i32 {
      %mul3A_2166 = arith.constant 1 : i32
      %mul3A_2167 = arith.muli %scan3A_2165, %mul3A_2166 : i32
      %add3A_2168 = arith.constant 0 : i32
      %add3A_2169 = arith.addi %add3A_2168, %mul3A_2167 : i32
      %broadcast_in_dim3A_2170 = arith.constant 0.000000e+00 : f32
      %broadcast_in_dim3A_2171 = vector.broadcast %broadcast_in_dim3A_2170 : f32 to vector<16xf32>
      %mul3A_2172 = arith.constant 16 : i32
      %mul3A_2173 = arith.muli %add3A_2169, %mul3A_2172 : i32
      %swap3A_2174 = arith.index_cast %mul3A_2173 : i32 to index
      %swap3A_2175 = tpu.vector_load %arg13[%swap3A_2174] {strides = array<i32>} : memref<640xf32, #tpu.memory_space<vmem>>, vector<16xf32>,
      %swap3A_2176 = vector.shape_cast %swap3A_2175 : vector<16xf32> to vector<16xf32>
      %swap3A_2177 = vector.shape_cast %broadcast_in_dim3A_2171 : vector<16xf32> to vector<16xf32>
      tpu.vector_store %arg13[%swap3A_2174], %swap3A_2177 {strides = array<i32>} : memref<640xf32, #tpu.memory_space<vmem>>, vector<16xf32>,
    }
    %scan3A_50 = arith.constant 40 : i32
    %mul3A_51 = arith.constant 640 : i32
    %mul3A_52 = arith.muli %arg1, %mul3A_51 : i32
    "tpu.region"() ({
      %run_scoped3A_2165 = tpu.sem_alloc : memref<!tpu.dma_semaphore, #tpu.memory_space<semaphore_mem>>
      %dma_start3A_2166 = tpu.memref_slice %arg14[%mul3A_52] : memref<10240xf32, #tpu.memory_space<vmem_shared>> -> memref<640xf32, #tpu.memory_space<vmem_shared>>
      %dma_start3A_2167 = tpu.memref_slice %arg14[%mul3A_52] : memref<10240xf32, #tpu.memory_space<vmem_shared>> -> memref<640xf32, #tpu.memory_space<vmem_shared>>
      tpu.enqueue_dma source(%arg13 : memref<640xf32, #tpu.memory_space<vmem>>) target(%dma_start3A_2167 : memref<640xf32, #tpu.memory_space<vmem_shared>>) target_semaphore(%run_scoped3A_2165 : memref<!tpu.dma_semaphore, #tpu.memory_space<semaphore_mem>>)
      %dma_wait3A_2168 = tpu.memref_slice %arg14[%mul3A_52] : memref<10240xf32, #tpu.memory_space<vmem_shared>> -> memref<640xf32, #tpu.memory_space<vmem_shared>>
      %dma_wait3A_2169 = tpu.memref_slice %arg14[%mul3A_52] : memref<10240xf32, #tpu.memory_space<vmem_shared>> -> memref<640xf32, #tpu.memory_space<vmem_shared>>
      tpu.wait_dma2 semaphore(%run_scoped3A_2165 : memref<!tpu.dma_semaphore, #tpu.memory_space<semaphore_mem>>) src(%arg13 : memref<640xf32, #tpu.memory_space<vmem>>) dst(%dma_wait3A_2169 : memref<640xf32, #tpu.memory_space<vmem_shared>>)
      tpu.yield
    }) : () -> ()
    %mul3A_53 = arith.constant 72 : i32
    %mul3A_54 = arith.muli %arg1, %mul3A_53 : i32
    %mul3A_55 = arith.constant 72 : i32
    %mul3A_56 = arith.muli %arg1, %mul3A_55 : i32
    "tpu.region"() ({
      %run_scoped3A_2165 = tpu.sem_alloc : memref<!tpu.dma_semaphore, #tpu.memory_space<semaphore_mem>>
      %dma_start3A_2166 = arith.constant 0 : i32
      %dma_start3A_2167 = tpu.memref_slice %arg15[%mul3A_56, %dma_start3A_2166] : memref<1152x128xf32, #tpu.memory_space<vmem_shared>> -> memref<72x128xf32, #tpu.memory_space<vmem_shared>>
      %dma_start3A_2168 = arith.constant 0 : i32
      %dma_start3A_2169 = tpu.memref_slice %arg3[%mul3A_54, %dma_start3A_2168] : memref<1152x128xf32, #tpu.memory_space<hbm>> -> memref<72x128xf32, #tpu.memory_space<hbm>>
      tpu.enqueue_dma source(%dma_start3A_2169 : memref<72x128xf32, #tpu.memory_space<hbm>>) target(%dma_start3A_2167 : memref<72x128xf32, #tpu.memory_space<vmem_shared>>) target_semaphore(%run_scoped3A_2165 : memref<!tpu.dma_semaphore, #tpu.memory_space<semaphore_mem>>)
      %dma_wait3A_2170 = arith.constant 0 : i32
      %dma_wait3A_2171 = tpu.memref_slice %arg15[%mul3A_56, %dma_wait3A_2170] : memref<1152x128xf32, #tpu.memory_space<vmem_shared>> -> memref<72x128xf32, #tpu.memory_space<vmem_shared>>
      %dma_wait3A_2172 = arith.constant 0 : i32
      %dma_wait3A_2173 = tpu.memref_slice %arg3[%mul3A_54, %dma_wait3A_2172] : memref<1152x128xf32, #tpu.memory_space<hbm>> -> memref<72x128xf32, #tpu.memory_space<hbm>>
      tpu.wait_dma2 semaphore(%run_scoped3A_2165 : memref<!tpu.dma_semaphore, #tpu.memory_space<semaphore_mem>>) src(%dma_wait3A_2173 : memref<72x128xf32, #tpu.memory_space<hbm>>) dst(%dma_wait3A_2171 : memref<72x128xf32, #tpu.memory_space<vmem_shared>>)
      tpu.yield
    }) : () -> ()
    %barrier3A = arith.constant 0 : index
    tpu.barrier barrier_id(%barrier3A)
    %run_scoped3A = arith.constant 1 : i32
    "tpu.region"() ({
      %run_scoped3A_2165 = tpu.sem_alloc : memref<!tpu.dma_semaphore, #tpu.memory_space<semaphore_mem>>
      %dma_start3A_2166 = arith.constant 0 : i32
      %dma_start3A_2167 = arith.constant 0 : i32
      %dma_start3A_2168 = tpu.memref_slice %arg4[%run_scoped3A, %add3A, %dma_start3A_2166, %dma_start3A_2167] : memref<2x32x80x128xi32, #tpu.memory_space<hbm>> -> memref<1x1x80x128xi32, #tpu.memory_space<hbm>>
      %dma_start3A_2169 = tpu.memref_squeeze %dma_start3A_2168 : memref<1x1x80x128xi32, #tpu.memory_space<hbm>> -> memref<80x128xi32, #tpu.memory_space<hbm>>
      %dma_start3A_2170 = arith.constant 0 : i32
      %dma_start3A_2171 = arith.constant 0 : i32
      %dma_start3A_2172 = tpu.memref_slice %arg4[%run_scoped3A, %add3A, %dma_start3A_2170, %dma_start3A_2171] : memref<2x32x80x128xi32, #tpu.memory_space<hbm>> -> memref<1x1x80x128xi32, #tpu.memory_space<hbm>>
      %dma_start3A_2173 = tpu.memref_squeeze %dma_start3A_2172 : memref<1x1x80x128xi32, #tpu.memory_space<hbm>> -> memref<80x128xi32, #tpu.memory_space<hbm>>
      tpu.enqueue_dma source(%dma_start3A_2173 : memref<80x128xi32, #tpu.memory_space<hbm>>) target(%arg11 : memref<80x128xi32, #tpu.memory_space<vmem>>) target_semaphore(%run_scoped3A_2165 : memref<!tpu.dma_semaphore, #tpu.memory_space<semaphore_mem>>)
      %dma_wait3A_2174 = arith.constant 0 : i32
      %dma_wait3A_2175 = arith.constant 0 : i32
      %dma_wait3A_2176 = tpu.memref_slice %arg4[%run_scoped3A, %add3A, %dma_wait3A_2174, %dma_wait3A_2175] : memref<2x32x80x128xi32, #tpu.memory_space<hbm>> -> memref<1x1x80x128xi32, #tpu.memory_space<hbm>>
      %dma_wait3A_2177 = tpu.memref_squeeze %dma_wait3A_2176 : memref<1x1x80x128xi32, #tpu.memory_space<hbm>> -> memref<80x128xi32, #tpu.memory_space<hbm>>
      %dma_wait3A_2178 = arith.constant 0 : i32
      %dma_wait3A_2179 = arith.constant 0 : i32
      %dma_wait3A_2180 = tpu.memref_slice %arg4[%run_scoped3A, %add3A, %dma_wait3A_2178, %dma_wait3A_2179] : memref<2x32x80x128xi32, #tpu.memory_space<hbm>> -> memref<1x1x80x128xi32, #tpu.memory_space<hbm>>
      %dma_wait3A_2181 = tpu.memref_squeeze %dma_wait3A_2180 : memref<1x1x80x128xi32, #tpu.memory_space<hbm>> -> memref<80x128xi32, #tpu.memory_space<hbm>>
      tpu.wait_dma2 semaphore(%run_scoped3A_2165 : memref<!tpu.dma_semaphore, #tpu.memory_space<semaphore_mem>>) src(%dma_wait3A_2181 : memref<80x128xi32, #tpu.memory_space<hbm>>) dst(%arg11 : memref<80x128xi32, #tpu.memory_space<vmem>>)
      tpu.yield
    }) : () -> ()
    %add3A_57 = arith.constant 0 : i32
    %add3A_58 = arith.addi %add3A, %add3A_57 : i32
    %mul3A_59 = arith.constant 128 : i32
    %mul3A_60 = arith.muli %add3A_58, %mul3A_59 : i32
    "tpu.region"() ({
      %run_scoped3A_2165 = tpu.sem_alloc : memref<!tpu.dma_semaphore, #tpu.memory_space<semaphore_mem>>
      %dma_start3A_2166 = arith.constant 0 : i32
      %dma_start3A_2167 = tpu.memref_slice %arg2[%dma_start3A_2166, %mul3A_60] : memref<9x10240xi32, #tpu.memory_space<hbm>> -> memref<9x128xi32, #tpu.memory_space<hbm>>
      %dma_start3A_2168 = arith.constant 0 : i32
      %dma_start3A_2169 = tpu.memref_slice %arg2[%dma_start3A_2168, %mul3A_60] : memref<9x10240xi32, #tpu.memory_space<hbm>> -> memref<9x128xi32, #tpu.memory_space<hbm>>
      tpu.enqueue_dma source(%dma_start3A_2169 : memref<9x128xi32, #tpu.memory_space<hbm>>) target(%arg7 : memref<9x128xi32, #tpu.memory_space<vmem>>) target_semaphore(%run_scoped3A_2165 : memref<!tpu.dma_semaphore, #tpu.memory_space<semaphore_mem>>)
      %dma_wait3A_2170 = arith.constant 0 : i32
      %dma_wait3A_2171 = tpu.memref_slice %arg2[%dma_wait3A_2170, %mul3A_60] : memref<9x10240xi32, #tpu.memory_space<hbm>> -> memref<9x128xi32, #tpu.memory_space<hbm>>
      %dma_wait3A_2172 = arith.constant 0 : i32
      %dma_wait3A_2173 = tpu.memref_slice %arg2[%dma_wait3A_2172, %mul3A_60] : memref<9x10240xi32, #tpu.memory_space<hbm>> -> memref<9x128xi32, #tpu.memory_space<hbm>>
      tpu.wait_dma2 semaphore(%run_scoped3A_2165 : memref<!tpu.dma_semaphore, #tpu.memory_space<semaphore_mem>>) src(%dma_wait3A_2173 : memref<9x128xi32, #tpu.memory_space<hbm>>) dst(%arg7 : memref<9x128xi32, #tpu.memory_space<vmem>>)
      tpu.yield
    }) : () -> ()
    %get3A = arith.constant 1 : i32
    %get3A_61 = arith.index_cast %get3A : i32 to index
    %get3A_62 = arith.constant 0 : index
    %get3A_63 = tpu.vector_load %arg7[%get3A_61, %get3A_62] {strides = array<i32>} : memref<9x128xi32, #tpu.memory_space<vmem>>, vector<1x16xi32>,
    %get3A_64 = vector.shape_cast %get3A_63 : vector<1x16xi32> to vector<16xi32>
    %add3A_65 = arith.constant 128 : i32
    %add3A_66 = vector.broadcast %add3A_65 : i32 to vector<16xi32>
    %add3A_67 = arith.addi %get3A_64, %add3A_66 : vector<16xi32>
    %swap3A_68 = arith.constant 1 : i32
    %swap3A_69 = arith.index_cast %swap3A_68 : i32 to index
    %swap3A_70 = arith.constant 0 : index
    %swap3A_71 = tpu.vector_load %arg7[%swap3A_69, %swap3A_70] {strides = array<i32>} : memref<9x128xi32, #tpu.memory_space<vmem>>, vector<1x16xi32>,
    %swap3A_72 = vector.shape_cast %swap3A_71 : vector<1x16xi32> to vector<16xi32>
    %swap3A_73 = vector.shape_cast %add3A_67 : vector<16xi32> to vector<1x16xi32>
    tpu.vector_store %arg7[%swap3A_69, %swap3A_70], %swap3A_73 {strides = array<i32>} : memref<9x128xi32, #tpu.memory_space<vmem>>, vector<1x16xi32>,
    %get3A_74 = arith.constant 1 : i32
    %get3A_75 = arith.index_cast %get3A_74 : i32 to index
    %get3A_76 = arith.constant 16 : index
    %get3A_77 = tpu.vector_load %arg7[%get3A_75, %get3A_76] {strides = array<i32>} : memref<9x128xi32, #tpu.memory_space<vmem>>, vector<1x16xi32>,
    %get3A_78 = vector.shape_cast %get3A_77 : vector<1x16xi32> to vector<16xi32>
    %add3A_79 = arith.constant 128 : i32
    %add3A_80 = vector.broadcast %add3A_79 : i32 to vector<16xi32>
    %add3A_81 = arith.addi %get3A_78, %add3A_80 : vector<16xi32>
    %swap3A_82 = arith.constant 1 : i32
    %swap3A_83 = arith.index_cast %swap3A_82 : i32 to index
    %swap3A_84 = arith.constant 16 : index
    %swap3A_85 = tpu.vector_load %arg7[%swap3A_83, %swap3A_84] {strides = array<i32>} : memref<9x128xi32, #tpu.memory_space<vmem>>, vector<1x16xi32>,
    %swap3A_86 = vector.shape_cast %swap3A_85 : vector<1x16xi32> to vector<16xi32>
    %swap3A_87 = vector.shape_cast %add3A_81 : vector<16xi32> to vector<1x16xi32>
    tpu.vector_store %arg7[%swap3A_83, %swap3A_84], %swap3A_87 {strides = array<i32>} : memref<9x128xi32, #tpu.memory_space<vmem>>, vector<1x16xi32>,
    %get3A_88 = arith.constant 1 : i32
    %get3A_89 = arith.index_cast %get3A_88 : i32 to index
    %get3A_90 = arith.constant 32 : index
    %get3A_91 = tpu.vector_load %arg7[%get3A_89, %get3A_90] {strides = array<i32>} : memref<9x128xi32, #tpu.memory_space<vmem>>, vector<1x16xi32>,
    %get3A_92 = vector.shape_cast %get3A_91 : vector<1x16xi32> to vector<16xi32>
    %add3A_93 = arith.constant 128 : i32
    %add3A_94 = vector.broadcast %add3A_93 : i32 to vector<16xi32>
    %add3A_95 = arith.addi %get3A_92, %add3A_94 : vector<16xi32>
    %swap3A_96 = arith.constant 1 : i32
    %swap3A_97 = arith.index_cast %swap3A_96 : i32 to index
    %swap3A_98 = arith.constant 32 : index
    %swap3A_99 = tpu.vector_load %arg7[%swap3A_97, %swap3A_98] {strides = array<i32>} : memref<9x128xi32, #tpu.memory_space<vmem>>, vector<1x16xi32>,
    %swap3A_100 = vector.shape_cast %swap3A_99 : vector<1x16xi32> to vector<16xi32>
    %swap3A_101 = vector.shape_cast %add3A_95 : vector<16xi32> to vector<1x16xi32>
    tpu.vector_store %arg7[%swap3A_97, %swap3A_98], %swap3A_101 {strides = array<i32>} : memref<9x128xi32, #tpu.memory_space<vmem>>, vector<1x16xi32>,
    %get3A_102 = arith.constant 1 : i32
    %get3A_103 = arith.index_cast %get3A_102 : i32 to index
    %get3A_104 = arith.constant 48 : index
    %get3A_105 = tpu.vector_load %arg7[%get3A_103, %get3A_104] {strides = array<i32>} : memref<9x128xi32, #tpu.memory_space<vmem>>, vector<1x16xi32>,
    %get3A_106 = vector.shape_cast %get3A_105 : vector<1x16xi32> to vector<16xi32>
    %add3A_107 = arith.constant 128 : i32
    %add3A_108 = vector.broadcast %add3A_107 : i32 to vector<16xi32>
    %add3A_109 = arith.addi %get3A_106, %add3A_108 : vector<16xi32>
    %swap3A_110 = arith.constant 1 : i32
    %swap3A_111 = arith.index_cast %swap3A_110 : i32 to index
    %swap3A_112 = arith.constant 48 : index
    %swap3A_113 = tpu.vector_load %arg7[%swap3A_111, %swap3A_112] {strides = array<i32>} : memref<9x128xi32, #tpu.memory_space<vmem>>, vector<1x16xi32>,
    %swap3A_114 = vector.shape_cast %swap3A_113 : vector<1x16xi32> to vector<16xi32>
    %swap3A_115 = vector.shape_cast %add3A_109 : vector<16xi32> to vector<1x16xi32>
    tpu.vector_store %arg7[%swap3A_111, %swap3A_112], %swap3A_115 {strides = array<i32>} : memref<9x128xi32, #tpu.memory_space<vmem>>, vector<1x16xi32>,
    %get3A_116 = arith.constant 1 : i32
    %get3A_117 = arith.index_cast %get3A_116 : i32 to index
    %get3A_118 = arith.constant 64 : index
    %get3A_119 = tpu.vector_load %arg7[%get3A_117, %get3A_118] {strides = array<i32>} : memref<9x128xi32, #tpu.memory_space<vmem>>, vector<1x16xi32>,
    %get3A_120 = vector.shape_cast %get3A_119 : vector<1x16xi32> to vector<16xi32>
    %add3A_121 = arith.constant 128 : i32
    %add3A_122 = vector.broadcast %add3A_121 : i32 to vector<16xi32>
    %add3A_123 = arith.addi %get3A_120, %add3A_122 : vector<16xi32>
    %swap3A_124 = arith.constant 1 : i32
    %swap3A_125 = arith.index_cast %swap3A_124 : i32 to index
    %swap3A_126 = arith.constant 64 : index
    %swap3A_127 = tpu.vector_load %arg7[%swap3A_125, %swap3A_126] {strides = array<i32>} : memref<9x128xi32, #tpu.memory_space<vmem>>, vector<1x16xi32>,
    %swap3A_128 = vector.shape_cast %swap3A_127 : vector<1x16xi32> to vector<16xi32>
    %swap3A_129 = vector.shape_cast %add3A_123 : vector<16xi32> to vector<1x16xi32>
    tpu.vector_store %arg7[%swap3A_125, %swap3A_126], %swap3A_129 {strides = array<i32>} : memref<9x128xi32, #tpu.memory_space<vmem>>, vector<1x16xi32>,
    %get3A_130 = arith.constant 1 : i32
    %get3A_131 = arith.index_cast %get3A_130 : i32 to index
    %get3A_132 = arith.constant 80 : index
    %get3A_133 = tpu.vector_load %arg7[%get3A_131, %get3A_132] {strides = array<i32>} : memref<9x128xi32, #tpu.memory_space<vmem>>, vector<1x16xi32>,
    %get3A_134 = vector.shape_cast %get3A_133 : vector<1x16xi32> to vector<16xi32>
    %add3A_135 = arith.constant 128 : i32
    %add3A_136 = vector.broadcast %add3A_135 : i32 to vector<16xi32>
    %add3A_137 = arith.addi %get3A_134, %add3A_136 : vector<16xi32>
    %swap3A_138 = arith.constant 1 : i32
    %swap3A_139 = arith.index_cast %swap3A_138 : i32 to index
    %swap3A_140 = arith.constant 80 : index
    %swap3A_141 = tpu.vector_load %arg7[%swap3A_139, %swap3A_140] {strides = array<i32>} : memref<9x128xi32, #tpu.memory_space<vmem>>, vector<1x16xi32>,
    %swap3A_142 = vector.shape_cast %swap3A_141 : vector<1x16xi32> to vector<16xi32>
    %swap3A_143 = vector.shape_cast %add3A_137 : vector<16xi32> to vector<1x16xi32>
    tpu.vector_store %arg7[%swap3A_139, %swap3A_140], %swap3A_143 {strides = array<i32>} : memref<9x128xi32, #tpu.memory_space<vmem>>, vector<1x16xi32>,
    %get3A_144 = arith.constant 1 : i32
    %get3A_145 = arith.index_cast %get3A_144 : i32 to index
    %get3A_146 = arith.constant 96 : index
    %get3A_147 = tpu.vector_load %arg7[%get3A_145, %get3A_146] {strides = array<i32>} : memref<9x128xi32, #tpu.memory_space<vmem>>, vector<1x16xi32>,
    %get3A_148 = vector.shape_cast %get3A_147 : vector<1x16xi32> to vector<16xi32>
    %add3A_149 = arith.constant 128 : i32
    %add3A_150 = vector.broadcast %add3A_149 : i32 to vector<16xi32>
    %add3A_151 = arith.addi %get3A_148, %add3A_150 : vector<16xi32>
    %swap3A_152 = arith.constant 1 : i32
    %swap3A_153 = arith.index_cast %swap3A_152 : i32 to index
    %swap3A_154 = arith.constant 96 : index
    %swap3A_155 = tpu.vector_load %arg7[%swap3A_153, %swap3A_154] {strides = array<i32>} : memref<9x128xi32, #tpu.memory_space<vmem>>, vector<1x16xi32>,
    %swap3A_156 = vector.shape_cast %swap3A_155 : vector<1x16xi32> to vector<16xi32>
    %swap3A_157 = vector.shape_cast %add3A_151 : vector<16xi32> to vector<1x16xi32>
    tpu.vector_store %arg7[%swap3A_153, %swap3A_154], %swap3A_157 {strides = array<i32>} : memref<9x128xi32, #tpu.memory_space<vmem>>, vector<1x16xi32>,
    %get3A_158 = arith.constant 1 : i32
    %get3A_159 = arith.index_cast %get3A_158 : i32 to index
    %get3A_160 = arith.constant 112 : index
    %get3A_161 = tpu.vector_load %arg7[%get3A_159, %get3A_160] {strides = array<i32>} : memref<9x128xi32, #tpu.memory_space<vmem>>, vector<1x16xi32>,
    %get3A_162 = vector.shape_cast %get3A_161 : vector<1x16xi32> to vector<16xi32>
    %add3A_163 = arith.constant 128 : i32
    %add3A_164 = vector.broadcast %add3A_163 : i32 to vector<16xi32>
    %add3A_165 = arith.addi %get3A_162, %add3A_164 : vector<16xi32>
    %swap3A_166 = arith.constant 1 : i32
    %swap3A_167 = arith.index_cast %swap3A_166 : i32 to index
    %swap3A_168 = arith.constant 112 : index
    %swap3A_169 = tpu.vector_load %arg7[%swap3A_167, %swap3A_168] {strides = array<i32>} : memref<9x128xi32, #tpu.memory_space<vmem>>, vector<1x16xi32>,
    %swap3A_170 = vector.shape_cast %swap3A_169 : vector<1x16xi32> to vector<16xi32>
    %swap3A_171 = vector.shape_cast %add3A_165 : vector<16xi32> to vector<1x16xi32>
    tpu.vector_store %arg7[%swap3A_167, %swap3A_168], %swap3A_171 {strides = array<i32>} : memref<9x128xi32, #tpu.memory_space<vmem>>, vector<1x16xi32>,
    %get3A_172 = arith.constant 2 : i32
    %get3A_173 = arith.index_cast %get3A_172 : i32 to index
    %get3A_174 = arith.constant 0 : index
    %get3A_175 = tpu.vector_load %arg7[%get3A_173, %get3A_174] {strides = array<i32>} : memref<9x128xi32, #tpu.memory_space<vmem>>, vector<1x16xi32>,
    %get3A_176 = vector.shape_cast %get3A_175 : vector<1x16xi32> to vector<16xi32>
    %add3A_177 = arith.constant 256 : i32
    %add3A_178 = vector.broadcast %add3A_177 : i32 to vector<16xi32>
    %add3A_179 = arith.addi %get3A_176, %add3A_178 : vector<16xi32>
    %swap3A_180 = arith.constant 2 : i32
    %swap3A_181 = arith.index_cast %swap3A_180 : i32 to index
    %swap3A_182 = arith.constant 0 : index
    %swap3A_183 = tpu.vector_load %arg7[%swap3A_181, %swap3A_182] {strides = array<i32>} : memref<9x128xi32, #tpu.memory_space<vmem>>, vector<1x16xi32>,
    %swap3A_184 = vector.shape_cast %swap3A_183 : vector<1x16xi32> to vector<16xi32>
    %swap3A_185 = vector.shape_cast %add3A_179 : vector<16xi32> to vector<1x16xi32>
    tpu.vector_store %arg7[%swap3A_181, %swap3A_182], %swap3A_185 {strides = array<i32>} : memref<9x128xi32, #tpu.memory_space<vmem>>, vector<1x16xi32>,
    %get3A_186 = arith.constant 2 : i32
    %get3A_187 = arith.index_cast %get3A_186 : i32 to index
    %get3A_188 = arith.constant 16 : index
    %get3A_189 = tpu.vector_load %arg7[%get3A_187, %get3A_188] {strides = array<i32>} : memref<9x128xi32, #tpu.memory_space<vmem>>, vector<1x16xi32>,
    %get3A_190 = vector.shape_cast %get3A_189 : vector<1x16xi32> to vector<16xi32>
    %add3A_191 = arith.constant 256 : i32
    %add3A_192 = vector.broadcast %add3A_191 : i32 to vector<16xi32>
    %add3A_193 = arith.addi %get3A_190, %add3A_192 : vector<16xi32>
    %swap3A_194 = arith.constant 2 : i32
    %swap3A_195 = arith.index_cast %swap3A_194 : i32 to index
    %swap3A_196 = arith.constant 16 : index
    %swap3A_197 = tpu.vector_load %arg7[%swap3A_195, %swap3A_196] {strides = array<i32>} : memref<9x128xi32, #tpu.memory_space<vmem>>, vector<1x16xi32>,
    %swap3A_198 = vector.shape_cast %swap3A_197 : vector<1x16xi32> to vector<16xi32>
    %swap3A_199 = vector.shape_cast %add3A_193 : vector<16xi32> to vector<1x16xi32>
    tpu.vector_store %arg7[%swap3A_195, %swap3A_196], %swap3A_199 {strides = array<i32>} : memref<9x128xi32, #tpu.memory_space<vmem>>, vector<1x16xi32>,
    %get3A_200 = arith.constant 2 : i32
    %get3A_201 = arith.index_cast %get3A_200 : i32 to index
    %get3A_202 = arith.constant 32 : index
    %get3A_203 = tpu.vector_load %arg7[%get3A_201, %get3A_202] {strides = array<i32>} : memref<9x128xi32, #tpu.memory_space<vmem>>, vector<1x16xi32>,
    %get3A_204 = vector.shape_cast %get3A_203 : vector<1x16xi32> to vector<16xi32>
    %add3A_205 = arith.constant 256 : i32
    %add3A_206 = vector.broadcast %add3A_205 : i32 to vector<16xi32>
    %add3A_207 = arith.addi %get3A_204, %add3A_206 : vector<16xi32>
    %swap3A_208 = arith.constant 2 : i32
    %swap3A_209 = arith.index_cast %swap3A_208 : i32 to index
    %swap3A_210 = arith.constant 32 : index
    %swap3A_211 = tpu.vector_load %arg7[%swap3A_209, %swap3A_210] {strides = array<i32>} : memref<9x128xi32, #tpu.memory_space<vmem>>, vector<1x16xi32>,
    %swap3A_212 = vector.shape_cast %swap3A_211 : vector<1x16xi32> to vector<16xi32>
    %swap3A_213 = vector.shape_cast %add3A_207 : vector<16xi32> to vector<1x16xi32>
    tpu.vector_store %arg7[%swap3A_209, %swap3A_210], %swap3A_213 {strides = array<i32>} : memref<9x128xi32, #tpu.memory_space<vmem>>, vector<1x16xi32>,
    %get3A_214 = arith.constant 2 : i32
    %get3A_215 = arith.index_cast %get3A_214 : i32 to index
    %get3A_216 = arith.constant 48 : index
    %get3A_217 = tpu.vector_load %arg7[%get3A_215, %get3A_216] {strides = array<i32>} : memref<9x128xi32, #tpu.memory_space<vmem>>, vector<1x16xi32>,
    %get3A_218 = vector.shape_cast %get3A_217 : vector<1x16xi32> to vector<16xi32>
    %add3A_219 = arith.constant 256 : i32
    %add3A_220 = vector.broadcast %add3A_219 : i32 to vector<16xi32>
    %add3A_221 = arith.addi %get3A_218, %add3A_220 : vector<16xi32>
    %swap3A_222 = arith.constant 2 : i32
    %swap3A_223 = arith.index_cast %swap3A_222 : i32 to index
    %swap3A_224 = arith.constant 48 : index
    %swap3A_225 = tpu.vector_load %arg7[%swap3A_223, %swap3A_224] {strides = array<i32>} : memref<9x128xi32, #tpu.memory_space<vmem>>, vector<1x16xi32>,
    %swap3A_226 = vector.shape_cast %swap3A_225 : vector<1x16xi32> to vector<16xi32>
    %swap3A_227 = vector.shape_cast %add3A_221 : vector<16xi32> to vector<1x16xi32>
    tpu.vector_store %arg7[%swap3A_223, %swap3A_224], %swap3A_227 {strides = array<i32>} : memref<9x128xi32, #tpu.memory_space<vmem>>, vector<1x16xi32>,
    %get3A_228 = arith.constant 2 : i32
    %get3A_229 = arith.index_cast %get3A_228 : i32 to index
    %get3A_230 = arith.constant 64 : index
    %get3A_231 = tpu.vector_load %arg7[%get3A_229, %get3A_230] {strides = array<i32>} : memref<9x128xi32, #tpu.memory_space<vmem>>, vector<1x16xi32>,
    %get3A_232 = vector.shape_cast %get3A_231 : vector<1x16xi32> to vector<16xi32>
    %add3A_233 = arith.constant 256 : i32
    %add3A_234 = vector.broadcast %add3A_233 : i32 to vector<16xi32>
    %add3A_235 = arith.addi %get3A_232, %add3A_234 : vector<16xi32>
    %swap3A_236 = arith.constant 2 : i32
    %swap3A_237 = arith.index_cast %swap3A_236 : i32 to index
    %swap3A_238 = arith.constant 64 : index
    %swap3A_239 = tpu.vector_load %arg7[%swap3A_237, %swap3A_238] {strides = array<i32>} : memref<9x128xi32, #tpu.memory_space<vmem>>, vector<1x16xi32>,
    %swap3A_240 = vector.shape_cast %swap3A_239 : vector<1x16xi32> to vector<16xi32>
    %swap3A_241 = vector.shape_cast %add3A_235 : vector<16xi32> to vector<1x16xi32>
    tpu.vector_store %arg7[%swap3A_237, %swap3A_238], %swap3A_241 {strides = array<i32>} : memref<9x128xi32, #tpu.memory_space<vmem>>, vector<1x16xi32>,
    %get3A_242 = arith.constant 2 : i32
    %get3A_243 = arith.index_cast %get3A_242 : i32 to index
    %get3A_244 = arith.constant 80 : index
    %get3A_245 = tpu.vector_load %arg7[%get3A_243, %get3A_244] {strides = array<i32>} : memref<9x128xi32, #tpu.memory_space<vmem>>, vector<1x16xi32>,
    %get3A_246 = vector.shape_cast %get3A_245 : vector<1x16xi32> to vector<16xi32>
    %add3A_247 = arith.constant 256 : i32
    %add3A_248 = vector.broadcast %add3A_247 : i32 to vector<16xi32>
    %add3A_249 = arith.addi %get3A_246, %add3A_248 : vector<16xi32>
    %swap3A_250 = arith.constant 2 : i32
    %swap3A_251 = arith.index_cast %swap3A_250 : i32 to index
    %swap3A_252 = arith.constant 80 : index
    %swap3A_253 = tpu.vector_load %arg7[%swap3A_251, %swap3A_252] {strides = array<i32>} : memref<9x128xi32, #tpu.memory_space<vmem>>, vector<1x16xi32>,
    %swap3A_254 = vector.shape_cast %swap3A_253 : vector<1x16xi32> to vector<16xi32>
    %swap3A_255 = vector.shape_cast %add3A_249 : vector<16xi32> to vector<1x16xi32>
    tpu.vector_store %arg7[%swap3A_251, %swap3A_252], %swap3A_255 {strides = array<i32>} : memref<9x128xi32, #tpu.memory_space<vmem>>, vector<1x16xi32>,
    %get3A_256 = arith.constant 2 : i32
    %get3A_257 = arith.index_cast %get3A_256 : i32 to index
    %get3A_258 = arith.constant 96 : index
    %get3A_259 = tpu.vector_load %arg7[%get3A_257, %get3A_258] {strides = array<i32>} : memref<9x128xi32, #tpu.memory_space<vmem>>, vector<1x16xi32>,
    %get3A_260 = vector.shape_cast %get3A_259 : vector<1x16xi32> to vector<16xi32>
    %add3A_261 = arith.constant 256 : i32
    %add3A_262 = vector.broadcast %add3A_261 : i32 to vector<16xi32>
    %add3A_263 = arith.addi %get3A_260, %add3A_262 : vector<16xi32>
    %swap3A_264 = arith.constant 2 : i32
    %swap3A_265 = arith.index_cast %swap3A_264 : i32 to index
    %swap3A_266 = arith.constant 96 : index
    %swap3A_267 = tpu.vector_load %arg7[%swap3A_265, %swap3A_266] {strides = array<i32>} : memref<9x128xi32, #tpu.memory_space<vmem>>, vector<1x16xi32>,
    %swap3A_268 = vector.shape_cast %swap3A_267 : vector<1x16xi32> to vector<16xi32>
    %swap3A_269 = vector.shape_cast %add3A_263 : vector<16xi32> to vector<1x16xi32>
    tpu.vector_store %arg7[%swap3A_265, %swap3A_266], %swap3A_269 {strides = array<i32>} : memref<9x128xi32, #tpu.memory_space<vmem>>, vector<1x16xi32>,
    %get3A_270 = arith.constant 2 : i32
    %get3A_271 = arith.index_cast %get3A_270 : i32 to index
    %get3A_272 = arith.constant 112 : index
    %get3A_273 = tpu.vector_load %arg7[%get3A_271, %get3A_272] {strides = array<i32>} : memref<9x128xi32, #tpu.memory_space<vmem>>, vector<1x16xi32>,
    %get3A_274 = vector.shape_cast %get3A_273 : vector<1x16xi32> to vector<16xi32>
    %add3A_275 = arith.constant 256 : i32
    %add3A_276 = vector.broadcast %add3A_275 : i32 to vector<16xi32>
    %add3A_277 = arith.addi %get3A_274, %add3A_276 : vector<16xi32>
    %swap3A_278 = arith.constant 2 : i32
    %swap3A_279 = arith.index_cast %swap3A_278 : i32 to index
    %swap3A_280 = arith.constant 112 : index
    %swap3A_281 = tpu.vector_load %arg7[%swap3A_279, %swap3A_280] {strides = array<i32>} : memref<9x128xi32, #tpu.memory_space<vmem>>, vector<1x16xi32>,
    %swap3A_282 = vector.shape_cast %swap3A_281 : vector<1x16xi32> to vector<16xi32>
    %swap3A_283 = vector.shape_cast %add3A_277 : vector<16xi32> to vector<1x16xi32>
    tpu.vector_store %arg7[%swap3A_279, %swap3A_280], %swap3A_283 {strides = array<i32>} : memref<9x128xi32, #tpu.memory_space<vmem>>, vector<1x16xi32>,
    %get3A_284 = arith.constant 3 : i32
    %get3A_285 = arith.index_cast %get3A_284 : i32 to index
    %get3A_286 = arith.constant 0 : index
    %get3A_287 = tpu.vector_load %arg7[%get3A_285, %get3A_286] {strides = array<i32>} : memref<9x128xi32, #tpu.memory_space<vmem>>, vector<1x16xi32>,
    %get3A_288 = vector.shape_cast %get3A_287 : vector<1x16xi32> to vector<16xi32>
    %add3A_289 = arith.constant 384 : i32
    %add3A_290 = vector.broadcast %add3A_289 : i32 to vector<16xi32>
    %add3A_291 = arith.addi %get3A_288, %add3A_290 : vector<16xi32>
    %swap3A_292 = arith.constant 3 : i32
    %swap3A_293 = arith.index_cast %swap3A_292 : i32 to index
    %swap3A_294 = arith.constant 0 : index
    %swap3A_295 = tpu.vector_load %arg7[%swap3A_293, %swap3A_294] {strides = array<i32>} : memref<9x128xi32, #tpu.memory_space<vmem>>, vector<1x16xi32>,
    %swap3A_296 = vector.shape_cast %swap3A_295 : vector<1x16xi32> to vector<16xi32>
    %swap3A_297 = vector.shape_cast %add3A_291 : vector<16xi32> to vector<1x16xi32>
    tpu.vector_store %arg7[%swap3A_293, %swap3A_294], %swap3A_297 {strides = array<i32>} : memref<9x128xi32, #tpu.memory_space<vmem>>, vector<1x16xi32>,
    %get3A_298 = arith.constant 3 : i32
    %get3A_299 = arith.index_cast %get3A_298 : i32 to index
    %get3A_300 = arith.constant 16 : index
    %get3A_301 = tpu.vector_load %arg7[%get3A_299, %get3A_300] {strides = array<i32>} : memref<9x128xi32, #tpu.memory_space<vmem>>, vector<1x16xi32>,
    %get3A_302 = vector.shape_cast %get3A_301 : vector<1x16xi32> to vector<16xi32>
    %add3A_303 = arith.constant 384 : i32
    %add3A_304 = vector.broadcast %add3A_303 : i32 to vector<16xi32>
    %add3A_305 = arith.addi %get3A_302, %add3A_304 : vector<16xi32>
    %swap3A_306 = arith.constant 3 : i32
    %swap3A_307 = arith.index_cast %swap3A_306 : i32 to index
    %swap3A_308 = arith.constant 16 : index
    %swap3A_309 = tpu.vector_load %arg7[%swap3A_307, %swap3A_308] {strides = array<i32>} : memref<9x128xi32, #tpu.memory_space<vmem>>, vector<1x16xi32>,
    %swap3A_310 = vector.shape_cast %swap3A_309 : vector<1x16xi32> to vector<16xi32>
    %swap3A_311 = vector.shape_cast %add3A_305 : vector<16xi32> to vector<1x16xi32>
    tpu.vector_store %arg7[%swap3A_307, %swap3A_308], %swap3A_311 {strides = array<i32>} : memref<9x128xi32, #tpu.memory_space<vmem>>, vector<1x16xi32>,
    %get3A_312 = arith.constant 3 : i32
    %get3A_313 = arith.index_cast %get3A_312 : i32 to index
    %get3A_314 = arith.constant 32 : index
    %get3A_315 = tpu.vector_load %arg7[%get3A_313, %get3A_314] {strides = array<i32>} : memref<9x128xi32, #tpu.memory_space<vmem>>, vector<1x16xi32>,
    %get3A_316 = vector.shape_cast %get3A_315 : vector<1x16xi32> to vector<16xi32>
    %add3A_317 = arith.constant 384 : i32
    %add3A_318 = vector.broadcast %add3A_317 : i32 to vector<16xi32>
    %add3A_319 = arith.addi %get3A_316, %add3A_318 : vector<16xi32>
    %swap3A_320 = arith.constant 3 : i32
    %swap3A_321 = arith.index_cast %swap3A_320 : i32 to index
    %swap3A_322 = arith.constant 32 : index
    %swap3A_323 = tpu.vector_load %arg7[%swap3A_321, %swap3A_322] {strides = array<i32>} : memref<9x128xi32, #tpu.memory_space<vmem>>, vector<1x16xi32>,
    %swap3A_324 = vector.shape_cast %swap3A_323 : vector<1x16xi32> to vector<16xi32>
    %swap3A_325 = vector.shape_cast %add3A_319 : vector<16xi32> to vector<1x16xi32>
    tpu.vector_store %arg7[%swap3A_321, %swap3A_322], %swap3A_325 {strides = array<i32>} : memref<9x128xi32, #tpu.memory_space<vmem>>, vector<1x16xi32>,
    %get3A_326 = arith.constant 3 : i32
    %get3A_327 = arith.index_cast %get3A_326 : i32 to index
    %get3A_328 = arith.constant 48 : index
    %get3A_329 = tpu.vector_load %arg7[%get3A_327, %get3A_328] {strides = array<i32>} : memref<9x128xi32, #tpu.memory_space<vmem>>, vector<1x16xi32>,
    %get3A_330 = vector.shape_cast %get3A_329 : vector<1x16xi32> to vector<16xi32>
    %add3A_331 = arith.constant 384 : i32
    %add3A_332 = vector.broadcast %add3A_331 : i32 to vector<16xi32>
    %add3A_333 = arith.addi %get3A_330, %add3A_332 : vector<16xi32>
    %swap3A_334 = arith.constant 3 : i32
    %swap3A_335 = arith.index_cast %swap3A_334 : i32 to index
    %swap3A_336 = arith.constant 48 : index
    %swap3A_337 = tpu.vector_load %arg7[%swap3A_335, %swap3A_336] {strides = array<i32>} : memref<9x128xi32, #tpu.memory_space<vmem>>, vector<1x16xi32>,
    %swap3A_338 = vector.shape_cast %swap3A_337 : vector<1x16xi32> to vector<16xi32>
    %swap3A_339 = vector.shape_cast %add3A_333 : vector<16xi32> to vector<1x16xi32>
    tpu.vector_store %arg7[%swap3A_335, %swap3A_336], %swap3A_339 {strides = array<i32>} : memref<9x128xi32, #tpu.memory_space<vmem>>, vector<1x16xi32>,
    %get3A_340 = arith.constant 3 : i32
    %get3A_341 = arith.index_cast %get3A_340 : i32 to index
    %get3A_342 = arith.constant 64 : index
    %get3A_343 = tpu.vector_load %arg7[%get3A_341, %get3A_342] {strides = array<i32>} : memref<9x128xi32, #tpu.memory_space<vmem>>, vector<1x16xi32>,
    %get3A_344 = vector.shape_cast %get3A_343 : vector<1x16xi32> to vector<16xi32>
    %add3A_345 = arith.constant 384 : i32
    %add3A_346 = vector.broadcast %add3A_345 : i32 to vector<16xi32>
    %add3A_347 = arith.addi %get3A_344, %add3A_346 : vector<16xi32>
    %swap3A_348 = arith.constant 3 : i32
    %swap3A_349 = arith.index_cast %swap3A_348 : i32 to index
    %swap3A_350 = arith.constant 64 : index
    %swap3A_351 = tpu.vector_load %arg7[%swap3A_349, %swap3A_350] {strides = array<i32>} : memref<9x128xi32, #tpu.memory_space<vmem>>, vector<1x16xi32>,
    %swap3A_352 = vector.shape_cast %swap3A_351 : vector<1x16xi32> to vector<16xi32>
    %swap3A_353 = vector.shape_cast %add3A_347 : vector<16xi32> to vector<1x16xi32>
    tpu.vector_store %arg7[%swap3A_349, %swap3A_350], %swap3A_353 {strides = array<i32>} : memref<9x128xi32, #tpu.memory_space<vmem>>, vector<1x16xi32>,
    %get3A_354 = arith.constant 3 : i32
    %get3A_355 = arith.index_cast %get3A_354 : i32 to index
    %get3A_356 = arith.constant 80 : index
    %get3A_357 = tpu.vector_load %arg7[%get3A_355, %get3A_356] {strides = array<i32>} : memref<9x128xi32, #tpu.memory_space<vmem>>, vector<1x16xi32>,
    %get3A_358 = vector.shape_cast %get3A_357 : vector<1x16xi32> to vector<16xi32>
    %add3A_359 = arith.constant 384 : i32
    %add3A_360 = vector.broadcast %add3A_359 : i32 to vector<16xi32>
    %add3A_361 = arith.addi %get3A_358, %add3A_360 : vector<16xi32>
    %swap3A_362 = arith.constant 3 : i32
    %swap3A_363 = arith.index_cast %swap3A_362 : i32 to index
    %swap3A_364 = arith.constant 80 : index
    %swap3A_365 = tpu.vector_load %arg7[%swap3A_363, %swap3A_364] {strides = array<i32>} : memref<9x128xi32, #tpu.memory_space<vmem>>, vector<1x16xi32>,
    %swap3A_366 = vector.shape_cast %swap3A_365 : vector<1x16xi32> to vector<16xi32>
    %swap3A_367 = vector.shape_cast %add3A_361 : vector<16xi32> to vector<1x16xi32>
    tpu.vector_store %arg7[%swap3A_363, %swap3A_364], %swap3A_367 {strides = array<i32>} : memref<9x128xi32, #tpu.memory_space<vmem>>, vector<1x16xi32>,
    %get3A_368 = arith.constant 3 : i32
    %get3A_369 = arith.index_cast %get3A_368 : i32 to index
    %get3A_370 = arith.constant 96 : index
    %get3A_371 = tpu.vector_load %arg7[%get3A_369, %get3A_370] {strides = array<i32>} : memref<9x128xi32, #tpu.memory_space<vmem>>, vector<1x16xi32>,
    %get3A_372 = vector.shape_cast %get3A_371 : vector<1x16xi32> to vector<16xi32>
    %add3A_373 = arith.constant 384 : i32
    %add3A_374 = vector.broadcast %add3A_373 : i32 to vector<16xi32>
    %add3A_375 = arith.addi %get3A_372, %add3A_374 : vector<16xi32>
    %swap3A_376 = arith.constant 3 : i32
    %swap3A_377 = arith.index_cast %swap3A_376 : i32 to index
    %swap3A_378 = arith.constant 96 : index
    %swap3A_379 = tpu.vector_load %arg7[%swap3A_377, %swap3A_378] {strides = array<i32>} : memref<9x128xi32, #tpu.memory_space<vmem>>, vector<1x16xi32>,
    %swap3A_380 = vector.shape_cast %swap3A_379 : vector<1x16xi32> to vector<16xi32>
    %swap3A_381 = vector.shape_cast %add3A_375 : vector<16xi32> to vector<1x16xi32>
    tpu.vector_store %arg7[%swap3A_377, %swap3A_378], %swap3A_381 {strides = array<i32>} : memref<9x128xi32, #tpu.memory_space<vmem>>, vector<1x16xi32>,
    %get3A_382 = arith.constant 3 : i32
    %get3A_383 = arith.index_cast %get3A_382 : i32 to index
    %get3A_384 = arith.constant 112 : index
    %get3A_385 = tpu.vector_load %arg7[%get3A_383, %get3A_384] {strides = array<i32>} : memref<9x128xi32, #tpu.memory_space<vmem>>, vector<1x16xi32>,
    %get3A_386 = vector.shape_cast %get3A_385 : vector<1x16xi32> to vector<16xi32>
    %add3A_387 = arith.constant 384 : i32
    %add3A_388 = vector.broadcast %add3A_387 : i32 to vector<16xi32>
    %add3A_389 = arith.addi %get3A_386, %add3A_388 : vector<16xi32>
    %swap3A_390 = arith.constant 3 : i32
    %swap3A_391 = arith.index_cast %swap3A_390 : i32 to index
    %swap3A_392 = arith.constant 112 : index
    %swap3A_393 = tpu.vector_load %arg7[%swap3A_391, %swap3A_392] {strides = array<i32>} : memref<9x128xi32, #tpu.memory_space<vmem>>, vector<1x16xi32>,
    %swap3A_394 = vector.shape_cast %swap3A_393 : vector<1x16xi32> to vector<16xi32>
    %swap3A_395 = vector.shape_cast %add3A_389 : vector<16xi32> to vector<1x16xi32>
    tpu.vector_store %arg7[%swap3A_391, %swap3A_392], %swap3A_395 {strides = array<i32>} : memref<9x128xi32, #tpu.memory_space<vmem>>, vector<1x16xi32>,
    %get3A_396 = arith.constant 4 : i32
    %get3A_397 = arith.index_cast %get3A_396 : i32 to index
    %get3A_398 = arith.constant 0 : index
    %get3A_399 = tpu.vector_load %arg7[%get3A_397, %get3A_398] {strides = array<i32>} : memref<9x128xi32, #tpu.memory_space<vmem>>, vector<1x16xi32>,
    %get3A_400 = vector.shape_cast %get3A_399 : vector<1x16xi32> to vector<16xi32>
    %add3A_401 = arith.constant 512 : i32
    %add3A_402 = vector.broadcast %add3A_401 : i32 to vector<16xi32>
    %add3A_403 = arith.addi %get3A_400, %add3A_402 : vector<16xi32>
    %swap3A_404 = arith.constant 4 : i32
    %swap3A_405 = arith.index_cast %swap3A_404 : i32 to index
    %swap3A_406 = arith.constant 0 : index
    %swap3A_407 = tpu.vector_load %arg7[%swap3A_405, %swap3A_406] {strides = array<i32>} : memref<9x128xi32, #tpu.memory_space<vmem>>, vector<1x16xi32>,
    %swap3A_408 = vector.shape_cast %swap3A_407 : vector<1x16xi32> to vector<16xi32>
    %swap3A_409 = vector.shape_cast %add3A_403 : vector<16xi32> to vector<1x16xi32>
    tpu.vector_store %arg7[%swap3A_405, %swap3A_406], %swap3A_409 {strides = array<i32>} : memref<9x128xi32, #tpu.memory_space<vmem>>, vector<1x16xi32>,
    %get3A_410 = arith.constant 4 : i32
    %get3A_411 = arith.index_cast %get3A_410 : i32 to index
    %get3A_412 = arith.constant 16 : index
    %get3A_413 = tpu.vector_load %arg7[%get3A_411, %get3A_412] {strides = array<i32>} : memref<9x128xi32, #tpu.memory_space<vmem>>, vector<1x16xi32>,
    %get3A_414 = vector.shape_cast %get3A_413 : vector<1x16xi32> to vector<16xi32>
    %add3A_415 = arith.constant 512 : i32
    %add3A_416 = vector.broadcast %add3A_415 : i32 to vector<16xi32>
    %add3A_417 = arith.addi %get3A_414, %add3A_416 : vector<16xi32>
    %swap3A_418 = arith.constant 4 : i32
    %swap3A_419 = arith.index_cast %swap3A_418 : i32 to index
    %swap3A_420 = arith.constant 16 : index
    %swap3A_421 = tpu.vector_load %arg7[%swap3A_419, %swap3A_420] {strides = array<i32>} : memref<9x128xi32, #tpu.memory_space<vmem>>, vector<1x16xi32>,
    %swap3A_422 = vector.shape_cast %swap3A_421 : vector<1x16xi32> to vector<16xi32>
    %swap3A_423 = vector.shape_cast %add3A_417 : vector<16xi32> to vector<1x16xi32>
    tpu.vector_store %arg7[%swap3A_419, %swap3A_420], %swap3A_423 {strides = array<i32>} : memref<9x128xi32, #tpu.memory_space<vmem>>, vector<1x16xi32>,
    %get3A_424 = arith.constant 4 : i32
    %get3A_425 = arith.index_cast %get3A_424 : i32 to index
    %get3A_426 = arith.constant 32 : index
    %get3A_427 = tpu.vector_load %arg7[%get3A_425, %get3A_426] {strides = array<i32>} : memref<9x128xi32, #tpu.memory_space<vmem>>, vector<1x16xi32>,
    %get3A_428 = vector.shape_cast %get3A_427 : vector<1x16xi32> to vector<16xi32>
    %add3A_429 = arith.constant 512 : i32
    %add3A_430 = vector.broadcast %add3A_429 : i32 to vector<16xi32>
    %add3A_431 = arith.addi %get3A_428, %add3A_430 : vector<16xi32>
    %swap3A_432 = arith.constant 4 : i32
    %swap3A_433 = arith.index_cast %swap3A_432 : i32 to index
    %swap3A_434 = arith.constant 32 : index
    %swap3A_435 = tpu.vector_load %arg7[%swap3A_433, %swap3A_434] {strides = array<i32>} : memref<9x128xi32, #tpu.memory_space<vmem>>, vector<1x16xi32>,
    %swap3A_436 = vector.shape_cast %swap3A_435 : vector<1x16xi32> to vector<16xi32>
    %swap3A_437 = vector.shape_cast %add3A_431 : vector<16xi32> to vector<1x16xi32>
    tpu.vector_store %arg7[%swap3A_433, %swap3A_434], %swap3A_437 {strides = array<i32>} : memref<9x128xi32, #tpu.memory_space<vmem>>, vector<1x16xi32>,
    %get3A_438 = arith.constant 4 : i32
    %get3A_439 = arith.index_cast %get3A_438 : i32 to index
    %get3A_440 = arith.constant 48 : index
    %get3A_441 = tpu.vector_load %arg7[%get3A_439, %get3A_440] {strides = array<i32>} : memref<9x128xi32, #tpu.memory_space<vmem>>, vector<1x16xi32>,
    %get3A_442 = vector.shape_cast %get3A_441 : vector<1x16xi32> to vector<16xi32>
    %add3A_443 = arith.constant 512 : i32
    %add3A_444 = vector.broadcast %add3A_443 : i32 to vector<16xi32>
    %add3A_445 = arith.addi %get3A_442, %add3A_444 : vector<16xi32>
    %swap3A_446 = arith.constant 4 : i32
    %swap3A_447 = arith.index_cast %swap3A_446 : i32 to index
    %swap3A_448 = arith.constant 48 : index
    %swap3A_449 = tpu.vector_load %arg7[%swap3A_447, %swap3A_448] {strides = array<i32>} : memref<9x128xi32, #tpu.memory_space<vmem>>, vector<1x16xi32>,
    %swap3A_450 = vector.shape_cast %swap3A_449 : vector<1x16xi32> to vector<16xi32>
    %swap3A_451 = vector.shape_cast %add3A_445 : vector<16xi32> to vector<1x16xi32>
    tpu.vector_store %arg7[%swap3A_447, %swap3A_448], %swap3A_451 {strides = array<i32>} : memref<9x128xi32, #tpu.memory_space<vmem>>, vector<1x16xi32>,
    %get3A_452 = arith.constant 4 : i32
    %get3A_453 = arith.index_cast %get3A_452 : i32 to index
    %get3A_454 = arith.constant 64 : index
    %get3A_455 = tpu.vector_load %arg7[%get3A_453, %get3A_454] {strides = array<i32>} : memref<9x128xi32, #tpu.memory_space<vmem>>, vector<1x16xi32>,
    %get3A_456 = vector.shape_cast %get3A_455 : vector<1x16xi32> to vector<16xi32>
    %add3A_457 = arith.constant 512 : i32
    %add3A_458 = vector.broadcast %add3A_457 : i32 to vector<16xi32>
    %add3A_459 = arith.addi %get3A_456, %add3A_458 : vector<16xi32>
    %swap3A_460 = arith.constant 4 : i32
    %swap3A_461 = arith.index_cast %swap3A_460 : i32 to index
    %swap3A_462 = arith.constant 64 : index
    %swap3A_463 = tpu.vector_load %arg7[%swap3A_461, %swap3A_462] {strides = array<i32>} : memref<9x128xi32, #tpu.memory_space<vmem>>, vector<1x16xi32>,
    %swap3A_464 = vector.shape_cast %swap3A_463 : vector<1x16xi32> to vector<16xi32>
    %swap3A_465 = vector.shape_cast %add3A_459 : vector<16xi32> to vector<1x16xi32>
    tpu.vector_store %arg7[%swap3A_461, %swap3A_462], %swap3A_465 {strides = array<i32>} : memref<9x128xi32, #tpu.memory_space<vmem>>, vector<1x16xi32>,
    %get3A_466 = arith.constant 4 : i32
    %get3A_467 = arith.index_cast %get3A_466 : i32 to index
    %get3A_468 = arith.constant 80 : index
    %get3A_469 = tpu.vector_load %arg7[%get3A_467, %get3A_468] {strides = array<i32>} : memref<9x128xi32, #tpu.memory_space<vmem>>, vector<1x16xi32>,
    %get3A_470 = vector.shape_cast %get3A_469 : vector<1x16xi32> to vector<16xi32>
    %add3A_471 = arith.constant 512 : i32
    %add3A_472 = vector.broadcast %add3A_471 : i32 to vector<16xi32>
    %add3A_473 = arith.addi %get3A_470, %add3A_472 : vector<16xi32>
    %swap3A_474 = arith.constant 4 : i32
    %swap3A_475 = arith.index_cast %swap3A_474 : i32 to index
    %swap3A_476 = arith.constant 80 : index
    %swap3A_477 = tpu.vector_load %arg7[%swap3A_475, %swap3A_476] {strides = array<i32>} : memref<9x128xi32, #tpu.memory_space<vmem>>, vector<1x16xi32>,
    %swap3A_478 = vector.shape_cast %swap3A_477 : vector<1x16xi32> to vector<16xi32>
    %swap3A_479 = vector.shape_cast %add3A_473 : vector<16xi32> to vector<1x16xi32>
    tpu.vector_store %arg7[%swap3A_475, %swap3A_476], %swap3A_479 {strides = array<i32>} : memref<9x128xi32, #tpu.memory_space<vmem>>, vector<1x16xi32>,
    %get3A_480 = arith.constant 4 : i32
    %get3A_481 = arith.index_cast %get3A_480 : i32 to index
    %get3A_482 = arith.constant 96 : index
    %get3A_483 = tpu.vector_load %arg7[%get3A_481, %get3A_482] {strides = array<i32>} : memref<9x128xi32, #tpu.memory_space<vmem>>, vector<1x16xi32>,
    %get3A_484 = vector.shape_cast %get3A_483 : vector<1x16xi32> to vector<16xi32>
    %add3A_485 = arith.constant 512 : i32
    %add3A_486 = vector.broadcast %add3A_485 : i32 to vector<16xi32>
    %add3A_487 = arith.addi %get3A_484, %add3A_486 : vector<16xi32>
    %swap3A_488 = arith.constant 4 : i32
    %swap3A_489 = arith.index_cast %swap3A_488 : i32 to index
    %swap3A_490 = arith.constant 96 : index
    %swap3A_491 = tpu.vector_load %arg7[%swap3A_489, %swap3A_490] {strides = array<i32>} : memref<9x128xi32, #tpu.memory_space<vmem>>, vector<1x16xi32>,
    %swap3A_492 = vector.shape_cast %swap3A_491 : vector<1x16xi32> to vector<16xi32>
    %swap3A_493 = vector.shape_cast %add3A_487 : vector<16xi32> to vector<1x16xi32>
    tpu.vector_store %arg7[%swap3A_489, %swap3A_490], %swap3A_493 {strides = array<i32>} : memref<9x128xi32, #tpu.memory_space<vmem>>, vector<1x16xi32>,
    %get3A_494 = arith.constant 4 : i32
    %get3A_495 = arith.index_cast %get3A_494 : i32 to index
    %get3A_496 = arith.constant 112 : index
    %get3A_497 = tpu.vector_load %arg7[%get3A_495, %get3A_496] {strides = array<i32>} : memref<9x128xi32, #tpu.memory_space<vmem>>, vector<1x16xi32>,
    %get3A_498 = vector.shape_cast %get3A_497 : vector<1x16xi32> to vector<16xi32>
    %add3A_499 = arith.constant 512 : i32
    %add3A_500 = vector.broadcast %add3A_499 : i32 to vector<16xi32>
    %add3A_501 = arith.addi %get3A_498, %add3A_500 : vector<16xi32>
    %swap3A_502 = arith.constant 4 : i32
    %swap3A_503 = arith.index_cast %swap3A_502 : i32 to index
    %swap3A_504 = arith.constant 112 : index
    %swap3A_505 = tpu.vector_load %arg7[%swap3A_503, %swap3A_504] {strides = array<i32>} : memref<9x128xi32, #tpu.memory_space<vmem>>, vector<1x16xi32>,
    %swap3A_506 = vector.shape_cast %swap3A_505 : vector<1x16xi32> to vector<16xi32>
    %swap3A_507 = vector.shape_cast %add3A_501 : vector<16xi32> to vector<1x16xi32>
    tpu.vector_store %arg7[%swap3A_503, %swap3A_504], %swap3A_507 {strides = array<i32>} : memref<9x128xi32, #tpu.memory_space<vmem>>, vector<1x16xi32>,
    %get3A_508 = arith.constant 5 : i32
    %get3A_509 = arith.index_cast %get3A_508 : i32 to index
    %get3A_510 = arith.constant 0 : index
    %get3A_511 = tpu.vector_load %arg7[%get3A_509, %get3A_510] {strides = array<i32>} : memref<9x128xi32, #tpu.memory_space<vmem>>, vector<1x16xi32>,
    %get3A_512 = vector.shape_cast %get3A_511 : vector<1x16xi32> to vector<16xi32>
    %add3A_513 = arith.constant 640 : i32
    %add3A_514 = vector.broadcast %add3A_513 : i32 to vector<16xi32>
    %add3A_515 = arith.addi %get3A_512, %add3A_514 : vector<16xi32>
    %swap3A_516 = arith.constant 5 : i32
    %swap3A_517 = arith.index_cast %swap3A_516 : i32 to index
    %swap3A_518 = arith.constant 0 : index
    %swap3A_519 = tpu.vector_load %arg7[%swap3A_517, %swap3A_518] {strides = array<i32>} : memref<9x128xi32, #tpu.memory_space<vmem>>, vector<1x16xi32>,
    %swap3A_520 = vector.shape_cast %swap3A_519 : vector<1x16xi32> to vector<16xi32>
    %swap3A_521 = vector.shape_cast %add3A_515 : vector<16xi32> to vector<1x16xi32>
    tpu.vector_store %arg7[%swap3A_517, %swap3A_518], %swap3A_521 {strides = array<i32>} : memref<9x128xi32, #tpu.memory_space<vmem>>, vector<1x16xi32>,
    %get3A_522 = arith.constant 5 : i32
    %get3A_523 = arith.index_cast %get3A_522 : i32 to index
    %get3A_524 = arith.constant 16 : index
    %get3A_525 = tpu.vector_load %arg7[%get3A_523, %get3A_524] {strides = array<i32>} : memref<9x128xi32, #tpu.memory_space<vmem>>, vector<1x16xi32>,
    %get3A_526 = vector.shape_cast %get3A_525 : vector<1x16xi32> to vector<16xi32>
    %add3A_527 = arith.constant 640 : i32
    %add3A_528 = vector.broadcast %add3A_527 : i32 to vector<16xi32>
    %add3A_529 = arith.addi %get3A_526, %add3A_528 : vector<16xi32>
    %swap3A_530 = arith.constant 5 : i32
    %swap3A_531 = arith.index_cast %swap3A_530 : i32 to index
    %swap3A_532 = arith.constant 16 : index
    %swap3A_533 = tpu.vector_load %arg7[%swap3A_531, %swap3A_532] {strides = array<i32>} : memref<9x128xi32, #tpu.memory_space<vmem>>, vector<1x16xi32>,
    %swap3A_534 = vector.shape_cast %swap3A_533 : vector<1x16xi32> to vector<16xi32>
    %swap3A_535 = vector.shape_cast %add3A_529 : vector<16xi32> to vector<1x16xi32>
    tpu.vector_store %arg7[%swap3A_531, %swap3A_532], %swap3A_535 {strides = array<i32>} : memref<9x128xi32, #tpu.memory_space<vmem>>, vector<1x16xi32>,
    %get3A_536 = arith.constant 5 : i32
    %get3A_537 = arith.index_cast %get3A_536 : i32 to index
    %get3A_538 = arith.constant 32 : index
    %get3A_539 = tpu.vector_load %arg7[%get3A_537, %get3A_538] {strides = array<i32>} : memref<9x128xi32, #tpu.memory_space<vmem>>, vector<1x16xi32>,
    %get3A_540 = vector.shape_cast %get3A_539 : vector<1x16xi32> to vector<16xi32>
    %add3A_541 = arith.constant 640 : i32
    %add3A_542 = vector.broadcast %add3A_541 : i32 to vector<16xi32>
    %add3A_543 = arith.addi %get3A_540, %add3A_542 : vector<16xi32>
    %swap3A_544 = arith.constant 5 : i32
    %swap3A_545 = arith.index_cast %swap3A_544 : i32 to index
    %swap3A_546 = arith.constant 32 : index
    %swap3A_547 = tpu.vector_load %arg7[%swap3A_545, %swap3A_546] {strides = array<i32>} : memref<9x128xi32, #tpu.memory_space<vmem>>, vector<1x16xi32>,
    %swap3A_548 = vector.shape_cast %swap3A_547 : vector<1x16xi32> to vector<16xi32>
    %swap3A_549 = vector.shape_cast %add3A_543 : vector<16xi32> to vector<1x16xi32>
    tpu.vector_store %arg7[%swap3A_545, %swap3A_546], %swap3A_549 {strides = array<i32>} : memref<9x128xi32, #tpu.memory_space<vmem>>, vector<1x16xi32>,
    %get3A_550 = arith.constant 5 : i32
    %get3A_551 = arith.index_cast %get3A_550 : i32 to index
    %get3A_552 = arith.constant 48 : index
    %get3A_553 = tpu.vector_load %arg7[%get3A_551, %get3A_552] {strides = array<i32>} : memref<9x128xi32, #tpu.memory_space<vmem>>, vector<1x16xi32>,
    %get3A_554 = vector.shape_cast %get3A_553 : vector<1x16xi32> to vector<16xi32>
    %add3A_555 = arith.constant 640 : i32
    %add3A_556 = vector.broadcast %add3A_555 : i32 to vector<16xi32>
    %add3A_557 = arith.addi %get3A_554, %add3A_556 : vector<16xi32>
    %swap3A_558 = arith.constant 5 : i32
    %swap3A_559 = arith.index_cast %swap3A_558 : i32 to index
    %swap3A_560 = arith.constant 48 : index
    %swap3A_561 = tpu.vector_load %arg7[%swap3A_559, %swap3A_560] {strides = array<i32>} : memref<9x128xi32, #tpu.memory_space<vmem>>, vector<1x16xi32>,
    %swap3A_562 = vector.shape_cast %swap3A_561 : vector<1x16xi32> to vector<16xi32>
    %swap3A_563 = vector.shape_cast %add3A_557 : vector<16xi32> to vector<1x16xi32>
    tpu.vector_store %arg7[%swap3A_559, %swap3A_560], %swap3A_563 {strides = array<i32>} : memref<9x128xi32, #tpu.memory_space<vmem>>, vector<1x16xi32>,
    %get3A_564 = arith.constant 5 : i32
    %get3A_565 = arith.index_cast %get3A_564 : i32 to index
    %get3A_566 = arith.constant 64 : index
    %get3A_567 = tpu.vector_load %arg7[%get3A_565, %get3A_566] {strides = array<i32>} : memref<9x128xi32, #tpu.memory_space<vmem>>, vector<1x16xi32>,
    %get3A_568 = vector.shape_cast %get3A_567 : vector<1x16xi32> to vector<16xi32>
    %add3A_569 = arith.constant 640 : i32
    %add3A_570 = vector.broadcast %add3A_569 : i32 to vector<16xi32>
    %add3A_571 = arith.addi %get3A_568, %add3A_570 : vector<16xi32>
    %swap3A_572 = arith.constant 5 : i32
    %swap3A_573 = arith.index_cast %swap3A_572 : i32 to index
    %swap3A_574 = arith.constant 64 : index
    %swap3A_575 = tpu.vector_load %arg7[%swap3A_573, %swap3A_574] {strides = array<i32>} : memref<9x128xi32, #tpu.memory_space<vmem>>, vector<1x16xi32>,
    %swap3A_576 = vector.shape_cast %swap3A_575 : vector<1x16xi32> to vector<16xi32>
    %swap3A_577 = vector.shape_cast %add3A_571 : vector<16xi32> to vector<1x16xi32>
    tpu.vector_store %arg7[%swap3A_573, %swap3A_574], %swap3A_577 {strides = array<i32>} : memref<9x128xi32, #tpu.memory_space<vmem>>, vector<1x16xi32>,
    %get3A_578 = arith.constant 5 : i32
    %get3A_579 = arith.index_cast %get3A_578 : i32 to index
    %get3A_580 = arith.constant 80 : index
    %get3A_581 = tpu.vector_load %arg7[%get3A_579, %get3A_580] {strides = array<i32>} : memref<9x128xi32, #tpu.memory_space<vmem>>, vector<1x16xi32>,
    %get3A_582 = vector.shape_cast %get3A_581 : vector<1x16xi32> to vector<16xi32>
    %add3A_583 = arith.constant 640 : i32
    %add3A_584 = vector.broadcast %add3A_583 : i32 to vector<16xi32>
    %add3A_585 = arith.addi %get3A_582, %add3A_584 : vector<16xi32>
    %swap3A_586 = arith.constant 5 : i32
    %swap3A_587 = arith.index_cast %swap3A_586 : i32 to index
    %swap3A_588 = arith.constant 80 : index
    %swap3A_589 = tpu.vector_load %arg7[%swap3A_587, %swap3A_588] {strides = array<i32>} : memref<9x128xi32, #tpu.memory_space<vmem>>, vector<1x16xi32>,
    %swap3A_590 = vector.shape_cast %swap3A_589 : vector<1x16xi32> to vector<16xi32>
    %swap3A_591 = vector.shape_cast %add3A_585 : vector<16xi32> to vector<1x16xi32>
    tpu.vector_store %arg7[%swap3A_587, %swap3A_588], %swap3A_591 {strides = array<i32>} : memref<9x128xi32, #tpu.memory_space<vmem>>, vector<1x16xi32>,
    %get3A_592 = arith.constant 5 : i32
    %get3A_593 = arith.index_cast %get3A_592 : i32 to index
    %get3A_594 = arith.constant 96 : index
    %get3A_595 = tpu.vector_load %arg7[%get3A_593, %get3A_594] {strides = array<i32>} : memref<9x128xi32, #tpu.memory_space<vmem>>, vector<1x16xi32>,
    %get3A_596 = vector.shape_cast %get3A_595 : vector<1x16xi32> to vector<16xi32>
    %add3A_597 = arith.constant 640 : i32
    %add3A_598 = vector.broadcast %add3A_597 : i32 to vector<16xi32>
    %add3A_599 = arith.addi %get3A_596, %add3A_598 : vector<16xi32>
    %swap3A_600 = arith.constant 5 : i32
    %swap3A_601 = arith.index_cast %swap3A_600 : i32 to index
    %swap3A_602 = arith.constant 96 : index
    %swap3A_603 = tpu.vector_load %arg7[%swap3A_601, %swap3A_602] {strides = array<i32>} : memref<9x128xi32, #tpu.memory_space<vmem>>, vector<1x16xi32>,
    %swap3A_604 = vector.shape_cast %swap3A_603 : vector<1x16xi32> to vector<16xi32>
    %swap3A_605 = vector.shape_cast %add3A_599 : vector<16xi32> to vector<1x16xi32>
    tpu.vector_store %arg7[%swap3A_601, %swap3A_602], %swap3A_605 {strides = array<i32>} : memref<9x128xi32, #tpu.memory_space<vmem>>, vector<1x16xi32>,
    %get3A_606 = arith.constant 5 : i32
    %get3A_607 = arith.index_cast %get3A_606 : i32 to index
    %get3A_608 = arith.constant 112 : index
    %get3A_609 = tpu.vector_load %arg7[%get3A_607, %get3A_608] {strides = array<i32>} : memref<9x128xi32, #tpu.memory_space<vmem>>, vector<1x16xi32>,
    %get3A_610 = vector.shape_cast %get3A_609 : vector<1x16xi32> to vector<16xi32>
    %add3A_611 = arith.constant 640 : i32
    %add3A_612 = vector.broadcast %add3A_611 : i32 to vector<16xi32>
    %add3A_613 = arith.addi %get3A_610, %add3A_612 : vector<16xi32>
    %swap3A_614 = arith.constant 5 : i32
    %swap3A_615 = arith.index_cast %swap3A_614 : i32 to index
    %swap3A_616 = arith.constant 112 : index
    %swap3A_617 = tpu.vector_load %arg7[%swap3A_615, %swap3A_616] {strides = array<i32>} : memref<9x128xi32, #tpu.memory_space<vmem>>, vector<1x16xi32>,
    %swap3A_618 = vector.shape_cast %swap3A_617 : vector<1x16xi32> to vector<16xi32>
    %swap3A_619 = vector.shape_cast %add3A_613 : vector<16xi32> to vector<1x16xi32>
    tpu.vector_store %arg7[%swap3A_615, %swap3A_616], %swap3A_619 {strides = array<i32>} : memref<9x128xi32, #tpu.memory_space<vmem>>, vector<1x16xi32>,
    %get3A_620 = arith.constant 6 : i32
    %get3A_621 = arith.index_cast %get3A_620 : i32 to index
    %get3A_622 = arith.constant 0 : index
    %get3A_623 = tpu.vector_load %arg7[%get3A_621, %get3A_622] {strides = array<i32>} : memref<9x128xi32, #tpu.memory_space<vmem>>, vector<1x16xi32>,
    %get3A_624 = vector.shape_cast %get3A_623 : vector<1x16xi32> to vector<16xi32>
    %add3A_625 = arith.constant 768 : i32
    %add3A_626 = vector.broadcast %add3A_625 : i32 to vector<16xi32>
    %add3A_627 = arith.addi %get3A_624, %add3A_626 : vector<16xi32>
    %swap3A_628 = arith.constant 6 : i32
    %swap3A_629 = arith.index_cast %swap3A_628 : i32 to index
    %swap3A_630 = arith.constant 0 : index
    %swap3A_631 = tpu.vector_load %arg7[%swap3A_629, %swap3A_630] {strides = array<i32>} : memref<9x128xi32, #tpu.memory_space<vmem>>, vector<1x16xi32>,
    %swap3A_632 = vector.shape_cast %swap3A_631 : vector<1x16xi32> to vector<16xi32>
    %swap3A_633 = vector.shape_cast %add3A_627 : vector<16xi32> to vector<1x16xi32>
    tpu.vector_store %arg7[%swap3A_629, %swap3A_630], %swap3A_633 {strides = array<i32>} : memref<9x128xi32, #tpu.memory_space<vmem>>, vector<1x16xi32>,
    %get3A_634 = arith.constant 6 : i32
    %get3A_635 = arith.index_cast %get3A_634 : i32 to index
    %get3A_636 = arith.constant 16 : index
    %get3A_637 = tpu.vector_load %arg7[%get3A_635, %get3A_636] {strides = array<i32>} : memref<9x128xi32, #tpu.memory_space<vmem>>, vector<1x16xi32>,
    %get3A_638 = vector.shape_cast %get3A_637 : vector<1x16xi32> to vector<16xi32>
    %add3A_639 = arith.constant 768 : i32
    %add3A_640 = vector.broadcast %add3A_639 : i32 to vector<16xi32>
    %add3A_641 = arith.addi %get3A_638, %add3A_640 : vector<16xi32>
    %swap3A_642 = arith.constant 6 : i32
    %swap3A_643 = arith.index_cast %swap3A_642 : i32 to index
    %swap3A_644 = arith.constant 16 : index
    %swap3A_645 = tpu.vector_load %arg7[%swap3A_643, %swap3A_644] {strides = array<i32>} : memref<9x128xi32, #tpu.memory_space<vmem>>, vector<1x16xi32>,
    %swap3A_646 = vector.shape_cast %swap3A_645 : vector<1x16xi32> to vector<16xi32>
    %swap3A_647 = vector.shape_cast %add3A_641 : vector<16xi32> to vector<1x16xi32>
    tpu.vector_store %arg7[%swap3A_643, %swap3A_644], %swap3A_647 {strides = array<i32>} : memref<9x128xi32, #tpu.memory_space<vmem>>, vector<1x16xi32>,
    %get3A_648 = arith.constant 6 : i32
    %get3A_649 = arith.index_cast %get3A_648 : i32 to index
    %get3A_650 = arith.constant 32 : index
    %get3A_651 = tpu.vector_load %arg7[%get3A_649, %get3A_650] {strides = array<i32>} : memref<9x128xi32, #tpu.memory_space<vmem>>, vector<1x16xi32>,
    %get3A_652 = vector.shape_cast %get3A_651 : vector<1x16xi32> to vector<16xi32>
    %add3A_653 = arith.constant 768 : i32
    %add3A_654 = vector.broadcast %add3A_653 : i32 to vector<16xi32>
    %add3A_655 = arith.addi %get3A_652, %add3A_654 : vector<16xi32>
    %swap3A_656 = arith.constant 6 : i32
    %swap3A_657 = arith.index_cast %swap3A_656 : i32 to index
    %swap3A_658 = arith.constant 32 : index
    %swap3A_659 = tpu.vector_load %arg7[%swap3A_657, %swap3A_658] {strides = array<i32>} : memref<9x128xi32, #tpu.memory_space<vmem>>, vector<1x16xi32>,
    %swap3A_660 = vector.shape_cast %swap3A_659 : vector<1x16xi32> to vector<16xi32>
    %swap3A_661 = vector.shape_cast %add3A_655 : vector<16xi32> to vector<1x16xi32>
    tpu.vector_store %arg7[%swap3A_657, %swap3A_658], %swap3A_661 {strides = array<i32>} : memref<9x128xi32, #tpu.memory_space<vmem>>, vector<1x16xi32>,
    %get3A_662 = arith.constant 6 : i32
    %get3A_663 = arith.index_cast %get3A_662 : i32 to index
    %get3A_664 = arith.constant 48 : index
    %get3A_665 = tpu.vector_load %arg7[%get3A_663, %get3A_664] {strides = array<i32>} : memref<9x128xi32, #tpu.memory_space<vmem>>, vector<1x16xi32>,
    %get3A_666 = vector.shape_cast %get3A_665 : vector<1x16xi32> to vector<16xi32>
    %add3A_667 = arith.constant 768 : i32
    %add3A_668 = vector.broadcast %add3A_667 : i32 to vector<16xi32>
    %add3A_669 = arith.addi %get3A_666, %add3A_668 : vector<16xi32>
    %swap3A_670 = arith.constant 6 : i32
    %swap3A_671 = arith.index_cast %swap3A_670 : i32 to index
    %swap3A_672 = arith.constant 48 : index
    %swap3A_673 = tpu.vector_load %arg7[%swap3A_671, %swap3A_672] {strides = array<i32>} : memref<9x128xi32, #tpu.memory_space<vmem>>, vector<1x16xi32>,
    %swap3A_674 = vector.shape_cast %swap3A_673 : vector<1x16xi32> to vector<16xi32>
    %swap3A_675 = vector.shape_cast %add3A_669 : vector<16xi32> to vector<1x16xi32>
    tpu.vector_store %arg7[%swap3A_671, %swap3A_672], %swap3A_675 {strides = array<i32>} : memref<9x128xi32, #tpu.memory_space<vmem>>, vector<1x16xi32>,
    %get3A_676 = arith.constant 6 : i32
    %get3A_677 = arith.index_cast %get3A_676 : i32 to index
    %get3A_678 = arith.constant 64 : index
    %get3A_679 = tpu.vector_load %arg7[%get3A_677, %get3A_678] {strides = array<i32>} : memref<9x128xi32, #tpu.memory_space<vmem>>, vector<1x16xi32>,
    %get3A_680 = vector.shape_cast %get3A_679 : vector<1x16xi32> to vector<16xi32>
    %add3A_681 = arith.constant 768 : i32
    %add3A_682 = vector.broadcast %add3A_681 : i32 to vector<16xi32>
    %add3A_683 = arith.addi %get3A_680, %add3A_682 : vector<16xi32>
    %swap3A_684 = arith.constant 6 : i32
    %swap3A_685 = arith.index_cast %swap3A_684 : i32 to index
    %swap3A_686 = arith.constant 64 : index
    %swap3A_687 = tpu.vector_load %arg7[%swap3A_685, %swap3A_686] {strides = array<i32>} : memref<9x128xi32, #tpu.memory_space<vmem>>, vector<1x16xi32>,
    %swap3A_688 = vector.shape_cast %swap3A_687 : vector<1x16xi32> to vector<16xi32>
    %swap3A_689 = vector.shape_cast %add3A_683 : vector<16xi32> to vector<1x16xi32>
    tpu.vector_store %arg7[%swap3A_685, %swap3A_686], %swap3A_689 {strides = array<i32>} : memref<9x128xi32, #tpu.memory_space<vmem>>, vector<1x16xi32>,
    %get3A_690 = arith.constant 6 : i32
    %get3A_691 = arith.index_cast %get3A_690 : i32 to index
    %get3A_692 = arith.constant 80 : index
    %get3A_693 = tpu.vector_load %arg7[%get3A_691, %get3A_692] {strides = array<i32>} : memref<9x128xi32, #tpu.memory_space<vmem>>, vector<1x16xi32>,
    %get3A_694 = vector.shape_cast %get3A_693 : vector<1x16xi32> to vector<16xi32>
    %add3A_695 = arith.constant 768 : i32
    %add3A_696 = vector.broadcast %add3A_695 : i32 to vector<16xi32>
    %add3A_697 = arith.addi %get3A_694, %add3A_696 : vector<16xi32>
    %swap3A_698 = arith.constant 6 : i32
    %swap3A_699 = arith.index_cast %swap3A_698 : i32 to index
    %swap3A_700 = arith.constant 80 : index
    %swap3A_701 = tpu.vector_load %arg7[%swap3A_699, %swap3A_700] {strides = array<i32>} : memref<9x128xi32, #tpu.memory_space<vmem>>, vector<1x16xi32>,
    %swap3A_702 = vector.shape_cast %swap3A_701 : vector<1x16xi32> to vector<16xi32>
    %swap3A_703 = vector.shape_cast %add3A_697 : vector<16xi32> to vector<1x16xi32>
    tpu.vector_store %arg7[%swap3A_699, %swap3A_700], %swap3A_703 {strides = array<i32>} : memref<9x128xi32, #tpu.memory_space<vmem>>, vector<1x16xi32>,
    %get3A_704 = arith.constant 6 : i32
    %get3A_705 = arith.index_cast %get3A_704 : i32 to index
    %get3A_706 = arith.constant 96 : index
    %get3A_707 = tpu.vector_load %arg7[%get3A_705, %get3A_706] {strides = array<i32>} : memref<9x128xi32, #tpu.memory_space<vmem>>, vector<1x16xi32>,
    %get3A_708 = vector.shape_cast %get3A_707 : vector<1x16xi32> to vector<16xi32>
    %add3A_709 = arith.constant 768 : i32
    %add3A_710 = vector.broadcast %add3A_709 : i32 to vector<16xi32>
    %add3A_711 = arith.addi %get3A_708, %add3A_710 : vector<16xi32>
    %swap3A_712 = arith.constant 6 : i32
    %swap3A_713 = arith.index_cast %swap3A_712 : i32 to index
    %swap3A_714 = arith.constant 96 : index
    %swap3A_715 = tpu.vector_load %arg7[%swap3A_713, %swap3A_714] {strides = array<i32>} : memref<9x128xi32, #tpu.memory_space<vmem>>, vector<1x16xi32>,
    %swap3A_716 = vector.shape_cast %swap3A_715 : vector<1x16xi32> to vector<16xi32>
    %swap3A_717 = vector.shape_cast %add3A_711 : vector<16xi32> to vector<1x16xi32>
    tpu.vector_store %arg7[%swap3A_713, %swap3A_714], %swap3A_717 {strides = array<i32>} : memref<9x128xi32, #tpu.memory_space<vmem>>, vector<1x16xi32>,
    %get3A_718 = arith.constant 6 : i32
    %get3A_719 = arith.index_cast %get3A_718 : i32 to index
    %get3A_720 = arith.constant 112 : index
    %get3A_721 = tpu.vector_load %arg7[%get3A_719, %get3A_720] {strides = array<i32>} : memref<9x128xi32, #tpu.memory_space<vmem>>, vector<1x16xi32>,
    %get3A_722 = vector.shape_cast %get3A_721 : vector<1x16xi32> to vector<16xi32>
    %add3A_723 = arith.constant 768 : i32
    %add3A_724 = vector.broadcast %add3A_723 : i32 to vector<16xi32>
    %add3A_725 = arith.addi %get3A_722, %add3A_724 : vector<16xi32>
    %swap3A_726 = arith.constant 6 : i32
    %swap3A_727 = arith.index_cast %swap3A_726 : i32 to index
    %swap3A_728 = arith.constant 112 : index
    %swap3A_729 = tpu.vector_load %arg7[%swap3A_727, %swap3A_728] {strides = array<i32>} : memref<9x128xi32, #tpu.memory_space<vmem>>, vector<1x16xi32>,
    %swap3A_730 = vector.shape_cast %swap3A_729 : vector<1x16xi32> to vector<16xi32>
    %swap3A_731 = vector.shape_cast %add3A_725 : vector<16xi32> to vector<1x16xi32>
    tpu.vector_store %arg7[%swap3A_727, %swap3A_728], %swap3A_731 {strides = array<i32>} : memref<9x128xi32, #tpu.memory_space<vmem>>, vector<1x16xi32>,
    %get3A_732 = arith.constant 7 : i32
    %get3A_733 = arith.index_cast %get3A_732 : i32 to index
    %get3A_734 = arith.constant 0 : index
    %get3A_735 = tpu.vector_load %arg7[%get3A_733, %get3A_734] {strides = array<i32>} : memref<9x128xi32, #tpu.memory_space<vmem>>, vector<1x16xi32>,
    %get3A_736 = vector.shape_cast %get3A_735 : vector<1x16xi32> to vector<16xi32>
    %add3A_737 = arith.constant 896 : i32
    %add3A_738 = vector.broadcast %add3A_737 : i32 to vector<16xi32>
    %add3A_739 = arith.addi %get3A_736, %add3A_738 : vector<16xi32>
    %swap3A_740 = arith.constant 7 : i32
    %swap3A_741 = arith.index_cast %swap3A_740 : i32 to index
    %swap3A_742 = arith.constant 0 : index
    %swap3A_743 = tpu.vector_load %arg7[%swap3A_741, %swap3A_742] {strides = array<i32>} : memref<9x128xi32, #tpu.memory_space<vmem>>, vector<1x16xi32>,
    %swap3A_744 = vector.shape_cast %swap3A_743 : vector<1x16xi32> to vector<16xi32>
    %swap3A_745 = vector.shape_cast %add3A_739 : vector<16xi32> to vector<1x16xi32>
    tpu.vector_store %arg7[%swap3A_741, %swap3A_742], %swap3A_745 {strides = array<i32>} : memref<9x128xi32, #tpu.memory_space<vmem>>, vector<1x16xi32>,
    %get3A_746 = arith.constant 7 : i32
    %get3A_747 = arith.index_cast %get3A_746 : i32 to index
    %get3A_748 = arith.constant 16 : index
    %get3A_749 = tpu.vector_load %arg7[%get3A_747, %get3A_748] {strides = array<i32>} : memref<9x128xi32, #tpu.memory_space<vmem>>, vector<1x16xi32>,
    %get3A_750 = vector.shape_cast %get3A_749 : vector<1x16xi32> to vector<16xi32>
    %add3A_751 = arith.constant 896 : i32
    %add3A_752 = vector.broadcast %add3A_751 : i32 to vector<16xi32>
    %add3A_753 = arith.addi %get3A_750, %add3A_752 : vector<16xi32>
    %swap3A_754 = arith.constant 7 : i32
    %swap3A_755 = arith.index_cast %swap3A_754 : i32 to index
    %swap3A_756 = arith.constant 16 : index
    %swap3A_757 = tpu.vector_load %arg7[%swap3A_755, %swap3A_756] {strides = array<i32>} : memref<9x128xi32, #tpu.memory_space<vmem>>, vector<1x16xi32>,
    %swap3A_758 = vector.shape_cast %swap3A_757 : vector<1x16xi32> to vector<16xi32>
    %swap3A_759 = vector.shape_cast %add3A_753 : vector<16xi32> to vector<1x16xi32>
    tpu.vector_store %arg7[%swap3A_755, %swap3A_756], %swap3A_759 {strides = array<i32>} : memref<9x128xi32, #tpu.memory_space<vmem>>, vector<1x16xi32>,
    %get3A_760 = arith.constant 7 : i32
    %get3A_761 = arith.index_cast %get3A_760 : i32 to index
    %get3A_762 = arith.constant 32 : index
    %get3A_763 = tpu.vector_load %arg7[%get3A_761, %get3A_762] {strides = array<i32>} : memref<9x128xi32, #tpu.memory_space<vmem>>, vector<1x16xi32>,
    %get3A_764 = vector.shape_cast %get3A_763 : vector<1x16xi32> to vector<16xi32>
    %add3A_765 = arith.constant 896 : i32
    %add3A_766 = vector.broadcast %add3A_765 : i32 to vector<16xi32>
    %add3A_767 = arith.addi %get3A_764, %add3A_766 : vector<16xi32>
    %swap3A_768 = arith.constant 7 : i32
    %swap3A_769 = arith.index_cast %swap3A_768 : i32 to index
    %swap3A_770 = arith.constant 32 : index
    %swap3A_771 = tpu.vector_load %arg7[%swap3A_769, %swap3A_770] {strides = array<i32>} : memref<9x128xi32, #tpu.memory_space<vmem>>, vector<1x16xi32>,
    %swap3A_772 = vector.shape_cast %swap3A_771 : vector<1x16xi32> to vector<16xi32>
    %swap3A_773 = vector.shape_cast %add3A_767 : vector<16xi32> to vector<1x16xi32>
    tpu.vector_store %arg7[%swap3A_769, %swap3A_770], %swap3A_773 {strides = array<i32>} : memref<9x128xi32, #tpu.memory_space<vmem>>, vector<1x16xi32>,
    %get3A_774 = arith.constant 7 : i32
    %get3A_775 = arith.index_cast %get3A_774 : i32 to index
    %get3A_776 = arith.constant 48 : index
    %get3A_777 = tpu.vector_load %arg7[%get3A_775, %get3A_776] {strides = array<i32>} : memref<9x128xi32, #tpu.memory_space<vmem>>, vector<1x16xi32>,
    %get3A_778 = vector.shape_cast %get3A_777 : vector<1x16xi32> to vector<16xi32>
    %add3A_779 = arith.constant 896 : i32
    %add3A_780 = vector.broadcast %add3A_779 : i32 to vector<16xi32>
    %add3A_781 = arith.addi %get3A_778, %add3A_780 : vector<16xi32>
    %swap3A_782 = arith.constant 7 : i32
    %swap3A_783 = arith.index_cast %swap3A_782 : i32 to index
    %swap3A_784 = arith.constant 48 : index
    %swap3A_785 = tpu.vector_load %arg7[%swap3A_783, %swap3A_784] {strides = array<i32>} : memref<9x128xi32, #tpu.memory_space<vmem>>, vector<1x16xi32>,
    %swap3A_786 = vector.shape_cast %swap3A_785 : vector<1x16xi32> to vector<16xi32>
    %swap3A_787 = vector.shape_cast %add3A_781 : vector<16xi32> to vector<1x16xi32>
    tpu.vector_store %arg7[%swap3A_783, %swap3A_784], %swap3A_787 {strides = array<i32>} : memref<9x128xi32, #tpu.memory_space<vmem>>, vector<1x16xi32>,
    %get3A_788 = arith.constant 7 : i32
    %get3A_789 = arith.index_cast %get3A_788 : i32 to index
    %get3A_790 = arith.constant 64 : index
    %get3A_791 = tpu.vector_load %arg7[%get3A_789, %get3A_790] {strides = array<i32>} : memref<9x128xi32, #tpu.memory_space<vmem>>, vector<1x16xi32>,
    %get3A_792 = vector.shape_cast %get3A_791 : vector<1x16xi32> to vector<16xi32>
    %add3A_793 = arith.constant 896 : i32
    %add3A_794 = vector.broadcast %add3A_793 : i32 to vector<16xi32>
    %add3A_795 = arith.addi %get3A_792, %add3A_794 : vector<16xi32>
    %swap3A_796 = arith.constant 7 : i32
    %swap3A_797 = arith.index_cast %swap3A_796 : i32 to index
    %swap3A_798 = arith.constant 64 : index
    %swap3A_799 = tpu.vector_load %arg7[%swap3A_797, %swap3A_798] {strides = array<i32>} : memref<9x128xi32, #tpu.memory_space<vmem>>, vector<1x16xi32>,
    %swap3A_800 = vector.shape_cast %swap3A_799 : vector<1x16xi32> to vector<16xi32>
    %swap3A_801 = vector.shape_cast %add3A_795 : vector<16xi32> to vector<1x16xi32>
    tpu.vector_store %arg7[%swap3A_797, %swap3A_798], %swap3A_801 {strides = array<i32>} : memref<9x128xi32, #tpu.memory_space<vmem>>, vector<1x16xi32>,
    %get3A_802 = arith.constant 7 : i32
    %get3A_803 = arith.index_cast %get3A_802 : i32 to index
    %get3A_804 = arith.constant 80 : index
    %get3A_805 = tpu.vector_load %arg7[%get3A_803, %get3A_804] {strides = array<i32>} : memref<9x128xi32, #tpu.memory_space<vmem>>, vector<1x16xi32>,
    %get3A_806 = vector.shape_cast %get3A_805 : vector<1x16xi32> to vector<16xi32>
    %add3A_807 = arith.constant 896 : i32
    %add3A_808 = vector.broadcast %add3A_807 : i32 to vector<16xi32>
    %add3A_809 = arith.addi %get3A_806, %add3A_808 : vector<16xi32>
    %swap3A_810 = arith.constant 7 : i32
    %swap3A_811 = arith.index_cast %swap3A_810 : i32 to index
    %swap3A_812 = arith.constant 80 : index
    %swap3A_813 = tpu.vector_load %arg7[%swap3A_811, %swap3A_812] {strides = array<i32>} : memref<9x128xi32, #tpu.memory_space<vmem>>, vector<1x16xi32>,
    %swap3A_814 = vector.shape_cast %swap3A_813 : vector<1x16xi32> to vector<16xi32>
    %swap3A_815 = vector.shape_cast %add3A_809 : vector<16xi32> to vector<1x16xi32>
    tpu.vector_store %arg7[%swap3A_811, %swap3A_812], %swap3A_815 {strides = array<i32>} : memref<9x128xi32, #tpu.memory_space<vmem>>, vector<1x16xi32>,
    %get3A_816 = arith.constant 7 : i32
    %get3A_817 = arith.index_cast %get3A_816 : i32 to index
    %get3A_818 = arith.constant 96 : index
    %get3A_819 = tpu.vector_load %arg7[%get3A_817, %get3A_818] {strides = array<i32>} : memref<9x128xi32, #tpu.memory_space<vmem>>, vector<1x16xi32>,
    %get3A_820 = vector.shape_cast %get3A_819 : vector<1x16xi32> to vector<16xi32>
    %add3A_821 = arith.constant 896 : i32
    %add3A_822 = vector.broadcast %add3A_821 : i32 to vector<16xi32>
    %add3A_823 = arith.addi %get3A_820, %add3A_822 : vector<16xi32>
    %swap3A_824 = arith.constant 7 : i32
    %swap3A_825 = arith.index_cast %swap3A_824 : i32 to index
    %swap3A_826 = arith.constant 96 : index
    %swap3A_827 = tpu.vector_load %arg7[%swap3A_825, %swap3A_826] {strides = array<i32>} : memref<9x128xi32, #tpu.memory_space<vmem>>, vector<1x16xi32>,
    %swap3A_828 = vector.shape_cast %swap3A_827 : vector<1x16xi32> to vector<16xi32>
    %swap3A_829 = vector.shape_cast %add3A_823 : vector<16xi32> to vector<1x16xi32>
    tpu.vector_store %arg7[%swap3A_825, %swap3A_826], %swap3A_829 {strides = array<i32>} : memref<9x128xi32, #tpu.memory_space<vmem>>, vector<1x16xi32>,
    %get3A_830 = arith.constant 7 : i32
    %get3A_831 = arith.index_cast %get3A_830 : i32 to index
    %get3A_832 = arith.constant 112 : index
    %get3A_833 = tpu.vector_load %arg7[%get3A_831, %get3A_832] {strides = array<i32>} : memref<9x128xi32, #tpu.memory_space<vmem>>, vector<1x16xi32>,
    %get3A_834 = vector.shape_cast %get3A_833 : vector<1x16xi32> to vector<16xi32>
    %add3A_835 = arith.constant 896 : i32
    %add3A_836 = vector.broadcast %add3A_835 : i32 to vector<16xi32>
    %add3A_837 = arith.addi %get3A_834, %add3A_836 : vector<16xi32>
    %swap3A_838 = arith.constant 7 : i32
    %swap3A_839 = arith.index_cast %swap3A_838 : i32 to index
    %swap3A_840 = arith.constant 112 : index
    %swap3A_841 = tpu.vector_load %arg7[%swap3A_839, %swap3A_840] {strides = array<i32>} : memref<9x128xi32, #tpu.memory_space<vmem>>, vector<1x16xi32>,
    %swap3A_842 = vector.shape_cast %swap3A_841 : vector<1x16xi32> to vector<16xi32>
    %swap3A_843 = vector.shape_cast %add3A_837 : vector<16xi32> to vector<1x16xi32>
    tpu.vector_store %arg7[%swap3A_839, %swap3A_840], %swap3A_843 {strides = array<i32>} : memref<9x128xi32, #tpu.memory_space<vmem>>, vector<1x16xi32>,
    %get3A_844 = arith.constant 8 : i32
    %get3A_845 = arith.index_cast %get3A_844 : i32 to index
    %get3A_846 = arith.constant 0 : index
    %get3A_847 = tpu.vector_load %arg7[%get3A_845, %get3A_846] {strides = array<i32>} : memref<9x128xi32, #tpu.memory_space<vmem>>, vector<1x16xi32>,
    %get3A_848 = vector.shape_cast %get3A_847 : vector<1x16xi32> to vector<16xi32>
    %add3A_849 = arith.constant 1024 : i32
    %add3A_850 = vector.broadcast %add3A_849 : i32 to vector<16xi32>
    %add3A_851 = arith.addi %get3A_848, %add3A_850 : vector<16xi32>
    %swap3A_852 = arith.constant 8 : i32
    %swap3A_853 = arith.index_cast %swap3A_852 : i32 to index
    %swap3A_854 = arith.constant 0 : index
    %swap3A_855 = tpu.vector_load %arg7[%swap3A_853, %swap3A_854] {strides = array<i32>} : memref<9x128xi32, #tpu.memory_space<vmem>>, vector<1x16xi32>,
    %swap3A_856 = vector.shape_cast %swap3A_855 : vector<1x16xi32> to vector<16xi32>
    %swap3A_857 = vector.shape_cast %add3A_851 : vector<16xi32> to vector<1x16xi32>
    tpu.vector_store %arg7[%swap3A_853, %swap3A_854], %swap3A_857 {strides = array<i32>} : memref<9x128xi32, #tpu.memory_space<vmem>>, vector<1x16xi32>,
    %get3A_858 = arith.constant 8 : i32
    %get3A_859 = arith.index_cast %get3A_858 : i32 to index
    %get3A_860 = arith.constant 16 : index
    %get3A_861 = tpu.vector_load %arg7[%get3A_859, %get3A_860] {strides = array<i32>} : memref<9x128xi32, #tpu.memory_space<vmem>>, vector<1x16xi32>,
    %get3A_862 = vector.shape_cast %get3A_861 : vector<1x16xi32> to vector<16xi32>
    %add3A_863 = arith.constant 1024 : i32
    %add3A_864 = vector.broadcast %add3A_863 : i32 to vector<16xi32>
    %add3A_865 = arith.addi %get3A_862, %add3A_864 : vector<16xi32>
    %swap3A_866 = arith.constant 8 : i32
    %swap3A_867 = arith.index_cast %swap3A_866 : i32 to index
    %swap3A_868 = arith.constant 16 : index
    %swap3A_869 = tpu.vector_load %arg7[%swap3A_867, %swap3A_868] {strides = array<i32>} : memref<9x128xi32, #tpu.memory_space<vmem>>, vector<1x16xi32>,
    %swap3A_870 = vector.shape_cast %swap3A_869 : vector<1x16xi32> to vector<16xi32>
    %swap3A_871 = vector.shape_cast %add3A_865 : vector<16xi32> to vector<1x16xi32>
    tpu.vector_store %arg7[%swap3A_867, %swap3A_868], %swap3A_871 {strides = array<i32>} : memref<9x128xi32, #tpu.memory_space<vmem>>, vector<1x16xi32>,
    %get3A_872 = arith.constant 8 : i32
    %get3A_873 = arith.index_cast %get3A_872 : i32 to index
    %get3A_874 = arith.constant 32 : index
    %get3A_875 = tpu.vector_load %arg7[%get3A_873, %get3A_874] {strides = array<i32>} : memref<9x128xi32, #tpu.memory_space<vmem>>, vector<1x16xi32>,
    %get3A_876 = vector.shape_cast %get3A_875 : vector<1x16xi32> to vector<16xi32>
    %add3A_877 = arith.constant 1024 : i32
    %add3A_878 = vector.broadcast %add3A_877 : i32 to vector<16xi32>
    %add3A_879 = arith.addi %get3A_876, %add3A_878 : vector<16xi32>
    %swap3A_880 = arith.constant 8 : i32
    %swap3A_881 = arith.index_cast %swap3A_880 : i32 to index
    %swap3A_882 = arith.constant 32 : index
    %swap3A_883 = tpu.vector_load %arg7[%swap3A_881, %swap3A_882] {strides = array<i32>} : memref<9x128xi32, #tpu.memory_space<vmem>>, vector<1x16xi32>,
    %swap3A_884 = vector.shape_cast %swap3A_883 : vector<1x16xi32> to vector<16xi32>
    %swap3A_885 = vector.shape_cast %add3A_879 : vector<16xi32> to vector<1x16xi32>
    tpu.vector_store %arg7[%swap3A_881, %swap3A_882], %swap3A_885 {strides = array<i32>} : memref<9x128xi32, #tpu.memory_space<vmem>>, vector<1x16xi32>,
    %get3A_886 = arith.constant 8 : i32
    %get3A_887 = arith.index_cast %get3A_886 : i32 to index
    %get3A_888 = arith.constant 48 : index
    %get3A_889 = tpu.vector_load %arg7[%get3A_887, %get3A_888] {strides = array<i32>} : memref<9x128xi32, #tpu.memory_space<vmem>>, vector<1x16xi32>,
    %get3A_890 = vector.shape_cast %get3A_889 : vector<1x16xi32> to vector<16xi32>
    %add3A_891 = arith.constant 1024 : i32
    %add3A_892 = vector.broadcast %add3A_891 : i32 to vector<16xi32>
    %add3A_893 = arith.addi %get3A_890, %add3A_892 : vector<16xi32>
    %swap3A_894 = arith.constant 8 : i32
    %swap3A_895 = arith.index_cast %swap3A_894 : i32 to index
    %swap3A_896 = arith.constant 48 : index
    %swap3A_897 = tpu.vector_load %arg7[%swap3A_895, %swap3A_896] {strides = array<i32>} : memref<9x128xi32, #tpu.memory_space<vmem>>, vector<1x16xi32>,
    %swap3A_898 = vector.shape_cast %swap3A_897 : vector<1x16xi32> to vector<16xi32>
    %swap3A_899 = vector.shape_cast %add3A_893 : vector<16xi32> to vector<1x16xi32>
    tpu.vector_store %arg7[%swap3A_895, %swap3A_896], %swap3A_899 {strides = array<i32>} : memref<9x128xi32, #tpu.memory_space<vmem>>, vector<1x16xi32>,
    %get3A_900 = arith.constant 8 : i32
    %get3A_901 = arith.index_cast %get3A_900 : i32 to index
    %get3A_902 = arith.constant 64 : index
    %get3A_903 = tpu.vector_load %arg7[%get3A_901, %get3A_902] {strides = array<i32>} : memref<9x128xi32, #tpu.memory_space<vmem>>, vector<1x16xi32>,
    %get3A_904 = vector.shape_cast %get3A_903 : vector<1x16xi32> to vector<16xi32>
    %add3A_905 = arith.constant 1024 : i32
    %add3A_906 = vector.broadcast %add3A_905 : i32 to vector<16xi32>
    %add3A_907 = arith.addi %get3A_904, %add3A_906 : vector<16xi32>
    %swap3A_908 = arith.constant 8 : i32
    %swap3A_909 = arith.index_cast %swap3A_908 : i32 to index
    %swap3A_910 = arith.constant 64 : index
    %swap3A_911 = tpu.vector_load %arg7[%swap3A_909, %swap3A_910] {strides = array<i32>} : memref<9x128xi32, #tpu.memory_space<vmem>>, vector<1x16xi32>,
    %swap3A_912 = vector.shape_cast %swap3A_911 : vector<1x16xi32> to vector<16xi32>
    %swap3A_913 = vector.shape_cast %add3A_907 : vector<16xi32> to vector<1x16xi32>
    tpu.vector_store %arg7[%swap3A_909, %swap3A_910], %swap3A_913 {strides = array<i32>} : memref<9x128xi32, #tpu.memory_space<vmem>>, vector<1x16xi32>,
    %get3A_914 = arith.constant 8 : i32
    %get3A_915 = arith.index_cast %get3A_914 : i32 to index
    %get3A_916 = arith.constant 80 : index
    %get3A_917 = tpu.vector_load %arg7[%get3A_915, %get3A_916] {strides = array<i32>} : memref<9x128xi32, #tpu.memory_space<vmem>>, vector<1x16xi32>,
    %get3A_918 = vector.shape_cast %get3A_917 : vector<1x16xi32> to vector<16xi32>
    %add3A_919 = arith.constant 1024 : i32
    %add3A_920 = vector.broadcast %add3A_919 : i32 to vector<16xi32>
    %add3A_921 = arith.addi %get3A_918, %add3A_920 : vector<16xi32>
    %swap3A_922 = arith.constant 8 : i32
    %swap3A_923 = arith.index_cast %swap3A_922 : i32 to index
    %swap3A_924 = arith.constant 80 : index
    %swap3A_925 = tpu.vector_load %arg7[%swap3A_923, %swap3A_924] {strides = array<i32>} : memref<9x128xi32, #tpu.memory_space<vmem>>, vector<1x16xi32>,
    %swap3A_926 = vector.shape_cast %swap3A_925 : vector<1x16xi32> to vector<16xi32>
    %swap3A_927 = vector.shape_cast %add3A_921 : vector<16xi32> to vector<1x16xi32>
    tpu.vector_store %arg7[%swap3A_923, %swap3A_924], %swap3A_927 {strides = array<i32>} : memref<9x128xi32, #tpu.memory_space<vmem>>, vector<1x16xi32>,
    %get3A_928 = arith.constant 8 : i32
    %get3A_929 = arith.index_cast %get3A_928 : i32 to index
    %get3A_930 = arith.constant 96 : index
    %get3A_931 = tpu.vector_load %arg7[%get3A_929, %get3A_930] {strides = array<i32>} : memref<9x128xi32, #tpu.memory_space<vmem>>, vector<1x16xi32>,
    %get3A_932 = vector.shape_cast %get3A_931 : vector<1x16xi32> to vector<16xi32>
    %add3A_933 = arith.constant 1024 : i32
    %add3A_934 = vector.broadcast %add3A_933 : i32 to vector<16xi32>
    %add3A_935 = arith.addi %get3A_932, %add3A_934 : vector<16xi32>
    %swap3A_936 = arith.constant 8 : i32
    %swap3A_937 = arith.index_cast %swap3A_936 : i32 to index
    %swap3A_938 = arith.constant 96 : index
    %swap3A_939 = tpu.vector_load %arg7[%swap3A_937, %swap3A_938] {strides = array<i32>} : memref<9x128xi32, #tpu.memory_space<vmem>>, vector<1x16xi32>,
    %swap3A_940 = vector.shape_cast %swap3A_939 : vector<1x16xi32> to vector<16xi32>
    %swap3A_941 = vector.shape_cast %add3A_935 : vector<16xi32> to vector<1x16xi32>
    tpu.vector_store %arg7[%swap3A_937, %swap3A_938], %swap3A_941 {strides = array<i32>} : memref<9x128xi32, #tpu.memory_space<vmem>>, vector<1x16xi32>,
    %get3A_942 = arith.constant 8 : i32
    %get3A_943 = arith.index_cast %get3A_942 : i32 to index
    %get3A_944 = arith.constant 112 : index
    %get3A_945 = tpu.vector_load %arg7[%get3A_943, %get3A_944] {strides = array<i32>} : memref<9x128xi32, #tpu.memory_space<vmem>>, vector<1x16xi32>,
    %get3A_946 = vector.shape_cast %get3A_945 : vector<1x16xi32> to vector<16xi32>
    %add3A_947 = arith.constant 1024 : i32
    %add3A_948 = vector.broadcast %add3A_947 : i32 to vector<16xi32>
    %add3A_949 = arith.addi %get3A_946, %add3A_948 : vector<16xi32>
    %swap3A_950 = arith.constant 8 : i32
    %swap3A_951 = arith.index_cast %swap3A_950 : i32 to index
    %swap3A_952 = arith.constant 112 : index
    %swap3A_953 = tpu.vector_load %arg7[%swap3A_951, %swap3A_952] {strides = array<i32>} : memref<9x128xi32, #tpu.memory_space<vmem>>, vector<1x16xi32>,
    %swap3A_954 = vector.shape_cast %swap3A_953 : vector<1x16xi32> to vector<16xi32>
    %swap3A_955 = vector.shape_cast %add3A_949 : vector<16xi32> to vector<1x16xi32>
    tpu.vector_store %arg7[%swap3A_951, %swap3A_952], %swap3A_955 {strides = array<i32>} : memref<9x128xi32, #tpu.memory_space<vmem>>, vector<1x16xi32>,
    %scan3A_956 = arith.constant 0 : i32
    %scan3A_957 = arith.constant 128 : i32
    %scan3A_958 = arith.addi %scan3A_956, %scan3A_957 : i32
    %scan3A_959 = arith.constant 1 : i32
    scf.for %scan3A_2165 = %scan3A_956 to %scan3A_958 step %scan3A_959  : i32 {
      %mul3A_2166 = arith.constant 1 : i32
      %mul3A_2167 = arith.muli %scan3A_2165, %mul3A_2166 : i32
      %add3A_2168 = arith.constant 0 : i32
      %add3A_2169 = arith.addi %add3A_2168, %mul3A_2167 : i32
      %broadcast_in_dim3A_2170 = arith.constant 0.000000e+00 : f32
      %broadcast_in_dim3A_2171 = vector.broadcast %broadcast_in_dim3A_2170 : f32 to vector<16xf32>
      %swap3A_2172 = arith.index_cast %add3A_2169 : i32 to index
      %swap3A_2173 = arith.constant 0 : index
      %swap3A_2174 = tpu.vector_load %arg9[%swap3A_2172, %swap3A_2173] {strides = array<i32>} : memref<128x128xf32, #tpu.memory_space<vmem>>, vector<1x16xf32>,
      %swap3A_2175 = vector.shape_cast %swap3A_2174 : vector<1x16xf32> to vector<16xf32>
      %swap3A_2176 = vector.shape_cast %broadcast_in_dim3A_2171 : vector<16xf32> to vector<1x16xf32>
      tpu.vector_store %arg9[%swap3A_2172, %swap3A_2173], %swap3A_2176 {strides = array<i32>} : memref<128x128xf32, #tpu.memory_space<vmem>>, vector<1x16xf32>,
      %broadcast_in_dim3A_2177 = arith.constant 0.000000e+00 : f32
      %broadcast_in_dim3A_2178 = vector.broadcast %broadcast_in_dim3A_2177 : f32 to vector<16xf32>
      %swap3A_2179 = arith.index_cast %add3A_2169 : i32 to index
      %swap3A_2180 = arith.constant 16 : index
      %swap3A_2181 = tpu.vector_load %arg9[%swap3A_2179, %swap3A_2180] {strides = array<i32>} : memref<128x128xf32, #tpu.memory_space<vmem>>, vector<1x16xf32>,
      %swap3A_2182 = vector.shape_cast %swap3A_2181 : vector<1x16xf32> to vector<16xf32>
      %swap3A_2183 = vector.shape_cast %broadcast_in_dim3A_2178 : vector<16xf32> to vector<1x16xf32>
      tpu.vector_store %arg9[%swap3A_2179, %swap3A_2180], %swap3A_2183 {strides = array<i32>} : memref<128x128xf32, #tpu.memory_space<vmem>>, vector<1x16xf32>,
      %broadcast_in_dim3A_2184 = arith.constant 0.000000e+00 : f32
      %broadcast_in_dim3A_2185 = vector.broadcast %broadcast_in_dim3A_2184 : f32 to vector<16xf32>
      %swap3A_2186 = arith.index_cast %add3A_2169 : i32 to index
      %swap3A_2187 = arith.constant 32 : index
      %swap3A_2188 = tpu.vector_load %arg9[%swap3A_2186, %swap3A_2187] {strides = array<i32>} : memref<128x128xf32, #tpu.memory_space<vmem>>, vector<1x16xf32>,
      %swap3A_2189 = vector.shape_cast %swap3A_2188 : vector<1x16xf32> to vector<16xf32>
      %swap3A_2190 = vector.shape_cast %broadcast_in_dim3A_2185 : vector<16xf32> to vector<1x16xf32>
      tpu.vector_store %arg9[%swap3A_2186, %swap3A_2187], %swap3A_2190 {strides = array<i32>} : memref<128x128xf32, #tpu.memory_space<vmem>>, vector<1x16xf32>,
      %broadcast_in_dim3A_2191 = arith.constant 0.000000e+00 : f32
      %broadcast_in_dim3A_2192 = vector.broadcast %broadcast_in_dim3A_2191 : f32 to vector<16xf32>
      %swap3A_2193 = arith.index_cast %add3A_2169 : i32 to index
      %swap3A_2194 = arith.constant 48 : index
      %swap3A_2195 = tpu.vector_load %arg9[%swap3A_2193, %swap3A_2194] {strides = array<i32>} : memref<128x128xf32, #tpu.memory_space<vmem>>, vector<1x16xf32>,
      %swap3A_2196 = vector.shape_cast %swap3A_2195 : vector<1x16xf32> to vector<16xf32>
      %swap3A_2197 = vector.shape_cast %broadcast_in_dim3A_2192 : vector<16xf32> to vector<1x16xf32>
      tpu.vector_store %arg9[%swap3A_2193, %swap3A_2194], %swap3A_2197 {strides = array<i32>} : memref<128x128xf32, #tpu.memory_space<vmem>>, vector<1x16xf32>,
      %broadcast_in_dim3A_2198 = arith.constant 0.000000e+00 : f32
      %broadcast_in_dim3A_2199 = vector.broadcast %broadcast_in_dim3A_2198 : f32 to vector<16xf32>
      %swap3A_2200 = arith.index_cast %add3A_2169 : i32 to index
      %swap3A_2201 = arith.constant 64 : index
      %swap3A_2202 = tpu.vector_load %arg9[%swap3A_2200, %swap3A_2201] {strides = array<i32>} : memref<128x128xf32, #tpu.memory_space<vmem>>, vector<1x16xf32>,
      %swap3A_2203 = vector.shape_cast %swap3A_2202 : vector<1x16xf32> to vector<16xf32>
      %swap3A_2204 = vector.shape_cast %broadcast_in_dim3A_2199 : vector<16xf32> to vector<1x16xf32>
      tpu.vector_store %arg9[%swap3A_2200, %swap3A_2201], %swap3A_2204 {strides = array<i32>} : memref<128x128xf32, #tpu.memory_space<vmem>>, vector<1x16xf32>,
      %broadcast_in_dim3A_2205 = arith.constant 0.000000e+00 : f32
      %broadcast_in_dim3A_2206 = vector.broadcast %broadcast_in_dim3A_2205 : f32 to vector<16xf32>
      %swap3A_2207 = arith.index_cast %add3A_2169 : i32 to index
      %swap3A_2208 = arith.constant 80 : index
      %swap3A_2209 = tpu.vector_load %arg9[%swap3A_2207, %swap3A_2208] {strides = array<i32>} : memref<128x128xf32, #tpu.memory_space<vmem>>, vector<1x16xf32>,
      %swap3A_2210 = vector.shape_cast %swap3A_2209 : vector<1x16xf32> to vector<16xf32>
      %swap3A_2211 = vector.shape_cast %broadcast_in_dim3A_2206 : vector<16xf32> to vector<1x16xf32>
      tpu.vector_store %arg9[%swap3A_2207, %swap3A_2208], %swap3A_2211 {strides = array<i32>} : memref<128x128xf32, #tpu.memory_space<vmem>>, vector<1x16xf32>,
      %broadcast_in_dim3A_2212 = arith.constant 0.000000e+00 : f32
      %broadcast_in_dim3A_2213 = vector.broadcast %broadcast_in_dim3A_2212 : f32 to vector<16xf32>
      %swap3A_2214 = arith.index_cast %add3A_2169 : i32 to index
      %swap3A_2215 = arith.constant 96 : index
      %swap3A_2216 = tpu.vector_load %arg9[%swap3A_2214, %swap3A_2215] {strides = array<i32>} : memref<128x128xf32, #tpu.memory_space<vmem>>, vector<1x16xf32>,
      %swap3A_2217 = vector.shape_cast %swap3A_2216 : vector<1x16xf32> to vector<16xf32>
      %swap3A_2218 = vector.shape_cast %broadcast_in_dim3A_2213 : vector<16xf32> to vector<1x16xf32>
      tpu.vector_store %arg9[%swap3A_2214, %swap3A_2215], %swap3A_2218 {strides = array<i32>} : memref<128x128xf32, #tpu.memory_space<vmem>>, vector<1x16xf32>,
      %broadcast_in_dim3A_2219 = arith.constant 0.000000e+00 : f32
      %broadcast_in_dim3A_2220 = vector.broadcast %broadcast_in_dim3A_2219 : f32 to vector<16xf32>
      %swap3A_2221 = arith.index_cast %add3A_2169 : i32 to index
      %swap3A_2222 = arith.constant 112 : index
      %swap3A_2223 = tpu.vector_load %arg9[%swap3A_2221, %swap3A_2222] {strides = array<i32>} : memref<128x128xf32, #tpu.memory_space<vmem>>, vector<1x16xf32>,
      %swap3A_2224 = vector.shape_cast %swap3A_2223 : vector<1x16xf32> to vector<16xf32>
      %swap3A_2225 = vector.shape_cast %broadcast_in_dim3A_2220 : vector<16xf32> to vector<1x16xf32>
      tpu.vector_store %arg9[%swap3A_2221, %swap3A_2222], %swap3A_2225 {strides = array<i32>} : memref<128x128xf32, #tpu.memory_space<vmem>>, vector<1x16xf32>,
    }
    %scan3A_960 = arith.constant 128 : i32
    %dma_start3A = arith.constant 0 : i32
    %dma_start3A_961 = arith.constant 0 : i32
    %dma_start3A_962 = tpu.memref_slice %arg7[%dma_start3A, %dma_start3A_961] : memref<9x128xi32, #tpu.memory_space<vmem>> -> memref<1x128xi32, #tpu.memory_space<vmem>>
    %dma_start3A_963 = tpu.memref_squeeze %dma_start3A_962 : memref<1x128xi32, #tpu.memory_space<vmem>> -> memref<128xi32, #tpu.memory_space<vmem>>
    %dma_start3A_964 = arith.constant 0 : i32
    %dma_start3A_965 = arith.constant 0 : i32
    %dma_start3A_966 = tpu.memref_slice %arg15[%dma_start3A_964, %dma_start3A_965] : memref<1152x128xf32, #tpu.memory_space<vmem_shared>> -> memref<1152x128xf32, #tpu.memory_space<vmem_shared>>
    tpu.enqueue_indirect_dma source(%dma_start3A_966 : memref<1152x128xf32, #tpu.memory_space<vmem_shared>>) target(%arg9 : memref<128x128xf32, #tpu.memory_space<vmem>>) offsets(%dma_start3A_963 : memref<128xi32, #tpu.memory_space<vmem>>) semaphore(%arg16 : memref<!tpu.dma_semaphore, #tpu.memory_space<semaphore_mem>>) {add = true}
    %dma_start3A_967 = arith.constant 1 : i32
    %dma_start3A_968 = arith.constant 0 : i32
    %dma_start3A_969 = tpu.memref_slice %arg7[%dma_start3A_967, %dma_start3A_968] : memref<9x128xi32, #tpu.memory_space<vmem>> -> memref<1x128xi32, #tpu.memory_space<vmem>>
    %dma_start3A_970 = tpu.memref_squeeze %dma_start3A_969 : memref<1x128xi32, #tpu.memory_space<vmem>> -> memref<128xi32, #tpu.memory_space<vmem>>
    %dma_start3A_971 = arith.constant 0 : i32
    %dma_start3A_972 = arith.constant 0 : i32
    %dma_start3A_973 = tpu.memref_slice %arg15[%dma_start3A_971, %dma_start3A_972] : memref<1152x128xf32, #tpu.memory_space<vmem_shared>> -> memref<1152x128xf32, #tpu.memory_space<vmem_shared>>
    tpu.enqueue_indirect_dma source(%dma_start3A_973 : memref<1152x128xf32, #tpu.memory_space<vmem_shared>>) target(%arg9 : memref<128x128xf32, #tpu.memory_space<vmem>>) offsets(%dma_start3A_970 : memref<128xi32, #tpu.memory_space<vmem>>) semaphore(%arg16 : memref<!tpu.dma_semaphore, #tpu.memory_space<semaphore_mem>>) {add = true}
    %dma_start3A_974 = arith.constant 2 : i32
    %dma_start3A_975 = arith.constant 0 : i32
    %dma_start3A_976 = tpu.memref_slice %arg7[%dma_start3A_974, %dma_start3A_975] : memref<9x128xi32, #tpu.memory_space<vmem>> -> memref<1x128xi32, #tpu.memory_space<vmem>>
    %dma_start3A_977 = tpu.memref_squeeze %dma_start3A_976 : memref<1x128xi32, #tpu.memory_space<vmem>> -> memref<128xi32, #tpu.memory_space<vmem>>
    %dma_start3A_978 = arith.constant 0 : i32
    %dma_start3A_979 = arith.constant 0 : i32
    %dma_start3A_980 = tpu.memref_slice %arg15[%dma_start3A_978, %dma_start3A_979] : memref<1152x128xf32, #tpu.memory_space<vmem_shared>> -> memref<1152x128xf32, #tpu.memory_space<vmem_shared>>
    tpu.enqueue_indirect_dma source(%dma_start3A_980 : memref<1152x128xf32, #tpu.memory_space<vmem_shared>>) target(%arg9 : memref<128x128xf32, #tpu.memory_space<vmem>>) offsets(%dma_start3A_977 : memref<128xi32, #tpu.memory_space<vmem>>) semaphore(%arg16 : memref<!tpu.dma_semaphore, #tpu.memory_space<semaphore_mem>>) {add = true}
    %dma_start3A_981 = arith.constant 3 : i32
    %dma_start3A_982 = arith.constant 0 : i32
    %dma_start3A_983 = tpu.memref_slice %arg7[%dma_start3A_981, %dma_start3A_982] : memref<9x128xi32, #tpu.memory_space<vmem>> -> memref<1x128xi32, #tpu.memory_space<vmem>>
    %dma_start3A_984 = tpu.memref_squeeze %dma_start3A_983 : memref<1x128xi32, #tpu.memory_space<vmem>> -> memref<128xi32, #tpu.memory_space<vmem>>
    %dma_start3A_985 = arith.constant 0 : i32
    %dma_start3A_986 = arith.constant 0 : i32
    %dma_start3A_987 = tpu.memref_slice %arg15[%dma_start3A_985, %dma_start3A_986] : memref<1152x128xf32, #tpu.memory_space<vmem_shared>> -> memref<1152x128xf32, #tpu.memory_space<vmem_shared>>
    tpu.enqueue_indirect_dma source(%dma_start3A_987 : memref<1152x128xf32, #tpu.memory_space<vmem_shared>>) target(%arg9 : memref<128x128xf32, #tpu.memory_space<vmem>>) offsets(%dma_start3A_984 : memref<128xi32, #tpu.memory_space<vmem>>) semaphore(%arg16 : memref<!tpu.dma_semaphore, #tpu.memory_space<semaphore_mem>>) {add = true}
    %dma_start3A_988 = arith.constant 4 : i32
    %dma_start3A_989 = arith.constant 0 : i32
    %dma_start3A_990 = tpu.memref_slice %arg7[%dma_start3A_988, %dma_start3A_989] : memref<9x128xi32, #tpu.memory_space<vmem>> -> memref<1x128xi32, #tpu.memory_space<vmem>>
    %dma_start3A_991 = tpu.memref_squeeze %dma_start3A_990 : memref<1x128xi32, #tpu.memory_space<vmem>> -> memref<128xi32, #tpu.memory_space<vmem>>
    %dma_start3A_992 = arith.constant 0 : i32
    %dma_start3A_993 = arith.constant 0 : i32
    %dma_start3A_994 = tpu.memref_slice %arg15[%dma_start3A_992, %dma_start3A_993] : memref<1152x128xf32, #tpu.memory_space<vmem_shared>> -> memref<1152x128xf32, #tpu.memory_space<vmem_shared>>
    tpu.enqueue_indirect_dma source(%dma_start3A_994 : memref<1152x128xf32, #tpu.memory_space<vmem_shared>>) target(%arg9 : memref<128x128xf32, #tpu.memory_space<vmem>>) offsets(%dma_start3A_991 : memref<128xi32, #tpu.memory_space<vmem>>) semaphore(%arg16 : memref<!tpu.dma_semaphore, #tpu.memory_space<semaphore_mem>>) {add = true}
    %dma_start3A_995 = arith.constant 5 : i32
    %dma_start3A_996 = arith.constant 0 : i32
    %dma_start3A_997 = tpu.memref_slice %arg7[%dma_start3A_995, %dma_start3A_996] : memref<9x128xi32, #tpu.memory_space<vmem>> -> memref<1x128xi32, #tpu.memory_space<vmem>>
    %dma_start3A_998 = tpu.memref_squeeze %dma_start3A_997 : memref<1x128xi32, #tpu.memory_space<vmem>> -> memref<128xi32, #tpu.memory_space<vmem>>
    %dma_start3A_999 = arith.constant 0 : i32
    %dma_start3A_1000 = arith.constant 0 : i32
    %dma_start3A_1001 = tpu.memref_slice %arg15[%dma_start3A_999, %dma_start3A_1000] : memref<1152x128xf32, #tpu.memory_space<vmem_shared>> -> memref<1152x128xf32, #tpu.memory_space<vmem_shared>>
    tpu.enqueue_indirect_dma source(%dma_start3A_1001 : memref<1152x128xf32, #tpu.memory_space<vmem_shared>>) target(%arg9 : memref<128x128xf32, #tpu.memory_space<vmem>>) offsets(%dma_start3A_998 : memref<128xi32, #tpu.memory_space<vmem>>) semaphore(%arg16 : memref<!tpu.dma_semaphore, #tpu.memory_space<semaphore_mem>>) {add = true}
    %dma_start3A_1002 = arith.constant 6 : i32
    %dma_start3A_1003 = arith.constant 0 : i32
    %dma_start3A_1004 = tpu.memref_slice %arg7[%dma_start3A_1002, %dma_start3A_1003] : memref<9x128xi32, #tpu.memory_space<vmem>> -> memref<1x128xi32, #tpu.memory_space<vmem>>
    %dma_start3A_1005 = tpu.memref_squeeze %dma_start3A_1004 : memref<1x128xi32, #tpu.memory_space<vmem>> -> memref<128xi32, #tpu.memory_space<vmem>>
    %dma_start3A_1006 = arith.constant 0 : i32
    %dma_start3A_1007 = arith.constant 0 : i32
    %dma_start3A_1008 = tpu.memref_slice %arg15[%dma_start3A_1006, %dma_start3A_1007] : memref<1152x128xf32, #tpu.memory_space<vmem_shared>> -> memref<1152x128xf32, #tpu.memory_space<vmem_shared>>
    tpu.enqueue_indirect_dma source(%dma_start3A_1008 : memref<1152x128xf32, #tpu.memory_space<vmem_shared>>) target(%arg9 : memref<128x128xf32, #tpu.memory_space<vmem>>) offsets(%dma_start3A_1005 : memref<128xi32, #tpu.memory_space<vmem>>) semaphore(%arg16 : memref<!tpu.dma_semaphore, #tpu.memory_space<semaphore_mem>>) {add = true}
    %dma_start3A_1009 = arith.constant 7 : i32
    %dma_start3A_1010 = arith.constant 0 : i32
    %dma_start3A_1011 = tpu.memref_slice %arg7[%dma_start3A_1009, %dma_start3A_1010] : memref<9x128xi32, #tpu.memory_space<vmem>> -> memref<1x128xi32, #tpu.memory_space<vmem>>
    %dma_start3A_1012 = tpu.memref_squeeze %dma_start3A_1011 : memref<1x128xi32, #tpu.memory_space<vmem>> -> memref<128xi32, #tpu.memory_space<vmem>>
    %dma_start3A_1013 = arith.constant 0 : i32
    %dma_start3A_1014 = arith.constant 0 : i32
    %dma_start3A_1015 = tpu.memref_slice %arg15[%dma_start3A_1013, %dma_start3A_1014] : memref<1152x128xf32, #tpu.memory_space<vmem_shared>> -> memref<1152x128xf32, #tpu.memory_space<vmem_shared>>
    tpu.enqueue_indirect_dma source(%dma_start3A_1015 : memref<1152x128xf32, #tpu.memory_space<vmem_shared>>) target(%arg9 : memref<128x128xf32, #tpu.memory_space<vmem>>) offsets(%dma_start3A_1012 : memref<128xi32, #tpu.memory_space<vmem>>) semaphore(%arg16 : memref<!tpu.dma_semaphore, #tpu.memory_space<semaphore_mem>>) {add = true}
    %dma_start3A_1016 = arith.constant 8 : i32
    %dma_start3A_1017 = arith.constant 0 : i32
    %dma_start3A_1018 = tpu.memref_slice %arg7[%dma_start3A_1016, %dma_start3A_1017] : memref<9x128xi32, #tpu.memory_space<vmem>> -> memref<1x128xi32, #tpu.memory_space<vmem>>
    %dma_start3A_1019 = tpu.memref_squeeze %dma_start3A_1018 : memref<1x128xi32, #tpu.memory_space<vmem>> -> memref<128xi32, #tpu.memory_space<vmem>>
    %dma_start3A_1020 = arith.constant 0 : i32
    %dma_start3A_1021 = arith.constant 0 : i32
    %dma_start3A_1022 = tpu.memref_slice %arg15[%dma_start3A_1020, %dma_start3A_1021] : memref<1152x128xf32, #tpu.memory_space<vmem_shared>> -> memref<1152x128xf32, #tpu.memory_space<vmem_shared>>
    tpu.enqueue_indirect_dma source(%dma_start3A_1022 : memref<1152x128xf32, #tpu.memory_space<vmem_shared>>) target(%arg9 : memref<128x128xf32, #tpu.memory_space<vmem>>) offsets(%dma_start3A_1019 : memref<128xi32, #tpu.memory_space<vmem>>) semaphore(%arg16 : memref<!tpu.dma_semaphore, #tpu.memory_space<semaphore_mem>>) {add = true}
    %add3A_1023 = arith.constant 32 : i32
    %add3A_1024 = arith.addi %add3A, %add3A_1023 : i32
    %mul3A_1025 = arith.constant 128 : i32
    %mul3A_1026 = arith.muli %add3A_1024, %mul3A_1025 : i32
    "tpu.region"() ({
      %run_scoped3A_2165 = tpu.sem_alloc : memref<!tpu.dma_semaphore, #tpu.memory_space<semaphore_mem>>
      %dma_start3A_2166 = arith.constant 0 : i32
      %dma_start3A_2167 = tpu.memref_slice %arg2[%dma_start3A_2166, %mul3A_1026] : memref<9x10240xi32, #tpu.memory_space<hbm>> -> memref<9x128xi32, #tpu.memory_space<hbm>>
      %dma_start3A_2168 = arith.constant 0 : i32
      %dma_start3A_2169 = tpu.memref_slice %arg2[%dma_start3A_2168, %mul3A_1026] : memref<9x10240xi32, #tpu.memory_space<hbm>> -> memref<9x128xi32, #tpu.memory_space<hbm>>
      tpu.enqueue_dma source(%dma_start3A_2169 : memref<9x128xi32, #tpu.memory_space<hbm>>) target(%arg8 : memref<9x128xi32, #tpu.memory_space<vmem>>) target_semaphore(%run_scoped3A_2165 : memref<!tpu.dma_semaphore, #tpu.memory_space<semaphore_mem>>)
      %dma_wait3A_2170 = arith.constant 0 : i32
      %dma_wait3A_2171 = tpu.memref_slice %arg2[%dma_wait3A_2170, %mul3A_1026] : memref<9x10240xi32, #tpu.memory_space<hbm>> -> memref<9x128xi32, #tpu.memory_space<hbm>>
      %dma_wait3A_2172 = arith.constant 0 : i32
      %dma_wait3A_2173 = tpu.memref_slice %arg2[%dma_wait3A_2172, %mul3A_1026] : memref<9x10240xi32, #tpu.memory_space<hbm>> -> memref<9x128xi32, #tpu.memory_space<hbm>>
      tpu.wait_dma2 semaphore(%run_scoped3A_2165 : memref<!tpu.dma_semaphore, #tpu.memory_space<semaphore_mem>>) src(%dma_wait3A_2173 : memref<9x128xi32, #tpu.memory_space<hbm>>) dst(%arg8 : memref<9x128xi32, #tpu.memory_space<vmem>>)
      tpu.yield
    }) : () -> ()
    %get3A_1027 = arith.constant 1 : i32
    %get3A_1028 = arith.index_cast %get3A_1027 : i32 to index
    %get3A_1029 = arith.constant 0 : index
    %get3A_1030 = tpu.vector_load %arg8[%get3A_1028, %get3A_1029] {strides = array<i32>} : memref<9x128xi32, #tpu.memory_space<vmem>>, vector<1x16xi32>,
    %get3A_1031 = vector.shape_cast %get3A_1030 : vector<1x16xi32> to vector<16xi32>
    %add3A_1032 = arith.constant 128 : i32
    %add3A_1033 = vector.broadcast %add3A_1032 : i32 to vector<16xi32>
    %add3A_1034 = arith.addi %get3A_1031, %add3A_1033 : vector<16xi32>
    %swap3A_1035 = arith.constant 1 : i32
    %swap3A_1036 = arith.index_cast %swap3A_1035 : i32 to index
    %swap3A_1037 = arith.constant 0 : index
    %swap3A_1038 = tpu.vector_load %arg8[%swap3A_1036, %swap3A_1037] {strides = array<i32>} : memref<9x128xi32, #tpu.memory_space<vmem>>, vector<1x16xi32>,
    %swap3A_1039 = vector.shape_cast %swap3A_1038 : vector<1x16xi32> to vector<16xi32>
    %swap3A_1040 = vector.shape_cast %add3A_1034 : vector<16xi32> to vector<1x16xi32>
    tpu.vector_store %arg8[%swap3A_1036, %swap3A_1037], %swap3A_1040 {strides = array<i32>} : memref<9x128xi32, #tpu.memory_space<vmem>>, vector<1x16xi32>,
    %get3A_1041 = arith.constant 1 : i32
    %get3A_1042 = arith.index_cast %get3A_1041 : i32 to index
    %get3A_1043 = arith.constant 16 : index
    %get3A_1044 = tpu.vector_load %arg8[%get3A_1042, %get3A_1043] {strides = array<i32>} : memref<9x128xi32, #tpu.memory_space<vmem>>, vector<1x16xi32>,
    %get3A_1045 = vector.shape_cast %get3A_1044 : vector<1x16xi32> to vector<16xi32>
    %add3A_1046 = arith.constant 128 : i32
    %add3A_1047 = vector.broadcast %add3A_1046 : i32 to vector<16xi32>
    %add3A_1048 = arith.addi %get3A_1045, %add3A_1047 : vector<16xi32>
    %swap3A_1049 = arith.constant 1 : i32
    %swap3A_1050 = arith.index_cast %swap3A_1049 : i32 to index
    %swap3A_1051 = arith.constant 16 : index
    %swap3A_1052 = tpu.vector_load %arg8[%swap3A_1050, %swap3A_1051] {strides = array<i32>} : memref<9x128xi32, #tpu.memory_space<vmem>>, vector<1x16xi32>,
    %swap3A_1053 = vector.shape_cast %swap3A_1052 : vector<1x16xi32> to vector<16xi32>
    %swap3A_1054 = vector.shape_cast %add3A_1048 : vector<16xi32> to vector<1x16xi32>
    tpu.vector_store %arg8[%swap3A_1050, %swap3A_1051], %swap3A_1054 {strides = array<i32>} : memref<9x128xi32, #tpu.memory_space<vmem>>, vector<1x16xi32>,
    %get3A_1055 = arith.constant 1 : i32
    %get3A_1056 = arith.index_cast %get3A_1055 : i32 to index
    %get3A_1057 = arith.constant 32 : index
    %get3A_1058 = tpu.vector_load %arg8[%get3A_1056, %get3A_1057] {strides = array<i32>} : memref<9x128xi32, #tpu.memory_space<vmem>>, vector<1x16xi32>,
    %get3A_1059 = vector.shape_cast %get3A_1058 : vector<1x16xi32> to vector<16xi32>
    %add3A_1060 = arith.constant 128 : i32
    %add3A_1061 = vector.broadcast %add3A_1060 : i32 to vector<16xi32>
    %add3A_1062 = arith.addi %get3A_1059, %add3A_1061 : vector<16xi32>
    %swap3A_1063 = arith.constant 1 : i32
    %swap3A_1064 = arith.index_cast %swap3A_1063 : i32 to index
    %swap3A_1065 = arith.constant 32 : index
    %swap3A_1066 = tpu.vector_load %arg8[%swap3A_1064, %swap3A_1065] {strides = array<i32>} : memref<9x128xi32, #tpu.memory_space<vmem>>, vector<1x16xi32>,
    %swap3A_1067 = vector.shape_cast %swap3A_1066 : vector<1x16xi32> to vector<16xi32>
    %swap3A_1068 = vector.shape_cast %add3A_1062 : vector<16xi32> to vector<1x16xi32>
    tpu.vector_store %arg8[%swap3A_1064, %swap3A_1065], %swap3A_1068 {strides = array<i32>} : memref<9x128xi32, #tpu.memory_space<vmem>>, vector<1x16xi32>,
    %get3A_1069 = arith.constant 1 : i32
    %get3A_1070 = arith.index_cast %get3A_1069 : i32 to index
    %get3A_1071 = arith.constant 48 : index
    %get3A_1072 = tpu.vector_load %arg8[%get3A_1070, %get3A_1071] {strides = array<i32>} : memref<9x128xi32, #tpu.memory_space<vmem>>, vector<1x16xi32>,
    %get3A_1073 = vector.shape_cast %get3A_1072 : vector<1x16xi32> to vector<16xi32>
    %add3A_1074 = arith.constant 128 : i32
    %add3A_1075 = vector.broadcast %add3A_1074 : i32 to vector<16xi32>
    %add3A_1076 = arith.addi %get3A_1073, %add3A_1075 : vector<16xi32>
    %swap3A_1077 = arith.constant 1 : i32
    %swap3A_1078 = arith.index_cast %swap3A_1077 : i32 to index
    %swap3A_1079 = arith.constant 48 : index
    %swap3A_1080 = tpu.vector_load %arg8[%swap3A_1078, %swap3A_1079] {strides = array<i32>} : memref<9x128xi32, #tpu.memory_space<vmem>>, vector<1x16xi32>,
    %swap3A_1081 = vector.shape_cast %swap3A_1080 : vector<1x16xi32> to vector<16xi32>
    %swap3A_1082 = vector.shape_cast %add3A_1076 : vector<16xi32> to vector<1x16xi32>
    tpu.vector_store %arg8[%swap3A_1078, %swap3A_1079], %swap3A_1082 {strides = array<i32>} : memref<9x128xi32, #tpu.memory_space<vmem>>, vector<1x16xi32>,
    %get3A_1083 = arith.constant 1 : i32
    %get3A_1084 = arith.index_cast %get3A_1083 : i32 to index
    %get3A_1085 = arith.constant 64 : index
    %get3A_1086 = tpu.vector_load %arg8[%get3A_1084, %get3A_1085] {strides = array<i32>} : memref<9x128xi32, #tpu.memory_space<vmem>>, vector<1x16xi32>,
    %get3A_1087 = vector.shape_cast %get3A_1086 : vector<1x16xi32> to vector<16xi32>
    %add3A_1088 = arith.constant 128 : i32
    %add3A_1089 = vector.broadcast %add3A_1088 : i32 to vector<16xi32>
    %add3A_1090 = arith.addi %get3A_1087, %add3A_1089 : vector<16xi32>
    %swap3A_1091 = arith.constant 1 : i32
    %swap3A_1092 = arith.index_cast %swap3A_1091 : i32 to index
    %swap3A_1093 = arith.constant 64 : index
    %swap3A_1094 = tpu.vector_load %arg8[%swap3A_1092, %swap3A_1093] {strides = array<i32>} : memref<9x128xi32, #tpu.memory_space<vmem>>, vector<1x16xi32>,
    %swap3A_1095 = vector.shape_cast %swap3A_1094 : vector<1x16xi32> to vector<16xi32>
    %swap3A_1096 = vector.shape_cast %add3A_1090 : vector<16xi32> to vector<1x16xi32>
    tpu.vector_store %arg8[%swap3A_1092, %swap3A_1093], %swap3A_1096 {strides = array<i32>} : memref<9x128xi32, #tpu.memory_space<vmem>>, vector<1x16xi32>,
    %get3A_1097 = arith.constant 1 : i32
    %get3A_1098 = arith.index_cast %get3A_1097 : i32 to index
    %get3A_1099 = arith.constant 80 : index
    %get3A_1100 = tpu.vector_load %arg8[%get3A_1098, %get3A_1099] {strides = array<i32>} : memref<9x128xi32, #tpu.memory_space<vmem>>, vector<1x16xi32>,
    %get3A_1101 = vector.shape_cast %get3A_1100 : vector<1x16xi32> to vector<16xi32>
    %add3A_1102 = arith.constant 128 : i32
    %add3A_1103 = vector.broadcast %add3A_1102 : i32 to vector<16xi32>
    %add3A_1104 = arith.addi %get3A_1101, %add3A_1103 : vector<16xi32>
    %swap3A_1105 = arith.constant 1 : i32
    %swap3A_1106 = arith.index_cast %swap3A_1105 : i32 to index
    %swap3A_1107 = arith.constant 80 : index
    %swap3A_1108 = tpu.vector_load %arg8[%swap3A_1106, %swap3A_1107] {strides = array<i32>} : memref<9x128xi32, #tpu.memory_space<vmem>>, vector<1x16xi32>,
    %swap3A_1109 = vector.shape_cast %swap3A_1108 : vector<1x16xi32> to vector<16xi32>
    %swap3A_1110 = vector.shape_cast %add3A_1104 : vector<16xi32> to vector<1x16xi32>
    tpu.vector_store %arg8[%swap3A_1106, %swap3A_1107], %swap3A_1110 {strides = array<i32>} : memref<9x128xi32, #tpu.memory_space<vmem>>, vector<1x16xi32>,
    %get3A_1111 = arith.constant 1 : i32
    %get3A_1112 = arith.index_cast %get3A_1111 : i32 to index
    %get3A_1113 = arith.constant 96 : index
    %get3A_1114 = tpu.vector_load %arg8[%get3A_1112, %get3A_1113] {strides = array<i32>} : memref<9x128xi32, #tpu.memory_space<vmem>>, vector<1x16xi32>,
    %get3A_1115 = vector.shape_cast %get3A_1114 : vector<1x16xi32> to vector<16xi32>
    %add3A_1116 = arith.constant 128 : i32
    %add3A_1117 = vector.broadcast %add3A_1116 : i32 to vector<16xi32>
    %add3A_1118 = arith.addi %get3A_1115, %add3A_1117 : vector<16xi32>
    %swap3A_1119 = arith.constant 1 : i32
    %swap3A_1120 = arith.index_cast %swap3A_1119 : i32 to index
    %swap3A_1121 = arith.constant 96 : index
    %swap3A_1122 = tpu.vector_load %arg8[%swap3A_1120, %swap3A_1121] {strides = array<i32>} : memref<9x128xi32, #tpu.memory_space<vmem>>, vector<1x16xi32>,
    %swap3A_1123 = vector.shape_cast %swap3A_1122 : vector<1x16xi32> to vector<16xi32>
    %swap3A_1124 = vector.shape_cast %add3A_1118 : vector<16xi32> to vector<1x16xi32>
    tpu.vector_store %arg8[%swap3A_1120, %swap3A_1121], %swap3A_1124 {strides = array<i32>} : memref<9x128xi32, #tpu.memory_space<vmem>>, vector<1x16xi32>,
    %get3A_1125 = arith.constant 1 : i32
    %get3A_1126 = arith.index_cast %get3A_1125 : i32 to index
    %get3A_1127 = arith.constant 112 : index
    %get3A_1128 = tpu.vector_load %arg8[%get3A_1126, %get3A_1127] {strides = array<i32>} : memref<9x128xi32, #tpu.memory_space<vmem>>, vector<1x16xi32>,
    %get3A_1129 = vector.shape_cast %get3A_1128 : vector<1x16xi32> to vector<16xi32>
    %add3A_1130 = arith.constant 128 : i32
    %add3A_1131 = vector.broadcast %add3A_1130 : i32 to vector<16xi32>
    %add3A_1132 = arith.addi %get3A_1129, %add3A_1131 : vector<16xi32>
    %swap3A_1133 = arith.constant 1 : i32
    %swap3A_1134 = arith.index_cast %swap3A_1133 : i32 to index
    %swap3A_1135 = arith.constant 112 : index
    %swap3A_1136 = tpu.vector_load %arg8[%swap3A_1134, %swap3A_1135] {strides = array<i32>} : memref<9x128xi32, #tpu.memory_space<vmem>>, vector<1x16xi32>,
    %swap3A_1137 = vector.shape_cast %swap3A_1136 : vector<1x16xi32> to vector<16xi32>
    %swap3A_1138 = vector.shape_cast %add3A_1132 : vector<16xi32> to vector<1x16xi32>
    tpu.vector_store %arg8[%swap3A_1134, %swap3A_1135], %swap3A_1138 {strides = array<i32>} : memref<9x128xi32, #tpu.memory_space<vmem>>, vector<1x16xi32>,
    %get3A_1139 = arith.constant 2 : i32
    %get3A_1140 = arith.index_cast %get3A_1139 : i32 to index
    %get3A_1141 = arith.constant 0 : index
    %get3A_1142 = tpu.vector_load %arg8[%get3A_1140, %get3A_1141] {strides = array<i32>} : memref<9x128xi32, #tpu.memory_space<vmem>>, vector<1x16xi32>,
    %get3A_1143 = vector.shape_cast %get3A_1142 : vector<1x16xi32> to vector<16xi32>
    %add3A_1144 = arith.constant 256 : i32
    %add3A_1145 = vector.broadcast %add3A_1144 : i32 to vector<16xi32>
    %add3A_1146 = arith.addi %get3A_1143, %add3A_1145 : vector<16xi32>
    %swap3A_1147 = arith.constant 2 : i32
    %swap3A_1148 = arith.index_cast %swap3A_1147 : i32 to index
    %swap3A_1149 = arith.constant 0 : index
    %swap3A_1150 = tpu.vector_load %arg8[%swap3A_1148, %swap3A_1149] {strides = array<i32>} : memref<9x128xi32, #tpu.memory_space<vmem>>, vector<1x16xi32>,
    %swap3A_1151 = vector.shape_cast %swap3A_1150 : vector<1x16xi32> to vector<16xi32>
    %swap3A_1152 = vector.shape_cast %add3A_1146 : vector<16xi32> to vector<1x16xi32>
    tpu.vector_store %arg8[%swap3A_1148, %swap3A_1149], %swap3A_1152 {strides = array<i32>} : memref<9x128xi32, #tpu.memory_space<vmem>>, vector<1x16xi32>,
    %get3A_1153 = arith.constant 2 : i32
    %get3A_1154 = arith.index_cast %get3A_1153 : i32 to index
    %get3A_1155 = arith.constant 16 : index
    %get3A_1156 = tpu.vector_load %arg8[%get3A_1154, %get3A_1155] {strides = array<i32>} : memref<9x128xi32, #tpu.memory_space<vmem>>, vector<1x16xi32>,
    %get3A_1157 = vector.shape_cast %get3A_1156 : vector<1x16xi32> to vector<16xi32>
    %add3A_1158 = arith.constant 256 : i32
    %add3A_1159 = vector.broadcast %add3A_1158 : i32 to vector<16xi32>
    %add3A_1160 = arith.addi %get3A_1157, %add3A_1159 : vector<16xi32>
    %swap3A_1161 = arith.constant 2 : i32
    %swap3A_1162 = arith.index_cast %swap3A_1161 : i32 to index
    %swap3A_1163 = arith.constant 16 : index
    %swap3A_1164 = tpu.vector_load %arg8[%swap3A_1162, %swap3A_1163] {strides = array<i32>} : memref<9x128xi32, #tpu.memory_space<vmem>>, vector<1x16xi32>,
    %swap3A_1165 = vector.shape_cast %swap3A_1164 : vector<1x16xi32> to vector<16xi32>
    %swap3A_1166 = vector.shape_cast %add3A_1160 : vector<16xi32> to vector<1x16xi32>
    tpu.vector_store %arg8[%swap3A_1162, %swap3A_1163], %swap3A_1166 {strides = array<i32>} : memref<9x128xi32, #tpu.memory_space<vmem>>, vector<1x16xi32>,
    %get3A_1167 = arith.constant 2 : i32
    %get3A_1168 = arith.index_cast %get3A_1167 : i32 to index
    %get3A_1169 = arith.constant 32 : index
    %get3A_1170 = tpu.vector_load %arg8[%get3A_1168, %get3A_1169] {strides = array<i32>} : memref<9x128xi32, #tpu.memory_space<vmem>>, vector<1x16xi32>,
    %get3A_1171 = vector.shape_cast %get3A_1170 : vector<1x16xi32> to vector<16xi32>
    %add3A_1172 = arith.constant 256 : i32
    %add3A_1173 = vector.broadcast %add3A_1172 : i32 to vector<16xi32>
    %add3A_1174 = arith.addi %get3A_1171, %add3A_1173 : vector<16xi32>
    %swap3A_1175 = arith.constant 2 : i32
    %swap3A_1176 = arith.index_cast %swap3A_1175 : i32 to index
    %swap3A_1177 = arith.constant 32 : index
    %swap3A_1178 = tpu.vector_load %arg8[%swap3A_1176, %swap3A_1177] {strides = array<i32>} : memref<9x128xi32, #tpu.memory_space<vmem>>, vector<1x16xi32>,
    %swap3A_1179 = vector.shape_cast %swap3A_1178 : vector<1x16xi32> to vector<16xi32>
    %swap3A_1180 = vector.shape_cast %add3A_1174 : vector<16xi32> to vector<1x16xi32>
    tpu.vector_store %arg8[%swap3A_1176, %swap3A_1177], %swap3A_1180 {strides = array<i32>} : memref<9x128xi32, #tpu.memory_space<vmem>>, vector<1x16xi32>,
    %get3A_1181 = arith.constant 2 : i32
    %get3A_1182 = arith.index_cast %get3A_1181 : i32 to index
    %get3A_1183 = arith.constant 48 : index
    %get3A_1184 = tpu.vector_load %arg8[%get3A_1182, %get3A_1183] {strides = array<i32>} : memref<9x128xi32, #tpu.memory_space<vmem>>, vector<1x16xi32>,
    %get3A_1185 = vector.shape_cast %get3A_1184 : vector<1x16xi32> to vector<16xi32>
    %add3A_1186 = arith.constant 256 : i32
    %add3A_1187 = vector.broadcast %add3A_1186 : i32 to vector<16xi32>
    %add3A_1188 = arith.addi %get3A_1185, %add3A_1187 : vector<16xi32>
    %swap3A_1189 = arith.constant 2 : i32
    %swap3A_1190 = arith.index_cast %swap3A_1189 : i32 to index
    %swap3A_1191 = arith.constant 48 : index
    %swap3A_1192 = tpu.vector_load %arg8[%swap3A_1190, %swap3A_1191] {strides = array<i32>} : memref<9x128xi32, #tpu.memory_space<vmem>>, vector<1x16xi32>,
    %swap3A_1193 = vector.shape_cast %swap3A_1192 : vector<1x16xi32> to vector<16xi32>
    %swap3A_1194 = vector.shape_cast %add3A_1188 : vector<16xi32> to vector<1x16xi32>
    tpu.vector_store %arg8[%swap3A_1190, %swap3A_1191], %swap3A_1194 {strides = array<i32>} : memref<9x128xi32, #tpu.memory_space<vmem>>, vector<1x16xi32>,
    %get3A_1195 = arith.constant 2 : i32
    %get3A_1196 = arith.index_cast %get3A_1195 : i32 to index
    %get3A_1197 = arith.constant 64 : index
    %get3A_1198 = tpu.vector_load %arg8[%get3A_1196, %get3A_1197] {strides = array<i32>} : memref<9x128xi32, #tpu.memory_space<vmem>>, vector<1x16xi32>,
    %get3A_1199 = vector.shape_cast %get3A_1198 : vector<1x16xi32> to vector<16xi32>
    %add3A_1200 = arith.constant 256 : i32
    %add3A_1201 = vector.broadcast %add3A_1200 : i32 to vector<16xi32>
    %add3A_1202 = arith.addi %get3A_1199, %add3A_1201 : vector<16xi32>
    %swap3A_1203 = arith.constant 2 : i32
    %swap3A_1204 = arith.index_cast %swap3A_1203 : i32 to index
    %swap3A_1205 = arith.constant 64 : index
    %swap3A_1206 = tpu.vector_load %arg8[%swap3A_1204, %swap3A_1205] {strides = array<i32>} : memref<9x128xi32, #tpu.memory_space<vmem>>, vector<1x16xi32>,
    %swap3A_1207 = vector.shape_cast %swap3A_1206 : vector<1x16xi32> to vector<16xi32>
    %swap3A_1208 = vector.shape_cast %add3A_1202 : vector<16xi32> to vector<1x16xi32>
    tpu.vector_store %arg8[%swap3A_1204, %swap3A_1205], %swap3A_1208 {strides = array<i32>} : memref<9x128xi32, #tpu.memory_space<vmem>>, vector<1x16xi32>,
    %get3A_1209 = arith.constant 2 : i32
    %get3A_1210 = arith.index_cast %get3A_1209 : i32 to index
    %get3A_1211 = arith.constant 80 : index
    %get3A_1212 = tpu.vector_load %arg8[%get3A_1210, %get3A_1211] {strides = array<i32>} : memref<9x128xi32, #tpu.memory_space<vmem>>, vector<1x16xi32>,
    %get3A_1213 = vector.shape_cast %get3A_1212 : vector<1x16xi32> to vector<16xi32>
    %add3A_1214 = arith.constant 256 : i32
    %add3A_1215 = vector.broadcast %add3A_1214 : i32 to vector<16xi32>
    %add3A_1216 = arith.addi %get3A_1213, %add3A_1215 : vector<16xi32>
    %swap3A_1217 = arith.constant 2 : i32
    %swap3A_1218 = arith.index_cast %swap3A_1217 : i32 to index
    %swap3A_1219 = arith.constant 80 : index
    %swap3A_1220 = tpu.vector_load %arg8[%swap3A_1218, %swap3A_1219] {strides = array<i32>} : memref<9x128xi32, #tpu.memory_space<vmem>>, vector<1x16xi32>,
    %swap3A_1221 = vector.shape_cast %swap3A_1220 : vector<1x16xi32> to vector<16xi32>
    %swap3A_1222 = vector.shape_cast %add3A_1216 : vector<16xi32> to vector<1x16xi32>
    tpu.vector_store %arg8[%swap3A_1218, %swap3A_1219], %swap3A_1222 {strides = array<i32>} : memref<9x128xi32, #tpu.memory_space<vmem>>, vector<1x16xi32>,
    %get3A_1223 = arith.constant 2 : i32
    %get3A_1224 = arith.index_cast %get3A_1223 : i32 to index
    %get3A_1225 = arith.constant 96 : index
    %get3A_1226 = tpu.vector_load %arg8[%get3A_1224, %get3A_1225] {strides = array<i32>} : memref<9x128xi32, #tpu.memory_space<vmem>>, vector<1x16xi32>,
    %get3A_1227 = vector.shape_cast %get3A_1226 : vector<1x16xi32> to vector<16xi32>
    %add3A_1228 = arith.constant 256 : i32
    %add3A_1229 = vector.broadcast %add3A_1228 : i32 to vector<16xi32>
    %add3A_1230 = arith.addi %get3A_1227, %add3A_1229 : vector<16xi32>
    %swap3A_1231 = arith.constant 2 : i32
    %swap3A_1232 = arith.index_cast %swap3A_1231 : i32 to index
    %swap3A_1233 = arith.constant 96 : index
    %swap3A_1234 = tpu.vector_load %arg8[%swap3A_1232, %swap3A_1233] {strides = array<i32>} : memref<9x128xi32, #tpu.memory_space<vmem>>, vector<1x16xi32>,
    %swap3A_1235 = vector.shape_cast %swap3A_1234 : vector<1x16xi32> to vector<16xi32>
    %swap3A_1236 = vector.shape_cast %add3A_1230 : vector<16xi32> to vector<1x16xi32>
    tpu.vector_store %arg8[%swap3A_1232, %swap3A_1233], %swap3A_1236 {strides = array<i32>} : memref<9x128xi32, #tpu.memory_space<vmem>>, vector<1x16xi32>,
    %get3A_1237 = arith.constant 2 : i32
    %get3A_1238 = arith.index_cast %get3A_1237 : i32 to index
    %get3A_1239 = arith.constant 112 : index
    %get3A_1240 = tpu.vector_load %arg8[%get3A_1238, %get3A_1239] {strides = array<i32>} : memref<9x128xi32, #tpu.memory_space<vmem>>, vector<1x16xi32>,
    %get3A_1241 = vector.shape_cast %get3A_1240 : vector<1x16xi32> to vector<16xi32>
    %add3A_1242 = arith.constant 256 : i32
    %add3A_1243 = vector.broadcast %add3A_1242 : i32 to vector<16xi32>
    %add3A_1244 = arith.addi %get3A_1241, %add3A_1243 : vector<16xi32>
    %swap3A_1245 = arith.constant 2 : i32
    %swap3A_1246 = arith.index_cast %swap3A_1245 : i32 to index
    %swap3A_1247 = arith.constant 112 : index
    %swap3A_1248 = tpu.vector_load %arg8[%swap3A_1246, %swap3A_1247] {strides = array<i32>} : memref<9x128xi32, #tpu.memory_space<vmem>>, vector<1x16xi32>,
    %swap3A_1249 = vector.shape_cast %swap3A_1248 : vector<1x16xi32> to vector<16xi32>
    %swap3A_1250 = vector.shape_cast %add3A_1244 : vector<16xi32> to vector<1x16xi32>
    tpu.vector_store %arg8[%swap3A_1246, %swap3A_1247], %swap3A_1250 {strides = array<i32>} : memref<9x128xi32, #tpu.memory_space<vmem>>, vector<1x16xi32>,
    %get3A_1251 = arith.constant 3 : i32
    %get3A_1252 = arith.index_cast %get3A_1251 : i32 to index
    %get3A_1253 = arith.constant 0 : index
    %get3A_1254 = tpu.vector_load %arg8[%get3A_1252, %get3A_1253] {strides = array<i32>} : memref<9x128xi32, #tpu.memory_space<vmem>>, vector<1x16xi32>,
    %get3A_1255 = vector.shape_cast %get3A_1254 : vector<1x16xi32> to vector<16xi32>
    %add3A_1256 = arith.constant 384 : i32
    %add3A_1257 = vector.broadcast %add3A_1256 : i32 to vector<16xi32>
    %add3A_1258 = arith.addi %get3A_1255, %add3A_1257 : vector<16xi32>
    %swap3A_1259 = arith.constant 3 : i32
    %swap3A_1260 = arith.index_cast %swap3A_1259 : i32 to index
    %swap3A_1261 = arith.constant 0 : index
    %swap3A_1262 = tpu.vector_load %arg8[%swap3A_1260, %swap3A_1261] {strides = array<i32>} : memref<9x128xi32, #tpu.memory_space<vmem>>, vector<1x16xi32>,
    %swap3A_1263 = vector.shape_cast %swap3A_1262 : vector<1x16xi32> to vector<16xi32>
    %swap3A_1264 = vector.shape_cast %add3A_1258 : vector<16xi32> to vector<1x16xi32>
    tpu.vector_store %arg8[%swap3A_1260, %swap3A_1261], %swap3A_1264 {strides = array<i32>} : memref<9x128xi32, #tpu.memory_space<vmem>>, vector<1x16xi32>,
    %get3A_1265 = arith.constant 3 : i32
    %get3A_1266 = arith.index_cast %get3A_1265 : i32 to index
    %get3A_1267 = arith.constant 16 : index
    %get3A_1268 = tpu.vector_load %arg8[%get3A_1266, %get3A_1267] {strides = array<i32>} : memref<9x128xi32, #tpu.memory_space<vmem>>, vector<1x16xi32>,
    %get3A_1269 = vector.shape_cast %get3A_1268 : vector<1x16xi32> to vector<16xi32>
    %add3A_1270 = arith.constant 384 : i32
    %add3A_1271 = vector.broadcast %add3A_1270 : i32 to vector<16xi32>
    %add3A_1272 = arith.addi %get3A_1269, %add3A_1271 : vector<16xi32>
    %swap3A_1273 = arith.constant 3 : i32
    %swap3A_1274 = arith.index_cast %swap3A_1273 : i32 to index
    %swap3A_1275 = arith.constant 16 : index
    %swap3A_1276 = tpu.vector_load %arg8[%swap3A_1274, %swap3A_1275] {strides = array<i32>} : memref<9x128xi32, #tpu.memory_space<vmem>>, vector<1x16xi32>,
    %swap3A_1277 = vector.shape_cast %swap3A_1276 : vector<1x16xi32> to vector<16xi32>
    %swap3A_1278 = vector.shape_cast %add3A_1272 : vector<16xi32> to vector<1x16xi32>
    tpu.vector_store %arg8[%swap3A_1274, %swap3A_1275], %swap3A_1278 {strides = array<i32>} : memref<9x128xi32, #tpu.memory_space<vmem>>, vector<1x16xi32>,
    %get3A_1279 = arith.constant 3 : i32
    %get3A_1280 = arith.index_cast %get3A_1279 : i32 to index
    %get3A_1281 = arith.constant 32 : index
    %get3A_1282 = tpu.vector_load %arg8[%get3A_1280, %get3A_1281] {strides = array<i32>} : memref<9x128xi32, #tpu.memory_space<vmem>>, vector<1x16xi32>,
    %get3A_1283 = vector.shape_cast %get3A_1282 : vector<1x16xi32> to vector<16xi32>
    %add3A_1284 = arith.constant 384 : i32
    %add3A_1285 = vector.broadcast %add3A_1284 : i32 to vector<16xi32>
    %add3A_1286 = arith.addi %get3A_1283, %add3A_1285 : vector<16xi32>
    %swap3A_1287 = arith.constant 3 : i32
    %swap3A_1288 = arith.index_cast %swap3A_1287 : i32 to index
    %swap3A_1289 = arith.constant 32 : index
    %swap3A_1290 = tpu.vector_load %arg8[%swap3A_1288, %swap3A_1289] {strides = array<i32>} : memref<9x128xi32, #tpu.memory_space<vmem>>, vector<1x16xi32>,
    %swap3A_1291 = vector.shape_cast %swap3A_1290 : vector<1x16xi32> to vector<16xi32>
    %swap3A_1292 = vector.shape_cast %add3A_1286 : vector<16xi32> to vector<1x16xi32>
    tpu.vector_store %arg8[%swap3A_1288, %swap3A_1289], %swap3A_1292 {strides = array<i32>} : memref<9x128xi32, #tpu.memory_space<vmem>>, vector<1x16xi32>,
    %get3A_1293 = arith.constant 3 : i32
    %get3A_1294 = arith.index_cast %get3A_1293 : i32 to index
    %get3A_1295 = arith.constant 48 : index
    %get3A_1296 = tpu.vector_load %arg8[%get3A_1294, %get3A_1295] {strides = array<i32>} : memref<9x128xi32, #tpu.memory_space<vmem>>, vector<1x16xi32>,
    %get3A_1297 = vector.shape_cast %get3A_1296 : vector<1x16xi32> to vector<16xi32>
    %add3A_1298 = arith.constant 384 : i32
    %add3A_1299 = vector.broadcast %add3A_1298 : i32 to vector<16xi32>
    %add3A_1300 = arith.addi %get3A_1297, %add3A_1299 : vector<16xi32>
    %swap3A_1301 = arith.constant 3 : i32
    %swap3A_1302 = arith.index_cast %swap3A_1301 : i32 to index
    %swap3A_1303 = arith.constant 48 : index
    %swap3A_1304 = tpu.vector_load %arg8[%swap3A_1302, %swap3A_1303] {strides = array<i32>} : memref<9x128xi32, #tpu.memory_space<vmem>>, vector<1x16xi32>,
    %swap3A_1305 = vector.shape_cast %swap3A_1304 : vector<1x16xi32> to vector<16xi32>
    %swap3A_1306 = vector.shape_cast %add3A_1300 : vector<16xi32> to vector<1x16xi32>
    tpu.vector_store %arg8[%swap3A_1302, %swap3A_1303], %swap3A_1306 {strides = array<i32>} : memref<9x128xi32, #tpu.memory_space<vmem>>, vector<1x16xi32>,
    %get3A_1307 = arith.constant 3 : i32
    %get3A_1308 = arith.index_cast %get3A_1307 : i32 to index
    %get3A_1309 = arith.constant 64 : index
    %get3A_1310 = tpu.vector_load %arg8[%get3A_1308, %get3A_1309] {strides = array<i32>} : memref<9x128xi32, #tpu.memory_space<vmem>>, vector<1x16xi32>,
    %get3A_1311 = vector.shape_cast %get3A_1310 : vector<1x16xi32> to vector<16xi32>
    %add3A_1312 = arith.constant 384 : i32
    %add3A_1313 = vector.broadcast %add3A_1312 : i32 to vector<16xi32>
    %add3A_1314 = arith.addi %get3A_1311, %add3A_1313 : vector<16xi32>
    %swap3A_1315 = arith.constant 3 : i32
    %swap3A_1316 = arith.index_cast %swap3A_1315 : i32 to index
    %swap3A_1317 = arith.constant 64 : index
    %swap3A_1318 = tpu.vector_load %arg8[%swap3A_1316, %swap3A_1317] {strides = array<i32>} : memref<9x128xi32, #tpu.memory_space<vmem>>, vector<1x16xi32>,
    %swap3A_1319 = vector.shape_cast %swap3A_1318 : vector<1x16xi32> to vector<16xi32>
    %swap3A_1320 = vector.shape_cast %add3A_1314 : vector<16xi32> to vector<1x16xi32>
    tpu.vector_store %arg8[%swap3A_1316, %swap3A_1317], %swap3A_1320 {strides = array<i32>} : memref<9x128xi32, #tpu.memory_space<vmem>>, vector<1x16xi32>,
    %get3A_1321 = arith.constant 3 : i32
    %get3A_1322 = arith.index_cast %get3A_1321 : i32 to index
    %get3A_1323 = arith.constant 80 : index
    %get3A_1324 = tpu.vector_load %arg8[%get3A_1322, %get3A_1323] {strides = array<i32>} : memref<9x128xi32, #tpu.memory_space<vmem>>, vector<1x16xi32>,
    %get3A_1325 = vector.shape_cast %get3A_1324 : vector<1x16xi32> to vector<16xi32>
    %add3A_1326 = arith.constant 384 : i32
    %add3A_1327 = vector.broadcast %add3A_1326 : i32 to vector<16xi32>
    %add3A_1328 = arith.addi %get3A_1325, %add3A_1327 : vector<16xi32>
    %swap3A_1329 = arith.constant 3 : i32
    %swap3A_1330 = arith.index_cast %swap3A_1329 : i32 to index
    %swap3A_1331 = arith.constant 80 : index
    %swap3A_1332 = tpu.vector_load %arg8[%swap3A_1330, %swap3A_1331] {strides = array<i32>} : memref<9x128xi32, #tpu.memory_space<vmem>>, vector<1x16xi32>,
    %swap3A_1333 = vector.shape_cast %swap3A_1332 : vector<1x16xi32> to vector<16xi32>
    %swap3A_1334 = vector.shape_cast %add3A_1328 : vector<16xi32> to vector<1x16xi32>
    tpu.vector_store %arg8[%swap3A_1330, %swap3A_1331], %swap3A_1334 {strides = array<i32>} : memref<9x128xi32, #tpu.memory_space<vmem>>, vector<1x16xi32>,
    %get3A_1335 = arith.constant 3 : i32
    %get3A_1336 = arith.index_cast %get3A_1335 : i32 to index
    %get3A_1337 = arith.constant 96 : index
    %get3A_1338 = tpu.vector_load %arg8[%get3A_1336, %get3A_1337] {strides = array<i32>} : memref<9x128xi32, #tpu.memory_space<vmem>>, vector<1x16xi32>,
    %get3A_1339 = vector.shape_cast %get3A_1338 : vector<1x16xi32> to vector<16xi32>
    %add3A_1340 = arith.constant 384 : i32
    %add3A_1341 = vector.broadcast %add3A_1340 : i32 to vector<16xi32>
    %add3A_1342 = arith.addi %get3A_1339, %add3A_1341 : vector<16xi32>
    %swap3A_1343 = arith.constant 3 : i32
    %swap3A_1344 = arith.index_cast %swap3A_1343 : i32 to index
    %swap3A_1345 = arith.constant 96 : index
    %swap3A_1346 = tpu.vector_load %arg8[%swap3A_1344, %swap3A_1345] {strides = array<i32>} : memref<9x128xi32, #tpu.memory_space<vmem>>, vector<1x16xi32>,
    %swap3A_1347 = vector.shape_cast %swap3A_1346 : vector<1x16xi32> to vector<16xi32>
    %swap3A_1348 = vector.shape_cast %add3A_1342 : vector<16xi32> to vector<1x16xi32>
    tpu.vector_store %arg8[%swap3A_1344, %swap3A_1345], %swap3A_1348 {strides = array<i32>} : memref<9x128xi32, #tpu.memory_space<vmem>>, vector<1x16xi32>,
    %get3A_1349 = arith.constant 3 : i32
    %get3A_1350 = arith.index_cast %get3A_1349 : i32 to index
    %get3A_1351 = arith.constant 112 : index
    %get3A_1352 = tpu.vector_load %arg8[%get3A_1350, %get3A_1351] {strides = array<i32>} : memref<9x128xi32, #tpu.memory_space<vmem>>, vector<1x16xi32>,
    %get3A_1353 = vector.shape_cast %get3A_1352 : vector<1x16xi32> to vector<16xi32>
    %add3A_1354 = arith.constant 384 : i32
    %add3A_1355 = vector.broadcast %add3A_1354 : i32 to vector<16xi32>
    %add3A_1356 = arith.addi %get3A_1353, %add3A_1355 : vector<16xi32>
    %swap3A_1357 = arith.constant 3 : i32
    %swap3A_1358 = arith.index_cast %swap3A_1357 : i32 to index
    %swap3A_1359 = arith.constant 112 : index
    %swap3A_1360 = tpu.vector_load %arg8[%swap3A_1358, %swap3A_1359] {strides = array<i32>} : memref<9x128xi32, #tpu.memory_space<vmem>>, vector<1x16xi32>,
    %swap3A_1361 = vector.shape_cast %swap3A_1360 : vector<1x16xi32> to vector<16xi32>
    %swap3A_1362 = vector.shape_cast %add3A_1356 : vector<16xi32> to vector<1x16xi32>
    tpu.vector_store %arg8[%swap3A_1358, %swap3A_1359], %swap3A_1362 {strides = array<i32>} : memref<9x128xi32, #tpu.memory_space<vmem>>, vector<1x16xi32>,
    %get3A_1363 = arith.constant 4 : i32
    %get3A_1364 = arith.index_cast %get3A_1363 : i32 to index
    %get3A_1365 = arith.constant 0 : index
    %get3A_1366 = tpu.vector_load %arg8[%get3A_1364, %get3A_1365] {strides = array<i32>} : memref<9x128xi32, #tpu.memory_space<vmem>>, vector<1x16xi32>,
    %get3A_1367 = vector.shape_cast %get3A_1366 : vector<1x16xi32> to vector<16xi32>
    %add3A_1368 = arith.constant 512 : i32
    %add3A_1369 = vector.broadcast %add3A_1368 : i32 to vector<16xi32>
    %add3A_1370 = arith.addi %get3A_1367, %add3A_1369 : vector<16xi32>
    %swap3A_1371 = arith.constant 4 : i32
    %swap3A_1372 = arith.index_cast %swap3A_1371 : i32 to index
    %swap3A_1373 = arith.constant 0 : index
    %swap3A_1374 = tpu.vector_load %arg8[%swap3A_1372, %swap3A_1373] {strides = array<i32>} : memref<9x128xi32, #tpu.memory_space<vmem>>, vector<1x16xi32>,
    %swap3A_1375 = vector.shape_cast %swap3A_1374 : vector<1x16xi32> to vector<16xi32>
    %swap3A_1376 = vector.shape_cast %add3A_1370 : vector<16xi32> to vector<1x16xi32>
    tpu.vector_store %arg8[%swap3A_1372, %swap3A_1373], %swap3A_1376 {strides = array<i32>} : memref<9x128xi32, #tpu.memory_space<vmem>>, vector<1x16xi32>,
    %get3A_1377 = arith.constant 4 : i32
    %get3A_1378 = arith.index_cast %get3A_1377 : i32 to index
    %get3A_1379 = arith.constant 16 : index
    %get3A_1380 = tpu.vector_load %arg8[%get3A_1378, %get3A_1379] {strides = array<i32>} : memref<9x128xi32, #tpu.memory_space<vmem>>, vector<1x16xi32>,
    %get3A_1381 = vector.shape_cast %get3A_1380 : vector<1x16xi32> to vector<16xi32>
    %add3A_1382 = arith.constant 512 : i32
    %add3A_1383 = vector.broadcast %add3A_1382 : i32 to vector<16xi32>
    %add3A_1384 = arith.addi %get3A_1381, %add3A_1383 : vector<16xi32>
    %swap3A_1385 = arith.constant 4 : i32
    %swap3A_1386 = arith.index_cast %swap3A_1385 : i32 to index
    %swap3A_1387 = arith.constant 16 : index
    %swap3A_1388 = tpu.vector_load %arg8[%swap3A_1386, %swap3A_1387] {strides = array<i32>} : memref<9x128xi32, #tpu.memory_space<vmem>>, vector<1x16xi32>,
    %swap3A_1389 = vector.shape_cast %swap3A_1388 : vector<1x16xi32> to vector<16xi32>
    %swap3A_1390 = vector.shape_cast %add3A_1384 : vector<16xi32> to vector<1x16xi32>
    tpu.vector_store %arg8[%swap3A_1386, %swap3A_1387], %swap3A_1390 {strides = array<i32>} : memref<9x128xi32, #tpu.memory_space<vmem>>, vector<1x16xi32>,
    %get3A_1391 = arith.constant 4 : i32
    %get3A_1392 = arith.index_cast %get3A_1391 : i32 to index
    %get3A_1393 = arith.constant 32 : index
    %get3A_1394 = tpu.vector_load %arg8[%get3A_1392, %get3A_1393] {strides = array<i32>} : memref<9x128xi32, #tpu.memory_space<vmem>>, vector<1x16xi32>,
    %get3A_1395 = vector.shape_cast %get3A_1394 : vector<1x16xi32> to vector<16xi32>
    %add3A_1396 = arith.constant 512 : i32
    %add3A_1397 = vector.broadcast %add3A_1396 : i32 to vector<16xi32>
    %add3A_1398 = arith.addi %get3A_1395, %add3A_1397 : vector<16xi32>
    %swap3A_1399 = arith.constant 4 : i32
    %swap3A_1400 = arith.index_cast %swap3A_1399 : i32 to index
    %swap3A_1401 = arith.constant 32 : index
    %swap3A_1402 = tpu.vector_load %arg8[%swap3A_1400, %swap3A_1401] {strides = array<i32>} : memref<9x128xi32, #tpu.memory_space<vmem>>, vector<1x16xi32>,
    %swap3A_1403 = vector.shape_cast %swap3A_1402 : vector<1x16xi32> to vector<16xi32>
    %swap3A_1404 = vector.shape_cast %add3A_1398 : vector<16xi32> to vector<1x16xi32>
    tpu.vector_store %arg8[%swap3A_1400, %swap3A_1401], %swap3A_1404 {strides = array<i32>} : memref<9x128xi32, #tpu.memory_space<vmem>>, vector<1x16xi32>,
    %get3A_1405 = arith.constant 4 : i32
    %get3A_1406 = arith.index_cast %get3A_1405 : i32 to index
    %get3A_1407 = arith.constant 48 : index
    %get3A_1408 = tpu.vector_load %arg8[%get3A_1406, %get3A_1407] {strides = array<i32>} : memref<9x128xi32, #tpu.memory_space<vmem>>, vector<1x16xi32>,
    %get3A_1409 = vector.shape_cast %get3A_1408 : vector<1x16xi32> to vector<16xi32>
    %add3A_1410 = arith.constant 512 : i32
    %add3A_1411 = vector.broadcast %add3A_1410 : i32 to vector<16xi32>
    %add3A_1412 = arith.addi %get3A_1409, %add3A_1411 : vector<16xi32>
    %swap3A_1413 = arith.constant 4 : i32
    %swap3A_1414 = arith.index_cast %swap3A_1413 : i32 to index
    %swap3A_1415 = arith.constant 48 : index
    %swap3A_1416 = tpu.vector_load %arg8[%swap3A_1414, %swap3A_1415] {strides = array<i32>} : memref<9x128xi32, #tpu.memory_space<vmem>>, vector<1x16xi32>,
    %swap3A_1417 = vector.shape_cast %swap3A_1416 : vector<1x16xi32> to vector<16xi32>
    %swap3A_1418 = vector.shape_cast %add3A_1412 : vector<16xi32> to vector<1x16xi32>
    tpu.vector_store %arg8[%swap3A_1414, %swap3A_1415], %swap3A_1418 {strides = array<i32>} : memref<9x128xi32, #tpu.memory_space<vmem>>, vector<1x16xi32>,
    %get3A_1419 = arith.constant 4 : i32
    %get3A_1420 = arith.index_cast %get3A_1419 : i32 to index
    %get3A_1421 = arith.constant 64 : index
    %get3A_1422 = tpu.vector_load %arg8[%get3A_1420, %get3A_1421] {strides = array<i32>} : memref<9x128xi32, #tpu.memory_space<vmem>>, vector<1x16xi32>,
    %get3A_1423 = vector.shape_cast %get3A_1422 : vector<1x16xi32> to vector<16xi32>
    %add3A_1424 = arith.constant 512 : i32
    %add3A_1425 = vector.broadcast %add3A_1424 : i32 to vector<16xi32>
    %add3A_1426 = arith.addi %get3A_1423, %add3A_1425 : vector<16xi32>
    %swap3A_1427 = arith.constant 4 : i32
    %swap3A_1428 = arith.index_cast %swap3A_1427 : i32 to index
    %swap3A_1429 = arith.constant 64 : index
    %swap3A_1430 = tpu.vector_load %arg8[%swap3A_1428, %swap3A_1429] {strides = array<i32>} : memref<9x128xi32, #tpu.memory_space<vmem>>, vector<1x16xi32>,
    %swap3A_1431 = vector.shape_cast %swap3A_1430 : vector<1x16xi32> to vector<16xi32>
    %swap3A_1432 = vector.shape_cast %add3A_1426 : vector<16xi32> to vector<1x16xi32>
    tpu.vector_store %arg8[%swap3A_1428, %swap3A_1429], %swap3A_1432 {strides = array<i32>} : memref<9x128xi32, #tpu.memory_space<vmem>>, vector<1x16xi32>,
    %get3A_1433 = arith.constant 4 : i32
    %get3A_1434 = arith.index_cast %get3A_1433 : i32 to index
    %get3A_1435 = arith.constant 80 : index
    %get3A_1436 = tpu.vector_load %arg8[%get3A_1434, %get3A_1435] {strides = array<i32>} : memref<9x128xi32, #tpu.memory_space<vmem>>, vector<1x16xi32>,
    %get3A_1437 = vector.shape_cast %get3A_1436 : vector<1x16xi32> to vector<16xi32>
    %add3A_1438 = arith.constant 512 : i32
    %add3A_1439 = vector.broadcast %add3A_1438 : i32 to vector<16xi32>
    %add3A_1440 = arith.addi %get3A_1437, %add3A_1439 : vector<16xi32>
    %swap3A_1441 = arith.constant 4 : i32
    %swap3A_1442 = arith.index_cast %swap3A_1441 : i32 to index
    %swap3A_1443 = arith.constant 80 : index
    %swap3A_1444 = tpu.vector_load %arg8[%swap3A_1442, %swap3A_1443] {strides = array<i32>} : memref<9x128xi32, #tpu.memory_space<vmem>>, vector<1x16xi32>,
    %swap3A_1445 = vector.shape_cast %swap3A_1444 : vector<1x16xi32> to vector<16xi32>
    %swap3A_1446 = vector.shape_cast %add3A_1440 : vector<16xi32> to vector<1x16xi32>
    tpu.vector_store %arg8[%swap3A_1442, %swap3A_1443], %swap3A_1446 {strides = array<i32>} : memref<9x128xi32, #tpu.memory_space<vmem>>, vector<1x16xi32>,
    %get3A_1447 = arith.constant 4 : i32
    %get3A_1448 = arith.index_cast %get3A_1447 : i32 to index
    %get3A_1449 = arith.constant 96 : index
    %get3A_1450 = tpu.vector_load %arg8[%get3A_1448, %get3A_1449] {strides = array<i32>} : memref<9x128xi32, #tpu.memory_space<vmem>>, vector<1x16xi32>,
    %get3A_1451 = vector.shape_cast %get3A_1450 : vector<1x16xi32> to vector<16xi32>
    %add3A_1452 = arith.constant 512 : i32
    %add3A_1453 = vector.broadcast %add3A_1452 : i32 to vector<16xi32>
    %add3A_1454 = arith.addi %get3A_1451, %add3A_1453 : vector<16xi32>
    %swap3A_1455 = arith.constant 4 : i32
    %swap3A_1456 = arith.index_cast %swap3A_1455 : i32 to index
    %swap3A_1457 = arith.constant 96 : index
    %swap3A_1458 = tpu.vector_load %arg8[%swap3A_1456, %swap3A_1457] {strides = array<i32>} : memref<9x128xi32, #tpu.memory_space<vmem>>, vector<1x16xi32>,
    %swap3A_1459 = vector.shape_cast %swap3A_1458 : vector<1x16xi32> to vector<16xi32>
    %swap3A_1460 = vector.shape_cast %add3A_1454 : vector<16xi32> to vector<1x16xi32>
    tpu.vector_store %arg8[%swap3A_1456, %swap3A_1457], %swap3A_1460 {strides = array<i32>} : memref<9x128xi32, #tpu.memory_space<vmem>>, vector<1x16xi32>,
    %get3A_1461 = arith.constant 4 : i32
    %get3A_1462 = arith.index_cast %get3A_1461 : i32 to index
    %get3A_1463 = arith.constant 112 : index
    %get3A_1464 = tpu.vector_load %arg8[%get3A_1462, %get3A_1463] {strides = array<i32>} : memref<9x128xi32, #tpu.memory_space<vmem>>, vector<1x16xi32>,
    %get3A_1465 = vector.shape_cast %get3A_1464 : vector<1x16xi32> to vector<16xi32>
    %add3A_1466 = arith.constant 512 : i32
    %add3A_1467 = vector.broadcast %add3A_1466 : i32 to vector<16xi32>
    %add3A_1468 = arith.addi %get3A_1465, %add3A_1467 : vector<16xi32>
    %swap3A_1469 = arith.constant 4 : i32
    %swap3A_1470 = arith.index_cast %swap3A_1469 : i32 to index
    %swap3A_1471 = arith.constant 112 : index
    %swap3A_1472 = tpu.vector_load %arg8[%swap3A_1470, %swap3A_1471] {strides = array<i32>} : memref<9x128xi32, #tpu.memory_space<vmem>>, vector<1x16xi32>,
    %swap3A_1473 = vector.shape_cast %swap3A_1472 : vector<1x16xi32> to vector<16xi32>
    %swap3A_1474 = vector.shape_cast %add3A_1468 : vector<16xi32> to vector<1x16xi32>
    tpu.vector_store %arg8[%swap3A_1470, %swap3A_1471], %swap3A_1474 {strides = array<i32>} : memref<9x128xi32, #tpu.memory_space<vmem>>, vector<1x16xi32>,
    %get3A_1475 = arith.constant 5 : i32
    %get3A_1476 = arith.index_cast %get3A_1475 : i32 to index
    %get3A_1477 = arith.constant 0 : index
    %get3A_1478 = tpu.vector_load %arg8[%get3A_1476, %get3A_1477] {strides = array<i32>} : memref<9x128xi32, #tpu.memory_space<vmem>>, vector<1x16xi32>,
    %get3A_1479 = vector.shape_cast %get3A_1478 : vector<1x16xi32> to vector<16xi32>
    %add3A_1480 = arith.constant 640 : i32
    %add3A_1481 = vector.broadcast %add3A_1480 : i32 to vector<16xi32>
    %add3A_1482 = arith.addi %get3A_1479, %add3A_1481 : vector<16xi32>
    %swap3A_1483 = arith.constant 5 : i32
    %swap3A_1484 = arith.index_cast %swap3A_1483 : i32 to index
    %swap3A_1485 = arith.constant 0 : index
    %swap3A_1486 = tpu.vector_load %arg8[%swap3A_1484, %swap3A_1485] {strides = array<i32>} : memref<9x128xi32, #tpu.memory_space<vmem>>, vector<1x16xi32>,
    %swap3A_1487 = vector.shape_cast %swap3A_1486 : vector<1x16xi32> to vector<16xi32>
    %swap3A_1488 = vector.shape_cast %add3A_1482 : vector<16xi32> to vector<1x16xi32>
    tpu.vector_store %arg8[%swap3A_1484, %swap3A_1485], %swap3A_1488 {strides = array<i32>} : memref<9x128xi32, #tpu.memory_space<vmem>>, vector<1x16xi32>,
    %get3A_1489 = arith.constant 5 : i32
    %get3A_1490 = arith.index_cast %get3A_1489 : i32 to index
    %get3A_1491 = arith.constant 16 : index
    %get3A_1492 = tpu.vector_load %arg8[%get3A_1490, %get3A_1491] {strides = array<i32>} : memref<9x128xi32, #tpu.memory_space<vmem>>, vector<1x16xi32>,
    %get3A_1493 = vector.shape_cast %get3A_1492 : vector<1x16xi32> to vector<16xi32>
    %add3A_1494 = arith.constant 640 : i32
    %add3A_1495 = vector.broadcast %add3A_1494 : i32 to vector<16xi32>
    %add3A_1496 = arith.addi %get3A_1493, %add3A_1495 : vector<16xi32>
    %swap3A_1497 = arith.constant 5 : i32
    %swap3A_1498 = arith.index_cast %swap3A_1497 : i32 to index
    %swap3A_1499 = arith.constant 16 : index
    %swap3A_1500 = tpu.vector_load %arg8[%swap3A_1498, %swap3A_1499] {strides = array<i32>} : memref<9x128xi32, #tpu.memory_space<vmem>>, vector<1x16xi32>,
    %swap3A_1501 = vector.shape_cast %swap3A_1500 : vector<1x16xi32> to vector<16xi32>
    %swap3A_1502 = vector.shape_cast %add3A_1496 : vector<16xi32> to vector<1x16xi32>
    tpu.vector_store %arg8[%swap3A_1498, %swap3A_1499], %swap3A_1502 {strides = array<i32>} : memref<9x128xi32, #tpu.memory_space<vmem>>, vector<1x16xi32>,
    %get3A_1503 = arith.constant 5 : i32
    %get3A_1504 = arith.index_cast %get3A_1503 : i32 to index
    %get3A_1505 = arith.constant 32 : index
    %get3A_1506 = tpu.vector_load %arg8[%get3A_1504, %get3A_1505] {strides = array<i32>} : memref<9x128xi32, #tpu.memory_space<vmem>>, vector<1x16xi32>,
    %get3A_1507 = vector.shape_cast %get3A_1506 : vector<1x16xi32> to vector<16xi32>
    %add3A_1508 = arith.constant 640 : i32
    %add3A_1509 = vector.broadcast %add3A_1508 : i32 to vector<16xi32>
    %add3A_1510 = arith.addi %get3A_1507, %add3A_1509 : vector<16xi32>
    %swap3A_1511 = arith.constant 5 : i32
    %swap3A_1512 = arith.index_cast %swap3A_1511 : i32 to index
    %swap3A_1513 = arith.constant 32 : index
    %swap3A_1514 = tpu.vector_load %arg8[%swap3A_1512, %swap3A_1513] {strides = array<i32>} : memref<9x128xi32, #tpu.memory_space<vmem>>, vector<1x16xi32>,
    %swap3A_1515 = vector.shape_cast %swap3A_1514 : vector<1x16xi32> to vector<16xi32>
    %swap3A_1516 = vector.shape_cast %add3A_1510 : vector<16xi32> to vector<1x16xi32>
    tpu.vector_store %arg8[%swap3A_1512, %swap3A_1513], %swap3A_1516 {strides = array<i32>} : memref<9x128xi32, #tpu.memory_space<vmem>>, vector<1x16xi32>,
    %get3A_1517 = arith.constant 5 : i32
    %get3A_1518 = arith.index_cast %get3A_1517 : i32 to index
    %get3A_1519 = arith.constant 48 : index
    %get3A_1520 = tpu.vector_load %arg8[%get3A_1518, %get3A_1519] {strides = array<i32>} : memref<9x128xi32, #tpu.memory_space<vmem>>, vector<1x16xi32>,
    %get3A_1521 = vector.shape_cast %get3A_1520 : vector<1x16xi32> to vector<16xi32>
    %add3A_1522 = arith.constant 640 : i32
    %add3A_1523 = vector.broadcast %add3A_1522 : i32 to vector<16xi32>
    %add3A_1524 = arith.addi %get3A_1521, %add3A_1523 : vector<16xi32>
    %swap3A_1525 = arith.constant 5 : i32
    %swap3A_1526 = arith.index_cast %swap3A_1525 : i32 to index
    %swap3A_1527 = arith.constant 48 : index
    %swap3A_1528 = tpu.vector_load %arg8[%swap3A_1526, %swap3A_1527] {strides = array<i32>} : memref<9x128xi32, #tpu.memory_space<vmem>>, vector<1x16xi32>,
    %swap3A_1529 = vector.shape_cast %swap3A_1528 : vector<1x16xi32> to vector<16xi32>
    %swap3A_1530 = vector.shape_cast %add3A_1524 : vector<16xi32> to vector<1x16xi32>
    tpu.vector_store %arg8[%swap3A_1526, %swap3A_1527], %swap3A_1530 {strides = array<i32>} : memref<9x128xi32, #tpu.memory_space<vmem>>, vector<1x16xi32>,
    %get3A_1531 = arith.constant 5 : i32
    %get3A_1532 = arith.index_cast %get3A_1531 : i32 to index
    %get3A_1533 = arith.constant 64 : index
    %get3A_1534 = tpu.vector_load %arg8[%get3A_1532, %get3A_1533] {strides = array<i32>} : memref<9x128xi32, #tpu.memory_space<vmem>>, vector<1x16xi32>,
    %get3A_1535 = vector.shape_cast %get3A_1534 : vector<1x16xi32> to vector<16xi32>
    %add3A_1536 = arith.constant 640 : i32
    %add3A_1537 = vector.broadcast %add3A_1536 : i32 to vector<16xi32>
    %add3A_1538 = arith.addi %get3A_1535, %add3A_1537 : vector<16xi32>
    %swap3A_1539 = arith.constant 5 : i32
    %swap3A_1540 = arith.index_cast %swap3A_1539 : i32 to index
    %swap3A_1541 = arith.constant 64 : index
    %swap3A_1542 = tpu.vector_load %arg8[%swap3A_1540, %swap3A_1541] {strides = array<i32>} : memref<9x128xi32, #tpu.memory_space<vmem>>, vector<1x16xi32>,
    %swap3A_1543 = vector.shape_cast %swap3A_1542 : vector<1x16xi32> to vector<16xi32>
    %swap3A_1544 = vector.shape_cast %add3A_1538 : vector<16xi32> to vector<1x16xi32>
    tpu.vector_store %arg8[%swap3A_1540, %swap3A_1541], %swap3A_1544 {strides = array<i32>} : memref<9x128xi32, #tpu.memory_space<vmem>>, vector<1x16xi32>,
    %get3A_1545 = arith.constant 5 : i32
    %get3A_1546 = arith.index_cast %get3A_1545 : i32 to index
    %get3A_1547 = arith.constant 80 : index
    %get3A_1548 = tpu.vector_load %arg8[%get3A_1546, %get3A_1547] {strides = array<i32>} : memref<9x128xi32, #tpu.memory_space<vmem>>, vector<1x16xi32>,
    %get3A_1549 = vector.shape_cast %get3A_1548 : vector<1x16xi32> to vector<16xi32>
    %add3A_1550 = arith.constant 640 : i32
    %add3A_1551 = vector.broadcast %add3A_1550 : i32 to vector<16xi32>
    %add3A_1552 = arith.addi %get3A_1549, %add3A_1551 : vector<16xi32>
    %swap3A_1553 = arith.constant 5 : i32
    %swap3A_1554 = arith.index_cast %swap3A_1553 : i32 to index
    %swap3A_1555 = arith.constant 80 : index
    %swap3A_1556 = tpu.vector_load %arg8[%swap3A_1554, %swap3A_1555] {strides = array<i32>} : memref<9x128xi32, #tpu.memory_space<vmem>>, vector<1x16xi32>,
    %swap3A_1557 = vector.shape_cast %swap3A_1556 : vector<1x16xi32> to vector<16xi32>
    %swap3A_1558 = vector.shape_cast %add3A_1552 : vector<16xi32> to vector<1x16xi32>
    tpu.vector_store %arg8[%swap3A_1554, %swap3A_1555], %swap3A_1558 {strides = array<i32>} : memref<9x128xi32, #tpu.memory_space<vmem>>, vector<1x16xi32>,
    %get3A_1559 = arith.constant 5 : i32
    %get3A_1560 = arith.index_cast %get3A_1559 : i32 to index
    %get3A_1561 = arith.constant 96 : index
    %get3A_1562 = tpu.vector_load %arg8[%get3A_1560, %get3A_1561] {strides = array<i32>} : memref<9x128xi32, #tpu.memory_space<vmem>>, vector<1x16xi32>,
    %get3A_1563 = vector.shape_cast %get3A_1562 : vector<1x16xi32> to vector<16xi32>
    %add3A_1564 = arith.constant 640 : i32
    %add3A_1565 = vector.broadcast %add3A_1564 : i32 to vector<16xi32>
    %add3A_1566 = arith.addi %get3A_1563, %add3A_1565 : vector<16xi32>
    %swap3A_1567 = arith.constant 5 : i32
    %swap3A_1568 = arith.index_cast %swap3A_1567 : i32 to index
    %swap3A_1569 = arith.constant 96 : index
    %swap3A_1570 = tpu.vector_load %arg8[%swap3A_1568, %swap3A_1569] {strides = array<i32>} : memref<9x128xi32, #tpu.memory_space<vmem>>, vector<1x16xi32>,
    %swap3A_1571 = vector.shape_cast %swap3A_1570 : vector<1x16xi32> to vector<16xi32>
    %swap3A_1572 = vector.shape_cast %add3A_1566 : vector<16xi32> to vector<1x16xi32>
    tpu.vector_store %arg8[%swap3A_1568, %swap3A_1569], %swap3A_1572 {strides = array<i32>} : memref<9x128xi32, #tpu.memory_space<vmem>>, vector<1x16xi32>,
    %get3A_1573 = arith.constant 5 : i32
    %get3A_1574 = arith.index_cast %get3A_1573 : i32 to index
    %get3A_1575 = arith.constant 112 : index
    %get3A_1576 = tpu.vector_load %arg8[%get3A_1574, %get3A_1575] {strides = array<i32>} : memref<9x128xi32, #tpu.memory_space<vmem>>, vector<1x16xi32>,
    %get3A_1577 = vector.shape_cast %get3A_1576 : vector<1x16xi32> to vector<16xi32>
    %add3A_1578 = arith.constant 640 : i32
    %add3A_1579 = vector.broadcast %add3A_1578 : i32 to vector<16xi32>
    %add3A_1580 = arith.addi %get3A_1577, %add3A_1579 : vector<16xi32>
    %swap3A_1581 = arith.constant 5 : i32
    %swap3A_1582 = arith.index_cast %swap3A_1581 : i32 to index
    %swap3A_1583 = arith.constant 112 : index
    %swap3A_1584 = tpu.vector_load %arg8[%swap3A_1582, %swap3A_1583] {strides = array<i32>} : memref<9x128xi32, #tpu.memory_space<vmem>>, vector<1x16xi32>,
    %swap3A_1585 = vector.shape_cast %swap3A_1584 : vector<1x16xi32> to vector<16xi32>
    %swap3A_1586 = vector.shape_cast %add3A_1580 : vector<16xi32> to vector<1x16xi32>
    tpu.vector_store %arg8[%swap3A_1582, %swap3A_1583], %swap3A_1586 {strides = array<i32>} : memref<9x128xi32, #tpu.memory_space<vmem>>, vector<1x16xi32>,
    %get3A_1587 = arith.constant 6 : i32
    %get3A_1588 = arith.index_cast %get3A_1587 : i32 to index
    %get3A_1589 = arith.constant 0 : index
    %get3A_1590 = tpu.vector_load %arg8[%get3A_1588, %get3A_1589] {strides = array<i32>} : memref<9x128xi32, #tpu.memory_space<vmem>>, vector<1x16xi32>,
    %get3A_1591 = vector.shape_cast %get3A_1590 : vector<1x16xi32> to vector<16xi32>
    %add3A_1592 = arith.constant 768 : i32
    %add3A_1593 = vector.broadcast %add3A_1592 : i32 to vector<16xi32>
    %add3A_1594 = arith.addi %get3A_1591, %add3A_1593 : vector<16xi32>
    %swap3A_1595 = arith.constant 6 : i32
    %swap3A_1596 = arith.index_cast %swap3A_1595 : i32 to index
    %swap3A_1597 = arith.constant 0 : index
    %swap3A_1598 = tpu.vector_load %arg8[%swap3A_1596, %swap3A_1597] {strides = array<i32>} : memref<9x128xi32, #tpu.memory_space<vmem>>, vector<1x16xi32>,
    %swap3A_1599 = vector.shape_cast %swap3A_1598 : vector<1x16xi32> to vector<16xi32>
    %swap3A_1600 = vector.shape_cast %add3A_1594 : vector<16xi32> to vector<1x16xi32>
    tpu.vector_store %arg8[%swap3A_1596, %swap3A_1597], %swap3A_1600 {strides = array<i32>} : memref<9x128xi32, #tpu.memory_space<vmem>>, vector<1x16xi32>,
    %get3A_1601 = arith.constant 6 : i32
    %get3A_1602 = arith.index_cast %get3A_1601 : i32 to index
    %get3A_1603 = arith.constant 16 : index
    %get3A_1604 = tpu.vector_load %arg8[%get3A_1602, %get3A_1603] {strides = array<i32>} : memref<9x128xi32, #tpu.memory_space<vmem>>, vector<1x16xi32>,
    %get3A_1605 = vector.shape_cast %get3A_1604 : vector<1x16xi32> to vector<16xi32>
    %add3A_1606 = arith.constant 768 : i32
    %add3A_1607 = vector.broadcast %add3A_1606 : i32 to vector<16xi32>
    %add3A_1608 = arith.addi %get3A_1605, %add3A_1607 : vector<16xi32>
    %swap3A_1609 = arith.constant 6 : i32
    %swap3A_1610 = arith.index_cast %swap3A_1609 : i32 to index
    %swap3A_1611 = arith.constant 16 : index
    %swap3A_1612 = tpu.vector_load %arg8[%swap3A_1610, %swap3A_1611] {strides = array<i32>} : memref<9x128xi32, #tpu.memory_space<vmem>>, vector<1x16xi32>,
    %swap3A_1613 = vector.shape_cast %swap3A_1612 : vector<1x16xi32> to vector<16xi32>
    %swap3A_1614 = vector.shape_cast %add3A_1608 : vector<16xi32> to vector<1x16xi32>
    tpu.vector_store %arg8[%swap3A_1610, %swap3A_1611], %swap3A_1614 {strides = array<i32>} : memref<9x128xi32, #tpu.memory_space<vmem>>, vector<1x16xi32>,
    %get3A_1615 = arith.constant 6 : i32
    %get3A_1616 = arith.index_cast %get3A_1615 : i32 to index
    %get3A_1617 = arith.constant 32 : index
    %get3A_1618 = tpu.vector_load %arg8[%get3A_1616, %get3A_1617] {strides = array<i32>} : memref<9x128xi32, #tpu.memory_space<vmem>>, vector<1x16xi32>,
    %get3A_1619 = vector.shape_cast %get3A_1618 : vector<1x16xi32> to vector<16xi32>
    %add3A_1620 = arith.constant 768 : i32
    %add3A_1621 = vector.broadcast %add3A_1620 : i32 to vector<16xi32>
    %add3A_1622 = arith.addi %get3A_1619, %add3A_1621 : vector<16xi32>
    %swap3A_1623 = arith.constant 6 : i32
    %swap3A_1624 = arith.index_cast %swap3A_1623 : i32 to index
    %swap3A_1625 = arith.constant 32 : index
    %swap3A_1626 = tpu.vector_load %arg8[%swap3A_1624, %swap3A_1625] {strides = array<i32>} : memref<9x128xi32, #tpu.memory_space<vmem>>, vector<1x16xi32>,
    %swap3A_1627 = vector.shape_cast %swap3A_1626 : vector<1x16xi32> to vector<16xi32>
    %swap3A_1628 = vector.shape_cast %add3A_1622 : vector<16xi32> to vector<1x16xi32>
    tpu.vector_store %arg8[%swap3A_1624, %swap3A_1625], %swap3A_1628 {strides = array<i32>} : memref<9x128xi32, #tpu.memory_space<vmem>>, vector<1x16xi32>,
    %get3A_1629 = arith.constant 6 : i32
    %get3A_1630 = arith.index_cast %get3A_1629 : i32 to index
    %get3A_1631 = arith.constant 48 : index
    %get3A_1632 = tpu.vector_load %arg8[%get3A_1630, %get3A_1631] {strides = array<i32>} : memref<9x128xi32, #tpu.memory_space<vmem>>, vector<1x16xi32>,
    %get3A_1633 = vector.shape_cast %get3A_1632 : vector<1x16xi32> to vector<16xi32>
    %add3A_1634 = arith.constant 768 : i32
    %add3A_1635 = vector.broadcast %add3A_1634 : i32 to vector<16xi32>
    %add3A_1636 = arith.addi %get3A_1633, %add3A_1635 : vector<16xi32>
    %swap3A_1637 = arith.constant 6 : i32
    %swap3A_1638 = arith.index_cast %swap3A_1637 : i32 to index
    %swap3A_1639 = arith.constant 48 : index
    %swap3A_1640 = tpu.vector_load %arg8[%swap3A_1638, %swap3A_1639] {strides = array<i32>} : memref<9x128xi32, #tpu.memory_space<vmem>>, vector<1x16xi32>,
    %swap3A_1641 = vector.shape_cast %swap3A_1640 : vector<1x16xi32> to vector<16xi32>
    %swap3A_1642 = vector.shape_cast %add3A_1636 : vector<16xi32> to vector<1x16xi32>
    tpu.vector_store %arg8[%swap3A_1638, %swap3A_1639], %swap3A_1642 {strides = array<i32>} : memref<9x128xi32, #tpu.memory_space<vmem>>, vector<1x16xi32>,
    %get3A_1643 = arith.constant 6 : i32
    %get3A_1644 = arith.index_cast %get3A_1643 : i32 to index
    %get3A_1645 = arith.constant 64 : index
    %get3A_1646 = tpu.vector_load %arg8[%get3A_1644, %get3A_1645] {strides = array<i32>} : memref<9x128xi32, #tpu.memory_space<vmem>>, vector<1x16xi32>,
    %get3A_1647 = vector.shape_cast %get3A_1646 : vector<1x16xi32> to vector<16xi32>
    %add3A_1648 = arith.constant 768 : i32
    %add3A_1649 = vector.broadcast %add3A_1648 : i32 to vector<16xi32>
    %add3A_1650 = arith.addi %get3A_1647, %add3A_1649 : vector<16xi32>
    %swap3A_1651 = arith.constant 6 : i32
    %swap3A_1652 = arith.index_cast %swap3A_1651 : i32 to index
    %swap3A_1653 = arith.constant 64 : index
    %swap3A_1654 = tpu.vector_load %arg8[%swap3A_1652, %swap3A_1653] {strides = array<i32>} : memref<9x128xi32, #tpu.memory_space<vmem>>, vector<1x16xi32>,
    %swap3A_1655 = vector.shape_cast %swap3A_1654 : vector<1x16xi32> to vector<16xi32>
    %swap3A_1656 = vector.shape_cast %add3A_1650 : vector<16xi32> to vector<1x16xi32>
    tpu.vector_store %arg8[%swap3A_1652, %swap3A_1653], %swap3A_1656 {strides = array<i32>} : memref<9x128xi32, #tpu.memory_space<vmem>>, vector<1x16xi32>,
    %get3A_1657 = arith.constant 6 : i32
    %get3A_1658 = arith.index_cast %get3A_1657 : i32 to index
    %get3A_1659 = arith.constant 80 : index
    %get3A_1660 = tpu.vector_load %arg8[%get3A_1658, %get3A_1659] {strides = array<i32>} : memref<9x128xi32, #tpu.memory_space<vmem>>, vector<1x16xi32>,
    %get3A_1661 = vector.shape_cast %get3A_1660 : vector<1x16xi32> to vector<16xi32>
    %add3A_1662 = arith.constant 768 : i32
    %add3A_1663 = vector.broadcast %add3A_1662 : i32 to vector<16xi32>
    %add3A_1664 = arith.addi %get3A_1661, %add3A_1663 : vector<16xi32>
    %swap3A_1665 = arith.constant 6 : i32
    %swap3A_1666 = arith.index_cast %swap3A_1665 : i32 to index
    %swap3A_1667 = arith.constant 80 : index
    %swap3A_1668 = tpu.vector_load %arg8[%swap3A_1666, %swap3A_1667] {strides = array<i32>} : memref<9x128xi32, #tpu.memory_space<vmem>>, vector<1x16xi32>,
    %swap3A_1669 = vector.shape_cast %swap3A_1668 : vector<1x16xi32> to vector<16xi32>
    %swap3A_1670 = vector.shape_cast %add3A_1664 : vector<16xi32> to vector<1x16xi32>
    tpu.vector_store %arg8[%swap3A_1666, %swap3A_1667], %swap3A_1670 {strides = array<i32>} : memref<9x128xi32, #tpu.memory_space<vmem>>, vector<1x16xi32>,
    %get3A_1671 = arith.constant 6 : i32
    %get3A_1672 = arith.index_cast %get3A_1671 : i32 to index
    %get3A_1673 = arith.constant 96 : index
    %get3A_1674 = tpu.vector_load %arg8[%get3A_1672, %get3A_1673] {strides = array<i32>} : memref<9x128xi32, #tpu.memory_space<vmem>>, vector<1x16xi32>,
    %get3A_1675 = vector.shape_cast %get3A_1674 : vector<1x16xi32> to vector<16xi32>
    %add3A_1676 = arith.constant 768 : i32
    %add3A_1677 = vector.broadcast %add3A_1676 : i32 to vector<16xi32>
    %add3A_1678 = arith.addi %get3A_1675, %add3A_1677 : vector<16xi32>
    %swap3A_1679 = arith.constant 6 : i32
    %swap3A_1680 = arith.index_cast %swap3A_1679 : i32 to index
    %swap3A_1681 = arith.constant 96 : index
    %swap3A_1682 = tpu.vector_load %arg8[%swap3A_1680, %swap3A_1681] {strides = array<i32>} : memref<9x128xi32, #tpu.memory_space<vmem>>, vector<1x16xi32>,
    %swap3A_1683 = vector.shape_cast %swap3A_1682 : vector<1x16xi32> to vector<16xi32>
    %swap3A_1684 = vector.shape_cast %add3A_1678 : vector<16xi32> to vector<1x16xi32>
    tpu.vector_store %arg8[%swap3A_1680, %swap3A_1681], %swap3A_1684 {strides = array<i32>} : memref<9x128xi32, #tpu.memory_space<vmem>>, vector<1x16xi32>,
    %get3A_1685 = arith.constant 6 : i32
    %get3A_1686 = arith.index_cast %get3A_1685 : i32 to index
    %get3A_1687 = arith.constant 112 : index
    %get3A_1688 = tpu.vector_load %arg8[%get3A_1686, %get3A_1687] {strides = array<i32>} : memref<9x128xi32, #tpu.memory_space<vmem>>, vector<1x16xi32>,
    %get3A_1689 = vector.shape_cast %get3A_1688 : vector<1x16xi32> to vector<16xi32>
    %add3A_1690 = arith.constant 768 : i32
    %add3A_1691 = vector.broadcast %add3A_1690 : i32 to vector<16xi32>
    %add3A_1692 = arith.addi %get3A_1689, %add3A_1691 : vector<16xi32>
    %swap3A_1693 = arith.constant 6 : i32
    %swap3A_1694 = arith.index_cast %swap3A_1693 : i32 to index
    %swap3A_1695 = arith.constant 112 : index
    %swap3A_1696 = tpu.vector_load %arg8[%swap3A_1694, %swap3A_1695] {strides = array<i32>} : memref<9x128xi32, #tpu.memory_space<vmem>>, vector<1x16xi32>,
    %swap3A_1697 = vector.shape_cast %swap3A_1696 : vector<1x16xi32> to vector<16xi32>
    %swap3A_1698 = vector.shape_cast %add3A_1692 : vector<16xi32> to vector<1x16xi32>
    tpu.vector_store %arg8[%swap3A_1694, %swap3A_1695], %swap3A_1698 {strides = array<i32>} : memref<9x128xi32, #tpu.memory_space<vmem>>, vector<1x16xi32>,
    %get3A_1699 = arith.constant 7 : i32
    %get3A_1700 = arith.index_cast %get3A_1699 : i32 to index
    %get3A_1701 = arith.constant 0 : index
    %get3A_1702 = tpu.vector_load %arg8[%get3A_1700, %get3A_1701] {strides = array<i32>} : memref<9x128xi32, #tpu.memory_space<vmem>>, vector<1x16xi32>,
    %get3A_1703 = vector.shape_cast %get3A_1702 : vector<1x16xi32> to vector<16xi32>
    %add3A_1704 = arith.constant 896 : i32
    %add3A_1705 = vector.broadcast %add3A_1704 : i32 to vector<16xi32>
    %add3A_1706 = arith.addi %get3A_1703, %add3A_1705 : vector<16xi32>
    %swap3A_1707 = arith.constant 7 : i32
    %swap3A_1708 = arith.index_cast %swap3A_1707 : i32 to index
    %swap3A_1709 = arith.constant 0 : index
    %swap3A_1710 = tpu.vector_load %arg8[%swap3A_1708, %swap3A_1709] {strides = array<i32>} : memref<9x128xi32, #tpu.memory_space<vmem>>, vector<1x16xi32>,
    %swap3A_1711 = vector.shape_cast %swap3A_1710 : vector<1x16xi32> to vector<16xi32>
    %swap3A_1712 = vector.shape_cast %add3A_1706 : vector<16xi32> to vector<1x16xi32>
    tpu.vector_store %arg8[%swap3A_1708, %swap3A_1709], %swap3A_1712 {strides = array<i32>} : memref<9x128xi32, #tpu.memory_space<vmem>>, vector<1x16xi32>,
    %get3A_1713 = arith.constant 7 : i32
    %get3A_1714 = arith.index_cast %get3A_1713 : i32 to index
    %get3A_1715 = arith.constant 16 : index
    %get3A_1716 = tpu.vector_load %arg8[%get3A_1714, %get3A_1715] {strides = array<i32>} : memref<9x128xi32, #tpu.memory_space<vmem>>, vector<1x16xi32>,
    %get3A_1717 = vector.shape_cast %get3A_1716 : vector<1x16xi32> to vector<16xi32>
    %add3A_1718 = arith.constant 896 : i32
    %add3A_1719 = vector.broadcast %add3A_1718 : i32 to vector<16xi32>
    %add3A_1720 = arith.addi %get3A_1717, %add3A_1719 : vector<16xi32>
    %swap3A_1721 = arith.constant 7 : i32
    %swap3A_1722 = arith.index_cast %swap3A_1721 : i32 to index
    %swap3A_1723 = arith.constant 16 : index
    %swap3A_1724 = tpu.vector_load %arg8[%swap3A_1722, %swap3A_1723] {strides = array<i32>} : memref<9x128xi32, #tpu.memory_space<vmem>>, vector<1x16xi32>,
    %swap3A_1725 = vector.shape_cast %swap3A_1724 : vector<1x16xi32> to vector<16xi32>
    %swap3A_1726 = vector.shape_cast %add3A_1720 : vector<16xi32> to vector<1x16xi32>
    tpu.vector_store %arg8[%swap3A_1722, %swap3A_1723], %swap3A_1726 {strides = array<i32>} : memref<9x128xi32, #tpu.memory_space<vmem>>, vector<1x16xi32>,
    %get3A_1727 = arith.constant 7 : i32
    %get3A_1728 = arith.index_cast %get3A_1727 : i32 to index
    %get3A_1729 = arith.constant 32 : index
    %get3A_1730 = tpu.vector_load %arg8[%get3A_1728, %get3A_1729] {strides = array<i32>} : memref<9x128xi32, #tpu.memory_space<vmem>>, vector<1x16xi32>,
    %get3A_1731 = vector.shape_cast %get3A_1730 : vector<1x16xi32> to vector<16xi32>
    %add3A_1732 = arith.constant 896 : i32
    %add3A_1733 = vector.broadcast %add3A_1732 : i32 to vector<16xi32>
    %add3A_1734 = arith.addi %get3A_1731, %add3A_1733 : vector<16xi32>
    %swap3A_1735 = arith.constant 7 : i32
    %swap3A_1736 = arith.index_cast %swap3A_1735 : i32 to index
    %swap3A_1737 = arith.constant 32 : index
    %swap3A_1738 = tpu.vector_load %arg8[%swap3A_1736, %swap3A_1737] {strides = array<i32>} : memref<9x128xi32, #tpu.memory_space<vmem>>, vector<1x16xi32>,
    %swap3A_1739 = vector.shape_cast %swap3A_1738 : vector<1x16xi32> to vector<16xi32>
    %swap3A_1740 = vector.shape_cast %add3A_1734 : vector<16xi32> to vector<1x16xi32>
    tpu.vector_store %arg8[%swap3A_1736, %swap3A_1737], %swap3A_1740 {strides = array<i32>} : memref<9x128xi32, #tpu.memory_space<vmem>>, vector<1x16xi32>,
    %get3A_1741 = arith.constant 7 : i32
    %get3A_1742 = arith.index_cast %get3A_1741 : i32 to index
    %get3A_1743 = arith.constant 48 : index
    %get3A_1744 = tpu.vector_load %arg8[%get3A_1742, %get3A_1743] {strides = array<i32>} : memref<9x128xi32, #tpu.memory_space<vmem>>, vector<1x16xi32>,
    %get3A_1745 = vector.shape_cast %get3A_1744 : vector<1x16xi32> to vector<16xi32>
    %add3A_1746 = arith.constant 896 : i32
    %add3A_1747 = vector.broadcast %add3A_1746 : i32 to vector<16xi32>
    %add3A_1748 = arith.addi %get3A_1745, %add3A_1747 : vector<16xi32>
    %swap3A_1749 = arith.constant 7 : i32
    %swap3A_1750 = arith.index_cast %swap3A_1749 : i32 to index
    %swap3A_1751 = arith.constant 48 : index
    %swap3A_1752 = tpu.vector_load %arg8[%swap3A_1750, %swap3A_1751] {strides = array<i32>} : memref<9x128xi32, #tpu.memory_space<vmem>>, vector<1x16xi32>,
    %swap3A_1753 = vector.shape_cast %swap3A_1752 : vector<1x16xi32> to vector<16xi32>
    %swap3A_1754 = vector.shape_cast %add3A_1748 : vector<16xi32> to vector<1x16xi32>
    tpu.vector_store %arg8[%swap3A_1750, %swap3A_1751], %swap3A_1754 {strides = array<i32>} : memref<9x128xi32, #tpu.memory_space<vmem>>, vector<1x16xi32>,
    %get3A_1755 = arith.constant 7 : i32
    %get3A_1756 = arith.index_cast %get3A_1755 : i32 to index
    %get3A_1757 = arith.constant 64 : index
    %get3A_1758 = tpu.vector_load %arg8[%get3A_1756, %get3A_1757] {strides = array<i32>} : memref<9x128xi32, #tpu.memory_space<vmem>>, vector<1x16xi32>,
    %get3A_1759 = vector.shape_cast %get3A_1758 : vector<1x16xi32> to vector<16xi32>
    %add3A_1760 = arith.constant 896 : i32
    %add3A_1761 = vector.broadcast %add3A_1760 : i32 to vector<16xi32>
    %add3A_1762 = arith.addi %get3A_1759, %add3A_1761 : vector<16xi32>
    %swap3A_1763 = arith.constant 7 : i32
    %swap3A_1764 = arith.index_cast %swap3A_1763 : i32 to index
    %swap3A_1765 = arith.constant 64 : index
    %swap3A_1766 = tpu.vector_load %arg8[%swap3A_1764, %swap3A_1765] {strides = array<i32>} : memref<9x128xi32, #tpu.memory_space<vmem>>, vector<1x16xi32>,
    %swap3A_1767 = vector.shape_cast %swap3A_1766 : vector<1x16xi32> to vector<16xi32>
    %swap3A_1768 = vector.shape_cast %add3A_1762 : vector<16xi32> to vector<1x16xi32>
    tpu.vector_store %arg8[%swap3A_1764, %swap3A_1765], %swap3A_1768 {strides = array<i32>} : memref<9x128xi32, #tpu.memory_space<vmem>>, vector<1x16xi32>,
    %get3A_1769 = arith.constant 7 : i32
    %get3A_1770 = arith.index_cast %get3A_1769 : i32 to index
    %get3A_1771 = arith.constant 80 : index
    %get3A_1772 = tpu.vector_load %arg8[%get3A_1770, %get3A_1771] {strides = array<i32>} : memref<9x128xi32, #tpu.memory_space<vmem>>, vector<1x16xi32>,
    %get3A_1773 = vector.shape_cast %get3A_1772 : vector<1x16xi32> to vector<16xi32>
    %add3A_1774 = arith.constant 896 : i32
    %add3A_1775 = vector.broadcast %add3A_1774 : i32 to vector<16xi32>
    %add3A_1776 = arith.addi %get3A_1773, %add3A_1775 : vector<16xi32>
    %swap3A_1777 = arith.constant 7 : i32
    %swap3A_1778 = arith.index_cast %swap3A_1777 : i32 to index
    %swap3A_1779 = arith.constant 80 : index
    %swap3A_1780 = tpu.vector_load %arg8[%swap3A_1778, %swap3A_1779] {strides = array<i32>} : memref<9x128xi32, #tpu.memory_space<vmem>>, vector<1x16xi32>,
    %swap3A_1781 = vector.shape_cast %swap3A_1780 : vector<1x16xi32> to vector<16xi32>
    %swap3A_1782 = vector.shape_cast %add3A_1776 : vector<16xi32> to vector<1x16xi32>
    tpu.vector_store %arg8[%swap3A_1778, %swap3A_1779], %swap3A_1782 {strides = array<i32>} : memref<9x128xi32, #tpu.memory_space<vmem>>, vector<1x16xi32>,
    %get3A_1783 = arith.constant 7 : i32
    %get3A_1784 = arith.index_cast %get3A_1783 : i32 to index
    %get3A_1785 = arith.constant 96 : index
    %get3A_1786 = tpu.vector_load %arg8[%get3A_1784, %get3A_1785] {strides = array<i32>} : memref<9x128xi32, #tpu.memory_space<vmem>>, vector<1x16xi32>,
    %get3A_1787 = vector.shape_cast %get3A_1786 : vector<1x16xi32> to vector<16xi32>
    %add3A_1788 = arith.constant 896 : i32
    %add3A_1789 = vector.broadcast %add3A_1788 : i32 to vector<16xi32>
    %add3A_1790 = arith.addi %get3A_1787, %add3A_1789 : vector<16xi32>
    %swap3A_1791 = arith.constant 7 : i32
    %swap3A_1792 = arith.index_cast %swap3A_1791 : i32 to index
    %swap3A_1793 = arith.constant 96 : index
    %swap3A_1794 = tpu.vector_load %arg8[%swap3A_1792, %swap3A_1793] {strides = array<i32>} : memref<9x128xi32, #tpu.memory_space<vmem>>, vector<1x16xi32>,
    %swap3A_1795 = vector.shape_cast %swap3A_1794 : vector<1x16xi32> to vector<16xi32>
    %swap3A_1796 = vector.shape_cast %add3A_1790 : vector<16xi32> to vector<1x16xi32>
    tpu.vector_store %arg8[%swap3A_1792, %swap3A_1793], %swap3A_1796 {strides = array<i32>} : memref<9x128xi32, #tpu.memory_space<vmem>>, vector<1x16xi32>,
    %get3A_1797 = arith.constant 7 : i32
    %get3A_1798 = arith.index_cast %get3A_1797 : i32 to index
    %get3A_1799 = arith.constant 112 : index
    %get3A_1800 = tpu.vector_load %arg8[%get3A_1798, %get3A_1799] {strides = array<i32>} : memref<9x128xi32, #tpu.memory_space<vmem>>, vector<1x16xi32>,
    %get3A_1801 = vector.shape_cast %get3A_1800 : vector<1x16xi32> to vector<16xi32>
    %add3A_1802 = arith.constant 896 : i32
    %add3A_1803 = vector.broadcast %add3A_1802 : i32 to vector<16xi32>
    %add3A_1804 = arith.addi %get3A_1801, %add3A_1803 : vector<16xi32>
    %swap3A_1805 = arith.constant 7 : i32
    %swap3A_1806 = arith.index_cast %swap3A_1805 : i32 to index
    %swap3A_1807 = arith.constant 112 : index
    %swap3A_1808 = tpu.vector_load %arg8[%swap3A_1806, %swap3A_1807] {strides = array<i32>} : memref<9x128xi32, #tpu.memory_space<vmem>>, vector<1x16xi32>,
    %swap3A_1809 = vector.shape_cast %swap3A_1808 : vector<1x16xi32> to vector<16xi32>
    %swap3A_1810 = vector.shape_cast %add3A_1804 : vector<16xi32> to vector<1x16xi32>
    tpu.vector_store %arg8[%swap3A_1806, %swap3A_1807], %swap3A_1810 {strides = array<i32>} : memref<9x128xi32, #tpu.memory_space<vmem>>, vector<1x16xi32>,
    %get3A_1811 = arith.constant 8 : i32
    %get3A_1812 = arith.index_cast %get3A_1811 : i32 to index
    %get3A_1813 = arith.constant 0 : index
    %get3A_1814 = tpu.vector_load %arg8[%get3A_1812, %get3A_1813] {strides = array<i32>} : memref<9x128xi32, #tpu.memory_space<vmem>>, vector<1x16xi32>,
    %get3A_1815 = vector.shape_cast %get3A_1814 : vector<1x16xi32> to vector<16xi32>
    %add3A_1816 = arith.constant 1024 : i32
    %add3A_1817 = vector.broadcast %add3A_1816 : i32 to vector<16xi32>
    %add3A_1818 = arith.addi %get3A_1815, %add3A_1817 : vector<16xi32>
    %swap3A_1819 = arith.constant 8 : i32
    %swap3A_1820 = arith.index_cast %swap3A_1819 : i32 to index
    %swap3A_1821 = arith.constant 0 : index
    %swap3A_1822 = tpu.vector_load %arg8[%swap3A_1820, %swap3A_1821] {strides = array<i32>} : memref<9x128xi32, #tpu.memory_space<vmem>>, vector<1x16xi32>,
    %swap3A_1823 = vector.shape_cast %swap3A_1822 : vector<1x16xi32> to vector<16xi32>
    %swap3A_1824 = vector.shape_cast %add3A_1818 : vector<16xi32> to vector<1x16xi32>
    tpu.vector_store %arg8[%swap3A_1820, %swap3A_1821], %swap3A_1824 {strides = array<i32>} : memref<9x128xi32, #tpu.memory_space<vmem>>, vector<1x16xi32>,
    %get3A_1825 = arith.constant 8 : i32
    %get3A_1826 = arith.index_cast %get3A_1825 : i32 to index
    %get3A_1827 = arith.constant 16 : index
    %get3A_1828 = tpu.vector_load %arg8[%get3A_1826, %get3A_1827] {strides = array<i32>} : memref<9x128xi32, #tpu.memory_space<vmem>>, vector<1x16xi32>,
    %get3A_1829 = vector.shape_cast %get3A_1828 : vector<1x16xi32> to vector<16xi32>
    %add3A_1830 = arith.constant 1024 : i32
    %add3A_1831 = vector.broadcast %add3A_1830 : i32 to vector<16xi32>
    %add3A_1832 = arith.addi %get3A_1829, %add3A_1831 : vector<16xi32>
    %swap3A_1833 = arith.constant 8 : i32
    %swap3A_1834 = arith.index_cast %swap3A_1833 : i32 to index
    %swap3A_1835 = arith.constant 16 : index
    %swap3A_1836 = tpu.vector_load %arg8[%swap3A_1834, %swap3A_1835] {strides = array<i32>} : memref<9x128xi32, #tpu.memory_space<vmem>>, vector<1x16xi32>,
    %swap3A_1837 = vector.shape_cast %swap3A_1836 : vector<1x16xi32> to vector<16xi32>
    %swap3A_1838 = vector.shape_cast %add3A_1832 : vector<16xi32> to vector<1x16xi32>
    tpu.vector_store %arg8[%swap3A_1834, %swap3A_1835], %swap3A_1838 {strides = array<i32>} : memref<9x128xi32, #tpu.memory_space<vmem>>, vector<1x16xi32>,
    %get3A_1839 = arith.constant 8 : i32
    %get3A_1840 = arith.index_cast %get3A_1839 : i32 to index
    %get3A_1841 = arith.constant 32 : index
    %get3A_1842 = tpu.vector_load %arg8[%get3A_1840, %get3A_1841] {strides = array<i32>} : memref<9x128xi32, #tpu.memory_space<vmem>>, vector<1x16xi32>,
    %get3A_1843 = vector.shape_cast %get3A_1842 : vector<1x16xi32> to vector<16xi32>
    %add3A_1844 = arith.constant 1024 : i32
    %add3A_1845 = vector.broadcast %add3A_1844 : i32 to vector<16xi32>
    %add3A_1846 = arith.addi %get3A_1843, %add3A_1845 : vector<16xi32>
    %swap3A_1847 = arith.constant 8 : i32
    %swap3A_1848 = arith.index_cast %swap3A_1847 : i32 to index
    %swap3A_1849 = arith.constant 32 : index
    %swap3A_1850 = tpu.vector_load %arg8[%swap3A_1848, %swap3A_1849] {strides = array<i32>} : memref<9x128xi32, #tpu.memory_space<vmem>>, vector<1x16xi32>,
    %swap3A_1851 = vector.shape_cast %swap3A_1850 : vector<1x16xi32> to vector<16xi32>
    %swap3A_1852 = vector.shape_cast %add3A_1846 : vector<16xi32> to vector<1x16xi32>
    tpu.vector_store %arg8[%swap3A_1848, %swap3A_1849], %swap3A_1852 {strides = array<i32>} : memref<9x128xi32, #tpu.memory_space<vmem>>, vector<1x16xi32>,
    %get3A_1853 = arith.constant 8 : i32
    %get3A_1854 = arith.index_cast %get3A_1853 : i32 to index
    %get3A_1855 = arith.constant 48 : index
    %get3A_1856 = tpu.vector_load %arg8[%get3A_1854, %get3A_1855] {strides = array<i32>} : memref<9x128xi32, #tpu.memory_space<vmem>>, vector<1x16xi32>,
    %get3A_1857 = vector.shape_cast %get3A_1856 : vector<1x16xi32> to vector<16xi32>
    %add3A_1858 = arith.constant 1024 : i32
    %add3A_1859 = vector.broadcast %add3A_1858 : i32 to vector<16xi32>
    %add3A_1860 = arith.addi %get3A_1857, %add3A_1859 : vector<16xi32>
    %swap3A_1861 = arith.constant 8 : i32
    %swap3A_1862 = arith.index_cast %swap3A_1861 : i32 to index
    %swap3A_1863 = arith.constant 48 : index
    %swap3A_1864 = tpu.vector_load %arg8[%swap3A_1862, %swap3A_1863] {strides = array<i32>} : memref<9x128xi32, #tpu.memory_space<vmem>>, vector<1x16xi32>,
    %swap3A_1865 = vector.shape_cast %swap3A_1864 : vector<1x16xi32> to vector<16xi32>
    %swap3A_1866 = vector.shape_cast %add3A_1860 : vector<16xi32> to vector<1x16xi32>
    tpu.vector_store %arg8[%swap3A_1862, %swap3A_1863], %swap3A_1866 {strides = array<i32>} : memref<9x128xi32, #tpu.memory_space<vmem>>, vector<1x16xi32>,
    %get3A_1867 = arith.constant 8 : i32
    %get3A_1868 = arith.index_cast %get3A_1867 : i32 to index
    %get3A_1869 = arith.constant 64 : index
    %get3A_1870 = tpu.vector_load %arg8[%get3A_1868, %get3A_1869] {strides = array<i32>} : memref<9x128xi32, #tpu.memory_space<vmem>>, vector<1x16xi32>,
    %get3A_1871 = vector.shape_cast %get3A_1870 : vector<1x16xi32> to vector<16xi32>
    %add3A_1872 = arith.constant 1024 : i32
    %add3A_1873 = vector.broadcast %add3A_1872 : i32 to vector<16xi32>
    %add3A_1874 = arith.addi %get3A_1871, %add3A_1873 : vector<16xi32>
    %swap3A_1875 = arith.constant 8 : i32
    %swap3A_1876 = arith.index_cast %swap3A_1875 : i32 to index
    %swap3A_1877 = arith.constant 64 : index
    %swap3A_1878 = tpu.vector_load %arg8[%swap3A_1876, %swap3A_1877] {strides = array<i32>} : memref<9x128xi32, #tpu.memory_space<vmem>>, vector<1x16xi32>,
    %swap3A_1879 = vector.shape_cast %swap3A_1878 : vector<1x16xi32> to vector<16xi32>
    %swap3A_1880 = vector.shape_cast %add3A_1874 : vector<16xi32> to vector<1x16xi32>
    tpu.vector_store %arg8[%swap3A_1876, %swap3A_1877], %swap3A_1880 {strides = array<i32>} : memref<9x128xi32, #tpu.memory_space<vmem>>, vector<1x16xi32>,
    %get3A_1881 = arith.constant 8 : i32
    %get3A_1882 = arith.index_cast %get3A_1881 : i32 to index
    %get3A_1883 = arith.constant 80 : index
    %get3A_1884 = tpu.vector_load %arg8[%get3A_1882, %get3A_1883] {strides = array<i32>} : memref<9x128xi32, #tpu.memory_space<vmem>>, vector<1x16xi32>,
    %get3A_1885 = vector.shape_cast %get3A_1884 : vector<1x16xi32> to vector<16xi32>
    %add3A_1886 = arith.constant 1024 : i32
    %add3A_1887 = vector.broadcast %add3A_1886 : i32 to vector<16xi32>
    %add3A_1888 = arith.addi %get3A_1885, %add3A_1887 : vector<16xi32>
    %swap3A_1889 = arith.constant 8 : i32
    %swap3A_1890 = arith.index_cast %swap3A_1889 : i32 to index
    %swap3A_1891 = arith.constant 80 : index
    %swap3A_1892 = tpu.vector_load %arg8[%swap3A_1890, %swap3A_1891] {strides = array<i32>} : memref<9x128xi32, #tpu.memory_space<vmem>>, vector<1x16xi32>,
    %swap3A_1893 = vector.shape_cast %swap3A_1892 : vector<1x16xi32> to vector<16xi32>
    %swap3A_1894 = vector.shape_cast %add3A_1888 : vector<16xi32> to vector<1x16xi32>
    tpu.vector_store %arg8[%swap3A_1890, %swap3A_1891], %swap3A_1894 {strides = array<i32>} : memref<9x128xi32, #tpu.memory_space<vmem>>, vector<1x16xi32>,
    %get3A_1895 = arith.constant 8 : i32
    %get3A_1896 = arith.index_cast %get3A_1895 : i32 to index
    %get3A_1897 = arith.constant 96 : index
    %get3A_1898 = tpu.vector_load %arg8[%get3A_1896, %get3A_1897] {strides = array<i32>} : memref<9x128xi32, #tpu.memory_space<vmem>>, vector<1x16xi32>,
    %get3A_1899 = vector.shape_cast %get3A_1898 : vector<1x16xi32> to vector<16xi32>
    %add3A_1900 = arith.constant 1024 : i32
    %add3A_1901 = vector.broadcast %add3A_1900 : i32 to vector<16xi32>
    %add3A_1902 = arith.addi %get3A_1899, %add3A_1901 : vector<16xi32>
    %swap3A_1903 = arith.constant 8 : i32
    %swap3A_1904 = arith.index_cast %swap3A_1903 : i32 to index
    %swap3A_1905 = arith.constant 96 : index
    %swap3A_1906 = tpu.vector_load %arg8[%swap3A_1904, %swap3A_1905] {strides = array<i32>} : memref<9x128xi32, #tpu.memory_space<vmem>>, vector<1x16xi32>,
    %swap3A_1907 = vector.shape_cast %swap3A_1906 : vector<1x16xi32> to vector<16xi32>
    %swap3A_1908 = vector.shape_cast %add3A_1902 : vector<16xi32> to vector<1x16xi32>
    tpu.vector_store %arg8[%swap3A_1904, %swap3A_1905], %swap3A_1908 {strides = array<i32>} : memref<9x128xi32, #tpu.memory_space<vmem>>, vector<1x16xi32>,
    %get3A_1909 = arith.constant 8 : i32
    %get3A_1910 = arith.index_cast %get3A_1909 : i32 to index
    %get3A_1911 = arith.constant 112 : index
    %get3A_1912 = tpu.vector_load %arg8[%get3A_1910, %get3A_1911] {strides = array<i32>} : memref<9x128xi32, #tpu.memory_space<vmem>>, vector<1x16xi32>,
    %get3A_1913 = vector.shape_cast %get3A_1912 : vector<1x16xi32> to vector<16xi32>
    %add3A_1914 = arith.constant 1024 : i32
    %add3A_1915 = vector.broadcast %add3A_1914 : i32 to vector<16xi32>
    %add3A_1916 = arith.addi %get3A_1913, %add3A_1915 : vector<16xi32>
    %swap3A_1917 = arith.constant 8 : i32
    %swap3A_1918 = arith.index_cast %swap3A_1917 : i32 to index
    %swap3A_1919 = arith.constant 112 : index
    %swap3A_1920 = tpu.vector_load %arg8[%swap3A_1918, %swap3A_1919] {strides = array<i32>} : memref<9x128xi32, #tpu.memory_space<vmem>>, vector<1x16xi32>,
    %swap3A_1921 = vector.shape_cast %swap3A_1920 : vector<1x16xi32> to vector<16xi32>
    %swap3A_1922 = vector.shape_cast %add3A_1916 : vector<16xi32> to vector<1x16xi32>
    tpu.vector_store %arg8[%swap3A_1918, %swap3A_1919], %swap3A_1922 {strides = array<i32>} : memref<9x128xi32, #tpu.memory_space<vmem>>, vector<1x16xi32>,
    %scan3A_1923 = arith.constant 0 : i32
    %scan3A_1924 = arith.constant 128 : i32
    %scan3A_1925 = arith.addi %scan3A_1923, %scan3A_1924 : i32
    %scan3A_1926 = arith.constant 1 : i32
    scf.for %scan3A_2165 = %scan3A_1923 to %scan3A_1925 step %scan3A_1926  : i32 {
      %mul3A_2166 = arith.constant 1 : i32
      %mul3A_2167 = arith.muli %scan3A_2165, %mul3A_2166 : i32
      %add3A_2168 = arith.constant 0 : i32
      %add3A_2169 = arith.addi %add3A_2168, %mul3A_2167 : i32
      %broadcast_in_dim3A_2170 = arith.constant 0.000000e+00 : f32
      %broadcast_in_dim3A_2171 = vector.broadcast %broadcast_in_dim3A_2170 : f32 to vector<16xf32>
      %swap3A_2172 = arith.index_cast %add3A_2169 : i32 to index
      %swap3A_2173 = arith.constant 0 : index
      %swap3A_2174 = tpu.vector_load %arg10[%swap3A_2172, %swap3A_2173] {strides = array<i32>} : memref<128x128xf32, #tpu.memory_space<vmem>>, vector<1x16xf32>,
      %swap3A_2175 = vector.shape_cast %swap3A_2174 : vector<1x16xf32> to vector<16xf32>
      %swap3A_2176 = vector.shape_cast %broadcast_in_dim3A_2171 : vector<16xf32> to vector<1x16xf32>
      tpu.vector_store %arg10[%swap3A_2172, %swap3A_2173], %swap3A_2176 {strides = array<i32>} : memref<128x128xf32, #tpu.memory_space<vmem>>, vector<1x16xf32>,
      %broadcast_in_dim3A_2177 = arith.constant 0.000000e+00 : f32
      %broadcast_in_dim3A_2178 = vector.broadcast %broadcast_in_dim3A_2177 : f32 to vector<16xf32>
      %swap3A_2179 = arith.index_cast %add3A_2169 : i32 to index
      %swap3A_2180 = arith.constant 16 : index
      %swap3A_2181 = tpu.vector_load %arg10[%swap3A_2179, %swap3A_2180] {strides = array<i32>} : memref<128x128xf32, #tpu.memory_space<vmem>>, vector<1x16xf32>,
      %swap3A_2182 = vector.shape_cast %swap3A_2181 : vector<1x16xf32> to vector<16xf32>
      %swap3A_2183 = vector.shape_cast %broadcast_in_dim3A_2178 : vector<16xf32> to vector<1x16xf32>
      tpu.vector_store %arg10[%swap3A_2179, %swap3A_2180], %swap3A_2183 {strides = array<i32>} : memref<128x128xf32, #tpu.memory_space<vmem>>, vector<1x16xf32>,
      %broadcast_in_dim3A_2184 = arith.constant 0.000000e+00 : f32
      %broadcast_in_dim3A_2185 = vector.broadcast %broadcast_in_dim3A_2184 : f32 to vector<16xf32>
      %swap3A_2186 = arith.index_cast %add3A_2169 : i32 to index
      %swap3A_2187 = arith.constant 32 : index
      %swap3A_2188 = tpu.vector_load %arg10[%swap3A_2186, %swap3A_2187] {strides = array<i32>} : memref<128x128xf32, #tpu.memory_space<vmem>>, vector<1x16xf32>,
      %swap3A_2189 = vector.shape_cast %swap3A_2188 : vector<1x16xf32> to vector<16xf32>
      %swap3A_2190 = vector.shape_cast %broadcast_in_dim3A_2185 : vector<16xf32> to vector<1x16xf32>
      tpu.vector_store %arg10[%swap3A_2186, %swap3A_2187], %swap3A_2190 {strides = array<i32>} : memref<128x128xf32, #tpu.memory_space<vmem>>, vector<1x16xf32>,
      %broadcast_in_dim3A_2191 = arith.constant 0.000000e+00 : f32
      %broadcast_in_dim3A_2192 = vector.broadcast %broadcast_in_dim3A_2191 : f32 to vector<16xf32>
      %swap3A_2193 = arith.index_cast %add3A_2169 : i32 to index
      %swap3A_2194 = arith.constant 48 : index
      %swap3A_2195 = tpu.vector_load %arg10[%swap3A_2193, %swap3A_2194] {strides = array<i32>} : memref<128x128xf32, #tpu.memory_space<vmem>>, vector<1x16xf32>,
      %swap3A_2196 = vector.shape_cast %swap3A_2195 : vector<1x16xf32> to vector<16xf32>
      %swap3A_2197 = vector.shape_cast %broadcast_in_dim3A_2192 : vector<16xf32> to vector<1x16xf32>
      tpu.vector_store %arg10[%swap3A_2193, %swap3A_2194], %swap3A_2197 {strides = array<i32>} : memref<128x128xf32, #tpu.memory_space<vmem>>, vector<1x16xf32>,
      %broadcast_in_dim3A_2198 = arith.constant 0.000000e+00 : f32
      %broadcast_in_dim3A_2199 = vector.broadcast %broadcast_in_dim3A_2198 : f32 to vector<16xf32>
      %swap3A_2200 = arith.index_cast %add3A_2169 : i32 to index
      %swap3A_2201 = arith.constant 64 : index
      %swap3A_2202 = tpu.vector_load %arg10[%swap3A_2200, %swap3A_2201] {strides = array<i32>} : memref<128x128xf32, #tpu.memory_space<vmem>>, vector<1x16xf32>,
      %swap3A_2203 = vector.shape_cast %swap3A_2202 : vector<1x16xf32> to vector<16xf32>
      %swap3A_2204 = vector.shape_cast %broadcast_in_dim3A_2199 : vector<16xf32> to vector<1x16xf32>
      tpu.vector_store %arg10[%swap3A_2200, %swap3A_2201], %swap3A_2204 {strides = array<i32>} : memref<128x128xf32, #tpu.memory_space<vmem>>, vector<1x16xf32>,
      %broadcast_in_dim3A_2205 = arith.constant 0.000000e+00 : f32
      %broadcast_in_dim3A_2206 = vector.broadcast %broadcast_in_dim3A_2205 : f32 to vector<16xf32>
      %swap3A_2207 = arith.index_cast %add3A_2169 : i32 to index
      %swap3A_2208 = arith.constant 80 : index
      %swap3A_2209 = tpu.vector_load %arg10[%swap3A_2207, %swap3A_2208] {strides = array<i32>} : memref<128x128xf32, #tpu.memory_space<vmem>>, vector<1x16xf32>,
      %swap3A_2210 = vector.shape_cast %swap3A_2209 : vector<1x16xf32> to vector<16xf32>
      %swap3A_2211 = vector.shape_cast %broadcast_in_dim3A_2206 : vector<16xf32> to vector<1x16xf32>
      tpu.vector_store %arg10[%swap3A_2207, %swap3A_2208], %swap3A_2211 {strides = array<i32>} : memref<128x128xf32, #tpu.memory_space<vmem>>, vector<1x16xf32>,
      %broadcast_in_dim3A_2212 = arith.constant 0.000000e+00 : f32
      %broadcast_in_dim3A_2213 = vector.broadcast %broadcast_in_dim3A_2212 : f32 to vector<16xf32>
      %swap3A_2214 = arith.index_cast %add3A_2169 : i32 to index
      %swap3A_2215 = arith.constant 96 : index
      %swap3A_2216 = tpu.vector_load %arg10[%swap3A_2214, %swap3A_2215] {strides = array<i32>} : memref<128x128xf32, #tpu.memory_space<vmem>>, vector<1x16xf32>,
      %swap3A_2217 = vector.shape_cast %swap3A_2216 : vector<1x16xf32> to vector<16xf32>
      %swap3A_2218 = vector.shape_cast %broadcast_in_dim3A_2213 : vector<16xf32> to vector<1x16xf32>
      tpu.vector_store %arg10[%swap3A_2214, %swap3A_2215], %swap3A_2218 {strides = array<i32>} : memref<128x128xf32, #tpu.memory_space<vmem>>, vector<1x16xf32>,
      %broadcast_in_dim3A_2219 = arith.constant 0.000000e+00 : f32
      %broadcast_in_dim3A_2220 = vector.broadcast %broadcast_in_dim3A_2219 : f32 to vector<16xf32>
      %swap3A_2221 = arith.index_cast %add3A_2169 : i32 to index
      %swap3A_2222 = arith.constant 112 : index
      %swap3A_2223 = tpu.vector_load %arg10[%swap3A_2221, %swap3A_2222] {strides = array<i32>} : memref<128x128xf32, #tpu.memory_space<vmem>>, vector<1x16xf32>,
      %swap3A_2224 = vector.shape_cast %swap3A_2223 : vector<1x16xf32> to vector<16xf32>
      %swap3A_2225 = vector.shape_cast %broadcast_in_dim3A_2220 : vector<16xf32> to vector<1x16xf32>
      tpu.vector_store %arg10[%swap3A_2221, %swap3A_2222], %swap3A_2225 {strides = array<i32>} : memref<128x128xf32, #tpu.memory_space<vmem>>, vector<1x16xf32>,
    }
    %scan3A_1927 = arith.constant 128 : i32
    %dma_start3A_1928 = arith.constant 0 : i32
    %dma_start3A_1929 = arith.constant 0 : i32
    %dma_start3A_1930 = tpu.memref_slice %arg8[%dma_start3A_1928, %dma_start3A_1929] : memref<9x128xi32, #tpu.memory_space<vmem>> -> memref<1x128xi32, #tpu.memory_space<vmem>>
    %dma_start3A_1931 = tpu.memref_squeeze %dma_start3A_1930 : memref<1x128xi32, #tpu.memory_space<vmem>> -> memref<128xi32, #tpu.memory_space<vmem>>
    %dma_start3A_1932 = arith.constant 0 : i32
    %dma_start3A_1933 = arith.constant 0 : i32
    %dma_start3A_1934 = tpu.memref_slice %arg15[%dma_start3A_1932, %dma_start3A_1933] : memref<1152x128xf32, #tpu.memory_space<vmem_shared>> -> memref<1152x128xf32, #tpu.memory_space<vmem_shared>>
    tpu.enqueue_indirect_dma source(%dma_start3A_1934 : memref<1152x128xf32, #tpu.memory_space<vmem_shared>>) target(%arg10 : memref<128x128xf32, #tpu.memory_space<vmem>>) offsets(%dma_start3A_1931 : memref<128xi32, #tpu.memory_space<vmem>>) semaphore(%arg17 : memref<!tpu.dma_semaphore, #tpu.memory_space<semaphore_mem>>) {add = true}
    %dma_start3A_1935 = arith.constant 1 : i32
    %dma_start3A_1936 = arith.constant 0 : i32
    %dma_start3A_1937 = tpu.memref_slice %arg8[%dma_start3A_1935, %dma_start3A_1936] : memref<9x128xi32, #tpu.memory_space<vmem>> -> memref<1x128xi32, #tpu.memory_space<vmem>>
    %dma_start3A_1938 = tpu.memref_squeeze %dma_start3A_1937 : memref<1x128xi32, #tpu.memory_space<vmem>> -> memref<128xi32, #tpu.memory_space<vmem>>
    %dma_start3A_1939 = arith.constant 0 : i32
    %dma_start3A_1940 = arith.constant 0 : i32
    %dma_start3A_1941 = tpu.memref_slice %arg15[%dma_start3A_1939, %dma_start3A_1940] : memref<1152x128xf32, #tpu.memory_space<vmem_shared>> -> memref<1152x128xf32, #tpu.memory_space<vmem_shared>>
    tpu.enqueue_indirect_dma source(%dma_start3A_1941 : memref<1152x128xf32, #tpu.memory_space<vmem_shared>>) target(%arg10 : memref<128x128xf32, #tpu.memory_space<vmem>>) offsets(%dma_start3A_1938 : memref<128xi32, #tpu.memory_space<vmem>>) semaphore(%arg17 : memref<!tpu.dma_semaphore, #tpu.memory_space<semaphore_mem>>) {add = true}
    %dma_start3A_1942 = arith.constant 2 : i32
    %dma_start3A_1943 = arith.constant 0 : i32
    %dma_start3A_1944 = tpu.memref_slice %arg8[%dma_start3A_1942, %dma_start3A_1943] : memref<9x128xi32, #tpu.memory_space<vmem>> -> memref<1x128xi32, #tpu.memory_space<vmem>>
    %dma_start3A_1945 = tpu.memref_squeeze %dma_start3A_1944 : memref<1x128xi32, #tpu.memory_space<vmem>> -> memref<128xi32, #tpu.memory_space<vmem>>
    %dma_start3A_1946 = arith.constant 0 : i32
    %dma_start3A_1947 = arith.constant 0 : i32
    %dma_start3A_1948 = tpu.memref_slice %arg15[%dma_start3A_1946, %dma_start3A_1947] : memref<1152x128xf32, #tpu.memory_space<vmem_shared>> -> memref<1152x128xf32, #tpu.memory_space<vmem_shared>>
    tpu.enqueue_indirect_dma source(%dma_start3A_1948 : memref<1152x128xf32, #tpu.memory_space<vmem_shared>>) target(%arg10 : memref<128x128xf32, #tpu.memory_space<vmem>>) offsets(%dma_start3A_1945 : memref<128xi32, #tpu.memory_space<vmem>>) semaphore(%arg17 : memref<!tpu.dma_semaphore, #tpu.memory_space<semaphore_mem>>) {add = true}
    %dma_start3A_1949 = arith.constant 3 : i32
    %dma_start3A_1950 = arith.constant 0 : i32
    %dma_start3A_1951 = tpu.memref_slice %arg8[%dma_start3A_1949, %dma_start3A_1950] : memref<9x128xi32, #tpu.memory_space<vmem>> -> memref<1x128xi32, #tpu.memory_space<vmem>>
    %dma_start3A_1952 = tpu.memref_squeeze %dma_start3A_1951 : memref<1x128xi32, #tpu.memory_space<vmem>> -> memref<128xi32, #tpu.memory_space<vmem>>
    %dma_start3A_1953 = arith.constant 0 : i32
    %dma_start3A_1954 = arith.constant 0 : i32
    %dma_start3A_1955 = tpu.memref_slice %arg15[%dma_start3A_1953, %dma_start3A_1954] : memref<1152x128xf32, #tpu.memory_space<vmem_shared>> -> memref<1152x128xf32, #tpu.memory_space<vmem_shared>>
    tpu.enqueue_indirect_dma source(%dma_start3A_1955 : memref<1152x128xf32, #tpu.memory_space<vmem_shared>>) target(%arg10 : memref<128x128xf32, #tpu.memory_space<vmem>>) offsets(%dma_start3A_1952 : memref<128xi32, #tpu.memory_space<vmem>>) semaphore(%arg17 : memref<!tpu.dma_semaphore, #tpu.memory_space<semaphore_mem>>) {add = true}
    %dma_start3A_1956 = arith.constant 4 : i32
    %dma_start3A_1957 = arith.constant 0 : i32
    %dma_start3A_1958 = tpu.memref_slice %arg8[%dma_start3A_1956, %dma_start3A_1957] : memref<9x128xi32, #tpu.memory_space<vmem>> -> memref<1x128xi32, #tpu.memory_space<vmem>>
    %dma_start3A_1959 = tpu.memref_squeeze %dma_start3A_1958 : memref<1x128xi32, #tpu.memory_space<vmem>> -> memref<128xi32, #tpu.memory_space<vmem>>
    %dma_start3A_1960 = arith.constant 0 : i32
    %dma_start3A_1961 = arith.constant 0 : i32
    %dma_start3A_1962 = tpu.memref_slice %arg15[%dma_start3A_1960, %dma_start3A_1961] : memref<1152x128xf32, #tpu.memory_space<vmem_shared>> -> memref<1152x128xf32, #tpu.memory_space<vmem_shared>>
    tpu.enqueue_indirect_dma source(%dma_start3A_1962 : memref<1152x128xf32, #tpu.memory_space<vmem_shared>>) target(%arg10 : memref<128x128xf32, #tpu.memory_space<vmem>>) offsets(%dma_start3A_1959 : memref<128xi32, #tpu.memory_space<vmem>>) semaphore(%arg17 : memref<!tpu.dma_semaphore, #tpu.memory_space<semaphore_mem>>) {add = true}
    %dma_start3A_1963 = arith.constant 5 : i32
    %dma_start3A_1964 = arith.constant 0 : i32
    %dma_start3A_1965 = tpu.memref_slice %arg8[%dma_start3A_1963, %dma_start3A_1964] : memref<9x128xi32, #tpu.memory_space<vmem>> -> memref<1x128xi32, #tpu.memory_space<vmem>>
    %dma_start3A_1966 = tpu.memref_squeeze %dma_start3A_1965 : memref<1x128xi32, #tpu.memory_space<vmem>> -> memref<128xi32, #tpu.memory_space<vmem>>
    %dma_start3A_1967 = arith.constant 0 : i32
    %dma_start3A_1968 = arith.constant 0 : i32
    %dma_start3A_1969 = tpu.memref_slice %arg15[%dma_start3A_1967, %dma_start3A_1968] : memref<1152x128xf32, #tpu.memory_space<vmem_shared>> -> memref<1152x128xf32, #tpu.memory_space<vmem_shared>>
    tpu.enqueue_indirect_dma source(%dma_start3A_1969 : memref<1152x128xf32, #tpu.memory_space<vmem_shared>>) target(%arg10 : memref<128x128xf32, #tpu.memory_space<vmem>>) offsets(%dma_start3A_1966 : memref<128xi32, #tpu.memory_space<vmem>>) semaphore(%arg17 : memref<!tpu.dma_semaphore, #tpu.memory_space<semaphore_mem>>) {add = true}
    %dma_start3A_1970 = arith.constant 6 : i32
    %dma_start3A_1971 = arith.constant 0 : i32
    %dma_start3A_1972 = tpu.memref_slice %arg8[%dma_start3A_1970, %dma_start3A_1971] : memref<9x128xi32, #tpu.memory_space<vmem>> -> memref<1x128xi32, #tpu.memory_space<vmem>>
    %dma_start3A_1973 = tpu.memref_squeeze %dma_start3A_1972 : memref<1x128xi32, #tpu.memory_space<vmem>> -> memref<128xi32, #tpu.memory_space<vmem>>
    %dma_start3A_1974 = arith.constant 0 : i32
    %dma_start3A_1975 = arith.constant 0 : i32
    %dma_start3A_1976 = tpu.memref_slice %arg15[%dma_start3A_1974, %dma_start3A_1975] : memref<1152x128xf32, #tpu.memory_space<vmem_shared>> -> memref<1152x128xf32, #tpu.memory_space<vmem_shared>>
    tpu.enqueue_indirect_dma source(%dma_start3A_1976 : memref<1152x128xf32, #tpu.memory_space<vmem_shared>>) target(%arg10 : memref<128x128xf32, #tpu.memory_space<vmem>>) offsets(%dma_start3A_1973 : memref<128xi32, #tpu.memory_space<vmem>>) semaphore(%arg17 : memref<!tpu.dma_semaphore, #tpu.memory_space<semaphore_mem>>) {add = true}
    %dma_start3A_1977 = arith.constant 7 : i32
    %dma_start3A_1978 = arith.constant 0 : i32
    %dma_start3A_1979 = tpu.memref_slice %arg8[%dma_start3A_1977, %dma_start3A_1978] : memref<9x128xi32, #tpu.memory_space<vmem>> -> memref<1x128xi32, #tpu.memory_space<vmem>>
    %dma_start3A_1980 = tpu.memref_squeeze %dma_start3A_1979 : memref<1x128xi32, #tpu.memory_space<vmem>> -> memref<128xi32, #tpu.memory_space<vmem>>
    %dma_start3A_1981 = arith.constant 0 : i32
    %dma_start3A_1982 = arith.constant 0 : i32
    %dma_start3A_1983 = tpu.memref_slice %arg15[%dma_start3A_1981, %dma_start3A_1982] : memref<1152x128xf32, #tpu.memory_space<vmem_shared>> -> memref<1152x128xf32, #tpu.memory_space<vmem_shared>>
    tpu.enqueue_indirect_dma source(%dma_start3A_1983 : memref<1152x128xf32, #tpu.memory_space<vmem_shared>>) target(%arg10 : memref<128x128xf32, #tpu.memory_space<vmem>>) offsets(%dma_start3A_1980 : memref<128xi32, #tpu.memory_space<vmem>>) semaphore(%arg17 : memref<!tpu.dma_semaphore, #tpu.memory_space<semaphore_mem>>) {add = true}
    %dma_start3A_1984 = arith.constant 8 : i32
    %dma_start3A_1985 = arith.constant 0 : i32
    %dma_start3A_1986 = tpu.memref_slice %arg8[%dma_start3A_1984, %dma_start3A_1985] : memref<9x128xi32, #tpu.memory_space<vmem>> -> memref<1x128xi32, #tpu.memory_space<vmem>>
    %dma_start3A_1987 = tpu.memref_squeeze %dma_start3A_1986 : memref<1x128xi32, #tpu.memory_space<vmem>> -> memref<128xi32, #tpu.memory_space<vmem>>
    %dma_start3A_1988 = arith.constant 0 : i32
    %dma_start3A_1989 = arith.constant 0 : i32
    %dma_start3A_1990 = tpu.memref_slice %arg15[%dma_start3A_1988, %dma_start3A_1989] : memref<1152x128xf32, #tpu.memory_space<vmem_shared>> -> memref<1152x128xf32, #tpu.memory_space<vmem_shared>>
    tpu.enqueue_indirect_dma source(%dma_start3A_1990 : memref<1152x128xf32, #tpu.memory_space<vmem_shared>>) target(%arg10 : memref<128x128xf32, #tpu.memory_space<vmem>>) offsets(%dma_start3A_1987 : memref<128xi32, #tpu.memory_space<vmem>>) semaphore(%arg17 : memref<!tpu.dma_semaphore, #tpu.memory_space<semaphore_mem>>) {add = true}
    %scan3A_1991 = arith.constant 0 : i32
    %scan3A_1992 = arith.constant 5 : i32
    %scan3A_1993 = arith.addi %scan3A_1991, %scan3A_1992 : i32
    %scan3A_1994 = arith.constant 1 : i32
    scf.for %scan3A_2165 = %scan3A_1991 to %scan3A_1993 step %scan3A_1994  : i32 {
      %mul3A_2166 = arith.constant 1 : i32
      %mul3A_2167 = arith.muli %scan3A_2165, %mul3A_2166 : i32
      %add3A_2168 = arith.constant 0 : i32
      %add3A_2169 = arith.addi %add3A_2168, %mul3A_2167 : i32
      %scan3A_2170 = arith.constant 0 : i32
      %scan3A_2171 = arith.constant 16 : i32
      %scan3A_2172 = arith.addi %scan3A_2170, %scan3A_2171 : i32
      %scan3A_2173 = arith.constant 1 : i32
      scf.for %scan3A_2180 = %scan3A_2170 to %scan3A_2172 step %scan3A_2173  : i32 {
        %mul3A_2181 = arith.constant 1 : i32
        %mul3A_2182 = arith.muli %scan3A_2180, %mul3A_2181 : i32
        %add3A_2183 = arith.constant 0 : i32
        %add3A_2184 = arith.addi %add3A_2183, %mul3A_2182 : i32
        %mul3A_2185 = arith.constant 16 : i32
        %mul3A_2186 = arith.muli %add3A_2169, %mul3A_2185 : i32
        %add3A_2187 = arith.addi %mul3A_2186, %add3A_2184 : i32
        %dma_start3A_2188 = arith.constant 0 : i32
        %dma_start3A_2189 = tpu.memref_slice %arg11[%add3A_2187, %dma_start3A_2188] : memref<80x128xi32, #tpu.memory_space<vmem>> -> memref<1x128xi32, #tpu.memory_space<vmem>>
        %dma_start3A_2190 = tpu.memref_squeeze %dma_start3A_2189 : memref<1x128xi32, #tpu.memory_space<vmem>> -> memref<128xi32, #tpu.memory_space<vmem>>
        %dma_start3A_2191 = arith.constant 0 : i32
        %dma_start3A_2192 = tpu.memref_slice %arg14[%dma_start3A_2191] : memref<10240xf32, #tpu.memory_space<vmem_shared>> -> memref<10240xf32, #tpu.memory_space<vmem_shared>>
        tpu.enqueue_indirect_dma source(%arg12 : memref<128xf32, #tpu.memory_space<vmem>>) target(%dma_start3A_2192 : memref<10240xf32, #tpu.memory_space<vmem_shared>>) offsets(%dma_start3A_2190 : memref<128xi32, #tpu.memory_space<vmem>>) semaphore(%arg19 : memref<!tpu.dma_semaphore, #tpu.memory_space<semaphore_mem>>) {add = true}
      }
      %scan3A_2174 = arith.constant 16 : i32
      %scan3A_2175 = arith.constant 0 : i32
      %scan3A_2176 = arith.constant 16 : i32
      %scan3A_2177 = arith.addi %scan3A_2175, %scan3A_2176 : i32
      %scan3A_2178 = arith.constant 1 : i32
      scf.for %scan3A_2180 = %scan3A_2175 to %scan3A_2177 step %scan3A_2178  : i32 {
        %mul3A_2181 = arith.constant 1 : i32
        %mul3A_2182 = arith.muli %scan3A_2180, %mul3A_2181 : i32
        %add3A_2183 = arith.constant 0 : i32
        %add3A_2184 = arith.addi %add3A_2183, %mul3A_2182 : i32
        %mul3A_2185 = arith.constant 16 : i32
        %mul3A_2186 = arith.muli %add3A_2169, %mul3A_2185 : i32
        %add3A_2187 = arith.addi %mul3A_2186, %add3A_2184 : i32
        %dma_wait3A_2188 = arith.constant 0 : i32
        %dma_wait3A_2189 = tpu.memref_slice %arg11[%add3A_2187, %dma_wait3A_2188] : memref<80x128xi32, #tpu.memory_space<vmem>> -> memref<1x128xi32, #tpu.memory_space<vmem>>
        %dma_wait3A_2190 = tpu.memref_squeeze %dma_wait3A_2189 : memref<1x128xi32, #tpu.memory_space<vmem>> -> memref<128xi32, #tpu.memory_space<vmem>>
        %dma_wait3A_2191 = arith.constant 0 : i32
        %dma_wait3A_2192 = tpu.memref_slice %arg14[%dma_wait3A_2191] : memref<10240xf32, #tpu.memory_space<vmem_shared>> -> memref<10240xf32, #tpu.memory_space<vmem_shared>>
        tpu.wait_indirect_dma semaphore(%arg19 : memref<!tpu.dma_semaphore, #tpu.memory_space<semaphore_mem>>) src(%arg12 : memref<128xf32, #tpu.memory_space<vmem>>) dst(%dma_wait3A_2192 : memref<10240xf32, #tpu.memory_space<vmem_shared>>)
      }
      %scan3A_2179 = arith.constant 16 : i32
    }
    %scan3A_1995 = arith.constant 5 : i32
    %add3A_1996 = arith.constant 0 : i32
    %add3A_1997 = arith.addi %add3A, %add3A_1996 : i32
    %mul3A_1998 = arith.constant 128 : i32
    %mul3A_1999 = arith.muli %add3A_1997, %mul3A_1998 : i32
    %dma_wait3A = arith.constant 0 : i32
    %dma_wait3A_2000 = arith.constant 0 : i32
    %dma_wait3A_2001 = tpu.memref_slice %arg7[%dma_wait3A, %dma_wait3A_2000] : memref<9x128xi32, #tpu.memory_space<vmem>> -> memref<1x128xi32, #tpu.memory_space<vmem>>
    %dma_wait3A_2002 = tpu.memref_squeeze %dma_wait3A_2001 : memref<1x128xi32, #tpu.memory_space<vmem>> -> memref<128xi32, #tpu.memory_space<vmem>>
    %dma_wait3A_2003 = arith.constant 0 : i32
    %dma_wait3A_2004 = arith.constant 0 : i32
    %dma_wait3A_2005 = tpu.memref_slice %arg15[%dma_wait3A_2003, %dma_wait3A_2004] : memref<1152x128xf32, #tpu.memory_space<vmem_shared>> -> memref<1152x128xf32, #tpu.memory_space<vmem_shared>>
    tpu.wait_indirect_dma semaphore(%arg16 : memref<!tpu.dma_semaphore, #tpu.memory_space<semaphore_mem>>) src(%dma_wait3A_2005 : memref<1152x128xf32, #tpu.memory_space<vmem_shared>>) dst(%arg9 : memref<128x128xf32, #tpu.memory_space<vmem>>)
    %dma_wait3A_2006 = arith.constant 1 : i32
    %dma_wait3A_2007 = arith.constant 0 : i32
    %dma_wait3A_2008 = tpu.memref_slice %arg7[%dma_wait3A_2006, %dma_wait3A_2007] : memref<9x128xi32, #tpu.memory_space<vmem>> -> memref<1x128xi32, #tpu.memory_space<vmem>>
    %dma_wait3A_2009 = tpu.memref_squeeze %dma_wait3A_2008 : memref<1x128xi32, #tpu.memory_space<vmem>> -> memref<128xi32, #tpu.memory_space<vmem>>
    %dma_wait3A_2010 = arith.constant 0 : i32
    %dma_wait3A_2011 = arith.constant 0 : i32
    %dma_wait3A_2012 = tpu.memref_slice %arg15[%dma_wait3A_2010, %dma_wait3A_2011] : memref<1152x128xf32, #tpu.memory_space<vmem_shared>> -> memref<1152x128xf32, #tpu.memory_space<vmem_shared>>
    tpu.wait_indirect_dma semaphore(%arg16 : memref<!tpu.dma_semaphore, #tpu.memory_space<semaphore_mem>>) src(%dma_wait3A_2012 : memref<1152x128xf32, #tpu.memory_space<vmem_shared>>) dst(%arg9 : memref<128x128xf32, #tpu.memory_space<vmem>>)
    %dma_wait3A_2013 = arith.constant 2 : i32
    %dma_wait3A_2014 = arith.constant 0 : i32
    %dma_wait3A_2015 = tpu.memref_slice %arg7[%dma_wait3A_2013, %dma_wait3A_2014] : memref<9x128xi32, #tpu.memory_space<vmem>> -> memref<1x128xi32, #tpu.memory_space<vmem>>
    %dma_wait3A_2016 = tpu.memref_squeeze %dma_wait3A_2015 : memref<1x128xi32, #tpu.memory_space<vmem>> -> memref<128xi32, #tpu.memory_space<vmem>>
    %dma_wait3A_2017 = arith.constant 0 : i32
    %dma_wait3A_2018 = arith.constant 0 : i32
    %dma_wait3A_2019 = tpu.memref_slice %arg15[%dma_wait3A_2017, %dma_wait3A_2018] : memref<1152x128xf32, #tpu.memory_space<vmem_shared>> -> memref<1152x128xf32, #tpu.memory_space<vmem_shared>>
    tpu.wait_indirect_dma semaphore(%arg16 : memref<!tpu.dma_semaphore, #tpu.memory_space<semaphore_mem>>) src(%dma_wait3A_2019 : memref<1152x128xf32, #tpu.memory_space<vmem_shared>>) dst(%arg9 : memref<128x128xf32, #tpu.memory_space<vmem>>)
    %dma_wait3A_2020 = arith.constant 3 : i32
    %dma_wait3A_2021 = arith.constant 0 : i32
    %dma_wait3A_2022 = tpu.memref_slice %arg7[%dma_wait3A_2020, %dma_wait3A_2021] : memref<9x128xi32, #tpu.memory_space<vmem>> -> memref<1x128xi32, #tpu.memory_space<vmem>>
    %dma_wait3A_2023 = tpu.memref_squeeze %dma_wait3A_2022 : memref<1x128xi32, #tpu.memory_space<vmem>> -> memref<128xi32, #tpu.memory_space<vmem>>
    %dma_wait3A_2024 = arith.constant 0 : i32
    %dma_wait3A_2025 = arith.constant 0 : i32
    %dma_wait3A_2026 = tpu.memref_slice %arg15[%dma_wait3A_2024, %dma_wait3A_2025] : memref<1152x128xf32, #tpu.memory_space<vmem_shared>> -> memref<1152x128xf32, #tpu.memory_space<vmem_shared>>
    tpu.wait_indirect_dma semaphore(%arg16 : memref<!tpu.dma_semaphore, #tpu.memory_space<semaphore_mem>>) src(%dma_wait3A_2026 : memref<1152x128xf32, #tpu.memory_space<vmem_shared>>) dst(%arg9 : memref<128x128xf32, #tpu.memory_space<vmem>>)
    %dma_wait3A_2027 = arith.constant 4 : i32
    %dma_wait3A_2028 = arith.constant 0 : i32
    %dma_wait3A_2029 = tpu.memref_slice %arg7[%dma_wait3A_2027, %dma_wait3A_2028] : memref<9x128xi32, #tpu.memory_space<vmem>> -> memref<1x128xi32, #tpu.memory_space<vmem>>
    %dma_wait3A_2030 = tpu.memref_squeeze %dma_wait3A_2029 : memref<1x128xi32, #tpu.memory_space<vmem>> -> memref<128xi32, #tpu.memory_space<vmem>>
    %dma_wait3A_2031 = arith.constant 0 : i32
    %dma_wait3A_2032 = arith.constant 0 : i32
    %dma_wait3A_2033 = tpu.memref_slice %arg15[%dma_wait3A_2031, %dma_wait3A_2032] : memref<1152x128xf32, #tpu.memory_space<vmem_shared>> -> memref<1152x128xf32, #tpu.memory_space<vmem_shared>>
    tpu.wait_indirect_dma semaphore(%arg16 : memref<!tpu.dma_semaphore, #tpu.memory_space<semaphore_mem>>) src(%dma_wait3A_2033 : memref<1152x128xf32, #tpu.memory_space<vmem_shared>>) dst(%arg9 : memref<128x128xf32, #tpu.memory_space<vmem>>)
    %dma_wait3A_2034 = arith.constant 5 : i32
    %dma_wait3A_2035 = arith.constant 0 : i32
    %dma_wait3A_2036 = tpu.memref_slice %arg7[%dma_wait3A_2034, %dma_wait3A_2035] : memref<9x128xi32, #tpu.memory_space<vmem>> -> memref<1x128xi32, #tpu.memory_space<vmem>>
    %dma_wait3A_2037 = tpu.memref_squeeze %dma_wait3A_2036 : memref<1x128xi32, #tpu.memory_space<vmem>> -> memref<128xi32, #tpu.memory_space<vmem>>
    %dma_wait3A_2038 = arith.constant 0 : i32
    %dma_wait3A_2039 = arith.constant 0 : i32
    %dma_wait3A_2040 = tpu.memref_slice %arg15[%dma_wait3A_2038, %dma_wait3A_2039] : memref<1152x128xf32, #tpu.memory_space<vmem_shared>> -> memref<1152x128xf32, #tpu.memory_space<vmem_shared>>
    tpu.wait_indirect_dma semaphore(%arg16 : memref<!tpu.dma_semaphore, #tpu.memory_space<semaphore_mem>>) src(%dma_wait3A_2040 : memref<1152x128xf32, #tpu.memory_space<vmem_shared>>) dst(%arg9 : memref<128x128xf32, #tpu.memory_space<vmem>>)
    %dma_wait3A_2041 = arith.constant 6 : i32
    %dma_wait3A_2042 = arith.constant 0 : i32
    %dma_wait3A_2043 = tpu.memref_slice %arg7[%dma_wait3A_2041, %dma_wait3A_2042] : memref<9x128xi32, #tpu.memory_space<vmem>> -> memref<1x128xi32, #tpu.memory_space<vmem>>
    %dma_wait3A_2044 = tpu.memref_squeeze %dma_wait3A_2043 : memref<1x128xi32, #tpu.memory_space<vmem>> -> memref<128xi32, #tpu.memory_space<vmem>>
    %dma_wait3A_2045 = arith.constant 0 : i32
    %dma_wait3A_2046 = arith.constant 0 : i32
    %dma_wait3A_2047 = tpu.memref_slice %arg15[%dma_wait3A_2045, %dma_wait3A_2046] : memref<1152x128xf32, #tpu.memory_space<vmem_shared>> -> memref<1152x128xf32, #tpu.memory_space<vmem_shared>>
    tpu.wait_indirect_dma semaphore(%arg16 : memref<!tpu.dma_semaphore, #tpu.memory_space<semaphore_mem>>) src(%dma_wait3A_2047 : memref<1152x128xf32, #tpu.memory_space<vmem_shared>>) dst(%arg9 : memref<128x128xf32, #tpu.memory_space<vmem>>)
    %dma_wait3A_2048 = arith.constant 7 : i32
    %dma_wait3A_2049 = arith.constant 0 : i32
    %dma_wait3A_2050 = tpu.memref_slice %arg7[%dma_wait3A_2048, %dma_wait3A_2049] : memref<9x128xi32, #tpu.memory_space<vmem>> -> memref<1x128xi32, #tpu.memory_space<vmem>>
    %dma_wait3A_2051 = tpu.memref_squeeze %dma_wait3A_2050 : memref<1x128xi32, #tpu.memory_space<vmem>> -> memref<128xi32, #tpu.memory_space<vmem>>
    %dma_wait3A_2052 = arith.constant 0 : i32
    %dma_wait3A_2053 = arith.constant 0 : i32
    %dma_wait3A_2054 = tpu.memref_slice %arg15[%dma_wait3A_2052, %dma_wait3A_2053] : memref<1152x128xf32, #tpu.memory_space<vmem_shared>> -> memref<1152x128xf32, #tpu.memory_space<vmem_shared>>
    tpu.wait_indirect_dma semaphore(%arg16 : memref<!tpu.dma_semaphore, #tpu.memory_space<semaphore_mem>>) src(%dma_wait3A_2054 : memref<1152x128xf32, #tpu.memory_space<vmem_shared>>) dst(%arg9 : memref<128x128xf32, #tpu.memory_space<vmem>>)
    %dma_wait3A_2055 = arith.constant 8 : i32
    %dma_wait3A_2056 = arith.constant 0 : i32
    %dma_wait3A_2057 = tpu.memref_slice %arg7[%dma_wait3A_2055, %dma_wait3A_2056] : memref<9x128xi32, #tpu.memory_space<vmem>> -> memref<1x128xi32, #tpu.memory_space<vmem>>
    %dma_wait3A_2058 = tpu.memref_squeeze %dma_wait3A_2057 : memref<1x128xi32, #tpu.memory_space<vmem>> -> memref<128xi32, #tpu.memory_space<vmem>>
    %dma_wait3A_2059 = arith.constant 0 : i32
    %dma_wait3A_2060 = arith.constant 0 : i32
    %dma_wait3A_2061 = tpu.memref_slice %arg15[%dma_wait3A_2059, %dma_wait3A_2060] : memref<1152x128xf32, #tpu.memory_space<vmem_shared>> -> memref<1152x128xf32, #tpu.memory_space<vmem_shared>>
    tpu.wait_indirect_dma semaphore(%arg16 : memref<!tpu.dma_semaphore, #tpu.memory_space<semaphore_mem>>) src(%dma_wait3A_2061 : memref<1152x128xf32, #tpu.memory_space<vmem_shared>>) dst(%arg9 : memref<128x128xf32, #tpu.memory_space<vmem>>)
    %dma_start3A_2062 = arith.constant 0 : i32
    %dma_start3A_2063 = tpu.memref_slice %arg5[%mul3A_1999, %dma_start3A_2062] : memref<10240x128xf32, #tpu.memory_space<hbm>> -> memref<128x128xf32, #tpu.memory_space<hbm>>
    %dma_start3A_2064 = arith.constant 0 : i32
    %dma_start3A_2065 = tpu.memref_slice %arg5[%mul3A_1999, %dma_start3A_2064] : memref<10240x128xf32, #tpu.memory_space<hbm>> -> memref<128x128xf32, #tpu.memory_space<hbm>>
    tpu.enqueue_dma source(%arg9 : memref<128x128xf32, #tpu.memory_space<vmem>>) target(%dma_start3A_2065 : memref<128x128xf32, #tpu.memory_space<hbm>>) target_semaphore(%arg18 : memref<!tpu.dma_semaphore, #tpu.memory_space<semaphore_mem>>)
    %add3A_2066 = arith.constant 0 : i32
    %add3A_2067 = arith.addi %add3A, %add3A_2066 : i32
    %mul3A_2068 = arith.constant 128 : i32
    %mul3A_2069 = arith.muli %add3A_2067, %mul3A_2068 : i32
    %dma_wait3A_2070 = arith.constant 0 : i32
    %dma_wait3A_2071 = tpu.memref_slice %arg5[%mul3A_2069, %dma_wait3A_2070] : memref<10240x128xf32, #tpu.memory_space<hbm>> -> memref<128x128xf32, #tpu.memory_space<hbm>>
    %dma_wait3A_2072 = arith.constant 0 : i32
    %dma_wait3A_2073 = tpu.memref_slice %arg5[%mul3A_2069, %dma_wait3A_2072] : memref<10240x128xf32, #tpu.memory_space<hbm>> -> memref<128x128xf32, #tpu.memory_space<hbm>>
    tpu.wait_dma2 semaphore(%arg18 : memref<!tpu.dma_semaphore, #tpu.memory_space<semaphore_mem>>) src(%arg9 : memref<128x128xf32, #tpu.memory_space<vmem>>) dst(%dma_wait3A_2073 : memref<128x128xf32, #tpu.memory_space<hbm>>)
    %add3A_2074 = arith.constant 64 : i32
    %add3A_2075 = arith.addi %add3A, %add3A_2074 : i32
    %lt3A = arith.constant 80 : i32
    %lt3A_2076 = arith.cmpi slt, %add3A_2075, %lt3A : i32
    %convert_element_type3A = arith.extui %lt3A_2076 : i1 to i32
    %cond3A = arith.constant 0 : i32
    %cond3A_2077 = arith.cmpi ne, %convert_element_type3A, %cond3A : i32
    scf.if %cond3A_2077 {
      %add3A_2165 = arith.constant 64 : i32
      %add3A_2166 = arith.addi %add3A, %add3A_2165 : i32
      %mul3A_2167 = arith.constant 128 : i32
      %mul3A_2168 = arith.muli %add3A_2166, %mul3A_2167 : i32
      "tpu.region"() ({
        %run_scoped3A_3133 = tpu.sem_alloc : memref<!tpu.dma_semaphore, #tpu.memory_space<semaphore_mem>>
        %dma_start3A_3134 = arith.constant 0 : i32
        %dma_start3A_3135 = tpu.memref_slice %arg2[%dma_start3A_3134, %mul3A_2168] : memref<9x10240xi32, #tpu.memory_space<hbm>> -> memref<9x128xi32, #tpu.memory_space<hbm>>
        %dma_start3A_3136 = arith.constant 0 : i32
        %dma_start3A_3137 = tpu.memref_slice %arg2[%dma_start3A_3136, %mul3A_2168] : memref<9x10240xi32, #tpu.memory_space<hbm>> -> memref<9x128xi32, #tpu.memory_space<hbm>>
        tpu.enqueue_dma source(%dma_start3A_3137 : memref<9x128xi32, #tpu.memory_space<hbm>>) target(%arg7 : memref<9x128xi32, #tpu.memory_space<vmem>>) target_semaphore(%run_scoped3A_3133 : memref<!tpu.dma_semaphore, #tpu.memory_space<semaphore_mem>>)
        %dma_wait3A_3138 = arith.constant 0 : i32
        %dma_wait3A_3139 = tpu.memref_slice %arg2[%dma_wait3A_3138, %mul3A_2168] : memref<9x10240xi32, #tpu.memory_space<hbm>> -> memref<9x128xi32, #tpu.memory_space<hbm>>
        %dma_wait3A_3140 = arith.constant 0 : i32
        %dma_wait3A_3141 = tpu.memref_slice %arg2[%dma_wait3A_3140, %mul3A_2168] : memref<9x10240xi32, #tpu.memory_space<hbm>> -> memref<9x128xi32, #tpu.memory_space<hbm>>
        tpu.wait_dma2 semaphore(%run_scoped3A_3133 : memref<!tpu.dma_semaphore, #tpu.memory_space<semaphore_mem>>) src(%dma_wait3A_3141 : memref<9x128xi32, #tpu.memory_space<hbm>>) dst(%arg7 : memref<9x128xi32, #tpu.memory_space<vmem>>)
        tpu.yield
      }) : () -> ()
      %get3A_2169 = arith.constant 1 : i32
      %get3A_2170 = arith.index_cast %get3A_2169 : i32 to index
      %get3A_2171 = arith.constant 0 : index
      %get3A_2172 = tpu.vector_load %arg7[%get3A_2170, %get3A_2171] {strides = array<i32>} : memref<9x128xi32, #tpu.memory_space<vmem>>, vector<1x16xi32>,
      %get3A_2173 = vector.shape_cast %get3A_2172 : vector<1x16xi32> to vector<16xi32>
      %add3A_2174 = arith.constant 128 : i32
      %add3A_2175 = vector.broadcast %add3A_2174 : i32 to vector<16xi32>
      %add3A_2176 = arith.addi %get3A_2173, %add3A_2175 : vector<16xi32>
      %swap3A_2177 = arith.constant 1 : i32
      %swap3A_2178 = arith.index_cast %swap3A_2177 : i32 to index
      %swap3A_2179 = arith.constant 0 : index
      %swap3A_2180 = tpu.vector_load %arg7[%swap3A_2178, %swap3A_2179] {strides = array<i32>} : memref<9x128xi32, #tpu.memory_space<vmem>>, vector<1x16xi32>,
      %swap3A_2181 = vector.shape_cast %swap3A_2180 : vector<1x16xi32> to vector<16xi32>
      %swap3A_2182 = vector.shape_cast %add3A_2176 : vector<16xi32> to vector<1x16xi32>
      tpu.vector_store %arg7[%swap3A_2178, %swap3A_2179], %swap3A_2182 {strides = array<i32>} : memref<9x128xi32, #tpu.memory_space<vmem>>, vector<1x16xi32>,
      %get3A_2183 = arith.constant 1 : i32
      %get3A_2184 = arith.index_cast %get3A_2183 : i32 to index
      %get3A_2185 = arith.constant 16 : index
      %get3A_2186 = tpu.vector_load %arg7[%get3A_2184, %get3A_2185] {strides = array<i32>} : memref<9x128xi32, #tpu.memory_space<vmem>>, vector<1x16xi32>,
      %get3A_2187 = vector.shape_cast %get3A_2186 : vector<1x16xi32> to vector<16xi32>
      %add3A_2188 = arith.constant 128 : i32
      %add3A_2189 = vector.broadcast %add3A_2188 : i32 to vector<16xi32>
      %add3A_2190 = arith.addi %get3A_2187, %add3A_2189 : vector<16xi32>
      %swap3A_2191 = arith.constant 1 : i32
      %swap3A_2192 = arith.index_cast %swap3A_2191 : i32 to index
      %swap3A_2193 = arith.constant 16 : index
      %swap3A_2194 = tpu.vector_load %arg7[%swap3A_2192, %swap3A_2193] {strides = array<i32>} : memref<9x128xi32, #tpu.memory_space<vmem>>, vector<1x16xi32>,
      %swap3A_2195 = vector.shape_cast %swap3A_2194 : vector<1x16xi32> to vector<16xi32>
      %swap3A_2196 = vector.shape_cast %add3A_2190 : vector<16xi32> to vector<1x16xi32>
      tpu.vector_store %arg7[%swap3A_2192, %swap3A_2193], %swap3A_2196 {strides = array<i32>} : memref<9x128xi32, #tpu.memory_space<vmem>>, vector<1x16xi32>,
      %get3A_2197 = arith.constant 1 : i32
      %get3A_2198 = arith.index_cast %get3A_2197 : i32 to index
      %get3A_2199 = arith.constant 32 : index
      %get3A_2200 = tpu.vector_load %arg7[%get3A_2198, %get3A_2199] {strides = array<i32>} : memref<9x128xi32, #tpu.memory_space<vmem>>, vector<1x16xi32>,
      %get3A_2201 = vector.shape_cast %get3A_2200 : vector<1x16xi32> to vector<16xi32>
      %add3A_2202 = arith.constant 128 : i32
      %add3A_2203 = vector.broadcast %add3A_2202 : i32 to vector<16xi32>
      %add3A_2204 = arith.addi %get3A_2201, %add3A_2203 : vector<16xi32>
      %swap3A_2205 = arith.constant 1 : i32
      %swap3A_2206 = arith.index_cast %swap3A_2205 : i32 to index
      %swap3A_2207 = arith.constant 32 : index
      %swap3A_2208 = tpu.vector_load %arg7[%swap3A_2206, %swap3A_2207] {strides = array<i32>} : memref<9x128xi32, #tpu.memory_space<vmem>>, vector<1x16xi32>,
      %swap3A_2209 = vector.shape_cast %swap3A_2208 : vector<1x16xi32> to vector<16xi32>
      %swap3A_2210 = vector.shape_cast %add3A_2204 : vector<16xi32> to vector<1x16xi32>
      tpu.vector_store %arg7[%swap3A_2206, %swap3A_2207], %swap3A_2210 {strides = array<i32>} : memref<9x128xi32, #tpu.memory_space<vmem>>, vector<1x16xi32>,
      %get3A_2211 = arith.constant 1 : i32
      %get3A_2212 = arith.index_cast %get3A_2211 : i32 to index
      %get3A_2213 = arith.constant 48 : index
      %get3A_2214 = tpu.vector_load %arg7[%get3A_2212, %get3A_2213] {strides = array<i32>} : memref<9x128xi32, #tpu.memory_space<vmem>>, vector<1x16xi32>,
      %get3A_2215 = vector.shape_cast %get3A_2214 : vector<1x16xi32> to vector<16xi32>
      %add3A_2216 = arith.constant 128 : i32
      %add3A_2217 = vector.broadcast %add3A_2216 : i32 to vector<16xi32>
      %add3A_2218 = arith.addi %get3A_2215, %add3A_2217 : vector<16xi32>
      %swap3A_2219 = arith.constant 1 : i32
      %swap3A_2220 = arith.index_cast %swap3A_2219 : i32 to index
      %swap3A_2221 = arith.constant 48 : index
      %swap3A_2222 = tpu.vector_load %arg7[%swap3A_2220, %swap3A_2221] {strides = array<i32>} : memref<9x128xi32, #tpu.memory_space<vmem>>, vector<1x16xi32>,
      %swap3A_2223 = vector.shape_cast %swap3A_2222 : vector<1x16xi32> to vector<16xi32>
      %swap3A_2224 = vector.shape_cast %add3A_2218 : vector<16xi32> to vector<1x16xi32>
      tpu.vector_store %arg7[%swap3A_2220, %swap3A_2221], %swap3A_2224 {strides = array<i32>} : memref<9x128xi32, #tpu.memory_space<vmem>>, vector<1x16xi32>,
      %get3A_2225 = arith.constant 1 : i32
      %get3A_2226 = arith.index_cast %get3A_2225 : i32 to index
      %get3A_2227 = arith.constant 64 : index
      %get3A_2228 = tpu.vector_load %arg7[%get3A_2226, %get3A_2227] {strides = array<i32>} : memref<9x128xi32, #tpu.memory_space<vmem>>, vector<1x16xi32>,
      %get3A_2229 = vector.shape_cast %get3A_2228 : vector<1x16xi32> to vector<16xi32>
      %add3A_2230 = arith.constant 128 : i32
      %add3A_2231 = vector.broadcast %add3A_2230 : i32 to vector<16xi32>
      %add3A_2232 = arith.addi %get3A_2229, %add3A_2231 : vector<16xi32>
      %swap3A_2233 = arith.constant 1 : i32
      %swap3A_2234 = arith.index_cast %swap3A_2233 : i32 to index
      %swap3A_2235 = arith.constant 64 : index
      %swap3A_2236 = tpu.vector_load %arg7[%swap3A_2234, %swap3A_2235] {strides = array<i32>} : memref<9x128xi32, #tpu.memory_space<vmem>>, vector<1x16xi32>,
      %swap3A_2237 = vector.shape_cast %swap3A_2236 : vector<1x16xi32> to vector<16xi32>
      %swap3A_2238 = vector.shape_cast %add3A_2232 : vector<16xi32> to vector<1x16xi32>
      tpu.vector_store %arg7[%swap3A_2234, %swap3A_2235], %swap3A_2238 {strides = array<i32>} : memref<9x128xi32, #tpu.memory_space<vmem>>, vector<1x16xi32>,
      %get3A_2239 = arith.constant 1 : i32
      %get3A_2240 = arith.index_cast %get3A_2239 : i32 to index
      %get3A_2241 = arith.constant 80 : index
      %get3A_2242 = tpu.vector_load %arg7[%get3A_2240, %get3A_2241] {strides = array<i32>} : memref<9x128xi32, #tpu.memory_space<vmem>>, vector<1x16xi32>,
      %get3A_2243 = vector.shape_cast %get3A_2242 : vector<1x16xi32> to vector<16xi32>
      %add3A_2244 = arith.constant 128 : i32
      %add3A_2245 = vector.broadcast %add3A_2244 : i32 to vector<16xi32>
      %add3A_2246 = arith.addi %get3A_2243, %add3A_2245 : vector<16xi32>
      %swap3A_2247 = arith.constant 1 : i32
      %swap3A_2248 = arith.index_cast %swap3A_2247 : i32 to index
      %swap3A_2249 = arith.constant 80 : index
      %swap3A_2250 = tpu.vector_load %arg7[%swap3A_2248, %swap3A_2249] {strides = array<i32>} : memref<9x128xi32, #tpu.memory_space<vmem>>, vector<1x16xi32>,
      %swap3A_2251 = vector.shape_cast %swap3A_2250 : vector<1x16xi32> to vector<16xi32>
      %swap3A_2252 = vector.shape_cast %add3A_2246 : vector<16xi32> to vector<1x16xi32>
      tpu.vector_store %arg7[%swap3A_2248, %swap3A_2249], %swap3A_2252 {strides = array<i32>} : memref<9x128xi32, #tpu.memory_space<vmem>>, vector<1x16xi32>,
      %get3A_2253 = arith.constant 1 : i32
      %get3A_2254 = arith.index_cast %get3A_2253 : i32 to index
      %get3A_2255 = arith.constant 96 : index
      %get3A_2256 = tpu.vector_load %arg7[%get3A_2254, %get3A_2255] {strides = array<i32>} : memref<9x128xi32, #tpu.memory_space<vmem>>, vector<1x16xi32>,
      %get3A_2257 = vector.shape_cast %get3A_2256 : vector<1x16xi32> to vector<16xi32>
      %add3A_2258 = arith.constant 128 : i32
      %add3A_2259 = vector.broadcast %add3A_2258 : i32 to vector<16xi32>
      %add3A_2260 = arith.addi %get3A_2257, %add3A_2259 : vector<16xi32>
      %swap3A_2261 = arith.constant 1 : i32
      %swap3A_2262 = arith.index_cast %swap3A_2261 : i32 to index
      %swap3A_2263 = arith.constant 96 : index
      %swap3A_2264 = tpu.vector_load %arg7[%swap3A_2262, %swap3A_2263] {strides = array<i32>} : memref<9x128xi32, #tpu.memory_space<vmem>>, vector<1x16xi32>,
      %swap3A_2265 = vector.shape_cast %swap3A_2264 : vector<1x16xi32> to vector<16xi32>
      %swap3A_2266 = vector.shape_cast %add3A_2260 : vector<16xi32> to vector<1x16xi32>
      tpu.vector_store %arg7[%swap3A_2262, %swap3A_2263], %swap3A_2266 {strides = array<i32>} : memref<9x128xi32, #tpu.memory_space<vmem>>, vector<1x16xi32>,
      %get3A_2267 = arith.constant 1 : i32
      %get3A_2268 = arith.index_cast %get3A_2267 : i32 to index
      %get3A_2269 = arith.constant 112 : index
      %get3A_2270 = tpu.vector_load %arg7[%get3A_2268, %get3A_2269] {strides = array<i32>} : memref<9x128xi32, #tpu.memory_space<vmem>>, vector<1x16xi32>,
      %get3A_2271 = vector.shape_cast %get3A_2270 : vector<1x16xi32> to vector<16xi32>
      %add3A_2272 = arith.constant 128 : i32
      %add3A_2273 = vector.broadcast %add3A_2272 : i32 to vector<16xi32>
      %add3A_2274 = arith.addi %get3A_2271, %add3A_2273 : vector<16xi32>
      %swap3A_2275 = arith.constant 1 : i32
      %swap3A_2276 = arith.index_cast %swap3A_2275 : i32 to index
      %swap3A_2277 = arith.constant 112 : index
      %swap3A_2278 = tpu.vector_load %arg7[%swap3A_2276, %swap3A_2277] {strides = array<i32>} : memref<9x128xi32, #tpu.memory_space<vmem>>, vector<1x16xi32>,
      %swap3A_2279 = vector.shape_cast %swap3A_2278 : vector<1x16xi32> to vector<16xi32>
      %swap3A_2280 = vector.shape_cast %add3A_2274 : vector<16xi32> to vector<1x16xi32>
      tpu.vector_store %arg7[%swap3A_2276, %swap3A_2277], %swap3A_2280 {strides = array<i32>} : memref<9x128xi32, #tpu.memory_space<vmem>>, vector<1x16xi32>,
      %get3A_2281 = arith.constant 2 : i32
      %get3A_2282 = arith.index_cast %get3A_2281 : i32 to index
      %get3A_2283 = arith.constant 0 : index
      %get3A_2284 = tpu.vector_load %arg7[%get3A_2282, %get3A_2283] {strides = array<i32>} : memref<9x128xi32, #tpu.memory_space<vmem>>, vector<1x16xi32>,
      %get3A_2285 = vector.shape_cast %get3A_2284 : vector<1x16xi32> to vector<16xi32>
      %add3A_2286 = arith.constant 256 : i32
      %add3A_2287 = vector.broadcast %add3A_2286 : i32 to vector<16xi32>
      %add3A_2288 = arith.addi %get3A_2285, %add3A_2287 : vector<16xi32>
      %swap3A_2289 = arith.constant 2 : i32
      %swap3A_2290 = arith.index_cast %swap3A_2289 : i32 to index
      %swap3A_2291 = arith.constant 0 : index
      %swap3A_2292 = tpu.vector_load %arg7[%swap3A_2290, %swap3A_2291] {strides = array<i32>} : memref<9x128xi32, #tpu.memory_space<vmem>>, vector<1x16xi32>,
      %swap3A_2293 = vector.shape_cast %swap3A_2292 : vector<1x16xi32> to vector<16xi32>
      %swap3A_2294 = vector.shape_cast %add3A_2288 : vector<16xi32> to vector<1x16xi32>
      tpu.vector_store %arg7[%swap3A_2290, %swap3A_2291], %swap3A_2294 {strides = array<i32>} : memref<9x128xi32, #tpu.memory_space<vmem>>, vector<1x16xi32>,
      %get3A_2295 = arith.constant 2 : i32
      %get3A_2296 = arith.index_cast %get3A_2295 : i32 to index
      %get3A_2297 = arith.constant 16 : index
      %get3A_2298 = tpu.vector_load %arg7[%get3A_2296, %get3A_2297] {strides = array<i32>} : memref<9x128xi32, #tpu.memory_space<vmem>>, vector<1x16xi32>,
      %get3A_2299 = vector.shape_cast %get3A_2298 : vector<1x16xi32> to vector<16xi32>
      %add3A_2300 = arith.constant 256 : i32
      %add3A_2301 = vector.broadcast %add3A_2300 : i32 to vector<16xi32>
      %add3A_2302 = arith.addi %get3A_2299, %add3A_2301 : vector<16xi32>
      %swap3A_2303 = arith.constant 2 : i32
      %swap3A_2304 = arith.index_cast %swap3A_2303 : i32 to index
      %swap3A_2305 = arith.constant 16 : index
      %swap3A_2306 = tpu.vector_load %arg7[%swap3A_2304, %swap3A_2305] {strides = array<i32>} : memref<9x128xi32, #tpu.memory_space<vmem>>, vector<1x16xi32>,
      %swap3A_2307 = vector.shape_cast %swap3A_2306 : vector<1x16xi32> to vector<16xi32>
      %swap3A_2308 = vector.shape_cast %add3A_2302 : vector<16xi32> to vector<1x16xi32>
      tpu.vector_store %arg7[%swap3A_2304, %swap3A_2305], %swap3A_2308 {strides = array<i32>} : memref<9x128xi32, #tpu.memory_space<vmem>>, vector<1x16xi32>,
      %get3A_2309 = arith.constant 2 : i32
      %get3A_2310 = arith.index_cast %get3A_2309 : i32 to index
      %get3A_2311 = arith.constant 32 : index
      %get3A_2312 = tpu.vector_load %arg7[%get3A_2310, %get3A_2311] {strides = array<i32>} : memref<9x128xi32, #tpu.memory_space<vmem>>, vector<1x16xi32>,
      %get3A_2313 = vector.shape_cast %get3A_2312 : vector<1x16xi32> to vector<16xi32>
      %add3A_2314 = arith.constant 256 : i32
      %add3A_2315 = vector.broadcast %add3A_2314 : i32 to vector<16xi32>
      %add3A_2316 = arith.addi %get3A_2313, %add3A_2315 : vector<16xi32>
      %swap3A_2317 = arith.constant 2 : i32
      %swap3A_2318 = arith.index_cast %swap3A_2317 : i32 to index
      %swap3A_2319 = arith.constant 32 : index
      %swap3A_2320 = tpu.vector_load %arg7[%swap3A_2318, %swap3A_2319] {strides = array<i32>} : memref<9x128xi32, #tpu.memory_space<vmem>>, vector<1x16xi32>,
      %swap3A_2321 = vector.shape_cast %swap3A_2320 : vector<1x16xi32> to vector<16xi32>
      %swap3A_2322 = vector.shape_cast %add3A_2316 : vector<16xi32> to vector<1x16xi32>
      tpu.vector_store %arg7[%swap3A_2318, %swap3A_2319], %swap3A_2322 {strides = array<i32>} : memref<9x128xi32, #tpu.memory_space<vmem>>, vector<1x16xi32>,
      %get3A_2323 = arith.constant 2 : i32
      %get3A_2324 = arith.index_cast %get3A_2323 : i32 to index
      %get3A_2325 = arith.constant 48 : index
      %get3A_2326 = tpu.vector_load %arg7[%get3A_2324, %get3A_2325] {strides = array<i32>} : memref<9x128xi32, #tpu.memory_space<vmem>>, vector<1x16xi32>,
      %get3A_2327 = vector.shape_cast %get3A_2326 : vector<1x16xi32> to vector<16xi32>
      %add3A_2328 = arith.constant 256 : i32
      %add3A_2329 = vector.broadcast %add3A_2328 : i32 to vector<16xi32>
      %add3A_2330 = arith.addi %get3A_2327, %add3A_2329 : vector<16xi32>
      %swap3A_2331 = arith.constant 2 : i32
      %swap3A_2332 = arith.index_cast %swap3A_2331 : i32 to index
      %swap3A_2333 = arith.constant 48 : index
      %swap3A_2334 = tpu.vector_load %arg7[%swap3A_2332, %swap3A_2333] {strides = array<i32>} : memref<9x128xi32, #tpu.memory_space<vmem>>, vector<1x16xi32>,
      %swap3A_2335 = vector.shape_cast %swap3A_2334 : vector<1x16xi32> to vector<16xi32>
      %swap3A_2336 = vector.shape_cast %add3A_2330 : vector<16xi32> to vector<1x16xi32>
      tpu.vector_store %arg7[%swap3A_2332, %swap3A_2333], %swap3A_2336 {strides = array<i32>} : memref<9x128xi32, #tpu.memory_space<vmem>>, vector<1x16xi32>,
      %get3A_2337 = arith.constant 2 : i32
      %get3A_2338 = arith.index_cast %get3A_2337 : i32 to index
      %get3A_2339 = arith.constant 64 : index
      %get3A_2340 = tpu.vector_load %arg7[%get3A_2338, %get3A_2339] {strides = array<i32>} : memref<9x128xi32, #tpu.memory_space<vmem>>, vector<1x16xi32>,
      %get3A_2341 = vector.shape_cast %get3A_2340 : vector<1x16xi32> to vector<16xi32>
      %add3A_2342 = arith.constant 256 : i32
      %add3A_2343 = vector.broadcast %add3A_2342 : i32 to vector<16xi32>
      %add3A_2344 = arith.addi %get3A_2341, %add3A_2343 : vector<16xi32>
      %swap3A_2345 = arith.constant 2 : i32
      %swap3A_2346 = arith.index_cast %swap3A_2345 : i32 to index
      %swap3A_2347 = arith.constant 64 : index
      %swap3A_2348 = tpu.vector_load %arg7[%swap3A_2346, %swap3A_2347] {strides = array<i32>} : memref<9x128xi32, #tpu.memory_space<vmem>>, vector<1x16xi32>,
      %swap3A_2349 = vector.shape_cast %swap3A_2348 : vector<1x16xi32> to vector<16xi32>
      %swap3A_2350 = vector.shape_cast %add3A_2344 : vector<16xi32> to vector<1x16xi32>
      tpu.vector_store %arg7[%swap3A_2346, %swap3A_2347], %swap3A_2350 {strides = array<i32>} : memref<9x128xi32, #tpu.memory_space<vmem>>, vector<1x16xi32>,
      %get3A_2351 = arith.constant 2 : i32
      %get3A_2352 = arith.index_cast %get3A_2351 : i32 to index
      %get3A_2353 = arith.constant 80 : index
      %get3A_2354 = tpu.vector_load %arg7[%get3A_2352, %get3A_2353] {strides = array<i32>} : memref<9x128xi32, #tpu.memory_space<vmem>>, vector<1x16xi32>,
      %get3A_2355 = vector.shape_cast %get3A_2354 : vector<1x16xi32> to vector<16xi32>
      %add3A_2356 = arith.constant 256 : i32
      %add3A_2357 = vector.broadcast %add3A_2356 : i32 to vector<16xi32>
      %add3A_2358 = arith.addi %get3A_2355, %add3A_2357 : vector<16xi32>
      %swap3A_2359 = arith.constant 2 : i32
      %swap3A_2360 = arith.index_cast %swap3A_2359 : i32 to index
      %swap3A_2361 = arith.constant 80 : index
      %swap3A_2362 = tpu.vector_load %arg7[%swap3A_2360, %swap3A_2361] {strides = array<i32>} : memref<9x128xi32, #tpu.memory_space<vmem>>, vector<1x16xi32>,
      %swap3A_2363 = vector.shape_cast %swap3A_2362 : vector<1x16xi32> to vector<16xi32>
      %swap3A_2364 = vector.shape_cast %add3A_2358 : vector<16xi32> to vector<1x16xi32>
      tpu.vector_store %arg7[%swap3A_2360, %swap3A_2361], %swap3A_2364 {strides = array<i32>} : memref<9x128xi32, #tpu.memory_space<vmem>>, vector<1x16xi32>,
      %get3A_2365 = arith.constant 2 : i32
      %get3A_2366 = arith.index_cast %get3A_2365 : i32 to index
      %get3A_2367 = arith.constant 96 : index
      %get3A_2368 = tpu.vector_load %arg7[%get3A_2366, %get3A_2367] {strides = array<i32>} : memref<9x128xi32, #tpu.memory_space<vmem>>, vector<1x16xi32>,
      %get3A_2369 = vector.shape_cast %get3A_2368 : vector<1x16xi32> to vector<16xi32>
      %add3A_2370 = arith.constant 256 : i32
      %add3A_2371 = vector.broadcast %add3A_2370 : i32 to vector<16xi32>
      %add3A_2372 = arith.addi %get3A_2369, %add3A_2371 : vector<16xi32>
      %swap3A_2373 = arith.constant 2 : i32
      %swap3A_2374 = arith.index_cast %swap3A_2373 : i32 to index
      %swap3A_2375 = arith.constant 96 : index
      %swap3A_2376 = tpu.vector_load %arg7[%swap3A_2374, %swap3A_2375] {strides = array<i32>} : memref<9x128xi32, #tpu.memory_space<vmem>>, vector<1x16xi32>,
      %swap3A_2377 = vector.shape_cast %swap3A_2376 : vector<1x16xi32> to vector<16xi32>
      %swap3A_2378 = vector.shape_cast %add3A_2372 : vector<16xi32> to vector<1x16xi32>
      tpu.vector_store %arg7[%swap3A_2374, %swap3A_2375], %swap3A_2378 {strides = array<i32>} : memref<9x128xi32, #tpu.memory_space<vmem>>, vector<1x16xi32>,
      %get3A_2379 = arith.constant 2 : i32
      %get3A_2380 = arith.index_cast %get3A_2379 : i32 to index
      %get3A_2381 = arith.constant 112 : index
      %get3A_2382 = tpu.vector_load %arg7[%get3A_2380, %get3A_2381] {strides = array<i32>} : memref<9x128xi32, #tpu.memory_space<vmem>>, vector<1x16xi32>,
      %get3A_2383 = vector.shape_cast %get3A_2382 : vector<1x16xi32> to vector<16xi32>
      %add3A_2384 = arith.constant 256 : i32
      %add3A_2385 = vector.broadcast %add3A_2384 : i32 to vector<16xi32>
      %add3A_2386 = arith.addi %get3A_2383, %add3A_2385 : vector<16xi32>
      %swap3A_2387 = arith.constant 2 : i32
      %swap3A_2388 = arith.index_cast %swap3A_2387 : i32 to index
      %swap3A_2389 = arith.constant 112 : index
      %swap3A_2390 = tpu.vector_load %arg7[%swap3A_2388, %swap3A_2389] {strides = array<i32>} : memref<9x128xi32, #tpu.memory_space<vmem>>, vector<1x16xi32>,
      %swap3A_2391 = vector.shape_cast %swap3A_2390 : vector<1x16xi32> to vector<16xi32>
      %swap3A_2392 = vector.shape_cast %add3A_2386 : vector<16xi32> to vector<1x16xi32>
      tpu.vector_store %arg7[%swap3A_2388, %swap3A_2389], %swap3A_2392 {strides = array<i32>} : memref<9x128xi32, #tpu.memory_space<vmem>>, vector<1x16xi32>,
      %get3A_2393 = arith.constant 3 : i32
      %get3A_2394 = arith.index_cast %get3A_2393 : i32 to index
      %get3A_2395 = arith.constant 0 : index
      %get3A_2396 = tpu.vector_load %arg7[%get3A_2394, %get3A_2395] {strides = array<i32>} : memref<9x128xi32, #tpu.memory_space<vmem>>, vector<1x16xi32>,
      %get3A_2397 = vector.shape_cast %get3A_2396 : vector<1x16xi32> to vector<16xi32>
      %add3A_2398 = arith.constant 384 : i32
      %add3A_2399 = vector.broadcast %add3A_2398 : i32 to vector<16xi32>
      %add3A_2400 = arith.addi %get3A_2397, %add3A_2399 : vector<16xi32>
      %swap3A_2401 = arith.constant 3 : i32
      %swap3A_2402 = arith.index_cast %swap3A_2401 : i32 to index
      %swap3A_2403 = arith.constant 0 : index
      %swap3A_2404 = tpu.vector_load %arg7[%swap3A_2402, %swap3A_2403] {strides = array<i32>} : memref<9x128xi32, #tpu.memory_space<vmem>>, vector<1x16xi32>,
      %swap3A_2405 = vector.shape_cast %swap3A_2404 : vector<1x16xi32> to vector<16xi32>
      %swap3A_2406 = vector.shape_cast %add3A_2400 : vector<16xi32> to vector<1x16xi32>
      tpu.vector_store %arg7[%swap3A_2402, %swap3A_2403], %swap3A_2406 {strides = array<i32>} : memref<9x128xi32, #tpu.memory_space<vmem>>, vector<1x16xi32>,
      %get3A_2407 = arith.constant 3 : i32
      %get3A_2408 = arith.index_cast %get3A_2407 : i32 to index
      %get3A_2409 = arith.constant 16 : index
      %get3A_2410 = tpu.vector_load %arg7[%get3A_2408, %get3A_2409] {strides = array<i32>} : memref<9x128xi32, #tpu.memory_space<vmem>>, vector<1x16xi32>,
      %get3A_2411 = vector.shape_cast %get3A_2410 : vector<1x16xi32> to vector<16xi32>
      %add3A_2412 = arith.constant 384 : i32
      %add3A_2413 = vector.broadcast %add3A_2412 : i32 to vector<16xi32>
      %add3A_2414 = arith.addi %get3A_2411, %add3A_2413 : vector<16xi32>
      %swap3A_2415 = arith.constant 3 : i32
      %swap3A_2416 = arith.index_cast %swap3A_2415 : i32 to index
      %swap3A_2417 = arith.constant 16 : index
      %swap3A_2418 = tpu.vector_load %arg7[%swap3A_2416, %swap3A_2417] {strides = array<i32>} : memref<9x128xi32, #tpu.memory_space<vmem>>, vector<1x16xi32>,
      %swap3A_2419 = vector.shape_cast %swap3A_2418 : vector<1x16xi32> to vector<16xi32>
      %swap3A_2420 = vector.shape_cast %add3A_2414 : vector<16xi32> to vector<1x16xi32>
      tpu.vector_store %arg7[%swap3A_2416, %swap3A_2417], %swap3A_2420 {strides = array<i32>} : memref<9x128xi32, #tpu.memory_space<vmem>>, vector<1x16xi32>,
      %get3A_2421 = arith.constant 3 : i32
      %get3A_2422 = arith.index_cast %get3A_2421 : i32 to index
      %get3A_2423 = arith.constant 32 : index
      %get3A_2424 = tpu.vector_load %arg7[%get3A_2422, %get3A_2423] {strides = array<i32>} : memref<9x128xi32, #tpu.memory_space<vmem>>, vector<1x16xi32>,
      %get3A_2425 = vector.shape_cast %get3A_2424 : vector<1x16xi32> to vector<16xi32>
      %add3A_2426 = arith.constant 384 : i32
      %add3A_2427 = vector.broadcast %add3A_2426 : i32 to vector<16xi32>
      %add3A_2428 = arith.addi %get3A_2425, %add3A_2427 : vector<16xi32>
      %swap3A_2429 = arith.constant 3 : i32
      %swap3A_2430 = arith.index_cast %swap3A_2429 : i32 to index
      %swap3A_2431 = arith.constant 32 : index
      %swap3A_2432 = tpu.vector_load %arg7[%swap3A_2430, %swap3A_2431] {strides = array<i32>} : memref<9x128xi32, #tpu.memory_space<vmem>>, vector<1x16xi32>,
      %swap3A_2433 = vector.shape_cast %swap3A_2432 : vector<1x16xi32> to vector<16xi32>
      %swap3A_2434 = vector.shape_cast %add3A_2428 : vector<16xi32> to vector<1x16xi32>
      tpu.vector_store %arg7[%swap3A_2430, %swap3A_2431], %swap3A_2434 {strides = array<i32>} : memref<9x128xi32, #tpu.memory_space<vmem>>, vector<1x16xi32>,
      %get3A_2435 = arith.constant 3 : i32
      %get3A_2436 = arith.index_cast %get3A_2435 : i32 to index
      %get3A_2437 = arith.constant 48 : index
      %get3A_2438 = tpu.vector_load %arg7[%get3A_2436, %get3A_2437] {strides = array<i32>} : memref<9x128xi32, #tpu.memory_space<vmem>>, vector<1x16xi32>,
      %get3A_2439 = vector.shape_cast %get3A_2438 : vector<1x16xi32> to vector<16xi32>
      %add3A_2440 = arith.constant 384 : i32
      %add3A_2441 = vector.broadcast %add3A_2440 : i32 to vector<16xi32>
      %add3A_2442 = arith.addi %get3A_2439, %add3A_2441 : vector<16xi32>
      %swap3A_2443 = arith.constant 3 : i32
      %swap3A_2444 = arith.index_cast %swap3A_2443 : i32 to index
      %swap3A_2445 = arith.constant 48 : index
      %swap3A_2446 = tpu.vector_load %arg7[%swap3A_2444, %swap3A_2445] {strides = array<i32>} : memref<9x128xi32, #tpu.memory_space<vmem>>, vector<1x16xi32>,
      %swap3A_2447 = vector.shape_cast %swap3A_2446 : vector<1x16xi32> to vector<16xi32>
      %swap3A_2448 = vector.shape_cast %add3A_2442 : vector<16xi32> to vector<1x16xi32>
      tpu.vector_store %arg7[%swap3A_2444, %swap3A_2445], %swap3A_2448 {strides = array<i32>} : memref<9x128xi32, #tpu.memory_space<vmem>>, vector<1x16xi32>,
      %get3A_2449 = arith.constant 3 : i32
      %get3A_2450 = arith.index_cast %get3A_2449 : i32 to index
      %get3A_2451 = arith.constant 64 : index
      %get3A_2452 = tpu.vector_load %arg7[%get3A_2450, %get3A_2451] {strides = array<i32>} : memref<9x128xi32, #tpu.memory_space<vmem>>, vector<1x16xi32>,
      %get3A_2453 = vector.shape_cast %get3A_2452 : vector<1x16xi32> to vector<16xi32>
      %add3A_2454 = arith.constant 384 : i32
      %add3A_2455 = vector.broadcast %add3A_2454 : i32 to vector<16xi32>
      %add3A_2456 = arith.addi %get3A_2453, %add3A_2455 : vector<16xi32>
      %swap3A_2457 = arith.constant 3 : i32
      %swap3A_2458 = arith.index_cast %swap3A_2457 : i32 to index
      %swap3A_2459 = arith.constant 64 : index
      %swap3A_2460 = tpu.vector_load %arg7[%swap3A_2458, %swap3A_2459] {strides = array<i32>} : memref<9x128xi32, #tpu.memory_space<vmem>>, vector<1x16xi32>,
      %swap3A_2461 = vector.shape_cast %swap3A_2460 : vector<1x16xi32> to vector<16xi32>
      %swap3A_2462 = vector.shape_cast %add3A_2456 : vector<16xi32> to vector<1x16xi32>
      tpu.vector_store %arg7[%swap3A_2458, %swap3A_2459], %swap3A_2462 {strides = array<i32>} : memref<9x128xi32, #tpu.memory_space<vmem>>, vector<1x16xi32>,
      %get3A_2463 = arith.constant 3 : i32
      %get3A_2464 = arith.index_cast %get3A_2463 : i32 to index
      %get3A_2465 = arith.constant 80 : index
      %get3A_2466 = tpu.vector_load %arg7[%get3A_2464, %get3A_2465] {strides = array<i32>} : memref<9x128xi32, #tpu.memory_space<vmem>>, vector<1x16xi32>,
      %get3A_2467 = vector.shape_cast %get3A_2466 : vector<1x16xi32> to vector<16xi32>
      %add3A_2468 = arith.constant 384 : i32
      %add3A_2469 = vector.broadcast %add3A_2468 : i32 to vector<16xi32>
      %add3A_2470 = arith.addi %get3A_2467, %add3A_2469 : vector<16xi32>
      %swap3A_2471 = arith.constant 3 : i32
      %swap3A_2472 = arith.index_cast %swap3A_2471 : i32 to index
      %swap3A_2473 = arith.constant 80 : index
      %swap3A_2474 = tpu.vector_load %arg7[%swap3A_2472, %swap3A_2473] {strides = array<i32>} : memref<9x128xi32, #tpu.memory_space<vmem>>, vector<1x16xi32>,
      %swap3A_2475 = vector.shape_cast %swap3A_2474 : vector<1x16xi32> to vector<16xi32>
      %swap3A_2476 = vector.shape_cast %add3A_2470 : vector<16xi32> to vector<1x16xi32>
      tpu.vector_store %arg7[%swap3A_2472, %swap3A_2473], %swap3A_2476 {strides = array<i32>} : memref<9x128xi32, #tpu.memory_space<vmem>>, vector<1x16xi32>,
      %get3A_2477 = arith.constant 3 : i32
      %get3A_2478 = arith.index_cast %get3A_2477 : i32 to index
      %get3A_2479 = arith.constant 96 : index
      %get3A_2480 = tpu.vector_load %arg7[%get3A_2478, %get3A_2479] {strides = array<i32>} : memref<9x128xi32, #tpu.memory_space<vmem>>, vector<1x16xi32>,
      %get3A_2481 = vector.shape_cast %get3A_2480 : vector<1x16xi32> to vector<16xi32>
      %add3A_2482 = arith.constant 384 : i32
      %add3A_2483 = vector.broadcast %add3A_2482 : i32 to vector<16xi32>
      %add3A_2484 = arith.addi %get3A_2481, %add3A_2483 : vector<16xi32>
      %swap3A_2485 = arith.constant 3 : i32
      %swap3A_2486 = arith.index_cast %swap3A_2485 : i32 to index
      %swap3A_2487 = arith.constant 96 : index
      %swap3A_2488 = tpu.vector_load %arg7[%swap3A_2486, %swap3A_2487] {strides = array<i32>} : memref<9x128xi32, #tpu.memory_space<vmem>>, vector<1x16xi32>,
      %swap3A_2489 = vector.shape_cast %swap3A_2488 : vector<1x16xi32> to vector<16xi32>
      %swap3A_2490 = vector.shape_cast %add3A_2484 : vector<16xi32> to vector<1x16xi32>
      tpu.vector_store %arg7[%swap3A_2486, %swap3A_2487], %swap3A_2490 {strides = array<i32>} : memref<9x128xi32, #tpu.memory_space<vmem>>, vector<1x16xi32>,
      %get3A_2491 = arith.constant 3 : i32
      %get3A_2492 = arith.index_cast %get3A_2491 : i32 to index
      %get3A_2493 = arith.constant 112 : index
      %get3A_2494 = tpu.vector_load %arg7[%get3A_2492, %get3A_2493] {strides = array<i32>} : memref<9x128xi32, #tpu.memory_space<vmem>>, vector<1x16xi32>,
      %get3A_2495 = vector.shape_cast %get3A_2494 : vector<1x16xi32> to vector<16xi32>
      %add3A_2496 = arith.constant 384 : i32
      %add3A_2497 = vector.broadcast %add3A_2496 : i32 to vector<16xi32>
      %add3A_2498 = arith.addi %get3A_2495, %add3A_2497 : vector<16xi32>
      %swap3A_2499 = arith.constant 3 : i32
      %swap3A_2500 = arith.index_cast %swap3A_2499 : i32 to index
      %swap3A_2501 = arith.constant 112 : index
      %swap3A_2502 = tpu.vector_load %arg7[%swap3A_2500, %swap3A_2501] {strides = array<i32>} : memref<9x128xi32, #tpu.memory_space<vmem>>, vector<1x16xi32>,
      %swap3A_2503 = vector.shape_cast %swap3A_2502 : vector<1x16xi32> to vector<16xi32>
      %swap3A_2504 = vector.shape_cast %add3A_2498 : vector<16xi32> to vector<1x16xi32>
      tpu.vector_store %arg7[%swap3A_2500, %swap3A_2501], %swap3A_2504 {strides = array<i32>} : memref<9x128xi32, #tpu.memory_space<vmem>>, vector<1x16xi32>,
      %get3A_2505 = arith.constant 4 : i32
      %get3A_2506 = arith.index_cast %get3A_2505 : i32 to index
      %get3A_2507 = arith.constant 0 : index
      %get3A_2508 = tpu.vector_load %arg7[%get3A_2506, %get3A_2507] {strides = array<i32>} : memref<9x128xi32, #tpu.memory_space<vmem>>, vector<1x16xi32>,
      %get3A_2509 = vector.shape_cast %get3A_2508 : vector<1x16xi32> to vector<16xi32>
      %add3A_2510 = arith.constant 512 : i32
      %add3A_2511 = vector.broadcast %add3A_2510 : i32 to vector<16xi32>
      %add3A_2512 = arith.addi %get3A_2509, %add3A_2511 : vector<16xi32>
      %swap3A_2513 = arith.constant 4 : i32
      %swap3A_2514 = arith.index_cast %swap3A_2513 : i32 to index
      %swap3A_2515 = arith.constant 0 : index
      %swap3A_2516 = tpu.vector_load %arg7[%swap3A_2514, %swap3A_2515] {strides = array<i32>} : memref<9x128xi32, #tpu.memory_space<vmem>>, vector<1x16xi32>,
      %swap3A_2517 = vector.shape_cast %swap3A_2516 : vector<1x16xi32> to vector<16xi32>
      %swap3A_2518 = vector.shape_cast %add3A_2512 : vector<16xi32> to vector<1x16xi32>
      tpu.vector_store %arg7[%swap3A_2514, %swap3A_2515], %swap3A_2518 {strides = array<i32>} : memref<9x128xi32, #tpu.memory_space<vmem>>, vector<1x16xi32>,
      %get3A_2519 = arith.constant 4 : i32
      %get3A_2520 = arith.index_cast %get3A_2519 : i32 to index
      %get3A_2521 = arith.constant 16 : index
      %get3A_2522 = tpu.vector_load %arg7[%get3A_2520, %get3A_2521] {strides = array<i32>} : memref<9x128xi32, #tpu.memory_space<vmem>>, vector<1x16xi32>,
      %get3A_2523 = vector.shape_cast %get3A_2522 : vector<1x16xi32> to vector<16xi32>
      %add3A_2524 = arith.constant 512 : i32
      %add3A_2525 = vector.broadcast %add3A_2524 : i32 to vector<16xi32>
      %add3A_2526 = arith.addi %get3A_2523, %add3A_2525 : vector<16xi32>
      %swap3A_2527 = arith.constant 4 : i32
      %swap3A_2528 = arith.index_cast %swap3A_2527 : i32 to index
      %swap3A_2529 = arith.constant 16 : index
      %swap3A_2530 = tpu.vector_load %arg7[%swap3A_2528, %swap3A_2529] {strides = array<i32>} : memref<9x128xi32, #tpu.memory_space<vmem>>, vector<1x16xi32>,
      %swap3A_2531 = vector.shape_cast %swap3A_2530 : vector<1x16xi32> to vector<16xi32>
      %swap3A_2532 = vector.shape_cast %add3A_2526 : vector<16xi32> to vector<1x16xi32>
      tpu.vector_store %arg7[%swap3A_2528, %swap3A_2529], %swap3A_2532 {strides = array<i32>} : memref<9x128xi32, #tpu.memory_space<vmem>>, vector<1x16xi32>,
      %get3A_2533 = arith.constant 4 : i32
      %get3A_2534 = arith.index_cast %get3A_2533 : i32 to index
      %get3A_2535 = arith.constant 32 : index
      %get3A_2536 = tpu.vector_load %arg7[%get3A_2534, %get3A_2535] {strides = array<i32>} : memref<9x128xi32, #tpu.memory_space<vmem>>, vector<1x16xi32>,
      %get3A_2537 = vector.shape_cast %get3A_2536 : vector<1x16xi32> to vector<16xi32>
      %add3A_2538 = arith.constant 512 : i32
      %add3A_2539 = vector.broadcast %add3A_2538 : i32 to vector<16xi32>
      %add3A_2540 = arith.addi %get3A_2537, %add3A_2539 : vector<16xi32>
      %swap3A_2541 = arith.constant 4 : i32
      %swap3A_2542 = arith.index_cast %swap3A_2541 : i32 to index
      %swap3A_2543 = arith.constant 32 : index
      %swap3A_2544 = tpu.vector_load %arg7[%swap3A_2542, %swap3A_2543] {strides = array<i32>} : memref<9x128xi32, #tpu.memory_space<vmem>>, vector<1x16xi32>,
      %swap3A_2545 = vector.shape_cast %swap3A_2544 : vector<1x16xi32> to vector<16xi32>
      %swap3A_2546 = vector.shape_cast %add3A_2540 : vector<16xi32> to vector<1x16xi32>
      tpu.vector_store %arg7[%swap3A_2542, %swap3A_2543], %swap3A_2546 {strides = array<i32>} : memref<9x128xi32, #tpu.memory_space<vmem>>, vector<1x16xi32>,
      %get3A_2547 = arith.constant 4 : i32
      %get3A_2548 = arith.index_cast %get3A_2547 : i32 to index
      %get3A_2549 = arith.constant 48 : index
      %get3A_2550 = tpu.vector_load %arg7[%get3A_2548, %get3A_2549] {strides = array<i32>} : memref<9x128xi32, #tpu.memory_space<vmem>>, vector<1x16xi32>,
      %get3A_2551 = vector.shape_cast %get3A_2550 : vector<1x16xi32> to vector<16xi32>
      %add3A_2552 = arith.constant 512 : i32
      %add3A_2553 = vector.broadcast %add3A_2552 : i32 to vector<16xi32>
      %add3A_2554 = arith.addi %get3A_2551, %add3A_2553 : vector<16xi32>
      %swap3A_2555 = arith.constant 4 : i32
      %swap3A_2556 = arith.index_cast %swap3A_2555 : i32 to index
      %swap3A_2557 = arith.constant 48 : index
      %swap3A_2558 = tpu.vector_load %arg7[%swap3A_2556, %swap3A_2557] {strides = array<i32>} : memref<9x128xi32, #tpu.memory_space<vmem>>, vector<1x16xi32>,
      %swap3A_2559 = vector.shape_cast %swap3A_2558 : vector<1x16xi32> to vector<16xi32>
      %swap3A_2560 = vector.shape_cast %add3A_2554 : vector<16xi32> to vector<1x16xi32>
      tpu.vector_store %arg7[%swap3A_2556, %swap3A_2557], %swap3A_2560 {strides = array<i32>} : memref<9x128xi32, #tpu.memory_space<vmem>>, vector<1x16xi32>,
      %get3A_2561 = arith.constant 4 : i32
      %get3A_2562 = arith.index_cast %get3A_2561 : i32 to index
      %get3A_2563 = arith.constant 64 : index
      %get3A_2564 = tpu.vector_load %arg7[%get3A_2562, %get3A_2563] {strides = array<i32>} : memref<9x128xi32, #tpu.memory_space<vmem>>, vector<1x16xi32>,
      %get3A_2565 = vector.shape_cast %get3A_2564 : vector<1x16xi32> to vector<16xi32>
      %add3A_2566 = arith.constant 512 : i32
      %add3A_2567 = vector.broadcast %add3A_2566 : i32 to vector<16xi32>
      %add3A_2568 = arith.addi %get3A_2565, %add3A_2567 : vector<16xi32>
      %swap3A_2569 = arith.constant 4 : i32
      %swap3A_2570 = arith.index_cast %swap3A_2569 : i32 to index
      %swap3A_2571 = arith.constant 64 : index
      %swap3A_2572 = tpu.vector_load %arg7[%swap3A_2570, %swap3A_2571] {strides = array<i32>} : memref<9x128xi32, #tpu.memory_space<vmem>>, vector<1x16xi32>,
      %swap3A_2573 = vector.shape_cast %swap3A_2572 : vector<1x16xi32> to vector<16xi32>
      %swap3A_2574 = vector.shape_cast %add3A_2568 : vector<16xi32> to vector<1x16xi32>
      tpu.vector_store %arg7[%swap3A_2570, %swap3A_2571], %swap3A_2574 {strides = array<i32>} : memref<9x128xi32, #tpu.memory_space<vmem>>, vector<1x16xi32>,
      %get3A_2575 = arith.constant 4 : i32
      %get3A_2576 = arith.index_cast %get3A_2575 : i32 to index
      %get3A_2577 = arith.constant 80 : index
      %get3A_2578 = tpu.vector_load %arg7[%get3A_2576, %get3A_2577] {strides = array<i32>} : memref<9x128xi32, #tpu.memory_space<vmem>>, vector<1x16xi32>,
      %get3A_2579 = vector.shape_cast %get3A_2578 : vector<1x16xi32> to vector<16xi32>
      %add3A_2580 = arith.constant 512 : i32
      %add3A_2581 = vector.broadcast %add3A_2580 : i32 to vector<16xi32>
      %add3A_2582 = arith.addi %get3A_2579, %add3A_2581 : vector<16xi32>
      %swap3A_2583 = arith.constant 4 : i32
      %swap3A_2584 = arith.index_cast %swap3A_2583 : i32 to index
      %swap3A_2585 = arith.constant 80 : index
      %swap3A_2586 = tpu.vector_load %arg7[%swap3A_2584, %swap3A_2585] {strides = array<i32>} : memref<9x128xi32, #tpu.memory_space<vmem>>, vector<1x16xi32>,
      %swap3A_2587 = vector.shape_cast %swap3A_2586 : vector<1x16xi32> to vector<16xi32>
      %swap3A_2588 = vector.shape_cast %add3A_2582 : vector<16xi32> to vector<1x16xi32>
      tpu.vector_store %arg7[%swap3A_2584, %swap3A_2585], %swap3A_2588 {strides = array<i32>} : memref<9x128xi32, #tpu.memory_space<vmem>>, vector<1x16xi32>,
      %get3A_2589 = arith.constant 4 : i32
      %get3A_2590 = arith.index_cast %get3A_2589 : i32 to index
      %get3A_2591 = arith.constant 96 : index
      %get3A_2592 = tpu.vector_load %arg7[%get3A_2590, %get3A_2591] {strides = array<i32>} : memref<9x128xi32, #tpu.memory_space<vmem>>, vector<1x16xi32>,
      %get3A_2593 = vector.shape_cast %get3A_2592 : vector<1x16xi32> to vector<16xi32>
      %add3A_2594 = arith.constant 512 : i32
      %add3A_2595 = vector.broadcast %add3A_2594 : i32 to vector<16xi32>
      %add3A_2596 = arith.addi %get3A_2593, %add3A_2595 : vector<16xi32>
      %swap3A_2597 = arith.constant 4 : i32
      %swap3A_2598 = arith.index_cast %swap3A_2597 : i32 to index
      %swap3A_2599 = arith.constant 96 : index
      %swap3A_2600 = tpu.vector_load %arg7[%swap3A_2598, %swap3A_2599] {strides = array<i32>} : memref<9x128xi32, #tpu.memory_space<vmem>>, vector<1x16xi32>,
      %swap3A_2601 = vector.shape_cast %swap3A_2600 : vector<1x16xi32> to vector<16xi32>
      %swap3A_2602 = vector.shape_cast %add3A_2596 : vector<16xi32> to vector<1x16xi32>
      tpu.vector_store %arg7[%swap3A_2598, %swap3A_2599], %swap3A_2602 {strides = array<i32>} : memref<9x128xi32, #tpu.memory_space<vmem>>, vector<1x16xi32>,
      %get3A_2603 = arith.constant 4 : i32
      %get3A_2604 = arith.index_cast %get3A_2603 : i32 to index
      %get3A_2605 = arith.constant 112 : index
      %get3A_2606 = tpu.vector_load %arg7[%get3A_2604, %get3A_2605] {strides = array<i32>} : memref<9x128xi32, #tpu.memory_space<vmem>>, vector<1x16xi32>,
      %get3A_2607 = vector.shape_cast %get3A_2606 : vector<1x16xi32> to vector<16xi32>
      %add3A_2608 = arith.constant 512 : i32
      %add3A_2609 = vector.broadcast %add3A_2608 : i32 to vector<16xi32>
      %add3A_2610 = arith.addi %get3A_2607, %add3A_2609 : vector<16xi32>
      %swap3A_2611 = arith.constant 4 : i32
      %swap3A_2612 = arith.index_cast %swap3A_2611 : i32 to index
      %swap3A_2613 = arith.constant 112 : index
      %swap3A_2614 = tpu.vector_load %arg7[%swap3A_2612, %swap3A_2613] {strides = array<i32>} : memref<9x128xi32, #tpu.memory_space<vmem>>, vector<1x16xi32>,
      %swap3A_2615 = vector.shape_cast %swap3A_2614 : vector<1x16xi32> to vector<16xi32>
      %swap3A_2616 = vector.shape_cast %add3A_2610 : vector<16xi32> to vector<1x16xi32>
      tpu.vector_store %arg7[%swap3A_2612, %swap3A_2613], %swap3A_2616 {strides = array<i32>} : memref<9x128xi32, #tpu.memory_space<vmem>>, vector<1x16xi32>,
      %get3A_2617 = arith.constant 5 : i32
      %get3A_2618 = arith.index_cast %get3A_2617 : i32 to index
      %get3A_2619 = arith.constant 0 : index
      %get3A_2620 = tpu.vector_load %arg7[%get3A_2618, %get3A_2619] {strides = array<i32>} : memref<9x128xi32, #tpu.memory_space<vmem>>, vector<1x16xi32>,
      %get3A_2621 = vector.shape_cast %get3A_2620 : vector<1x16xi32> to vector<16xi32>
      %add3A_2622 = arith.constant 640 : i32
      %add3A_2623 = vector.broadcast %add3A_2622 : i32 to vector<16xi32>
      %add3A_2624 = arith.addi %get3A_2621, %add3A_2623 : vector<16xi32>
      %swap3A_2625 = arith.constant 5 : i32
      %swap3A_2626 = arith.index_cast %swap3A_2625 : i32 to index
      %swap3A_2627 = arith.constant 0 : index
      %swap3A_2628 = tpu.vector_load %arg7[%swap3A_2626, %swap3A_2627] {strides = array<i32>} : memref<9x128xi32, #tpu.memory_space<vmem>>, vector<1x16xi32>,
      %swap3A_2629 = vector.shape_cast %swap3A_2628 : vector<1x16xi32> to vector<16xi32>
      %swap3A_2630 = vector.shape_cast %add3A_2624 : vector<16xi32> to vector<1x16xi32>
      tpu.vector_store %arg7[%swap3A_2626, %swap3A_2627], %swap3A_2630 {strides = array<i32>} : memref<9x128xi32, #tpu.memory_space<vmem>>, vector<1x16xi32>,
      %get3A_2631 = arith.constant 5 : i32
      %get3A_2632 = arith.index_cast %get3A_2631 : i32 to index
      %get3A_2633 = arith.constant 16 : index
      %get3A_2634 = tpu.vector_load %arg7[%get3A_2632, %get3A_2633] {strides = array<i32>} : memref<9x128xi32, #tpu.memory_space<vmem>>, vector<1x16xi32>,
      %get3A_2635 = vector.shape_cast %get3A_2634 : vector<1x16xi32> to vector<16xi32>
      %add3A_2636 = arith.constant 640 : i32
      %add3A_2637 = vector.broadcast %add3A_2636 : i32 to vector<16xi32>
      %add3A_2638 = arith.addi %get3A_2635, %add3A_2637 : vector<16xi32>
      %swap3A_2639 = arith.constant 5 : i32
      %swap3A_2640 = arith.index_cast %swap3A_2639 : i32 to index
      %swap3A_2641 = arith.constant 16 : index
      %swap3A_2642 = tpu.vector_load %arg7[%swap3A_2640, %swap3A_2641] {strides = array<i32>} : memref<9x128xi32, #tpu.memory_space<vmem>>, vector<1x16xi32>,
      %swap3A_2643 = vector.shape_cast %swap3A_2642 : vector<1x16xi32> to vector<16xi32>
      %swap3A_2644 = vector.shape_cast %add3A_2638 : vector<16xi32> to vector<1x16xi32>
      tpu.vector_store %arg7[%swap3A_2640, %swap3A_2641], %swap3A_2644 {strides = array<i32>} : memref<9x128xi32, #tpu.memory_space<vmem>>, vector<1x16xi32>,
      %get3A_2645 = arith.constant 5 : i32
      %get3A_2646 = arith.index_cast %get3A_2645 : i32 to index
      %get3A_2647 = arith.constant 32 : index
      %get3A_2648 = tpu.vector_load %arg7[%get3A_2646, %get3A_2647] {strides = array<i32>} : memref<9x128xi32, #tpu.memory_space<vmem>>, vector<1x16xi32>,
      %get3A_2649 = vector.shape_cast %get3A_2648 : vector<1x16xi32> to vector<16xi32>
      %add3A_2650 = arith.constant 640 : i32
      %add3A_2651 = vector.broadcast %add3A_2650 : i32 to vector<16xi32>
      %add3A_2652 = arith.addi %get3A_2649, %add3A_2651 : vector<16xi32>
      %swap3A_2653 = arith.constant 5 : i32
      %swap3A_2654 = arith.index_cast %swap3A_2653 : i32 to index
      %swap3A_2655 = arith.constant 32 : index
      %swap3A_2656 = tpu.vector_load %arg7[%swap3A_2654, %swap3A_2655] {strides = array<i32>} : memref<9x128xi32, #tpu.memory_space<vmem>>, vector<1x16xi32>,
      %swap3A_2657 = vector.shape_cast %swap3A_2656 : vector<1x16xi32> to vector<16xi32>
      %swap3A_2658 = vector.shape_cast %add3A_2652 : vector<16xi32> to vector<1x16xi32>
      tpu.vector_store %arg7[%swap3A_2654, %swap3A_2655], %swap3A_2658 {strides = array<i32>} : memref<9x128xi32, #tpu.memory_space<vmem>>, vector<1x16xi32>,
      %get3A_2659 = arith.constant 5 : i32
      %get3A_2660 = arith.index_cast %get3A_2659 : i32 to index
      %get3A_2661 = arith.constant 48 : index
      %get3A_2662 = tpu.vector_load %arg7[%get3A_2660, %get3A_2661] {strides = array<i32>} : memref<9x128xi32, #tpu.memory_space<vmem>>, vector<1x16xi32>,
      %get3A_2663 = vector.shape_cast %get3A_2662 : vector<1x16xi32> to vector<16xi32>
      %add3A_2664 = arith.constant 640 : i32
      %add3A_2665 = vector.broadcast %add3A_2664 : i32 to vector<16xi32>
      %add3A_2666 = arith.addi %get3A_2663, %add3A_2665 : vector<16xi32>
      %swap3A_2667 = arith.constant 5 : i32
      %swap3A_2668 = arith.index_cast %swap3A_2667 : i32 to index
      %swap3A_2669 = arith.constant 48 : index
      %swap3A_2670 = tpu.vector_load %arg7[%swap3A_2668, %swap3A_2669] {strides = array<i32>} : memref<9x128xi32, #tpu.memory_space<vmem>>, vector<1x16xi32>,
      %swap3A_2671 = vector.shape_cast %swap3A_2670 : vector<1x16xi32> to vector<16xi32>
      %swap3A_2672 = vector.shape_cast %add3A_2666 : vector<16xi32> to vector<1x16xi32>
      tpu.vector_store %arg7[%swap3A_2668, %swap3A_2669], %swap3A_2672 {strides = array<i32>} : memref<9x128xi32, #tpu.memory_space<vmem>>, vector<1x16xi32>,
      %get3A_2673 = arith.constant 5 : i32
      %get3A_2674 = arith.index_cast %get3A_2673 : i32 to index
      %get3A_2675 = arith.constant 64 : index
      %get3A_2676 = tpu.vector_load %arg7[%get3A_2674, %get3A_2675] {strides = array<i32>} : memref<9x128xi32, #tpu.memory_space<vmem>>, vector<1x16xi32>,
      %get3A_2677 = vector.shape_cast %get3A_2676 : vector<1x16xi32> to vector<16xi32>
      %add3A_2678 = arith.constant 640 : i32
      %add3A_2679 = vector.broadcast %add3A_2678 : i32 to vector<16xi32>
      %add3A_2680 = arith.addi %get3A_2677, %add3A_2679 : vector<16xi32>
      %swap3A_2681 = arith.constant 5 : i32
      %swap3A_2682 = arith.index_cast %swap3A_2681 : i32 to index
      %swap3A_2683 = arith.constant 64 : index
      %swap3A_2684 = tpu.vector_load %arg7[%swap3A_2682, %swap3A_2683] {strides = array<i32>} : memref<9x128xi32, #tpu.memory_space<vmem>>, vector<1x16xi32>,
      %swap3A_2685 = vector.shape_cast %swap3A_2684 : vector<1x16xi32> to vector<16xi32>
      %swap3A_2686 = vector.shape_cast %add3A_2680 : vector<16xi32> to vector<1x16xi32>
      tpu.vector_store %arg7[%swap3A_2682, %swap3A_2683], %swap3A_2686 {strides = array<i32>} : memref<9x128xi32, #tpu.memory_space<vmem>>, vector<1x16xi32>,
      %get3A_2687 = arith.constant 5 : i32
      %get3A_2688 = arith.index_cast %get3A_2687 : i32 to index
      %get3A_2689 = arith.constant 80 : index
      %get3A_2690 = tpu.vector_load %arg7[%get3A_2688, %get3A_2689] {strides = array<i32>} : memref<9x128xi32, #tpu.memory_space<vmem>>, vector<1x16xi32>,
      %get3A_2691 = vector.shape_cast %get3A_2690 : vector<1x16xi32> to vector<16xi32>
      %add3A_2692 = arith.constant 640 : i32
      %add3A_2693 = vector.broadcast %add3A_2692 : i32 to vector<16xi32>
      %add3A_2694 = arith.addi %get3A_2691, %add3A_2693 : vector<16xi32>
      %swap3A_2695 = arith.constant 5 : i32
      %swap3A_2696 = arith.index_cast %swap3A_2695 : i32 to index
      %swap3A_2697 = arith.constant 80 : index
      %swap3A_2698 = tpu.vector_load %arg7[%swap3A_2696, %swap3A_2697] {strides = array<i32>} : memref<9x128xi32, #tpu.memory_space<vmem>>, vector<1x16xi32>,
      %swap3A_2699 = vector.shape_cast %swap3A_2698 : vector<1x16xi32> to vector<16xi32>
      %swap3A_2700 = vector.shape_cast %add3A_2694 : vector<16xi32> to vector<1x16xi32>
      tpu.vector_store %arg7[%swap3A_2696, %swap3A_2697], %swap3A_2700 {strides = array<i32>} : memref<9x128xi32, #tpu.memory_space<vmem>>, vector<1x16xi32>,
      %get3A_2701 = arith.constant 5 : i32
      %get3A_2702 = arith.index_cast %get3A_2701 : i32 to index
      %get3A_2703 = arith.constant 96 : index
      %get3A_2704 = tpu.vector_load %arg7[%get3A_2702, %get3A_2703] {strides = array<i32>} : memref<9x128xi32, #tpu.memory_space<vmem>>, vector<1x16xi32>,
      %get3A_2705 = vector.shape_cast %get3A_2704 : vector<1x16xi32> to vector<16xi32>
      %add3A_2706 = arith.constant 640 : i32
      %add3A_2707 = vector.broadcast %add3A_2706 : i32 to vector<16xi32>
      %add3A_2708 = arith.addi %get3A_2705, %add3A_2707 : vector<16xi32>
      %swap3A_2709 = arith.constant 5 : i32
      %swap3A_2710 = arith.index_cast %swap3A_2709 : i32 to index
      %swap3A_2711 = arith.constant 96 : index
      %swap3A_2712 = tpu.vector_load %arg7[%swap3A_2710, %swap3A_2711] {strides = array<i32>} : memref<9x128xi32, #tpu.memory_space<vmem>>, vector<1x16xi32>,
      %swap3A_2713 = vector.shape_cast %swap3A_2712 : vector<1x16xi32> to vector<16xi32>
      %swap3A_2714 = vector.shape_cast %add3A_2708 : vector<16xi32> to vector<1x16xi32>
      tpu.vector_store %arg7[%swap3A_2710, %swap3A_2711], %swap3A_2714 {strides = array<i32>} : memref<9x128xi32, #tpu.memory_space<vmem>>, vector<1x16xi32>,
      %get3A_2715 = arith.constant 5 : i32
      %get3A_2716 = arith.index_cast %get3A_2715 : i32 to index
      %get3A_2717 = arith.constant 112 : index
      %get3A_2718 = tpu.vector_load %arg7[%get3A_2716, %get3A_2717] {strides = array<i32>} : memref<9x128xi32, #tpu.memory_space<vmem>>, vector<1x16xi32>,
      %get3A_2719 = vector.shape_cast %get3A_2718 : vector<1x16xi32> to vector<16xi32>
      %add3A_2720 = arith.constant 640 : i32
      %add3A_2721 = vector.broadcast %add3A_2720 : i32 to vector<16xi32>
      %add3A_2722 = arith.addi %get3A_2719, %add3A_2721 : vector<16xi32>
      %swap3A_2723 = arith.constant 5 : i32
      %swap3A_2724 = arith.index_cast %swap3A_2723 : i32 to index
      %swap3A_2725 = arith.constant 112 : index
      %swap3A_2726 = tpu.vector_load %arg7[%swap3A_2724, %swap3A_2725] {strides = array<i32>} : memref<9x128xi32, #tpu.memory_space<vmem>>, vector<1x16xi32>,
      %swap3A_2727 = vector.shape_cast %swap3A_2726 : vector<1x16xi32> to vector<16xi32>
      %swap3A_2728 = vector.shape_cast %add3A_2722 : vector<16xi32> to vector<1x16xi32>
      tpu.vector_store %arg7[%swap3A_2724, %swap3A_2725], %swap3A_2728 {strides = array<i32>} : memref<9x128xi32, #tpu.memory_space<vmem>>, vector<1x16xi32>,
      %get3A_2729 = arith.constant 6 : i32
      %get3A_2730 = arith.index_cast %get3A_2729 : i32 to index
      %get3A_2731 = arith.constant 0 : index
      %get3A_2732 = tpu.vector_load %arg7[%get3A_2730, %get3A_2731] {strides = array<i32>} : memref<9x128xi32, #tpu.memory_space<vmem>>, vector<1x16xi32>,
      %get3A_2733 = vector.shape_cast %get3A_2732 : vector<1x16xi32> to vector<16xi32>
      %add3A_2734 = arith.constant 768 : i32
      %add3A_2735 = vector.broadcast %add3A_2734 : i32 to vector<16xi32>
      %add3A_2736 = arith.addi %get3A_2733, %add3A_2735 : vector<16xi32>
      %swap3A_2737 = arith.constant 6 : i32
      %swap3A_2738 = arith.index_cast %swap3A_2737 : i32 to index
      %swap3A_2739 = arith.constant 0 : index
      %swap3A_2740 = tpu.vector_load %arg7[%swap3A_2738, %swap3A_2739] {strides = array<i32>} : memref<9x128xi32, #tpu.memory_space<vmem>>, vector<1x16xi32>,
      %swap3A_2741 = vector.shape_cast %swap3A_2740 : vector<1x16xi32> to vector<16xi32>
      %swap3A_2742 = vector.shape_cast %add3A_2736 : vector<16xi32> to vector<1x16xi32>
      tpu.vector_store %arg7[%swap3A_2738, %swap3A_2739], %swap3A_2742 {strides = array<i32>} : memref<9x128xi32, #tpu.memory_space<vmem>>, vector<1x16xi32>,
      %get3A_2743 = arith.constant 6 : i32
      %get3A_2744 = arith.index_cast %get3A_2743 : i32 to index
      %get3A_2745 = arith.constant 16 : index
      %get3A_2746 = tpu.vector_load %arg7[%get3A_2744, %get3A_2745] {strides = array<i32>} : memref<9x128xi32, #tpu.memory_space<vmem>>, vector<1x16xi32>,
      %get3A_2747 = vector.shape_cast %get3A_2746 : vector<1x16xi32> to vector<16xi32>
      %add3A_2748 = arith.constant 768 : i32
      %add3A_2749 = vector.broadcast %add3A_2748 : i32 to vector<16xi32>
      %add3A_2750 = arith.addi %get3A_2747, %add3A_2749 : vector<16xi32>
      %swap3A_2751 = arith.constant 6 : i32
      %swap3A_2752 = arith.index_cast %swap3A_2751 : i32 to index
      %swap3A_2753 = arith.constant 16 : index
      %swap3A_2754 = tpu.vector_load %arg7[%swap3A_2752, %swap3A_2753] {strides = array<i32>} : memref<9x128xi32, #tpu.memory_space<vmem>>, vector<1x16xi32>,
      %swap3A_2755 = vector.shape_cast %swap3A_2754 : vector<1x16xi32> to vector<16xi32>
      %swap3A_2756 = vector.shape_cast %add3A_2750 : vector<16xi32> to vector<1x16xi32>
      tpu.vector_store %arg7[%swap3A_2752, %swap3A_2753], %swap3A_2756 {strides = array<i32>} : memref<9x128xi32, #tpu.memory_space<vmem>>, vector<1x16xi32>,
      %get3A_2757 = arith.constant 6 : i32
      %get3A_2758 = arith.index_cast %get3A_2757 : i32 to index
      %get3A_2759 = arith.constant 32 : index
      %get3A_2760 = tpu.vector_load %arg7[%get3A_2758, %get3A_2759] {strides = array<i32>} : memref<9x128xi32, #tpu.memory_space<vmem>>, vector<1x16xi32>,
      %get3A_2761 = vector.shape_cast %get3A_2760 : vector<1x16xi32> to vector<16xi32>
      %add3A_2762 = arith.constant 768 : i32
      %add3A_2763 = vector.broadcast %add3A_2762 : i32 to vector<16xi32>
      %add3A_2764 = arith.addi %get3A_2761, %add3A_2763 : vector<16xi32>
      %swap3A_2765 = arith.constant 6 : i32
      %swap3A_2766 = arith.index_cast %swap3A_2765 : i32 to index
      %swap3A_2767 = arith.constant 32 : index
      %swap3A_2768 = tpu.vector_load %arg7[%swap3A_2766, %swap3A_2767] {strides = array<i32>} : memref<9x128xi32, #tpu.memory_space<vmem>>, vector<1x16xi32>,
      %swap3A_2769 = vector.shape_cast %swap3A_2768 : vector<1x16xi32> to vector<16xi32>
      %swap3A_2770 = vector.shape_cast %add3A_2764 : vector<16xi32> to vector<1x16xi32>
      tpu.vector_store %arg7[%swap3A_2766, %swap3A_2767], %swap3A_2770 {strides = array<i32>} : memref<9x128xi32, #tpu.memory_space<vmem>>, vector<1x16xi32>,
      %get3A_2771 = arith.constant 6 : i32
      %get3A_2772 = arith.index_cast %get3A_2771 : i32 to index
      %get3A_2773 = arith.constant 48 : index
      %get3A_2774 = tpu.vector_load %arg7[%get3A_2772, %get3A_2773] {strides = array<i32>} : memref<9x128xi32, #tpu.memory_space<vmem>>, vector<1x16xi32>,
      %get3A_2775 = vector.shape_cast %get3A_2774 : vector<1x16xi32> to vector<16xi32>
      %add3A_2776 = arith.constant 768 : i32
      %add3A_2777 = vector.broadcast %add3A_2776 : i32 to vector<16xi32>
      %add3A_2778 = arith.addi %get3A_2775, %add3A_2777 : vector<16xi32>
      %swap3A_2779 = arith.constant 6 : i32
      %swap3A_2780 = arith.index_cast %swap3A_2779 : i32 to index
      %swap3A_2781 = arith.constant 48 : index
      %swap3A_2782 = tpu.vector_load %arg7[%swap3A_2780, %swap3A_2781] {strides = array<i32>} : memref<9x128xi32, #tpu.memory_space<vmem>>, vector<1x16xi32>,
      %swap3A_2783 = vector.shape_cast %swap3A_2782 : vector<1x16xi32> to vector<16xi32>
      %swap3A_2784 = vector.shape_cast %add3A_2778 : vector<16xi32> to vector<1x16xi32>
      tpu.vector_store %arg7[%swap3A_2780, %swap3A_2781], %swap3A_2784 {strides = array<i32>} : memref<9x128xi32, #tpu.memory_space<vmem>>, vector<1x16xi32>,
      %get3A_2785 = arith.constant 6 : i32
      %get3A_2786 = arith.index_cast %get3A_2785 : i32 to index
      %get3A_2787 = arith.constant 64 : index
      %get3A_2788 = tpu.vector_load %arg7[%get3A_2786, %get3A_2787] {strides = array<i32>} : memref<9x128xi32, #tpu.memory_space<vmem>>, vector<1x16xi32>,
      %get3A_2789 = vector.shape_cast %get3A_2788 : vector<1x16xi32> to vector<16xi32>
      %add3A_2790 = arith.constant 768 : i32
      %add3A_2791 = vector.broadcast %add3A_2790 : i32 to vector<16xi32>
      %add3A_2792 = arith.addi %get3A_2789, %add3A_2791 : vector<16xi32>
      %swap3A_2793 = arith.constant 6 : i32
      %swap3A_2794 = arith.index_cast %swap3A_2793 : i32 to index
      %swap3A_2795 = arith.constant 64 : index
      %swap3A_2796 = tpu.vector_load %arg7[%swap3A_2794, %swap3A_2795] {strides = array<i32>} : memref<9x128xi32, #tpu.memory_space<vmem>>, vector<1x16xi32>,
      %swap3A_2797 = vector.shape_cast %swap3A_2796 : vector<1x16xi32> to vector<16xi32>
      %swap3A_2798 = vector.shape_cast %add3A_2792 : vector<16xi32> to vector<1x16xi32>
      tpu.vector_store %arg7[%swap3A_2794, %swap3A_2795], %swap3A_2798 {strides = array<i32>} : memref<9x128xi32, #tpu.memory_space<vmem>>, vector<1x16xi32>,
      %get3A_2799 = arith.constant 6 : i32
      %get3A_2800 = arith.index_cast %get3A_2799 : i32 to index
      %get3A_2801 = arith.constant 80 : index
      %get3A_2802 = tpu.vector_load %arg7[%get3A_2800, %get3A_2801] {strides = array<i32>} : memref<9x128xi32, #tpu.memory_space<vmem>>, vector<1x16xi32>,
      %get3A_2803 = vector.shape_cast %get3A_2802 : vector<1x16xi32> to vector<16xi32>
      %add3A_2804 = arith.constant 768 : i32
      %add3A_2805 = vector.broadcast %add3A_2804 : i32 to vector<16xi32>
      %add3A_2806 = arith.addi %get3A_2803, %add3A_2805 : vector<16xi32>
      %swap3A_2807 = arith.constant 6 : i32
      %swap3A_2808 = arith.index_cast %swap3A_2807 : i32 to index
      %swap3A_2809 = arith.constant 80 : index
      %swap3A_2810 = tpu.vector_load %arg7[%swap3A_2808, %swap3A_2809] {strides = array<i32>} : memref<9x128xi32, #tpu.memory_space<vmem>>, vector<1x16xi32>,
      %swap3A_2811 = vector.shape_cast %swap3A_2810 : vector<1x16xi32> to vector<16xi32>
      %swap3A_2812 = vector.shape_cast %add3A_2806 : vector<16xi32> to vector<1x16xi32>
      tpu.vector_store %arg7[%swap3A_2808, %swap3A_2809], %swap3A_2812 {strides = array<i32>} : memref<9x128xi32, #tpu.memory_space<vmem>>, vector<1x16xi32>,
      %get3A_2813 = arith.constant 6 : i32
      %get3A_2814 = arith.index_cast %get3A_2813 : i32 to index
      %get3A_2815 = arith.constant 96 : index
      %get3A_2816 = tpu.vector_load %arg7[%get3A_2814, %get3A_2815] {strides = array<i32>} : memref<9x128xi32, #tpu.memory_space<vmem>>, vector<1x16xi32>,
      %get3A_2817 = vector.shape_cast %get3A_2816 : vector<1x16xi32> to vector<16xi32>
      %add3A_2818 = arith.constant 768 : i32
      %add3A_2819 = vector.broadcast %add3A_2818 : i32 to vector<16xi32>
      %add3A_2820 = arith.addi %get3A_2817, %add3A_2819 : vector<16xi32>
      %swap3A_2821 = arith.constant 6 : i32
      %swap3A_2822 = arith.index_cast %swap3A_2821 : i32 to index
      %swap3A_2823 = arith.constant 96 : index
      %swap3A_2824 = tpu.vector_load %arg7[%swap3A_2822, %swap3A_2823] {strides = array<i32>} : memref<9x128xi32, #tpu.memory_space<vmem>>, vector<1x16xi32>,
      %swap3A_2825 = vector.shape_cast %swap3A_2824 : vector<1x16xi32> to vector<16xi32>
      %swap3A_2826 = vector.shape_cast %add3A_2820 : vector<16xi32> to vector<1x16xi32>
      tpu.vector_store %arg7[%swap3A_2822, %swap3A_2823], %swap3A_2826 {strides = array<i32>} : memref<9x128xi32, #tpu.memory_space<vmem>>, vector<1x16xi32>,
      %get3A_2827 = arith.constant 6 : i32
      %get3A_2828 = arith.index_cast %get3A_2827 : i32 to index
      %get3A_2829 = arith.constant 112 : index
      %get3A_2830 = tpu.vector_load %arg7[%get3A_2828, %get3A_2829] {strides = array<i32>} : memref<9x128xi32, #tpu.memory_space<vmem>>, vector<1x16xi32>,
      %get3A_2831 = vector.shape_cast %get3A_2830 : vector<1x16xi32> to vector<16xi32>
      %add3A_2832 = arith.constant 768 : i32
      %add3A_2833 = vector.broadcast %add3A_2832 : i32 to vector<16xi32>
      %add3A_2834 = arith.addi %get3A_2831, %add3A_2833 : vector<16xi32>
      %swap3A_2835 = arith.constant 6 : i32
      %swap3A_2836 = arith.index_cast %swap3A_2835 : i32 to index
      %swap3A_2837 = arith.constant 112 : index
      %swap3A_2838 = tpu.vector_load %arg7[%swap3A_2836, %swap3A_2837] {strides = array<i32>} : memref<9x128xi32, #tpu.memory_space<vmem>>, vector<1x16xi32>,
      %swap3A_2839 = vector.shape_cast %swap3A_2838 : vector<1x16xi32> to vector<16xi32>
      %swap3A_2840 = vector.shape_cast %add3A_2834 : vector<16xi32> to vector<1x16xi32>
      tpu.vector_store %arg7[%swap3A_2836, %swap3A_2837], %swap3A_2840 {strides = array<i32>} : memref<9x128xi32, #tpu.memory_space<vmem>>, vector<1x16xi32>,
      %get3A_2841 = arith.constant 7 : i32
      %get3A_2842 = arith.index_cast %get3A_2841 : i32 to index
      %get3A_2843 = arith.constant 0 : index
      %get3A_2844 = tpu.vector_load %arg7[%get3A_2842, %get3A_2843] {strides = array<i32>} : memref<9x128xi32, #tpu.memory_space<vmem>>, vector<1x16xi32>,
      %get3A_2845 = vector.shape_cast %get3A_2844 : vector<1x16xi32> to vector<16xi32>
      %add3A_2846 = arith.constant 896 : i32
      %add3A_2847 = vector.broadcast %add3A_2846 : i32 to vector<16xi32>
      %add3A_2848 = arith.addi %get3A_2845, %add3A_2847 : vector<16xi32>
      %swap3A_2849 = arith.constant 7 : i32
      %swap3A_2850 = arith.index_cast %swap3A_2849 : i32 to index
      %swap3A_2851 = arith.constant 0 : index
      %swap3A_2852 = tpu.vector_load %arg7[%swap3A_2850, %swap3A_2851] {strides = array<i32>} : memref<9x128xi32, #tpu.memory_space<vmem>>, vector<1x16xi32>,
      %swap3A_2853 = vector.shape_cast %swap3A_2852 : vector<1x16xi32> to vector<16xi32>
      %swap3A_2854 = vector.shape_cast %add3A_2848 : vector<16xi32> to vector<1x16xi32>
      tpu.vector_store %arg7[%swap3A_2850, %swap3A_2851], %swap3A_2854 {strides = array<i32>} : memref<9x128xi32, #tpu.memory_space<vmem>>, vector<1x16xi32>,
      %get3A_2855 = arith.constant 7 : i32
      %get3A_2856 = arith.index_cast %get3A_2855 : i32 to index
      %get3A_2857 = arith.constant 16 : index
      %get3A_2858 = tpu.vector_load %arg7[%get3A_2856, %get3A_2857] {strides = array<i32>} : memref<9x128xi32, #tpu.memory_space<vmem>>, vector<1x16xi32>,
      %get3A_2859 = vector.shape_cast %get3A_2858 : vector<1x16xi32> to vector<16xi32>
      %add3A_2860 = arith.constant 896 : i32
      %add3A_2861 = vector.broadcast %add3A_2860 : i32 to vector<16xi32>
      %add3A_2862 = arith.addi %get3A_2859, %add3A_2861 : vector<16xi32>
      %swap3A_2863 = arith.constant 7 : i32
      %swap3A_2864 = arith.index_cast %swap3A_2863 : i32 to index
      %swap3A_2865 = arith.constant 16 : index
      %swap3A_2866 = tpu.vector_load %arg7[%swap3A_2864, %swap3A_2865] {strides = array<i32>} : memref<9x128xi32, #tpu.memory_space<vmem>>, vector<1x16xi32>,
      %swap3A_2867 = vector.shape_cast %swap3A_2866 : vector<1x16xi32> to vector<16xi32>
      %swap3A_2868 = vector.shape_cast %add3A_2862 : vector<16xi32> to vector<1x16xi32>
      tpu.vector_store %arg7[%swap3A_2864, %swap3A_2865], %swap3A_2868 {strides = array<i32>} : memref<9x128xi32, #tpu.memory_space<vmem>>, vector<1x16xi32>,
      %get3A_2869 = arith.constant 7 : i32
      %get3A_2870 = arith.index_cast %get3A_2869 : i32 to index
      %get3A_2871 = arith.constant 32 : index
      %get3A_2872 = tpu.vector_load %arg7[%get3A_2870, %get3A_2871] {strides = array<i32>} : memref<9x128xi32, #tpu.memory_space<vmem>>, vector<1x16xi32>,
      %get3A_2873 = vector.shape_cast %get3A_2872 : vector<1x16xi32> to vector<16xi32>
      %add3A_2874 = arith.constant 896 : i32
      %add3A_2875 = vector.broadcast %add3A_2874 : i32 to vector<16xi32>
      %add3A_2876 = arith.addi %get3A_2873, %add3A_2875 : vector<16xi32>
      %swap3A_2877 = arith.constant 7 : i32
      %swap3A_2878 = arith.index_cast %swap3A_2877 : i32 to index
      %swap3A_2879 = arith.constant 32 : index
      %swap3A_2880 = tpu.vector_load %arg7[%swap3A_2878, %swap3A_2879] {strides = array<i32>} : memref<9x128xi32, #tpu.memory_space<vmem>>, vector<1x16xi32>,
      %swap3A_2881 = vector.shape_cast %swap3A_2880 : vector<1x16xi32> to vector<16xi32>
      %swap3A_2882 = vector.shape_cast %add3A_2876 : vector<16xi32> to vector<1x16xi32>
      tpu.vector_store %arg7[%swap3A_2878, %swap3A_2879], %swap3A_2882 {strides = array<i32>} : memref<9x128xi32, #tpu.memory_space<vmem>>, vector<1x16xi32>,
      %get3A_2883 = arith.constant 7 : i32
      %get3A_2884 = arith.index_cast %get3A_2883 : i32 to index
      %get3A_2885 = arith.constant 48 : index
      %get3A_2886 = tpu.vector_load %arg7[%get3A_2884, %get3A_2885] {strides = array<i32>} : memref<9x128xi32, #tpu.memory_space<vmem>>, vector<1x16xi32>,
      %get3A_2887 = vector.shape_cast %get3A_2886 : vector<1x16xi32> to vector<16xi32>
      %add3A_2888 = arith.constant 896 : i32
      %add3A_2889 = vector.broadcast %add3A_2888 : i32 to vector<16xi32>
      %add3A_2890 = arith.addi %get3A_2887, %add3A_2889 : vector<16xi32>
      %swap3A_2891 = arith.constant 7 : i32
      %swap3A_2892 = arith.index_cast %swap3A_2891 : i32 to index
      %swap3A_2893 = arith.constant 48 : index
      %swap3A_2894 = tpu.vector_load %arg7[%swap3A_2892, %swap3A_2893] {strides = array<i32>} : memref<9x128xi32, #tpu.memory_space<vmem>>, vector<1x16xi32>,
      %swap3A_2895 = vector.shape_cast %swap3A_2894 : vector<1x16xi32> to vector<16xi32>
      %swap3A_2896 = vector.shape_cast %add3A_2890 : vector<16xi32> to vector<1x16xi32>
      tpu.vector_store %arg7[%swap3A_2892, %swap3A_2893], %swap3A_2896 {strides = array<i32>} : memref<9x128xi32, #tpu.memory_space<vmem>>, vector<1x16xi32>,
      %get3A_2897 = arith.constant 7 : i32
      %get3A_2898 = arith.index_cast %get3A_2897 : i32 to index
      %get3A_2899 = arith.constant 64 : index
      %get3A_2900 = tpu.vector_load %arg7[%get3A_2898, %get3A_2899] {strides = array<i32>} : memref<9x128xi32, #tpu.memory_space<vmem>>, vector<1x16xi32>,
      %get3A_2901 = vector.shape_cast %get3A_2900 : vector<1x16xi32> to vector<16xi32>
      %add3A_2902 = arith.constant 896 : i32
      %add3A_2903 = vector.broadcast %add3A_2902 : i32 to vector<16xi32>
      %add3A_2904 = arith.addi %get3A_2901, %add3A_2903 : vector<16xi32>
      %swap3A_2905 = arith.constant 7 : i32
      %swap3A_2906 = arith.index_cast %swap3A_2905 : i32 to index
      %swap3A_2907 = arith.constant 64 : index
      %swap3A_2908 = tpu.vector_load %arg7[%swap3A_2906, %swap3A_2907] {strides = array<i32>} : memref<9x128xi32, #tpu.memory_space<vmem>>, vector<1x16xi32>,
      %swap3A_2909 = vector.shape_cast %swap3A_2908 : vector<1x16xi32> to vector<16xi32>
      %swap3A_2910 = vector.shape_cast %add3A_2904 : vector<16xi32> to vector<1x16xi32>
      tpu.vector_store %arg7[%swap3A_2906, %swap3A_2907], %swap3A_2910 {strides = array<i32>} : memref<9x128xi32, #tpu.memory_space<vmem>>, vector<1x16xi32>,
      %get3A_2911 = arith.constant 7 : i32
      %get3A_2912 = arith.index_cast %get3A_2911 : i32 to index
      %get3A_2913 = arith.constant 80 : index
      %get3A_2914 = tpu.vector_load %arg7[%get3A_2912, %get3A_2913] {strides = array<i32>} : memref<9x128xi32, #tpu.memory_space<vmem>>, vector<1x16xi32>,
      %get3A_2915 = vector.shape_cast %get3A_2914 : vector<1x16xi32> to vector<16xi32>
      %add3A_2916 = arith.constant 896 : i32
      %add3A_2917 = vector.broadcast %add3A_2916 : i32 to vector<16xi32>
      %add3A_2918 = arith.addi %get3A_2915, %add3A_2917 : vector<16xi32>
      %swap3A_2919 = arith.constant 7 : i32
      %swap3A_2920 = arith.index_cast %swap3A_2919 : i32 to index
      %swap3A_2921 = arith.constant 80 : index
      %swap3A_2922 = tpu.vector_load %arg7[%swap3A_2920, %swap3A_2921] {strides = array<i32>} : memref<9x128xi32, #tpu.memory_space<vmem>>, vector<1x16xi32>,
      %swap3A_2923 = vector.shape_cast %swap3A_2922 : vector<1x16xi32> to vector<16xi32>
      %swap3A_2924 = vector.shape_cast %add3A_2918 : vector<16xi32> to vector<1x16xi32>
      tpu.vector_store %arg7[%swap3A_2920, %swap3A_2921], %swap3A_2924 {strides = array<i32>} : memref<9x128xi32, #tpu.memory_space<vmem>>, vector<1x16xi32>,
      %get3A_2925 = arith.constant 7 : i32
      %get3A_2926 = arith.index_cast %get3A_2925 : i32 to index
      %get3A_2927 = arith.constant 96 : index
      %get3A_2928 = tpu.vector_load %arg7[%get3A_2926, %get3A_2927] {strides = array<i32>} : memref<9x128xi32, #tpu.memory_space<vmem>>, vector<1x16xi32>,
      %get3A_2929 = vector.shape_cast %get3A_2928 : vector<1x16xi32> to vector<16xi32>
      %add3A_2930 = arith.constant 896 : i32
      %add3A_2931 = vector.broadcast %add3A_2930 : i32 to vector<16xi32>
      %add3A_2932 = arith.addi %get3A_2929, %add3A_2931 : vector<16xi32>
      %swap3A_2933 = arith.constant 7 : i32
      %swap3A_2934 = arith.index_cast %swap3A_2933 : i32 to index
      %swap3A_2935 = arith.constant 96 : index
      %swap3A_2936 = tpu.vector_load %arg7[%swap3A_2934, %swap3A_2935] {strides = array<i32>} : memref<9x128xi32, #tpu.memory_space<vmem>>, vector<1x16xi32>,
      %swap3A_2937 = vector.shape_cast %swap3A_2936 : vector<1x16xi32> to vector<16xi32>
      %swap3A_2938 = vector.shape_cast %add3A_2932 : vector<16xi32> to vector<1x16xi32>
      tpu.vector_store %arg7[%swap3A_2934, %swap3A_2935], %swap3A_2938 {strides = array<i32>} : memref<9x128xi32, #tpu.memory_space<vmem>>, vector<1x16xi32>,
      %get3A_2939 = arith.constant 7 : i32
      %get3A_2940 = arith.index_cast %get3A_2939 : i32 to index
      %get3A_2941 = arith.constant 112 : index
      %get3A_2942 = tpu.vector_load %arg7[%get3A_2940, %get3A_2941] {strides = array<i32>} : memref<9x128xi32, #tpu.memory_space<vmem>>, vector<1x16xi32>,
      %get3A_2943 = vector.shape_cast %get3A_2942 : vector<1x16xi32> to vector<16xi32>
      %add3A_2944 = arith.constant 896 : i32
      %add3A_2945 = vector.broadcast %add3A_2944 : i32 to vector<16xi32>
      %add3A_2946 = arith.addi %get3A_2943, %add3A_2945 : vector<16xi32>
      %swap3A_2947 = arith.constant 7 : i32
      %swap3A_2948 = arith.index_cast %swap3A_2947 : i32 to index
      %swap3A_2949 = arith.constant 112 : index
      %swap3A_2950 = tpu.vector_load %arg7[%swap3A_2948, %swap3A_2949] {strides = array<i32>} : memref<9x128xi32, #tpu.memory_space<vmem>>, vector<1x16xi32>,
      %swap3A_2951 = vector.shape_cast %swap3A_2950 : vector<1x16xi32> to vector<16xi32>
      %swap3A_2952 = vector.shape_cast %add3A_2946 : vector<16xi32> to vector<1x16xi32>
      tpu.vector_store %arg7[%swap3A_2948, %swap3A_2949], %swap3A_2952 {strides = array<i32>} : memref<9x128xi32, #tpu.memory_space<vmem>>, vector<1x16xi32>,
      %get3A_2953 = arith.constant 8 : i32
      %get3A_2954 = arith.index_cast %get3A_2953 : i32 to index
      %get3A_2955 = arith.constant 0 : index
      %get3A_2956 = tpu.vector_load %arg7[%get3A_2954, %get3A_2955] {strides = array<i32>} : memref<9x128xi32, #tpu.memory_space<vmem>>, vector<1x16xi32>,
      %get3A_2957 = vector.shape_cast %get3A_2956 : vector<1x16xi32> to vector<16xi32>
      %add3A_2958 = arith.constant 1024 : i32
      %add3A_2959 = vector.broadcast %add3A_2958 : i32 to vector<16xi32>
      %add3A_2960 = arith.addi %get3A_2957, %add3A_2959 : vector<16xi32>
      %swap3A_2961 = arith.constant 8 : i32
      %swap3A_2962 = arith.index_cast %swap3A_2961 : i32 to index
      %swap3A_2963 = arith.constant 0 : index
      %swap3A_2964 = tpu.vector_load %arg7[%swap3A_2962, %swap3A_2963] {strides = array<i32>} : memref<9x128xi32, #tpu.memory_space<vmem>>, vector<1x16xi32>,
      %swap3A_2965 = vector.shape_cast %swap3A_2964 : vector<1x16xi32> to vector<16xi32>
      %swap3A_2966 = vector.shape_cast %add3A_2960 : vector<16xi32> to vector<1x16xi32>
      tpu.vector_store %arg7[%swap3A_2962, %swap3A_2963], %swap3A_2966 {strides = array<i32>} : memref<9x128xi32, #tpu.memory_space<vmem>>, vector<1x16xi32>,
      %get3A_2967 = arith.constant 8 : i32
      %get3A_2968 = arith.index_cast %get3A_2967 : i32 to index
      %get3A_2969 = arith.constant 16 : index
      %get3A_2970 = tpu.vector_load %arg7[%get3A_2968, %get3A_2969] {strides = array<i32>} : memref<9x128xi32, #tpu.memory_space<vmem>>, vector<1x16xi32>,
      %get3A_2971 = vector.shape_cast %get3A_2970 : vector<1x16xi32> to vector<16xi32>
      %add3A_2972 = arith.constant 1024 : i32
      %add3A_2973 = vector.broadcast %add3A_2972 : i32 to vector<16xi32>
      %add3A_2974 = arith.addi %get3A_2971, %add3A_2973 : vector<16xi32>
      %swap3A_2975 = arith.constant 8 : i32
      %swap3A_2976 = arith.index_cast %swap3A_2975 : i32 to index
      %swap3A_2977 = arith.constant 16 : index
      %swap3A_2978 = tpu.vector_load %arg7[%swap3A_2976, %swap3A_2977] {strides = array<i32>} : memref<9x128xi32, #tpu.memory_space<vmem>>, vector<1x16xi32>,
      %swap3A_2979 = vector.shape_cast %swap3A_2978 : vector<1x16xi32> to vector<16xi32>
      %swap3A_2980 = vector.shape_cast %add3A_2974 : vector<16xi32> to vector<1x16xi32>
      tpu.vector_store %arg7[%swap3A_2976, %swap3A_2977], %swap3A_2980 {strides = array<i32>} : memref<9x128xi32, #tpu.memory_space<vmem>>, vector<1x16xi32>,
      %get3A_2981 = arith.constant 8 : i32
      %get3A_2982 = arith.index_cast %get3A_2981 : i32 to index
      %get3A_2983 = arith.constant 32 : index
      %get3A_2984 = tpu.vector_load %arg7[%get3A_2982, %get3A_2983] {strides = array<i32>} : memref<9x128xi32, #tpu.memory_space<vmem>>, vector<1x16xi32>,
      %get3A_2985 = vector.shape_cast %get3A_2984 : vector<1x16xi32> to vector<16xi32>
      %add3A_2986 = arith.constant 1024 : i32
      %add3A_2987 = vector.broadcast %add3A_2986 : i32 to vector<16xi32>
      %add3A_2988 = arith.addi %get3A_2985, %add3A_2987 : vector<16xi32>
      %swap3A_2989 = arith.constant 8 : i32
      %swap3A_2990 = arith.index_cast %swap3A_2989 : i32 to index
      %swap3A_2991 = arith.constant 32 : index
      %swap3A_2992 = tpu.vector_load %arg7[%swap3A_2990, %swap3A_2991] {strides = array<i32>} : memref<9x128xi32, #tpu.memory_space<vmem>>, vector<1x16xi32>,
      %swap3A_2993 = vector.shape_cast %swap3A_2992 : vector<1x16xi32> to vector<16xi32>
      %swap3A_2994 = vector.shape_cast %add3A_2988 : vector<16xi32> to vector<1x16xi32>
      tpu.vector_store %arg7[%swap3A_2990, %swap3A_2991], %swap3A_2994 {strides = array<i32>} : memref<9x128xi32, #tpu.memory_space<vmem>>, vector<1x16xi32>,
      %get3A_2995 = arith.constant 8 : i32
      %get3A_2996 = arith.index_cast %get3A_2995 : i32 to index
      %get3A_2997 = arith.constant 48 : index
      %get3A_2998 = tpu.vector_load %arg7[%get3A_2996, %get3A_2997] {strides = array<i32>} : memref<9x128xi32, #tpu.memory_space<vmem>>, vector<1x16xi32>,
      %get3A_2999 = vector.shape_cast %get3A_2998 : vector<1x16xi32> to vector<16xi32>
      %add3A_3000 = arith.constant 1024 : i32
      %add3A_3001 = vector.broadcast %add3A_3000 : i32 to vector<16xi32>
      %add3A_3002 = arith.addi %get3A_2999, %add3A_3001 : vector<16xi32>
      %swap3A_3003 = arith.constant 8 : i32
      %swap3A_3004 = arith.index_cast %swap3A_3003 : i32 to index
      %swap3A_3005 = arith.constant 48 : index
      %swap3A_3006 = tpu.vector_load %arg7[%swap3A_3004, %swap3A_3005] {strides = array<i32>} : memref<9x128xi32, #tpu.memory_space<vmem>>, vector<1x16xi32>,
      %swap3A_3007 = vector.shape_cast %swap3A_3006 : vector<1x16xi32> to vector<16xi32>
      %swap3A_3008 = vector.shape_cast %add3A_3002 : vector<16xi32> to vector<1x16xi32>
      tpu.vector_store %arg7[%swap3A_3004, %swap3A_3005], %swap3A_3008 {strides = array<i32>} : memref<9x128xi32, #tpu.memory_space<vmem>>, vector<1x16xi32>,
      %get3A_3009 = arith.constant 8 : i32
      %get3A_3010 = arith.index_cast %get3A_3009 : i32 to index
      %get3A_3011 = arith.constant 64 : index
      %get3A_3012 = tpu.vector_load %arg7[%get3A_3010, %get3A_3011] {strides = array<i32>} : memref<9x128xi32, #tpu.memory_space<vmem>>, vector<1x16xi32>,
      %get3A_3013 = vector.shape_cast %get3A_3012 : vector<1x16xi32> to vector<16xi32>
      %add3A_3014 = arith.constant 1024 : i32
      %add3A_3015 = vector.broadcast %add3A_3014 : i32 to vector<16xi32>
      %add3A_3016 = arith.addi %get3A_3013, %add3A_3015 : vector<16xi32>
      %swap3A_3017 = arith.constant 8 : i32
      %swap3A_3018 = arith.index_cast %swap3A_3017 : i32 to index
      %swap3A_3019 = arith.constant 64 : index
      %swap3A_3020 = tpu.vector_load %arg7[%swap3A_3018, %swap3A_3019] {strides = array<i32>} : memref<9x128xi32, #tpu.memory_space<vmem>>, vector<1x16xi32>,
      %swap3A_3021 = vector.shape_cast %swap3A_3020 : vector<1x16xi32> to vector<16xi32>
      %swap3A_3022 = vector.shape_cast %add3A_3016 : vector<16xi32> to vector<1x16xi32>
      tpu.vector_store %arg7[%swap3A_3018, %swap3A_3019], %swap3A_3022 {strides = array<i32>} : memref<9x128xi32, #tpu.memory_space<vmem>>, vector<1x16xi32>,
      %get3A_3023 = arith.constant 8 : i32
      %get3A_3024 = arith.index_cast %get3A_3023 : i32 to index
      %get3A_3025 = arith.constant 80 : index
      %get3A_3026 = tpu.vector_load %arg7[%get3A_3024, %get3A_3025] {strides = array<i32>} : memref<9x128xi32, #tpu.memory_space<vmem>>, vector<1x16xi32>,
      %get3A_3027 = vector.shape_cast %get3A_3026 : vector<1x16xi32> to vector<16xi32>
      %add3A_3028 = arith.constant 1024 : i32
      %add3A_3029 = vector.broadcast %add3A_3028 : i32 to vector<16xi32>
      %add3A_3030 = arith.addi %get3A_3027, %add3A_3029 : vector<16xi32>
      %swap3A_3031 = arith.constant 8 : i32
      %swap3A_3032 = arith.index_cast %swap3A_3031 : i32 to index
      %swap3A_3033 = arith.constant 80 : index
      %swap3A_3034 = tpu.vector_load %arg7[%swap3A_3032, %swap3A_3033] {strides = array<i32>} : memref<9x128xi32, #tpu.memory_space<vmem>>, vector<1x16xi32>,
      %swap3A_3035 = vector.shape_cast %swap3A_3034 : vector<1x16xi32> to vector<16xi32>
      %swap3A_3036 = vector.shape_cast %add3A_3030 : vector<16xi32> to vector<1x16xi32>
      tpu.vector_store %arg7[%swap3A_3032, %swap3A_3033], %swap3A_3036 {strides = array<i32>} : memref<9x128xi32, #tpu.memory_space<vmem>>, vector<1x16xi32>,
      %get3A_3037 = arith.constant 8 : i32
      %get3A_3038 = arith.index_cast %get3A_3037 : i32 to index
      %get3A_3039 = arith.constant 96 : index
      %get3A_3040 = tpu.vector_load %arg7[%get3A_3038, %get3A_3039] {strides = array<i32>} : memref<9x128xi32, #tpu.memory_space<vmem>>, vector<1x16xi32>,
      %get3A_3041 = vector.shape_cast %get3A_3040 : vector<1x16xi32> to vector<16xi32>
      %add3A_3042 = arith.constant 1024 : i32
      %add3A_3043 = vector.broadcast %add3A_3042 : i32 to vector<16xi32>
      %add3A_3044 = arith.addi %get3A_3041, %add3A_3043 : vector<16xi32>
      %swap3A_3045 = arith.constant 8 : i32
      %swap3A_3046 = arith.index_cast %swap3A_3045 : i32 to index
      %swap3A_3047 = arith.constant 96 : index
      %swap3A_3048 = tpu.vector_load %arg7[%swap3A_3046, %swap3A_3047] {strides = array<i32>} : memref<9x128xi32, #tpu.memory_space<vmem>>, vector<1x16xi32>,
      %swap3A_3049 = vector.shape_cast %swap3A_3048 : vector<1x16xi32> to vector<16xi32>
      %swap3A_3050 = vector.shape_cast %add3A_3044 : vector<16xi32> to vector<1x16xi32>
      tpu.vector_store %arg7[%swap3A_3046, %swap3A_3047], %swap3A_3050 {strides = array<i32>} : memref<9x128xi32, #tpu.memory_space<vmem>>, vector<1x16xi32>,
      %get3A_3051 = arith.constant 8 : i32
      %get3A_3052 = arith.index_cast %get3A_3051 : i32 to index
      %get3A_3053 = arith.constant 112 : index
      %get3A_3054 = tpu.vector_load %arg7[%get3A_3052, %get3A_3053] {strides = array<i32>} : memref<9x128xi32, #tpu.memory_space<vmem>>, vector<1x16xi32>,
      %get3A_3055 = vector.shape_cast %get3A_3054 : vector<1x16xi32> to vector<16xi32>
      %add3A_3056 = arith.constant 1024 : i32
      %add3A_3057 = vector.broadcast %add3A_3056 : i32 to vector<16xi32>
      %add3A_3058 = arith.addi %get3A_3055, %add3A_3057 : vector<16xi32>
      %swap3A_3059 = arith.constant 8 : i32
      %swap3A_3060 = arith.index_cast %swap3A_3059 : i32 to index
      %swap3A_3061 = arith.constant 112 : index
      %swap3A_3062 = tpu.vector_load %arg7[%swap3A_3060, %swap3A_3061] {strides = array<i32>} : memref<9x128xi32, #tpu.memory_space<vmem>>, vector<1x16xi32>,
      %swap3A_3063 = vector.shape_cast %swap3A_3062 : vector<1x16xi32> to vector<16xi32>
      %swap3A_3064 = vector.shape_cast %add3A_3058 : vector<16xi32> to vector<1x16xi32>
      tpu.vector_store %arg7[%swap3A_3060, %swap3A_3061], %swap3A_3064 {strides = array<i32>} : memref<9x128xi32, #tpu.memory_space<vmem>>, vector<1x16xi32>,
      %scan3A_3065 = arith.constant 0 : i32
      %scan3A_3066 = arith.constant 128 : i32
      %scan3A_3067 = arith.addi %scan3A_3065, %scan3A_3066 : i32
      %scan3A_3068 = arith.constant 1 : i32
      scf.for %scan3A_3133 = %scan3A_3065 to %scan3A_3067 step %scan3A_3068  : i32 {
        %mul3A_3134 = arith.constant 1 : i32
        %mul3A_3135 = arith.muli %scan3A_3133, %mul3A_3134 : i32
        %add3A_3136 = arith.constant 0 : i32
        %add3A_3137 = arith.addi %add3A_3136, %mul3A_3135 : i32
        %broadcast_in_dim3A_3138 = arith.constant 0.000000e+00 : f32
        %broadcast_in_dim3A_3139 = vector.broadcast %broadcast_in_dim3A_3138 : f32 to vector<16xf32>
        %swap3A_3140 = arith.index_cast %add3A_3137 : i32 to index
        %swap3A_3141 = arith.constant 0 : index
        %swap3A_3142 = tpu.vector_load %arg9[%swap3A_3140, %swap3A_3141] {strides = array<i32>} : memref<128x128xf32, #tpu.memory_space<vmem>>, vector<1x16xf32>,
        %swap3A_3143 = vector.shape_cast %swap3A_3142 : vector<1x16xf32> to vector<16xf32>
        %swap3A_3144 = vector.shape_cast %broadcast_in_dim3A_3139 : vector<16xf32> to vector<1x16xf32>
        tpu.vector_store %arg9[%swap3A_3140, %swap3A_3141], %swap3A_3144 {strides = array<i32>} : memref<128x128xf32, #tpu.memory_space<vmem>>, vector<1x16xf32>,
        %broadcast_in_dim3A_3145 = arith.constant 0.000000e+00 : f32
        %broadcast_in_dim3A_3146 = vector.broadcast %broadcast_in_dim3A_3145 : f32 to vector<16xf32>
        %swap3A_3147 = arith.index_cast %add3A_3137 : i32 to index
        %swap3A_3148 = arith.constant 16 : index
        %swap3A_3149 = tpu.vector_load %arg9[%swap3A_3147, %swap3A_3148] {strides = array<i32>} : memref<128x128xf32, #tpu.memory_space<vmem>>, vector<1x16xf32>,
        %swap3A_3150 = vector.shape_cast %swap3A_3149 : vector<1x16xf32> to vector<16xf32>
        %swap3A_3151 = vector.shape_cast %broadcast_in_dim3A_3146 : vector<16xf32> to vector<1x16xf32>
        tpu.vector_store %arg9[%swap3A_3147, %swap3A_3148], %swap3A_3151 {strides = array<i32>} : memref<128x128xf32, #tpu.memory_space<vmem>>, vector<1x16xf32>,
        %broadcast_in_dim3A_3152 = arith.constant 0.000000e+00 : f32
        %broadcast_in_dim3A_3153 = vector.broadcast %broadcast_in_dim3A_3152 : f32 to vector<16xf32>
        %swap3A_3154 = arith.index_cast %add3A_3137 : i32 to index
        %swap3A_3155 = arith.constant 32 : index
        %swap3A_3156 = tpu.vector_load %arg9[%swap3A_3154, %swap3A_3155] {strides = array<i32>} : memref<128x128xf32, #tpu.memory_space<vmem>>, vector<1x16xf32>,
        %swap3A_3157 = vector.shape_cast %swap3A_3156 : vector<1x16xf32> to vector<16xf32>
        %swap3A_3158 = vector.shape_cast %broadcast_in_dim3A_3153 : vector<16xf32> to vector<1x16xf32>
        tpu.vector_store %arg9[%swap3A_3154, %swap3A_3155], %swap3A_3158 {strides = array<i32>} : memref<128x128xf32, #tpu.memory_space<vmem>>, vector<1x16xf32>,
        %broadcast_in_dim3A_3159 = arith.constant 0.000000e+00 : f32
        %broadcast_in_dim3A_3160 = vector.broadcast %broadcast_in_dim3A_3159 : f32 to vector<16xf32>
        %swap3A_3161 = arith.index_cast %add3A_3137 : i32 to index
        %swap3A_3162 = arith.constant 48 : index
        %swap3A_3163 = tpu.vector_load %arg9[%swap3A_3161, %swap3A_3162] {strides = array<i32>} : memref<128x128xf32, #tpu.memory_space<vmem>>, vector<1x16xf32>,
        %swap3A_3164 = vector.shape_cast %swap3A_3163 : vector<1x16xf32> to vector<16xf32>
        %swap3A_3165 = vector.shape_cast %broadcast_in_dim3A_3160 : vector<16xf32> to vector<1x16xf32>
        tpu.vector_store %arg9[%swap3A_3161, %swap3A_3162], %swap3A_3165 {strides = array<i32>} : memref<128x128xf32, #tpu.memory_space<vmem>>, vector<1x16xf32>,
        %broadcast_in_dim3A_3166 = arith.constant 0.000000e+00 : f32
        %broadcast_in_dim3A_3167 = vector.broadcast %broadcast_in_dim3A_3166 : f32 to vector<16xf32>
        %swap3A_3168 = arith.index_cast %add3A_3137 : i32 to index
        %swap3A_3169 = arith.constant 64 : index
        %swap3A_3170 = tpu.vector_load %arg9[%swap3A_3168, %swap3A_3169] {strides = array<i32>} : memref<128x128xf32, #tpu.memory_space<vmem>>, vector<1x16xf32>,
        %swap3A_3171 = vector.shape_cast %swap3A_3170 : vector<1x16xf32> to vector<16xf32>
        %swap3A_3172 = vector.shape_cast %broadcast_in_dim3A_3167 : vector<16xf32> to vector<1x16xf32>
        tpu.vector_store %arg9[%swap3A_3168, %swap3A_3169], %swap3A_3172 {strides = array<i32>} : memref<128x128xf32, #tpu.memory_space<vmem>>, vector<1x16xf32>,
        %broadcast_in_dim3A_3173 = arith.constant 0.000000e+00 : f32
        %broadcast_in_dim3A_3174 = vector.broadcast %broadcast_in_dim3A_3173 : f32 to vector<16xf32>
        %swap3A_3175 = arith.index_cast %add3A_3137 : i32 to index
        %swap3A_3176 = arith.constant 80 : index
        %swap3A_3177 = tpu.vector_load %arg9[%swap3A_3175, %swap3A_3176] {strides = array<i32>} : memref<128x128xf32, #tpu.memory_space<vmem>>, vector<1x16xf32>,
        %swap3A_3178 = vector.shape_cast %swap3A_3177 : vector<1x16xf32> to vector<16xf32>
        %swap3A_3179 = vector.shape_cast %broadcast_in_dim3A_3174 : vector<16xf32> to vector<1x16xf32>
        tpu.vector_store %arg9[%swap3A_3175, %swap3A_3176], %swap3A_3179 {strides = array<i32>} : memref<128x128xf32, #tpu.memory_space<vmem>>, vector<1x16xf32>,
        %broadcast_in_dim3A_3180 = arith.constant 0.000000e+00 : f32
        %broadcast_in_dim3A_3181 = vector.broadcast %broadcast_in_dim3A_3180 : f32 to vector<16xf32>
        %swap3A_3182 = arith.index_cast %add3A_3137 : i32 to index
        %swap3A_3183 = arith.constant 96 : index
        %swap3A_3184 = tpu.vector_load %arg9[%swap3A_3182, %swap3A_3183] {strides = array<i32>} : memref<128x128xf32, #tpu.memory_space<vmem>>, vector<1x16xf32>,
        %swap3A_3185 = vector.shape_cast %swap3A_3184 : vector<1x16xf32> to vector<16xf32>
        %swap3A_3186 = vector.shape_cast %broadcast_in_dim3A_3181 : vector<16xf32> to vector<1x16xf32>
        tpu.vector_store %arg9[%swap3A_3182, %swap3A_3183], %swap3A_3186 {strides = array<i32>} : memref<128x128xf32, #tpu.memory_space<vmem>>, vector<1x16xf32>,
        %broadcast_in_dim3A_3187 = arith.constant 0.000000e+00 : f32
        %broadcast_in_dim3A_3188 = vector.broadcast %broadcast_in_dim3A_3187 : f32 to vector<16xf32>
        %swap3A_3189 = arith.index_cast %add3A_3137 : i32 to index
        %swap3A_3190 = arith.constant 112 : index
        %swap3A_3191 = tpu.vector_load %arg9[%swap3A_3189, %swap3A_3190] {strides = array<i32>} : memref<128x128xf32, #tpu.memory_space<vmem>>, vector<1x16xf32>,
        %swap3A_3192 = vector.shape_cast %swap3A_3191 : vector<1x16xf32> to vector<16xf32>
        %swap3A_3193 = vector.shape_cast %broadcast_in_dim3A_3188 : vector<16xf32> to vector<1x16xf32>
        tpu.vector_store %arg9[%swap3A_3189, %swap3A_3190], %swap3A_3193 {strides = array<i32>} : memref<128x128xf32, #tpu.memory_space<vmem>>, vector<1x16xf32>,
      }
      %scan3A_3069 = arith.constant 128 : i32
      %dma_start3A_3070 = arith.constant 0 : i32
      %dma_start3A_3071 = arith.constant 0 : i32
      %dma_start3A_3072 = tpu.memref_slice %arg7[%dma_start3A_3070, %dma_start3A_3071] : memref<9x128xi32, #tpu.memory_space<vmem>> -> memref<1x128xi32, #tpu.memory_space<vmem>>
      %dma_start3A_3073 = tpu.memref_squeeze %dma_start3A_3072 : memref<1x128xi32, #tpu.memory_space<vmem>> -> memref<128xi32, #tpu.memory_space<vmem>>
      %dma_start3A_3074 = arith.constant 0 : i32
      %dma_start3A_3075 = arith.constant 0 : i32
      %dma_start3A_3076 = tpu.memref_slice %arg15[%dma_start3A_3074, %dma_start3A_3075] : memref<1152x128xf32, #tpu.memory_space<vmem_shared>> -> memref<1152x128xf32, #tpu.memory_space<vmem_shared>>
      tpu.enqueue_indirect_dma source(%dma_start3A_3076 : memref<1152x128xf32, #tpu.memory_space<vmem_shared>>) target(%arg9 : memref<128x128xf32, #tpu.memory_space<vmem>>) offsets(%dma_start3A_3073 : memref<128xi32, #tpu.memory_space<vmem>>) semaphore(%arg16 : memref<!tpu.dma_semaphore, #tpu.memory_space<semaphore_mem>>) {add = true}
      %dma_start3A_3077 = arith.constant 1 : i32
      %dma_start3A_3078 = arith.constant 0 : i32
      %dma_start3A_3079 = tpu.memref_slice %arg7[%dma_start3A_3077, %dma_start3A_3078] : memref<9x128xi32, #tpu.memory_space<vmem>> -> memref<1x128xi32, #tpu.memory_space<vmem>>
      %dma_start3A_3080 = tpu.memref_squeeze %dma_start3A_3079 : memref<1x128xi32, #tpu.memory_space<vmem>> -> memref<128xi32, #tpu.memory_space<vmem>>
      %dma_start3A_3081 = arith.constant 0 : i32
      %dma_start3A_3082 = arith.constant 0 : i32
      %dma_start3A_3083 = tpu.memref_slice %arg15[%dma_start3A_3081, %dma_start3A_3082] : memref<1152x128xf32, #tpu.memory_space<vmem_shared>> -> memref<1152x128xf32, #tpu.memory_space<vmem_shared>>
      tpu.enqueue_indirect_dma source(%dma_start3A_3083 : memref<1152x128xf32, #tpu.memory_space<vmem_shared>>) target(%arg9 : memref<128x128xf32, #tpu.memory_space<vmem>>) offsets(%dma_start3A_3080 : memref<128xi32, #tpu.memory_space<vmem>>) semaphore(%arg16 : memref<!tpu.dma_semaphore, #tpu.memory_space<semaphore_mem>>) {add = true}
      %dma_start3A_3084 = arith.constant 2 : i32
      %dma_start3A_3085 = arith.constant 0 : i32
      %dma_start3A_3086 = tpu.memref_slice %arg7[%dma_start3A_3084, %dma_start3A_3085] : memref<9x128xi32, #tpu.memory_space<vmem>> -> memref<1x128xi32, #tpu.memory_space<vmem>>
      %dma_start3A_3087 = tpu.memref_squeeze %dma_start3A_3086 : memref<1x128xi32, #tpu.memory_space<vmem>> -> memref<128xi32, #tpu.memory_space<vmem>>
      %dma_start3A_3088 = arith.constant 0 : i32
      %dma_start3A_3089 = arith.constant 0 : i32
      %dma_start3A_3090 = tpu.memref_slice %arg15[%dma_start3A_3088, %dma_start3A_3089] : memref<1152x128xf32, #tpu.memory_space<vmem_shared>> -> memref<1152x128xf32, #tpu.memory_space<vmem_shared>>
      tpu.enqueue_indirect_dma source(%dma_start3A_3090 : memref<1152x128xf32, #tpu.memory_space<vmem_shared>>) target(%arg9 : memref<128x128xf32, #tpu.memory_space<vmem>>) offsets(%dma_start3A_3087 : memref<128xi32, #tpu.memory_space<vmem>>) semaphore(%arg16 : memref<!tpu.dma_semaphore, #tpu.memory_space<semaphore_mem>>) {add = true}
      %dma_start3A_3091 = arith.constant 3 : i32
      %dma_start3A_3092 = arith.constant 0 : i32
      %dma_start3A_3093 = tpu.memref_slice %arg7[%dma_start3A_3091, %dma_start3A_3092] : memref<9x128xi32, #tpu.memory_space<vmem>> -> memref<1x128xi32, #tpu.memory_space<vmem>>
      %dma_start3A_3094 = tpu.memref_squeeze %dma_start3A_3093 : memref<1x128xi32, #tpu.memory_space<vmem>> -> memref<128xi32, #tpu.memory_space<vmem>>
      %dma_start3A_3095 = arith.constant 0 : i32
      %dma_start3A_3096 = arith.constant 0 : i32
      %dma_start3A_3097 = tpu.memref_slice %arg15[%dma_start3A_3095, %dma_start3A_3096] : memref<1152x128xf32, #tpu.memory_space<vmem_shared>> -> memref<1152x128xf32, #tpu.memory_space<vmem_shared>>
      tpu.enqueue_indirect_dma source(%dma_start3A_3097 : memref<1152x128xf32, #tpu.memory_space<vmem_shared>>) target(%arg9 : memref<128x128xf32, #tpu.memory_space<vmem>>) offsets(%dma_start3A_3094 : memref<128xi32, #tpu.memory_space<vmem>>) semaphore(%arg16 : memref<!tpu.dma_semaphore, #tpu.memory_space<semaphore_mem>>) {add = true}
      %dma_start3A_3098 = arith.constant 4 : i32
      %dma_start3A_3099 = arith.constant 0 : i32
      %dma_start3A_3100 = tpu.memref_slice %arg7[%dma_start3A_3098, %dma_start3A_3099] : memref<9x128xi32, #tpu.memory_space<vmem>> -> memref<1x128xi32, #tpu.memory_space<vmem>>
      %dma_start3A_3101 = tpu.memref_squeeze %dma_start3A_3100 : memref<1x128xi32, #tpu.memory_space<vmem>> -> memref<128xi32, #tpu.memory_space<vmem>>
      %dma_start3A_3102 = arith.constant 0 : i32
      %dma_start3A_3103 = arith.constant 0 : i32
      %dma_start3A_3104 = tpu.memref_slice %arg15[%dma_start3A_3102, %dma_start3A_3103] : memref<1152x128xf32, #tpu.memory_space<vmem_shared>> -> memref<1152x128xf32, #tpu.memory_space<vmem_shared>>
      tpu.enqueue_indirect_dma source(%dma_start3A_3104 : memref<1152x128xf32, #tpu.memory_space<vmem_shared>>) target(%arg9 : memref<128x128xf32, #tpu.memory_space<vmem>>) offsets(%dma_start3A_3101 : memref<128xi32, #tpu.memory_space<vmem>>) semaphore(%arg16 : memref<!tpu.dma_semaphore, #tpu.memory_space<semaphore_mem>>) {add = true}
      %dma_start3A_3105 = arith.constant 5 : i32
      %dma_start3A_3106 = arith.constant 0 : i32
      %dma_start3A_3107 = tpu.memref_slice %arg7[%dma_start3A_3105, %dma_start3A_3106] : memref<9x128xi32, #tpu.memory_space<vmem>> -> memref<1x128xi32, #tpu.memory_space<vmem>>
      %dma_start3A_3108 = tpu.memref_squeeze %dma_start3A_3107 : memref<1x128xi32, #tpu.memory_space<vmem>> -> memref<128xi32, #tpu.memory_space<vmem>>
      %dma_start3A_3109 = arith.constant 0 : i32
      %dma_start3A_3110 = arith.constant 0 : i32
      %dma_start3A_3111 = tpu.memref_slice %arg15[%dma_start3A_3109, %dma_start3A_3110] : memref<1152x128xf32, #tpu.memory_space<vmem_shared>> -> memref<1152x128xf32, #tpu.memory_space<vmem_shared>>
      tpu.enqueue_indirect_dma source(%dma_start3A_3111 : memref<1152x128xf32, #tpu.memory_space<vmem_shared>>) target(%arg9 : memref<128x128xf32, #tpu.memory_space<vmem>>) offsets(%dma_start3A_3108 : memref<128xi32, #tpu.memory_space<vmem>>) semaphore(%arg16 : memref<!tpu.dma_semaphore, #tpu.memory_space<semaphore_mem>>) {add = true}
      %dma_start3A_3112 = arith.constant 6 : i32
      %dma_start3A_3113 = arith.constant 0 : i32
      %dma_start3A_3114 = tpu.memref_slice %arg7[%dma_start3A_3112, %dma_start3A_3113] : memref<9x128xi32, #tpu.memory_space<vmem>> -> memref<1x128xi32, #tpu.memory_space<vmem>>
      %dma_start3A_3115 = tpu.memref_squeeze %dma_start3A_3114 : memref<1x128xi32, #tpu.memory_space<vmem>> -> memref<128xi32, #tpu.memory_space<vmem>>
      %dma_start3A_3116 = arith.constant 0 : i32
      %dma_start3A_3117 = arith.constant 0 : i32
      %dma_start3A_3118 = tpu.memref_slice %arg15[%dma_start3A_3116, %dma_start3A_3117] : memref<1152x128xf32, #tpu.memory_space<vmem_shared>> -> memref<1152x128xf32, #tpu.memory_space<vmem_shared>>
      tpu.enqueue_indirect_dma source(%dma_start3A_3118 : memref<1152x128xf32, #tpu.memory_space<vmem_shared>>) target(%arg9 : memref<128x128xf32, #tpu.memory_space<vmem>>) offsets(%dma_start3A_3115 : memref<128xi32, #tpu.memory_space<vmem>>) semaphore(%arg16 : memref<!tpu.dma_semaphore, #tpu.memory_space<semaphore_mem>>) {add = true}
      %dma_start3A_3119 = arith.constant 7 : i32
      %dma_start3A_3120 = arith.constant 0 : i32
      %dma_start3A_3121 = tpu.memref_slice %arg7[%dma_start3A_3119, %dma_start3A_3120] : memref<9x128xi32, #tpu.memory_space<vmem>> -> memref<1x128xi32, #tpu.memory_space<vmem>>
      %dma_start3A_3122 = tpu.memref_squeeze %dma_start3A_3121 : memref<1x128xi32, #tpu.memory_space<vmem>> -> memref<128xi32, #tpu.memory_space<vmem>>
      %dma_start3A_3123 = arith.constant 0 : i32
      %dma_start3A_3124 = arith.constant 0 : i32
      %dma_start3A_3125 = tpu.memref_slice %arg15[%dma_start3A_3123, %dma_start3A_3124] : memref<1152x128xf32, #tpu.memory_space<vmem_shared>> -> memref<1152x128xf32, #tpu.memory_space<vmem_shared>>
      tpu.enqueue_indirect_dma source(%dma_start3A_3125 : memref<1152x128xf32, #tpu.memory_space<vmem_shared>>) target(%arg9 : memref<128x128xf32, #tpu.memory_space<vmem>>) offsets(%dma_start3A_3122 : memref<128xi32, #tpu.memory_space<vmem>>) semaphore(%arg16 : memref<!tpu.dma_semaphore, #tpu.memory_space<semaphore_mem>>) {add = true}
      %dma_start3A_3126 = arith.constant 8 : i32
      %dma_start3A_3127 = arith.constant 0 : i32
      %dma_start3A_3128 = tpu.memref_slice %arg7[%dma_start3A_3126, %dma_start3A_3127] : memref<9x128xi32, #tpu.memory_space<vmem>> -> memref<1x128xi32, #tpu.memory_space<vmem>>
      %dma_start3A_3129 = tpu.memref_squeeze %dma_start3A_3128 : memref<1x128xi32, #tpu.memory_space<vmem>> -> memref<128xi32, #tpu.memory_space<vmem>>
      %dma_start3A_3130 = arith.constant 0 : i32
      %dma_start3A_3131 = arith.constant 0 : i32
      %dma_start3A_3132 = tpu.memref_slice %arg15[%dma_start3A_3130, %dma_start3A_3131] : memref<1152x128xf32, #tpu.memory_space<vmem_shared>> -> memref<1152x128xf32, #tpu.memory_space<vmem_shared>>
      tpu.enqueue_indirect_dma source(%dma_start3A_3132 : memref<1152x128xf32, #tpu.memory_space<vmem_shared>>) target(%arg9 : memref<128x128xf32, #tpu.memory_space<vmem>>) offsets(%dma_start3A_3129 : memref<128xi32, #tpu.memory_space<vmem>>) semaphore(%arg16 : memref<!tpu.dma_semaphore, #tpu.memory_space<semaphore_mem>>) {add = true}
    } else {
    }
    %add3A_2078 = arith.constant 32 : i32
    %add3A_2079 = arith.addi %add3A, %add3A_2078 : i32
    %mul3A_2080 = arith.constant 128 : i32
    %mul3A_2081 = arith.muli %add3A_2079, %mul3A_2080 : i32
    %dma_wait3A_2082 = arith.constant 0 : i32
    %dma_wait3A_2083 = arith.constant 0 : i32
    %dma_wait3A_2084 = tpu.memref_slice %arg8[%dma_wait3A_2082, %dma_wait3A_2083] : memref<9x128xi32, #tpu.memory_space<vmem>> -> memref<1x128xi32, #tpu.memory_space<vmem>>
    %dma_wait3A_2085 = tpu.memref_squeeze %dma_wait3A_2084 : memref<1x128xi32, #tpu.memory_space<vmem>> -> memref<128xi32, #tpu.memory_space<vmem>>
    %dma_wait3A_2086 = arith.constant 0 : i32
    %dma_wait3A_2087 = arith.constant 0 : i32
    %dma_wait3A_2088 = tpu.memref_slice %arg15[%dma_wait3A_2086, %dma_wait3A_2087] : memref<1152x128xf32, #tpu.memory_space<vmem_shared>> -> memref<1152x128xf32, #tpu.memory_space<vmem_shared>>
    tpu.wait_indirect_dma semaphore(%arg17 : memref<!tpu.dma_semaphore, #tpu.memory_space<semaphore_mem>>) src(%dma_wait3A_2088 : memref<1152x128xf32, #tpu.memory_space<vmem_shared>>) dst(%arg10 : memref<128x128xf32, #tpu.memory_space<vmem>>)
    %dma_wait3A_2089 = arith.constant 1 : i32
    %dma_wait3A_2090 = arith.constant 0 : i32
    %dma_wait3A_2091 = tpu.memref_slice %arg8[%dma_wait3A_2089, %dma_wait3A_2090] : memref<9x128xi32, #tpu.memory_space<vmem>> -> memref<1x128xi32, #tpu.memory_space<vmem>>
    %dma_wait3A_2092 = tpu.memref_squeeze %dma_wait3A_2091 : memref<1x128xi32, #tpu.memory_space<vmem>> -> memref<128xi32, #tpu.memory_space<vmem>>
    %dma_wait3A_2093 = arith.constant 0 : i32
    %dma_wait3A_2094 = arith.constant 0 : i32
    %dma_wait3A_2095 = tpu.memref_slice %arg15[%dma_wait3A_2093, %dma_wait3A_2094] : memref<1152x128xf32, #tpu.memory_space<vmem_shared>> -> memref<1152x128xf32, #tpu.memory_space<vmem_shared>>
    tpu.wait_indirect_dma semaphore(%arg17 : memref<!tpu.dma_semaphore, #tpu.memory_space<semaphore_mem>>) src(%dma_wait3A_2095 : memref<1152x128xf32, #tpu.memory_space<vmem_shared>>) dst(%arg10 : memref<128x128xf32, #tpu.memory_space<vmem>>)
    %dma_wait3A_2096 = arith.constant 2 : i32
    %dma_wait3A_2097 = arith.constant 0 : i32
    %dma_wait3A_2098 = tpu.memref_slice %arg8[%dma_wait3A_2096, %dma_wait3A_2097] : memref<9x128xi32, #tpu.memory_space<vmem>> -> memref<1x128xi32, #tpu.memory_space<vmem>>
    %dma_wait3A_2099 = tpu.memref_squeeze %dma_wait3A_2098 : memref<1x128xi32, #tpu.memory_space<vmem>> -> memref<128xi32, #tpu.memory_space<vmem>>
    %dma_wait3A_2100 = arith.constant 0 : i32
    %dma_wait3A_2101 = arith.constant 0 : i32
    %dma_wait3A_2102 = tpu.memref_slice %arg15[%dma_wait3A_2100, %dma_wait3A_2101] : memref<1152x128xf32, #tpu.memory_space<vmem_shared>> -> memref<1152x128xf32, #tpu.memory_space<vmem_shared>>
    tpu.wait_indirect_dma semaphore(%arg17 : memref<!tpu.dma_semaphore, #tpu.memory_space<semaphore_mem>>) src(%dma_wait3A_2102 : memref<1152x128xf32, #tpu.memory_space<vmem_shared>>) dst(%arg10 : memref<128x128xf32, #tpu.memory_space<vmem>>)
    %dma_wait3A_2103 = arith.constant 3 : i32
    %dma_wait3A_2104 = arith.constant 0 : i32
    %dma_wait3A_2105 = tpu.memref_slice %arg8[%dma_wait3A_2103, %dma_wait3A_2104] : memref<9x128xi32, #tpu.memory_space<vmem>> -> memref<1x128xi32, #tpu.memory_space<vmem>>
    %dma_wait3A_2106 = tpu.memref_squeeze %dma_wait3A_2105 : memref<1x128xi32, #tpu.memory_space<vmem>> -> memref<128xi32, #tpu.memory_space<vmem>>
    %dma_wait3A_2107 = arith.constant 0 : i32
    %dma_wait3A_2108 = arith.constant 0 : i32
    %dma_wait3A_2109 = tpu.memref_slice %arg15[%dma_wait3A_2107, %dma_wait3A_2108] : memref<1152x128xf32, #tpu.memory_space<vmem_shared>> -> memref<1152x128xf32, #tpu.memory_space<vmem_shared>>
    tpu.wait_indirect_dma semaphore(%arg17 : memref<!tpu.dma_semaphore, #tpu.memory_space<semaphore_mem>>) src(%dma_wait3A_2109 : memref<1152x128xf32, #tpu.memory_space<vmem_shared>>) dst(%arg10 : memref<128x128xf32, #tpu.memory_space<vmem>>)
    %dma_wait3A_2110 = arith.constant 4 : i32
    %dma_wait3A_2111 = arith.constant 0 : i32
    %dma_wait3A_2112 = tpu.memref_slice %arg8[%dma_wait3A_2110, %dma_wait3A_2111] : memref<9x128xi32, #tpu.memory_space<vmem>> -> memref<1x128xi32, #tpu.memory_space<vmem>>
    %dma_wait3A_2113 = tpu.memref_squeeze %dma_wait3A_2112 : memref<1x128xi32, #tpu.memory_space<vmem>> -> memref<128xi32, #tpu.memory_space<vmem>>
    %dma_wait3A_2114 = arith.constant 0 : i32
    %dma_wait3A_2115 = arith.constant 0 : i32
    %dma_wait3A_2116 = tpu.memref_slice %arg15[%dma_wait3A_2114, %dma_wait3A_2115] : memref<1152x128xf32, #tpu.memory_space<vmem_shared>> -> memref<1152x128xf32, #tpu.memory_space<vmem_shared>>
    tpu.wait_indirect_dma semaphore(%arg17 : memref<!tpu.dma_semaphore, #tpu.memory_space<semaphore_mem>>) src(%dma_wait3A_2116 : memref<1152x128xf32, #tpu.memory_space<vmem_shared>>) dst(%arg10 : memref<128x128xf32, #tpu.memory_space<vmem>>)
    %dma_wait3A_2117 = arith.constant 5 : i32
    %dma_wait3A_2118 = arith.constant 0 : i32
    %dma_wait3A_2119 = tpu.memref_slice %arg8[%dma_wait3A_2117, %dma_wait3A_2118] : memref<9x128xi32, #tpu.memory_space<vmem>> -> memref<1x128xi32, #tpu.memory_space<vmem>>
    %dma_wait3A_2120 = tpu.memref_squeeze %dma_wait3A_2119 : memref<1x128xi32, #tpu.memory_space<vmem>> -> memref<128xi32, #tpu.memory_space<vmem>>
    %dma_wait3A_2121 = arith.constant 0 : i32
    %dma_wait3A_2122 = arith.constant 0 : i32
    %dma_wait3A_2123 = tpu.memref_slice %arg15[%dma_wait3A_2121, %dma_wait3A_2122] : memref<1152x128xf32, #tpu.memory_space<vmem_shared>> -> memref<1152x128xf32, #tpu.memory_space<vmem_shared>>
    tpu.wait_indirect_dma semaphore(%arg17 : memref<!tpu.dma_semaphore, #tpu.memory_space<semaphore_mem>>) src(%dma_wait3A_2123 : memref<1152x128xf32, #tpu.memory_space<vmem_shared>>) dst(%arg10 : memref<128x128xf32, #tpu.memory_space<vmem>>)
    %dma_wait3A_2124 = arith.constant 6 : i32
    %dma_wait3A_2125 = arith.constant 0 : i32
    %dma_wait3A_2126 = tpu.memref_slice %arg8[%dma_wait3A_2124, %dma_wait3A_2125] : memref<9x128xi32, #tpu.memory_space<vmem>> -> memref<1x128xi32, #tpu.memory_space<vmem>>
    %dma_wait3A_2127 = tpu.memref_squeeze %dma_wait3A_2126 : memref<1x128xi32, #tpu.memory_space<vmem>> -> memref<128xi32, #tpu.memory_space<vmem>>
    %dma_wait3A_2128 = arith.constant 0 : i32
    %dma_wait3A_2129 = arith.constant 0 : i32
    %dma_wait3A_2130 = tpu.memref_slice %arg15[%dma_wait3A_2128, %dma_wait3A_2129] : memref<1152x128xf32, #tpu.memory_space<vmem_shared>> -> memref<1152x128xf32, #tpu.memory_space<vmem_shared>>
    tpu.wait_indirect_dma semaphore(%arg17 : memref<!tpu.dma_semaphore, #tpu.memory_space<semaphore_mem>>) src(%dma_wait3A_2130 : memref<1152x128xf32, #tpu.memory_space<vmem_shared>>) dst(%arg10 : memref<128x128xf32, #tpu.memory_space<vmem>>)
    %dma_wait3A_2131 = arith.constant 7 : i32
    %dma_wait3A_2132 = arith.constant 0 : i32
    %dma_wait3A_2133 = tpu.memref_slice %arg8[%dma_wait3A_2131, %dma_wait3A_2132] : memref<9x128xi32, #tpu.memory_space<vmem>> -> memref<1x128xi32, #tpu.memory_space<vmem>>
    %dma_wait3A_2134 = tpu.memref_squeeze %dma_wait3A_2133 : memref<1x128xi32, #tpu.memory_space<vmem>> -> memref<128xi32, #tpu.memory_space<vmem>>
    %dma_wait3A_2135 = arith.constant 0 : i32
    %dma_wait3A_2136 = arith.constant 0 : i32
    %dma_wait3A_2137 = tpu.memref_slice %arg15[%dma_wait3A_2135, %dma_wait3A_2136] : memref<1152x128xf32, #tpu.memory_space<vmem_shared>> -> memref<1152x128xf32, #tpu.memory_space<vmem_shared>>
    tpu.wait_indirect_dma semaphore(%arg17 : memref<!tpu.dma_semaphore, #tpu.memory_space<semaphore_mem>>) src(%dma_wait3A_2137 : memref<1152x128xf32, #tpu.memory_space<vmem_shared>>) dst(%arg10 : memref<128x128xf32, #tpu.memory_space<vmem>>)
    %dma_wait3A_2138 = arith.constant 8 : i32
    %dma_wait3A_2139 = arith.constant 0 : i32
    %dma_wait3A_2140 = tpu.memref_slice %arg8[%dma_wait3A_2138, %dma_wait3A_2139] : memref<9x128xi32, #tpu.memory_space<vmem>> -> memref<1x128xi32, #tpu.memory_space<vmem>>
    %dma_wait3A_2141 = tpu.memref_squeeze %dma_wait3A_2140 : memref<1x128xi32, #tpu.memory_space<vmem>> -> memref<128xi32, #tpu.memory_space<vmem>>
    %dma_wait3A_2142 = arith.constant 0 : i32
    %dma_wait3A_2143 = arith.constant 0 : i32
    %dma_wait3A_2144 = tpu.memref_slice %arg15[%dma_wait3A_2142, %dma_wait3A_2143] : memref<1152x128xf32, #tpu.memory_space<vmem_shared>> -> memref<1152x128xf32, #tpu.memory_space<vmem_shared>>
    tpu.wait_indirect_dma semaphore(%arg17 : memref<!tpu.dma_semaphore, #tpu.memory_space<semaphore_mem>>) src(%dma_wait3A_2144 : memref<1152x128xf32, #tpu.memory_space<vmem_shared>>) dst(%arg10 : memref<128x128xf32, #tpu.memory_space<vmem>>)
    %dma_start3A_2145 = arith.constant 0 : i32
    %dma_start3A_2146 = tpu.memref_slice %arg5[%mul3A_2081, %dma_start3A_2145] : memref<10240x128xf32, #tpu.memory_space<hbm>> -> memref<128x128xf32, #tpu.memory_space<hbm>>
    %dma_start3A_2147 = arith.constant 0 : i32
    %dma_start3A_2148 = tpu.memref_slice %arg5[%mul3A_2081, %dma_start3A_2147] : memref<10240x128xf32, #tpu.memory_space<hbm>> -> memref<128x128xf32, #tpu.memory_space<hbm>>
    tpu.enqueue_dma source(%arg10 : memref<128x128xf32, #tpu.memory_space<vmem>>) target(%dma_start3A_2148 : memref<128x128xf32, #tpu.memory_space<hbm>>) target_semaphore(%arg18 : memref<!tpu.dma_semaphore, #tpu.memory_space<semaphore_mem>>)
    %add3A_2149 = arith.constant 32 : i32
    %add3A_2150 = arith.addi %add3A, %add3A_2149 : i32
    %mul3A_2151 = arith.constant 128 : i32
    %mul3A_2152 = arith.muli %add3A_2150, %mul3A_2151 : i32
    %dma_wait3A_2153 = arith.constant 0 : i32
    %dma_wait3A_2154 = tpu.memref_slice %arg5[%mul3A_2152, %dma_wait3A_2153] : memref<10240x128xf32, #tpu.memory_space<hbm>> -> memref<128x128xf32, #tpu.memory_space<hbm>>
    %dma_wait3A_2155 = arith.constant 0 : i32
    %dma_wait3A_2156 = tpu.memref_slice %arg5[%mul3A_2152, %dma_wait3A_2155] : memref<10240x128xf32, #tpu.memory_space<hbm>> -> memref<128x128xf32, #tpu.memory_space<hbm>>
    tpu.wait_dma2 semaphore(%arg18 : memref<!tpu.dma_semaphore, #tpu.memory_space<semaphore_mem>>) src(%arg10 : memref<128x128xf32, #tpu.memory_space<vmem>>) dst(%dma_wait3A_2156 : memref<128x128xf32, #tpu.memory_space<hbm>>)
    %convert_element_type3A_2157 = arith.extui %lt3A_2076 : i1 to i32
    %cond3A_2158 = arith.constant 0 : i32
    %cond3A_2159 = arith.cmpi ne, %convert_element_type3A_2157, %cond3A_2158 : i32
    scf.if %cond3A_2159 {
      %add3A_2165 = arith.constant 64 : i32
      %add3A_2166 = arith.addi %add3A, %add3A_2165 : i32
      %mul3A_2167 = arith.constant 128 : i32
      %mul3A_2168 = arith.muli %add3A_2166, %mul3A_2167 : i32
      %dma_wait3A_2169 = arith.constant 0 : i32
      %dma_wait3A_2170 = arith.constant 0 : i32
      %dma_wait3A_2171 = tpu.memref_slice %arg7[%dma_wait3A_2169, %dma_wait3A_2170] : memref<9x128xi32, #tpu.memory_space<vmem>> -> memref<1x128xi32, #tpu.memory_space<vmem>>
      %dma_wait3A_2172 = tpu.memref_squeeze %dma_wait3A_2171 : memref<1x128xi32, #tpu.memory_space<vmem>> -> memref<128xi32, #tpu.memory_space<vmem>>
      %dma_wait3A_2173 = arith.constant 0 : i32
      %dma_wait3A_2174 = arith.constant 0 : i32
      %dma_wait3A_2175 = tpu.memref_slice %arg15[%dma_wait3A_2173, %dma_wait3A_2174] : memref<1152x128xf32, #tpu.memory_space<vmem_shared>> -> memref<1152x128xf32, #tpu.memory_space<vmem_shared>>
      tpu.wait_indirect_dma semaphore(%arg16 : memref<!tpu.dma_semaphore, #tpu.memory_space<semaphore_mem>>) src(%dma_wait3A_2175 : memref<1152x128xf32, #tpu.memory_space<vmem_shared>>) dst(%arg9 : memref<128x128xf32, #tpu.memory_space<vmem>>)
      %dma_wait3A_2176 = arith.constant 1 : i32
      %dma_wait3A_2177 = arith.constant 0 : i32
      %dma_wait3A_2178 = tpu.memref_slice %arg7[%dma_wait3A_2176, %dma_wait3A_2177] : memref<9x128xi32, #tpu.memory_space<vmem>> -> memref<1x128xi32, #tpu.memory_space<vmem>>
      %dma_wait3A_2179 = tpu.memref_squeeze %dma_wait3A_2178 : memref<1x128xi32, #tpu.memory_space<vmem>> -> memref<128xi32, #tpu.memory_space<vmem>>
      %dma_wait3A_2180 = arith.constant 0 : i32
      %dma_wait3A_2181 = arith.constant 0 : i32
      %dma_wait3A_2182 = tpu.memref_slice %arg15[%dma_wait3A_2180, %dma_wait3A_2181] : memref<1152x128xf32, #tpu.memory_space<vmem_shared>> -> memref<1152x128xf32, #tpu.memory_space<vmem_shared>>
      tpu.wait_indirect_dma semaphore(%arg16 : memref<!tpu.dma_semaphore, #tpu.memory_space<semaphore_mem>>) src(%dma_wait3A_2182 : memref<1152x128xf32, #tpu.memory_space<vmem_shared>>) dst(%arg9 : memref<128x128xf32, #tpu.memory_space<vmem>>)
      %dma_wait3A_2183 = arith.constant 2 : i32
      %dma_wait3A_2184 = arith.constant 0 : i32
      %dma_wait3A_2185 = tpu.memref_slice %arg7[%dma_wait3A_2183, %dma_wait3A_2184] : memref<9x128xi32, #tpu.memory_space<vmem>> -> memref<1x128xi32, #tpu.memory_space<vmem>>
      %dma_wait3A_2186 = tpu.memref_squeeze %dma_wait3A_2185 : memref<1x128xi32, #tpu.memory_space<vmem>> -> memref<128xi32, #tpu.memory_space<vmem>>
      %dma_wait3A_2187 = arith.constant 0 : i32
      %dma_wait3A_2188 = arith.constant 0 : i32
      %dma_wait3A_2189 = tpu.memref_slice %arg15[%dma_wait3A_2187, %dma_wait3A_2188] : memref<1152x128xf32, #tpu.memory_space<vmem_shared>> -> memref<1152x128xf32, #tpu.memory_space<vmem_shared>>
      tpu.wait_indirect_dma semaphore(%arg16 : memref<!tpu.dma_semaphore, #tpu.memory_space<semaphore_mem>>) src(%dma_wait3A_2189 : memref<1152x128xf32, #tpu.memory_space<vmem_shared>>) dst(%arg9 : memref<128x128xf32, #tpu.memory_space<vmem>>)
      %dma_wait3A_2190 = arith.constant 3 : i32
      %dma_wait3A_2191 = arith.constant 0 : i32
      %dma_wait3A_2192 = tpu.memref_slice %arg7[%dma_wait3A_2190, %dma_wait3A_2191] : memref<9x128xi32, #tpu.memory_space<vmem>> -> memref<1x128xi32, #tpu.memory_space<vmem>>
      %dma_wait3A_2193 = tpu.memref_squeeze %dma_wait3A_2192 : memref<1x128xi32, #tpu.memory_space<vmem>> -> memref<128xi32, #tpu.memory_space<vmem>>
      %dma_wait3A_2194 = arith.constant 0 : i32
      %dma_wait3A_2195 = arith.constant 0 : i32
      %dma_wait3A_2196 = tpu.memref_slice %arg15[%dma_wait3A_2194, %dma_wait3A_2195] : memref<1152x128xf32, #tpu.memory_space<vmem_shared>> -> memref<1152x128xf32, #tpu.memory_space<vmem_shared>>
      tpu.wait_indirect_dma semaphore(%arg16 : memref<!tpu.dma_semaphore, #tpu.memory_space<semaphore_mem>>) src(%dma_wait3A_2196 : memref<1152x128xf32, #tpu.memory_space<vmem_shared>>) dst(%arg9 : memref<128x128xf32, #tpu.memory_space<vmem>>)
      %dma_wait3A_2197 = arith.constant 4 : i32
      %dma_wait3A_2198 = arith.constant 0 : i32
      %dma_wait3A_2199 = tpu.memref_slice %arg7[%dma_wait3A_2197, %dma_wait3A_2198] : memref<9x128xi32, #tpu.memory_space<vmem>> -> memref<1x128xi32, #tpu.memory_space<vmem>>
      %dma_wait3A_2200 = tpu.memref_squeeze %dma_wait3A_2199 : memref<1x128xi32, #tpu.memory_space<vmem>> -> memref<128xi32, #tpu.memory_space<vmem>>
      %dma_wait3A_2201 = arith.constant 0 : i32
      %dma_wait3A_2202 = arith.constant 0 : i32
      %dma_wait3A_2203 = tpu.memref_slice %arg15[%dma_wait3A_2201, %dma_wait3A_2202] : memref<1152x128xf32, #tpu.memory_space<vmem_shared>> -> memref<1152x128xf32, #tpu.memory_space<vmem_shared>>
      tpu.wait_indirect_dma semaphore(%arg16 : memref<!tpu.dma_semaphore, #tpu.memory_space<semaphore_mem>>) src(%dma_wait3A_2203 : memref<1152x128xf32, #tpu.memory_space<vmem_shared>>) dst(%arg9 : memref<128x128xf32, #tpu.memory_space<vmem>>)
      %dma_wait3A_2204 = arith.constant 5 : i32
      %dma_wait3A_2205 = arith.constant 0 : i32
      %dma_wait3A_2206 = tpu.memref_slice %arg7[%dma_wait3A_2204, %dma_wait3A_2205] : memref<9x128xi32, #tpu.memory_space<vmem>> -> memref<1x128xi32, #tpu.memory_space<vmem>>
      %dma_wait3A_2207 = tpu.memref_squeeze %dma_wait3A_2206 : memref<1x128xi32, #tpu.memory_space<vmem>> -> memref<128xi32, #tpu.memory_space<vmem>>
      %dma_wait3A_2208 = arith.constant 0 : i32
      %dma_wait3A_2209 = arith.constant 0 : i32
      %dma_wait3A_2210 = tpu.memref_slice %arg15[%dma_wait3A_2208, %dma_wait3A_2209] : memref<1152x128xf32, #tpu.memory_space<vmem_shared>> -> memref<1152x128xf32, #tpu.memory_space<vmem_shared>>
      tpu.wait_indirect_dma semaphore(%arg16 : memref<!tpu.dma_semaphore, #tpu.memory_space<semaphore_mem>>) src(%dma_wait3A_2210 : memref<1152x128xf32, #tpu.memory_space<vmem_shared>>) dst(%arg9 : memref<128x128xf32, #tpu.memory_space<vmem>>)
      %dma_wait3A_2211 = arith.constant 6 : i32
      %dma_wait3A_2212 = arith.constant 0 : i32
      %dma_wait3A_2213 = tpu.memref_slice %arg7[%dma_wait3A_2211, %dma_wait3A_2212] : memref<9x128xi32, #tpu.memory_space<vmem>> -> memref<1x128xi32, #tpu.memory_space<vmem>>
      %dma_wait3A_2214 = tpu.memref_squeeze %dma_wait3A_2213 : memref<1x128xi32, #tpu.memory_space<vmem>> -> memref<128xi32, #tpu.memory_space<vmem>>
      %dma_wait3A_2215 = arith.constant 0 : i32
      %dma_wait3A_2216 = arith.constant 0 : i32
      %dma_wait3A_2217 = tpu.memref_slice %arg15[%dma_wait3A_2215, %dma_wait3A_2216] : memref<1152x128xf32, #tpu.memory_space<vmem_shared>> -> memref<1152x128xf32, #tpu.memory_space<vmem_shared>>
      tpu.wait_indirect_dma semaphore(%arg16 : memref<!tpu.dma_semaphore, #tpu.memory_space<semaphore_mem>>) src(%dma_wait3A_2217 : memref<1152x128xf32, #tpu.memory_space<vmem_shared>>) dst(%arg9 : memref<128x128xf32, #tpu.memory_space<vmem>>)
      %dma_wait3A_2218 = arith.constant 7 : i32
      %dma_wait3A_2219 = arith.constant 0 : i32
      %dma_wait3A_2220 = tpu.memref_slice %arg7[%dma_wait3A_2218, %dma_wait3A_2219] : memref<9x128xi32, #tpu.memory_space<vmem>> -> memref<1x128xi32, #tpu.memory_space<vmem>>
      %dma_wait3A_2221 = tpu.memref_squeeze %dma_wait3A_2220 : memref<1x128xi32, #tpu.memory_space<vmem>> -> memref<128xi32, #tpu.memory_space<vmem>>
      %dma_wait3A_2222 = arith.constant 0 : i32
      %dma_wait3A_2223 = arith.constant 0 : i32
      %dma_wait3A_2224 = tpu.memref_slice %arg15[%dma_wait3A_2222, %dma_wait3A_2223] : memref<1152x128xf32, #tpu.memory_space<vmem_shared>> -> memref<1152x128xf32, #tpu.memory_space<vmem_shared>>
      tpu.wait_indirect_dma semaphore(%arg16 : memref<!tpu.dma_semaphore, #tpu.memory_space<semaphore_mem>>) src(%dma_wait3A_2224 : memref<1152x128xf32, #tpu.memory_space<vmem_shared>>) dst(%arg9 : memref<128x128xf32, #tpu.memory_space<vmem>>)
      %dma_wait3A_2225 = arith.constant 8 : i32
      %dma_wait3A_2226 = arith.constant 0 : i32
      %dma_wait3A_2227 = tpu.memref_slice %arg7[%dma_wait3A_2225, %dma_wait3A_2226] : memref<9x128xi32, #tpu.memory_space<vmem>> -> memref<1x128xi32, #tpu.memory_space<vmem>>
      %dma_wait3A_2228 = tpu.memref_squeeze %dma_wait3A_2227 : memref<1x128xi32, #tpu.memory_space<vmem>> -> memref<128xi32, #tpu.memory_space<vmem>>
      %dma_wait3A_2229 = arith.constant 0 : i32
      %dma_wait3A_2230 = arith.constant 0 : i32
      %dma_wait3A_2231 = tpu.memref_slice %arg15[%dma_wait3A_2229, %dma_wait3A_2230] : memref<1152x128xf32, #tpu.memory_space<vmem_shared>> -> memref<1152x128xf32, #tpu.memory_space<vmem_shared>>
      tpu.wait_indirect_dma semaphore(%arg16 : memref<!tpu.dma_semaphore, #tpu.memory_space<semaphore_mem>>) src(%dma_wait3A_2231 : memref<1152x128xf32, #tpu.memory_space<vmem_shared>>) dst(%arg9 : memref<128x128xf32, #tpu.memory_space<vmem>>)
      %dma_start3A_2232 = arith.constant 0 : i32
      %dma_start3A_2233 = tpu.memref_slice %arg5[%mul3A_2168, %dma_start3A_2232] : memref<10240x128xf32, #tpu.memory_space<hbm>> -> memref<128x128xf32, #tpu.memory_space<hbm>>
      %dma_start3A_2234 = arith.constant 0 : i32
      %dma_start3A_2235 = tpu.memref_slice %arg5[%mul3A_2168, %dma_start3A_2234] : memref<10240x128xf32, #tpu.memory_space<hbm>> -> memref<128x128xf32, #tpu.memory_space<hbm>>
      tpu.enqueue_dma source(%arg9 : memref<128x128xf32, #tpu.memory_space<vmem>>) target(%dma_start3A_2235 : memref<128x128xf32, #tpu.memory_space<hbm>>) target_semaphore(%arg18 : memref<!tpu.dma_semaphore, #tpu.memory_space<semaphore_mem>>)
      %add3A_2236 = arith.constant 64 : i32
      %add3A_2237 = arith.addi %add3A, %add3A_2236 : i32
      %mul3A_2238 = arith.constant 128 : i32
      %mul3A_2239 = arith.muli %add3A_2237, %mul3A_2238 : i32
      %dma_wait3A_2240 = arith.constant 0 : i32
      %dma_wait3A_2241 = tpu.memref_slice %arg5[%mul3A_2239, %dma_wait3A_2240] : memref<10240x128xf32, #tpu.memory_space<hbm>> -> memref<128x128xf32, #tpu.memory_space<hbm>>
      %dma_wait3A_2242 = arith.constant 0 : i32
      %dma_wait3A_2243 = tpu.memref_slice %arg5[%mul3A_2239, %dma_wait3A_2242] : memref<10240x128xf32, #tpu.memory_space<hbm>> -> memref<128x128xf32, #tpu.memory_space<hbm>>
      tpu.wait_dma2 semaphore(%arg18 : memref<!tpu.dma_semaphore, #tpu.memory_space<semaphore_mem>>) src(%arg9 : memref<128x128xf32, #tpu.memory_space<vmem>>) dst(%dma_wait3A_2243 : memref<128x128xf32, #tpu.memory_space<hbm>>)
    } else {
    }
    %barrier3A_2160 = arith.constant 0 : index
    tpu.barrier barrier_id(%barrier3A_2160)
    %mul3A_2161 = arith.constant 640 : i32
    %mul3A_2162 = arith.muli %arg1, %mul3A_2161 : i32
    %mul3A_2163 = arith.constant 640 : i32
    %mul3A_2164 = arith.muli %arg1, %mul3A_2163 : i32
    "tpu.region"() ({
      %run_scoped3A_2165 = tpu.sem_alloc : memref<!tpu.dma_semaphore, #tpu.memory_space<semaphore_mem>>
      %dma_start3A_2166 = tpu.memref_slice %arg6[%arg0, %mul3A_2164] : memref<2x10240xf32, #tpu.memory_space<hbm>> -> memref<1x640xf32, #tpu.memory_space<hbm>>
      %dma_start3A_2167 = tpu.memref_squeeze %dma_start3A_2166 : memref<1x640xf32, #tpu.memory_space<hbm>> -> memref<640xf32, #tpu.memory_space<hbm>>
      %dma_start3A_2168 = tpu.memref_slice %arg14[%mul3A_2162] : memref<10240xf32, #tpu.memory_space<vmem_shared>> -> memref<640xf32, #tpu.memory_space<vmem_shared>>
      tpu.enqueue_dma source(%dma_start3A_2168 : memref<640xf32, #tpu.memory_space<vmem_shared>>) target(%dma_start3A_2167 : memref<640xf32, #tpu.memory_space<hbm>>) target_semaphore(%run_scoped3A_2165 : memref<!tpu.dma_semaphore, #tpu.memory_space<semaphore_mem>>)
      %dma_wait3A_2169 = tpu.memref_slice %arg6[%arg0, %mul3A_2164] : memref<2x10240xf32, #tpu.memory_space<hbm>> -> memref<1x640xf32, #tpu.memory_space<hbm>>
      %dma_wait3A_2170 = tpu.memref_squeeze %dma_wait3A_2169 : memref<1x640xf32, #tpu.memory_space<hbm>> -> memref<640xf32, #tpu.memory_space<hbm>>
      %dma_wait3A_2171 = tpu.memref_slice %arg14[%mul3A_2162] : memref<10240xf32, #tpu.memory_space<vmem_shared>> -> memref<640xf32, #tpu.memory_space<vmem_shared>>
      tpu.wait_dma2 semaphore(%run_scoped3A_2165 : memref<!tpu.dma_semaphore, #tpu.memory_space<semaphore_mem>>) src(%dma_wait3A_2171 : memref<640xf32, #tpu.memory_space<vmem_shared>>) dst(%dma_wait3A_2170 : memref<640xf32, #tpu.memory_space<hbm>>)
      tpu.yield
    }) : () -> ()
    return
  }
}

module attributes {stable_mosaic.version = 14 : i64} {
  func.func @_phase_b_body(%arg0: memref<10240x128xf32, #tpu.memory_space<vmem>>, %arg1: memref<2x10240xf32, #tpu.memory_space<vmem>>, %arg2: memref<128x128xf32, #tpu.memory_space<vmem>>, %arg3: memref<10240x128xf32, #tpu.memory_space<vmem>>, %arg4: memref<10240x1xf32, #tpu.memory_space<vmem>>) attributes {dimension_semantics = [], scalar_prefetch = 0 : i64, scratch_operands = 0 : i64, tpu.core_type = #tpu.core_type<tc>} {
    %broadcast_in_dim3A = arith.constant 1.000000e+00 : f32
    %broadcast_in_dim3A_0 = vector.broadcast %broadcast_in_dim3A : f32 to vector<2x1xf32>
    %get3A = arith.constant 0 : index
    %get3A_1 = arith.constant 0 : index
    %get3A_2 = vector.load %arg1[%get3A, %get3A_1] : memref<2x10240xf32, #tpu.memory_space<vmem>>, vector<2x10240xf32>
    %dot_general3A = arith.constant dense<0.000000e+00> : vector<10240x1xf32>
    %dot_general3A_3 = tpu.matmul %get3A_2, %broadcast_in_dim3A_0, %dot_general3A {dimension_numbers = #tpu.dot_dimension_numbers<[0], [0], [1], [1], [0, 1, 1, 1], [], []>, transpose_lhs_hint = false} : vector<2x10240xf32>, vector<2x1xf32>, vector<10240x1xf32> -> vector<10240x1xf32>
    %add3A = arith.constant 1.000000e+00 : f32
    %add3A_4 = vector.broadcast %add3A : f32 to vector<10240x1xf32>
    %add3A_5 = arith.addf %add3A_4, %dot_general3A_3 : vector<10240x1xf32>
    %iota3A = tpu.iota {dimensions = array<i32: 0>} : vector<10240x1xi32>
    %lt3A = arith.constant 10000 : i32
    %lt3A_6 = vector.broadcast %lt3A : i32 to vector<10240x1xi32>
    %lt3A_7 = arith.cmpi slt, %iota3A, %lt3A_6 : vector<10240x1xi32>
    %rsqrt3A = math.rsqrt %add3A_5 : vector<10240x1xf32>
    %jit3A = arith.constant 0.000000e+00 : f32
    %broadcast_in_dim3A_8 = vector.broadcast %jit3A : f32 to vector<10240x1xf32>
    %select_n3A = arith.select %lt3A_7, %rsqrt3A, %broadcast_in_dim3A_8 : vector<10240x1xi1>, vector<10240x1xf32>
    %get3A_9 = arith.constant 0 : index
    %get3A_10 = arith.constant 0 : index
    %get3A_11 = vector.load %arg0[%get3A_9, %get3A_10] : memref<10240x128xf32, #tpu.memory_space<vmem>>, vector<10240x128xf32>
    %get3A_12 = arith.constant 0 : index
    %get3A_13 = arith.constant 0 : index
    %get3A_14 = vector.load %arg2[%get3A_12, %get3A_13] : memref<128x128xf32, #tpu.memory_space<vmem>>, vector<128x128xf32>
    %dot_general3A_15 = arith.constant dense<0.000000e+00> : vector<10240x128xf32>
    %dot_general3A_16 = tpu.matmul %get3A_11, %get3A_14, %dot_general3A_15 {dimension_numbers = #tpu.dot_dimension_numbers<[1], [0], [0], [1], [0, 0, 1, 1], [], []>, transpose_lhs_hint = false} : vector<10240x128xf32>, vector<128x128xf32>, vector<10240x128xf32> -> vector<10240x128xf32>
    %mul3A = vector.broadcast %select_n3A : vector<10240x1xf32> to vector<10240x128xf32>
    %mul3A_17 = arith.mulf %dot_general3A_16, %mul3A : vector<10240x128xf32>
    %swap3A = arith.constant 0 : index
    %swap3A_18 = arith.constant 0 : index
    %swap3A_19 = vector.load %arg3[%swap3A, %swap3A_18] : memref<10240x128xf32, #tpu.memory_space<vmem>>, vector<10240x128xf32>
    tpu.vector_store %arg3[%swap3A, %swap3A_18], %mul3A_17 {strides = array<i32>} : memref<10240x128xf32, #tpu.memory_space<vmem>>, vector<10240x128xf32>,
    %swap3A_20 = arith.constant 0 : index
    %swap3A_21 = arith.constant 0 : index
    %swap3A_22 = vector.load %arg4[%swap3A_20, %swap3A_21] : memref<10240x1xf32, #tpu.memory_space<vmem>>, vector<10240x1xf32>
    tpu.vector_store %arg4[%swap3A_20, %swap3A_21], %select_n3A {strides = array<i32>} : memref<10240x1xf32, #tpu.memory_space<vmem>>, vector<10240x1xf32>,
    return
  }
}

module attributes {stable_mosaic.version = 14 : i64} {
  func.func @_phase_d_body(%arg0: memref<2x10240x128xf32, #tpu.memory_space<vmem>>, %arg1: memref<10240x128xf32, #tpu.memory_space<vmem>>, %arg2: memref<10240x1xf32, #tpu.memory_space<vmem>>, %arg3: memref<1x128xf32, #tpu.memory_space<vmem>>, %arg4: memref<1x128xf32, #tpu.memory_space<vmem>>, %arg5: memref<1x128xf32, #tpu.memory_space<vmem>>, %arg6: memref<10240x1xi32, #tpu.memory_space<vmem>>, %arg7: memref<128x128xf32, #tpu.memory_space<vmem>>, %arg8: memref<1x128xf32, #tpu.memory_space<vmem>>, %arg9: memref<256x128xf32, #tpu.memory_space<vmem>>) attributes {dimension_semantics = [], scalar_prefetch = 0 : i64, scratch_operands = 0 : i64, tpu.core_type = #tpu.core_type<tc>} {
    %iota3A = tpu.iota {dimensions = array<i32: 0>} : vector<10240x1xi32>
    %lt3A = arith.constant 10000 : i32
    %lt3A_0 = vector.broadcast %lt3A : i32 to vector<10240x1xi32>
    %lt3A_1 = arith.cmpi slt, %iota3A, %lt3A_0 : vector<10240x1xi32>
    %get3A = arith.constant 0 : index
    %get3A_2 = arith.constant 0 : index
    %get3A_3 = vector.load %arg2[%get3A, %get3A_2] : memref<10240x1xf32, #tpu.memory_space<vmem>>, vector<10240x1xf32>
    %get3A_4 = arith.constant 0 : index
    %get3A_5 = arith.constant 0 : index
    %get3A_6 = arith.constant 0 : index
    %get3A_7 = vector.load %arg0[%get3A_4, %get3A_5, %get3A_6] : memref<2x10240x128xf32, #tpu.memory_space<vmem>>, vector<1x10240x128xf32>
    %get3A_8 = vector.shape_cast %get3A_7 : vector<1x10240x128xf32> to vector<10240x128xf32>
    %get3A_9 = arith.constant 1 : index
    %get3A_10 = arith.constant 0 : index
    %get3A_11 = arith.constant 0 : index
    %get3A_12 = vector.load %arg0[%get3A_9, %get3A_10, %get3A_11] : memref<2x10240x128xf32, #tpu.memory_space<vmem>>, vector<1x10240x128xf32>
    %get3A_13 = vector.shape_cast %get3A_12 : vector<1x10240x128xf32> to vector<10240x128xf32>
    %add3A = arith.addf %get3A_8, %get3A_13 : vector<10240x128xf32>
    %get3A_14 = arith.constant 0 : index
    %get3A_15 = arith.constant 0 : index
    %get3A_16 = vector.load %arg1[%get3A_14, %get3A_15] : memref<10240x128xf32, #tpu.memory_space<vmem>>, vector<10240x128xf32>
    %add3A_17 = arith.addf %add3A, %get3A_16 : vector<10240x128xf32>
    %mul3A = vector.broadcast %get3A_3 : vector<10240x1xf32> to vector<10240x128xf32>
    %mul3A_18 = arith.mulf %mul3A, %add3A_17 : vector<10240x128xf32>
    %get3A_19 = arith.constant 0 : index
    %get3A_20 = arith.constant 0 : index
    %get3A_21 = vector.load %arg3[%get3A_19, %get3A_20] : memref<1x128xf32, #tpu.memory_space<vmem>>, vector<1x128xf32>
    %add3A_22 = vector.broadcast %get3A_21 : vector<1x128xf32> to vector<10240x128xf32>
    %add3A_23 = arith.addf %mul3A_18, %add3A_22 : vector<10240x128xf32>
    %jit3A = arith.constant 0.000000e+00 : f32
    %broadcast_in_dim3A = vector.shape_cast %lt3A_1 : vector<10240x1xi1> to vector<10240x1xi1>
    %broadcast_in_dim3A_24 = vector.broadcast %broadcast_in_dim3A : vector<10240x1xi1> to vector<10240x128xi1>
    %broadcast_in_dim3A_25 = vector.broadcast %jit3A : f32 to vector<10240x128xf32>
    %select_n3A = arith.select %broadcast_in_dim3A_24, %add3A_23, %broadcast_in_dim3A_25 : vector<10240x128xi1>, vector<10240x128xf32>
    %reduce_sum3A = arith.constant dense<0.000000e+00> : vector<128xf32>
    %reduce_sum3A_26 = vector.multi_reduction <add>, %select_n3A, %reduce_sum3A [0] : vector<10240x128xf32> to vector<128xf32>
    %broadcast_in_dim3A_27 = vector.shape_cast %reduce_sum3A_26 : vector<128xf32> to vector<1x128xf32>
    %mul3A_28 = arith.constant 9.99999974E-5 : f32
    %mul3A_29 = vector.broadcast %mul3A_28 : f32 to vector<1x128xf32>
    %mul3A_30 = arith.mulf %broadcast_in_dim3A_27, %mul3A_29 : vector<1x128xf32>
    %sub3A = vector.broadcast %mul3A_30 : vector<1x128xf32> to vector<10240x128xf32>
    %sub3A_31 = arith.subf %select_n3A, %sub3A : vector<10240x128xf32>
    %jit3A_32 = arith.constant 0.000000e+00 : f32
    %broadcast_in_dim3A_33 = vector.shape_cast %lt3A_1 : vector<10240x1xi1> to vector<10240x1xi1>
    %broadcast_in_dim3A_34 = vector.broadcast %broadcast_in_dim3A_33 : vector<10240x1xi1> to vector<10240x128xi1>
    %broadcast_in_dim3A_35 = vector.broadcast %jit3A_32 : f32 to vector<10240x128xf32>
    %select_n3A_36 = arith.select %broadcast_in_dim3A_34, %sub3A_31, %broadcast_in_dim3A_35 : vector<10240x128xi1>, vector<10240x128xf32>
    %mul3A_37 = arith.mulf %select_n3A_36, %select_n3A_36 : vector<10240x128xf32>
    %reduce_sum3A_38 = arith.constant dense<0.000000e+00> : vector<128xf32>
    %reduce_sum3A_39 = vector.multi_reduction <add>, %mul3A_37, %reduce_sum3A_38 [0] : vector<10240x128xf32> to vector<128xf32>
    %broadcast_in_dim3A_40 = vector.shape_cast %reduce_sum3A_39 : vector<128xf32> to vector<1x128xf32>
    %mul3A_41 = arith.constant 9.99999974E-5 : f32
    %mul3A_42 = vector.broadcast %mul3A_41 : f32 to vector<1x128xf32>
    %mul3A_43 = arith.mulf %broadcast_in_dim3A_40, %mul3A_42 : vector<1x128xf32>
    %get3A_44 = arith.constant 0 : index
    %get3A_45 = arith.constant 0 : index
    %get3A_46 = vector.load %arg4[%get3A_44, %get3A_45] : memref<1x128xf32, #tpu.memory_space<vmem>>, vector<1x128xf32>
    %mul3A_47 = vector.broadcast %get3A_46 : vector<1x128xf32> to vector<10240x128xf32>
    %mul3A_48 = arith.mulf %mul3A_47, %select_n3A_36 : vector<10240x128xf32>
    %add3A_49 = arith.constant 9.99999974E-6 : f32
    %add3A_50 = vector.broadcast %add3A_49 : f32 to vector<1x128xf32>
    %add3A_51 = arith.addf %mul3A_43, %add3A_50 : vector<1x128xf32>
    %rsqrt3A = math.rsqrt %add3A_51 : vector<1x128xf32>
    %mul3A_52 = vector.broadcast %rsqrt3A : vector<1x128xf32> to vector<10240x128xf32>
    %mul3A_53 = arith.mulf %mul3A_48, %mul3A_52 : vector<10240x128xf32>
    %get3A_54 = arith.constant 0 : index
    %get3A_55 = arith.constant 0 : index
    %get3A_56 = vector.load %arg5[%get3A_54, %get3A_55] : memref<1x128xf32, #tpu.memory_space<vmem>>, vector<1x128xf32>
    %add3A_57 = vector.broadcast %get3A_56 : vector<1x128xf32> to vector<10240x128xf32>
    %add3A_58 = arith.addf %mul3A_53, %add3A_57 : vector<10240x128xf32>
    %max3A = arith.constant 0.000000e+00 : f32
    %max3A_59 = vector.broadcast %max3A : f32 to vector<10240x128xf32>
    %max3A_60 = arith.maximumf %add3A_58, %max3A_59 : vector<10240x128xf32>
    %jit3A_61 = arith.constant 0.000000e+00 : f32
    %broadcast_in_dim3A_62 = vector.shape_cast %lt3A_1 : vector<10240x1xi1> to vector<10240x1xi1>
    %broadcast_in_dim3A_63 = vector.broadcast %broadcast_in_dim3A_62 : vector<10240x1xi1> to vector<10240x128xi1>
    %broadcast_in_dim3A_64 = vector.broadcast %jit3A_61 : f32 to vector<10240x128xf32>
    %select_n3A_65 = arith.select %broadcast_in_dim3A_63, %max3A_60, %broadcast_in_dim3A_64 : vector<10240x128xi1>, vector<10240x128xf32>
    %iota3A_66 = tpu.iota {dimensions = array<i32: 1>} : vector<10240x256xi32>
    %get3A_67 = arith.constant 0 : index
    %get3A_68 = arith.constant 0 : index
    %get3A_69 = vector.load %arg6[%get3A_67, %get3A_68] : memref<10240x1xi32, #tpu.memory_space<vmem>>, vector<10240x1xi32>
    %eq3A = vector.broadcast %get3A_69 : vector<10240x1xi32> to vector<10240x256xi32>
    %eq3A_70 = arith.cmpi eq, %eq3A, %iota3A_66 : vector<10240x256xi32>
    %convert_element_type3A = arith.extui %eq3A_70 : vector<10240x256xi1> to vector<10240x256xi32>
    %convert_element_type3A_71 = arith.sitofp %convert_element_type3A : vector<10240x256xi32> to vector<10240x256xf32>
    %dot_general3A = arith.constant dense<0.000000e+00> : vector<256x128xf32>
    %dot_general3A_72 = tpu.matmul %convert_element_type3A_71, %select_n3A_65, %dot_general3A {dimension_numbers = #tpu.dot_dimension_numbers<[0], [0], [1], [1], [0, 1, 1, 1], [], []>, transpose_lhs_hint = false} : vector<10240x256xf32>, vector<10240x128xf32>, vector<256x128xf32> -> vector<256x128xf32>
    %jit3A_73 = arith.constant 1.000000e+00 : f32
    %jit3A_74 = arith.constant 0.000000e+00 : f32
    %broadcast_in_dim3A_75 = vector.broadcast %jit3A_73 : f32 to vector<10240x1xf32>
    %broadcast_in_dim3A_76 = vector.broadcast %jit3A_74 : f32 to vector<10240x1xf32>
    %select_n3A_77 = arith.select %lt3A_1, %broadcast_in_dim3A_75, %broadcast_in_dim3A_76 : vector<10240x1xi1>, vector<10240x1xf32>
    %dot_general3A_78 = arith.constant dense<0.000000e+00> : vector<256x1xf32>
    %dot_general3A_79 = tpu.matmul %convert_element_type3A_71, %select_n3A_77, %dot_general3A_78 {dimension_numbers = #tpu.dot_dimension_numbers<[0], [0], [1], [1], [0, 1, 1, 1], [], []>, transpose_lhs_hint = false} : vector<10240x256xf32>, vector<10240x1xf32>, vector<256x1xf32> -> vector<256x1xf32>
    %max3A_80 = arith.constant 1.000000e+00 : f32
    %max3A_81 = vector.broadcast %max3A_80 : f32 to vector<256x1xf32>
    %max3A_82 = arith.maximumf %dot_general3A_79, %max3A_81 : vector<256x1xf32>
    %div3A = vector.broadcast %max3A_82 : vector<256x1xf32> to vector<256x128xf32>
    %div3A_83 = arith.divf %dot_general3A_72, %div3A : vector<256x128xf32>
    %get3A_84 = arith.constant 0 : index
    %get3A_85 = arith.constant 0 : index
    %get3A_86 = vector.load %arg7[%get3A_84, %get3A_85] : memref<128x128xf32, #tpu.memory_space<vmem>>, vector<128x128xf32>
    %dot_general3A_87 = arith.constant dense<0.000000e+00> : vector<256x128xf32>
    %dot_general3A_88 = tpu.matmul %div3A_83, %get3A_86, %dot_general3A_87 {dimension_numbers = #tpu.dot_dimension_numbers<[1], [0], [0], [1], [0, 0, 1, 1], [], []>, transpose_lhs_hint = false} : vector<256x128xf32>, vector<128x128xf32>, vector<256x128xf32> -> vector<256x128xf32>
    %get3A_89 = arith.constant 0 : index
    %get3A_90 = arith.constant 0 : index
    %get3A_91 = vector.load %arg8[%get3A_89, %get3A_90] : memref<1x128xf32, #tpu.memory_space<vmem>>, vector<1x128xf32>
    %add3A_92 = vector.broadcast %get3A_91 : vector<1x128xf32> to vector<256x128xf32>
    %add3A_93 = arith.addf %dot_general3A_88, %add3A_92 : vector<256x128xf32>
    %swap3A = arith.constant 0 : index
    %swap3A_94 = arith.constant 0 : index
    %swap3A_95 = vector.load %arg9[%swap3A, %swap3A_94] : memref<256x128xf32, #tpu.memory_space<vmem>>, vector<256x128xf32>
    tpu.vector_store %arg9[%swap3A, %swap3A_94], %add3A_93 {strides = array<i32>} : memref<256x128xf32, #tpu.memory_space<vmem>>, vector<256x128xf32>,
    return
  }
}

</mosaic_0001>

<sc_bundles>
// kernel: kernel.6.cloned.1.call-start
scs
__scs_entry_jumppad:
0x0: {  	(pc) =	sbr.rel $0x88, $3  }
0x1: {  	(tag) =	ssettag $0x0;
	lr =	simm.s32 $0x1  }
0x2: {  	[smem:$0x3F97] =	sst lr;
	_ =	strace $0xD0000000  }
0x3: {  	_ = 	snop  }
0x4: {  	_ = 	snop  }
0x5: {  	_ = 	snop  }
0x6: {  	_ = 	snop  }
0x7: {  	_ = 	snop  }
__scs_overlays_trampoline_lowered:
0x8: {  	[smem:$0x3FA6] =	sst s0  }
0x9: {  	[smem:$0x3FA7] =	sst s1  }
0xa: {  	[smem:$0x3FA8] =	sst s2  }
0xb: {  	[smem:$0x3FA9] =	sst s3  }
0xc: {  	[smem:$0x3FAA] =	sst s4  }
0xd: {  	[smem:$0x3FAB] =	sst s5  }
0xe: {  	[smem:$0x3FAC] =	sst s6  }
0xf: {  	[smem:$0x3FAD] =	sst s7  }
0x10: {  	[smem:$0x3FAE] =	sst s8  }
0x11: {  	[smem:$0x3FAF] =	sst s9;
	s0 =	simm.s32 @!p0 $0x0  }
0x12: {  	s1 =	sld [smem:$0x3F95];
	s0 =	simm.s32 @p0 $0x1  }
0x13: {  	[smem:$0x3FB0] =	sst s0;
	s0 =	simm.s32 @!p1 $0x0  }
0x14: {  	s2 =	sld [smem:$0x3F94];
	s0 =	simm.s32 @p1 $0x1  }
0x15: {  	[smem:$0x3FB1] =	sst s0;
	s0 =	simm.s32 @!p2 $0x0  }
0x16: {  	s3 =	sld [smem:$0x3FDB];
	s0 =	simm.s32 @p2 $0x1  }
0x17: {  	s4 =	simm.s32 $0x1BF5;
	[smem:$0x3FB3] =	sst s0  }
0x18: {  	s0 =	sld [smem:$0x3F96];
	_ =	swait.ge [sflag:s4], $0x0  }
0x19: {  	s7 =	sld [smem:$0x3F97]  }
0x1a: {  	s8 =	sadd.s32 $0xFFFFE003, lr  }
0x1b: {  	s9 =	sadd.s32 $0xFFFFFEF7, lr;
	s5 =	simm.s32 $0xFFFFFFFF;
	p2 =	slt.u32 s8, $0xFFFFF086  }
0x1c: {  	p1 =	slt.u32 s9, $0xF7A;
	s5 =	simm.s32 @!p2 $0x0  }
0x1d: {  	s5 =	simm.s32 @p1 $0x1;
	p0 =	seq.s32 s7, s2  }
0x1e: {  	s7 =	smul.u32 @!p0 $0xF7A, s2;
	p2 =	seq.s32 @!p0 s5, $0x0  }
0x1f: {  	s9 =	smul.u32 $0xF7A, s1;
	s8 =	simm.s32 @!p0 $0x1BF5;
	p2 =	por !p2, p0  }
0x20: {  	[sflag:s8] =	ssyncset.s32 @!p0 $0xFFFFF086;
	s6 =	sadd.s32 @!p0 s3, s7;
	s7 =	simm.s32 @!p0 $0x108  }
0x21: {  	s3 =	sadd.s32 s3, s9;
	s6 =	sadd.s32 @!p0 $0x88, s6;
	s7 =	simm.s32 @p2 $0x1082  }
0x22: {  	[simem:s7], [sflag:s8] =	dma.local @!p0 [hbm:s6], $0xF7A  }
0x23: {  	s9 =	sor.u32 $0xD0000000, s2;
	s6 =	simm.s32 $0x108;
	_ =	swait.ge @!p0 [sflag:s8], $0x0  }
0x24: {  	s3 =	sadd.s32 $0x88, s3;
	s6 =	simm.s32 @!p1 $0x1082;
	[sflag:s4] =	ssyncset.s32 $0xFFFFF086  }
0x25: {  	[simem:s6], [sflag:s4] =	dma.local [hbm:s3], $0xF7A  }
0x26: {  	[smem:$0x3F97] =	sst s1;
	(tag) =	ssettag s2;
	_ =	strace s9  }
0x27: {  	s1 =	sld [smem:$0x3FA7]  }
0x28: {  	s2 =	sld [smem:$0x3FA8]  }
0x29: {  	s4 =	sld [smem:$0x3FAA]  }
0x2a: {  	p0 =	seq.s32 s5, $0x0;
	s5 =	sld [smem:$0x3FAB]  }
0x2b: {  	s6 =	sld [smem:$0x3FAC]  }
0x2c: {  	s7 =	sld [smem:$0x3FAD]  }
0x2d: {  	s3 =	simm.s32 $0x108;
	s8 =	sld [smem:$0x3FAE]  }
0x2e: {  	s3 =	simm.s32 @!p0 $0x1082;
	s9 =	sld [smem:$0x3FAF]  }
0x2f: {  	lr =	sadd.s32 s0, s3;
	s0 =	sld [smem:$0x3FA6]  }
0x30: {  	s3 =	sld [smem:$0x3FA9]  }
0x31: {  	[smem:$0x3FB2] =	sst s10  }
0x32: {  	s10 =	sld [smem:$0x3FB0];
	_ =	sdelay $0x3  }
0x33: {  	p0 =	seq.s32 s10, $0x1;
	s10 =	sld [smem:$0x3FB2];
	_ =	sdelay $0x3  }
0x34: {  	[smem:$0x3FB2] =	sst s10  }
0x35: {  	s10 =	sld [smem:$0x3FB1];
	_ =	sdelay $0x3  }
0x36: {  	p1 =	seq.s32 s10, $0x1;
	s10 =	sld [smem:$0x3FB2];
	_ =	sdelay $0x3  }
0x37: {  	[smem:$0x3FB2] =	sst s10  }
0x38: {  	s10 =	sld [smem:$0x3FB3]  }
0x39: {  	_ = 	snop;
	(pc) =	sbr.ind lr, $3  }
0x3a: {  	_ = 	snop  }
0x3b: {  	_ = 	snop  }
0x3c: {  	p2 =	seq.s32 s10, $0x1;
	s10 =	sld [smem:$0x3FB2]  }
0x3d: {  	_ =	shalt  }
0x3e: {  	_ =	shalt  }
0x3f: {  	_ =	shalt  }
0x40: {  	_ =	shalt  }
0x41: {  	_ =	shalt  }
0x42: {  	_ =	shalt  }
0x43: {  	_ =	shalt  }
0x44: {  	_ =	shalt  }
0x45: {  	_ =	shalt  }
0x46: {  	_ =	shalt  }
0x47: {  	_ =	shalt  }
0x48: {  	_ =	shalt  }
0x49: {  	_ =	shalt  }
0x4a: {  	_ =	shalt  }
0x4b: {  	_ =	shalt  }
0x4c: {  	_ =	shalt  }
0x4d: {  	_ =	shalt  }
0x4e: {  	_ =	shalt  }
0x4f: {  	_ =	shalt  }
0x50: {  	_ =	shalt  }
0x51: {  	_ =	shalt  }
0x52: {  	_ =	shalt  }
0x53: {  	_ =	shalt  }
0x54: {  	_ =	shalt  }
0x55: {  	_ =	shalt  }
0x56: {  	_ =	shalt  }
0x57: {  	_ =	shalt  }
0x58: {  	_ =	shalt  }
0x59: {  	_ =	shalt  }
0x5a: {  	_ =	shalt  }
0x5b: {  	_ =	shalt  }
0x5c: {  	_ =	shalt  }
0x5d: {  	_ =	shalt  }
0x5e: {  	_ =	shalt  }
0x5f: {  	_ =	shalt  }
0x60: {  	_ =	shalt  }
0x61: {  	_ =	shalt  }
0x62: {  	_ =	shalt  }
0x63: {  	_ =	shalt  }
0x64: {  	_ =	shalt  }
0x65: {  	_ =	shalt  }
0x66: {  	_ =	shalt  }
0x67: {  	_ =	shalt  }
0x68: {  	_ =	shalt  }
0x69: {  	_ =	shalt  }
0x6a: {  	_ =	shalt  }
0x6b: {  	_ =	shalt  }
0x6c: {  	_ =	shalt  }
0x6d: {  	_ =	shalt  }
0x6e: {  	_ =	shalt  }
0x6f: {  	_ =	shalt  }
0x70: {  	_ =	shalt  }
0x71: {  	_ =	shalt  }
0x72: {  	_ =	shalt  }
0x73: {  	_ =	shalt  }
0x74: {  	_ =	shalt  }
0x75: {  	_ =	shalt  }
0x76: {  	_ =	shalt  }
0x77: {  	_ =	shalt  }
0x78: {  	_ =	shalt  }
0x79: {  	_ =	shalt  }
0x7a: {  	_ =	shalt  }
0x7b: {  	_ =	shalt  }
0x7c: {  	_ =	shalt  }
0x7d: {  	_ =	shalt  }
0x7e: {  	_ =	shalt  }
0x7f: {  	_ =	shalt  }
0x80: {  	_ =	shalt  }
0x81: {  	_ =	shalt  }
0x82: {  	_ =	shalt  }
0x83: {  	_ =	shalt  }
0x84: {  	_ =	shalt  }
0x85: {  	_ =	shalt  }
0x86: {  	_ =	shalt  }
0x87: {  	_ =	shalt  }
.Lfunc_end0:
.L_simem_size_0:
called_computation_lowered:
.L_overlay_start_0:
0x88: {  	s2 =	sld [smem:$0x3FD9]  }
0x89: {  	s3 =	sld [smem:$0x3FFE];
	_ =	sdelay $0x1  }
0x8a: {  	s1 =	srdreg.scid  }
0x8b: {  	s0 =	sand.u32 $0x1, s1  }
0x8c: {  	s17 =	sshll.u32 s0, $0xA;
	s2 =	sadd.s32 s3, s2  }
0x8d: {  	s2 =	sadd.s32 s2, s17  }
0x8e: {  	[smem:$0x3FBE] =	sst s2  }
0x8f: {  	_ = 	snop  }
0x90: {  	s2 =	sld [smem:$0x3FC6]  }
0x91: {  	s18 =	sld [smem:$0x3FD0];
	(tm) =	ssettm $0x1  }
0x92: {  	s4 =	sld [smem:$0x3FFB];
	_ =	sdelay $0x3  }
0x93: {  	_ =	strace s4  }
0x94: {  	s4 =	sld [smem:$0x3FFC];
	_ =	sdelay $0x3  }
0x95: {  	_ =	strace s4  }
0x96: {  	s4 =	sld [smem:$0x3FFD];
	_ =	sdelay $0x3  }
0x97: {  	_ =	strace s4  }
0x98: {  	_ =	strace $0x8FFFFFFF  }
0x99: {  	s19 =	sld [smem:$0x3FDB];
	_ =	sdelay $0x1  }
0x9a: {  	s5 =	simm.s32 $_scs_section_size  }
0x9b: {  	s6 =	simm.s32 $_size__tile_overlayer_lowered;
	s7 =	simm.s32 $_tile_overlayer_lowered  }
0x9c: {  	s22 =	simm.s32 $0x1BFF;
	s21 =	sshll.u32 s7, $0x1;
	s4 =	sadd.s32 s5, s19  }
0x9d: {  	s8 =	simm.s32 $0x0;
	s20 =	sshll.u32 s6, $0x1;
	s6 =	sadd.s32 s21, s4  }
0x9e: {  	[timem:s8], [sflag:s22] =	dma.local [hbm:s6], s20  }
0x9f: {  	_ =	swait.ge [sflag:s22], s20  }
0xa0: {  	s5 =	ssub.s32 $0x0, s20;
	[sflag:s22] =	ssyncset.done $0x0  }
0xa1: {  	[sflag:s22] =	ssyncadd.s32 s5;
	_ =	sdelay $0x1  }
0xa2: {  	s23 =	simm.s32 $0x1B8B  }
0xa3: {  	_ =	swait.ge [sflag:s23], $0x1  }
0xa4: {  	[sflag:s23] =	ssyncset.done $0x0  }
0xa5: {  	s25 =	simm.s32 $0x1B8E;
	s24 =	sld [smem:$0x3FFE];
	[sflag:s23] =	ssyncadd.s32 $0xFFFFFFFF  }
0xa6: {  	s26 =	simm.s32 $execute0_lowered;
	[smem:$0x3FD2] =	sst s25  }
0xa7: {  	s6 =	sshll.u32 s26, $0x1;
	_ =	strace $0x80000046;
	[dreg:$0x1] =	wrdreg $0xFFFFFFFF  }
0xa8: {  	s28 =	simm.s32 $_size_execute0_lowered;
	s4 =	sadd.s32 s4, s6;
	[dreg:$0x0] =	wrdreg $0x0  }
0xa9: {  	s6 =	sshll.u32 s28, $0x1;
	[dreg:$0x2] =	wrdreg s4  }
0xaa: {  	[dreg:$0x3] =	wrdreg s6  }
0xab: {  	[dreg:$0x4] =	wrdreg $0xC0  }
0xac: {  	_ =	task [dreg:s8], $0x5FFFF  }
0xad: {  	[dreg:$0x1] =	wrdreg $0xFFFFFFFF  }
0xae: {  	[dreg:$0x0] =	wrdreg $0x60  }
0xaf: {  	[dreg:$0x2] =	wrdreg s24  }
0xb0: {  	[dreg:$0x3] =	wrdreg s2  }
0xb1: {  	[dreg:$0x4] =	wrdreg s18  }
0xb2: {  	[dreg:$0x5] =	wrdreg $0xBD800  }
0xb3: {  	[dreg:$0x6] =	wrdreg $0xBB000  }
0xb4: {  	[dreg:$0x7] =	wrdreg $0x9  }
0xb5: {  	_ =	task.clear_ibuf [dreg:s8], $0x8FFFF;
	_ =	strace $0x90000046  }
0xb6: {  	s29 =	simm.s32 $0x9;
	_ =	strace $0x80000048  }
0xb7: {  	_ =	swait.ge [sflag:s29], $0x1  }
0xb8: {  	[sflag:s29] =	ssyncadd.s32 $0xFFFFFFFF  }
0xb9: {  	_ =	strace $0x90000048  }
0xba: {  	_ =	sfence  }
0xbb: {  	s30 =	sld [smem:$0x0];
	_ =	sdelay $0x2  }
0xbc: {  	s31 =	sshll.u32 s1, $0xD;
	s1 =	sshrl.u32 s1, $0x2  }
0xbd: {  	s3 =	sand.u32 $0x4000, s31;
	s1 =	sadd.s32 s1, s30  }
0xbe: {  	s0 =	sor.u32 s3, s0;
	s1 =	sshll.u32 s1, $0x11  }
0xbf: {  	s0 =	sor.u32 s1, s0  }
0xc0: {  	s0 =	sadd.s32 $0x8F2B, s0  }
0xc1: {  	[sflag:s0] =	ssyncadd.remote.s32 $0x1  }
0xc2: {  	_ =	sfence.sel $0xFFFF  }
0xc3: {  	[dreg:$0x0] =	wrdreg $0xFFFFFFFF;
	(pc) =	sbr.abs _section_cstart, $3  }
0xc4: {  	[dreg:$0x1] =	wrdreg $0xFFFFFFFF  }
0xc5: {  	_ =	task.clear_ibuf [dreg:s8], $0x2FFFF;
	_ =	strace $0x9FFFFFFF  }
0xc6: {  	(tm) =	ssettm $0x7FFFFFFF  }
0xc7: {  	_ =	shalt  }
tec
execute0_lowered:
.L_overlay_start_1:
0x0: {  	(tag) =	ssettag $0x1  }
0x1: {  	s0 =	rddreg [dreg:$0x0]  }
0x2: {  	s4 =	rddreg [dreg:$0x1]  }
0x3: {  	s6 =	rddreg [dreg:$0x2]  }
0x4: {  	s1 =	rddreg [dreg:$0x3]  }
0x5: {  	s2 =	rddreg [dreg:$0x4];
	s3 =	simm.s32 $0x0  }
0x6: {  	s5 =	srdreg.scid;
	s20 =	stileid.u32;
	s28 =	simm.s32 $0x3  }
0x7: {  	s29 =	simm.s32 $0x2;
	s30 =	simm.s32 $0x0;
	[smem:$0x7FF] =	sst s3  }
0x8: {  	s7 =	sadd.s32 $0x16C00, s0;
	s10 =	sand.u32 $0x1, s5;
	s9 =	smul.u32 $0xA00, s20  }
0x9: {  	s8 =	sshll.u32 s20, $0x1;
	s31 =	smul.u32 $0x9000, s20;
	s13 =	sadd.s32 $0x1BC00, s0  }
0xa: {  	s18 =	smul.u32 $0x480, s20;
	p0 =	sgt.u32 s20, $0x7;
	_ =	strace $0x80000047  }
0xb: {  	s5 =	ssub.s32 $0x2, s10;
	s12 =	sor.u32 s10, s8;
	s10 =	sshll.u32 s10, $0x7  }
0xc: {  	s11 =	sshrl.u32 s5, $0x1;
	s14 =	smul.u32 $0x2800, s12;
	s17 =	sshrl.u32 s9, $0x2  }
0xd: {  	s8 =	sshrl.u32 s31, $0x2;
	s4 =	sadd.s32 s4, s18;
	s21 =	sshll.u32 s12, $0x7  }
0xe: {  	s23 =	sor.u32 $0x40, s12;
	s24 =	sshll.u32 s12, $0xB;
	s31 =	sshll.u32 s20, $0x6  }
0xf: {  	s15 =	ssub.s32 s5, s11;
	s5 =	sadd.s32 s17, s2;
	s16 =	sadd.s32 s8, s1  }
0x10: {  	[dreg:$0x6] =	wrdreg s4;
	s8 =	sadd.s32 s7, s21;
	s22 =	sor.u32 $0x1000, s21  }
0x11: {  	s25 =	sshll.u32 s23, $0x7;
	s11 =	sadd.s32 s13, s24;
	s4 =	sshll.u32 s23, $0xB  }
0x12: {  	s17 =	simm.s32 $0x5;
	s18 =	sor.u32 $0x1C05, s31;
	s23 =	simm.s32 $0x80  }
0x13: {  	s24 =	simm.s32 $0x1000;
	s19 =	sshrl.u32 s14, $0x3;
	s9 =	sadd.s32 s7, s22  }
0x14: {  	s14 =	smul.u32 $0x500, s20;
	[dreg:$0x8] =	wrdreg s11;
	s7 =	sadd.s32 s7, s25  }
0x15: {  	s15 =	smax.u32 s15, $0x1;
	s21 =	sadd.s32 $0x2800, s8;
	s20 =	simm.s32 $0xB800  }
0x16: {  	s25 =	simm.s32 $0x4;
	s0 =	sadd.s32 s0, s19;
	[dreg:$0x9] =	wrdreg s7  }
.Ltmp0:
0x17: {  	s19 =	sshrl.u32 s16, $0x3;
	s0 =	sadd.s32 $0xCC00, s0;
	(pc) =	sbr.rel .LBB2_1-.Ltmp0, $4  }
0x18: {  	s16 =	simm.s32 $0x5000;
	s26 =	sor.u32 s10, s14;
	[dreg:$0x7] =	wrdreg s0  }
0x19: {  	s0 =	sshll.u32 s22, $0x4;
	s7 =	sshrl.u32 s26, $0x3;
	s22 =	simm.s32 $0x400  }
0x1a: {  	s26 =	simm.s32 $0x1;
	s12 =	sadd.s32 s13, s0;
	s13 =	sadd.s32 s13, s4  }
0x1b: {  	v0 =	vimm.f32 $1.000000000e+00;
	v1 =	vimm.f32 $0.0e+00;
	s14 =	sadd.s32 s6, s7;
	s0 =	simm.s32 $0x800;
	s4 =	simm.s32 $0xC00  }
.LBB2_10:
0x1c: {  	[tilespmem:s6+$0x1070] =	vst v1  }
0x1d: {  	[tilespmem:s6+$0x1000] =	vst v1  }
0x1e: {  	[tilespmem:s6+$0x1010] =	vst v1  }
0x1f: {  	[tilespmem:s6+$0x1020] =	vst v1  }
0x20: {  	[tilespmem:s6+$0x1030] =	vst v1  }
0x21: {  	[tilespmem:s6+$0x1040] =	vst v1  }
0x22: {  	[tilespmem:s6+$0x1050] =	vst v1  }
0x23: {  	[tilespmem:s6+$0x1060] =	vst v1  }
0x24: {  	[tilespmem:s24], [sflag:$0x1] =	stream.indirect.gather.add.f32 [spmem:s1], $0x80, s3, s23, $0xb8;
	[tilespmem:$0xE180] =	vst v63  }
0x25: {  	_ = 	snop  }
0x26: {  	[tilespmem:s24], [sflag:$0x1] =	stream.indirect.gather.add.f32 [spmem:s1], $0x80, s23, s23, $0xb8;
	[tilespmem:$0xE180] =	vst v63  }
0x27: {  	s11 =	simm.s32 $0x100  }
0x28: {  	[tilespmem:s24], [sflag:$0x1] =	stream.indirect.gather.add.f32 [spmem:s1], $0x80, s11, s23, $0xb8;
	[tilespmem:$0xE180] =	vst v63  }
0x29: {  	s31 =	simm.s32 $0x180  }
0x2a: {  	[tilespmem:s24], [sflag:$0x1] =	stream.indirect.gather.add.f32 [spmem:s1], $0x80, s31, s23, $0xb8;
	[tilespmem:$0xE180] =	vst v63  }
0x2b: {  	s7 =	simm.s32 $0x200  }
0x2c: {  	[tilespmem:s24], [sflag:$0x1] =	stream.indirect.gather.add.f32 [spmem:s1], $0x80, s7, s23, $0xb8;
	[tilespmem:$0xE180] =	vst v63  }
0x2d: {  	s10 =	simm.s32 $0x280  }
0x2e: {  	[tilespmem:s24], [sflag:$0x1] =	stream.indirect.gather.add.f32 [spmem:s1], $0x80, s10, s23, $0xb8;
	[tilespmem:$0xE180] =	vst v63  }
0x2f: {  	s11 =	simm.s32 $0x300  }
0x30: {  	[tilespmem:s24], [sflag:$0x1] =	stream.indirect.gather.add.f32 [spmem:s1], $0x80, s11, s23, $0xb8;
	[tilespmem:$0xE180] =	vst v63  }
0x31: {  	s31 =	simm.s32 $0x380  }
0x32: {  	[tilespmem:s24], [sflag:$0x1] =	stream.indirect.gather.add.f32 [spmem:s1], $0x80, s31, s23, $0xb8;
	[tilespmem:$0xE180] =	vst v63  }
0x33: {  	_ = 	snop  }
0x34: {  	[tilespmem:s24], [sflag:$0x1] =	stream.indirect.gather.add.f32 [spmem:s1], $0x80, s22, s23, $0xb8;
	[tilespmem:$0xE180] =	vst v63  }
.LBB2_11:
0x35: {  	_ =	swait.ge [sflag:s29], $0x4000  }
0x36: {  	[sflag:s29] =	ssyncset.done $0x0  }
0x37: {  	[sflag:s29] =	ssyncadd.s32 $0xFFFFC000  }
0x38: {  	_ =	swait.ge [sflag:s29], $0x4000  }
0x39: {  	[sflag:s29] =	ssyncset.done $0x0  }
0x3a: {  	[sflag:s29] =	ssyncadd.s32 $0xFFFFC000  }
0x3b: {  	_ =	swait.ge [sflag:s29], $0x4000  }
0x3c: {  	[sflag:s29] =	ssyncset.done $0x0  }
0x3d: {  	[sflag:s29] =	ssyncadd.s32 $0xFFFFC000  }
0x3e: {  	_ =	swait.ge [sflag:s29], $0x4000  }
0x3f: {  	[sflag:s29] =	ssyncset.done $0x0  }
0x40: {  	[sflag:s29] =	ssyncadd.s32 $0xFFFFC000  }
0x41: {  	_ =	swait.ge [sflag:s29], $0x4000  }
0x42: {  	[sflag:s29] =	ssyncset.done $0x0  }
0x43: {  	[sflag:s29] =	ssyncadd.s32 $0xFFFFC000  }
0x44: {  	_ =	swait.ge [sflag:s29], $0x4000  }
0x45: {  	[sflag:s29] =	ssyncset.done $0x0  }
0x46: {  	[sflag:s29] =	ssyncadd.s32 $0xFFFFC000  }
0x47: {  	_ =	swait.ge [sflag:s29], $0x4000  }
0x48: {  	[sflag:s29] =	ssyncset.done $0x0  }
0x49: {  	[sflag:s29] =	ssyncadd.s32 $0xFFFFC000  }
0x4a: {  	_ =	swait.ge [sflag:s29], $0x4000  }
0x4b: {  	[sflag:s29] =	ssyncset.done $0x0  }
0x4c: {  	[sflag:s29] =	ssyncadd.s32 $0xFFFFC000  }
0x4d: {  	_ =	swait.ge [sflag:s29], $0x4000  }
0x4e: {  	[sflag:s29] =	ssyncset.done $0x0  }
0x4f: {  	[sflag:s29] =	ssyncadd.s32 $0xFFFFC000  }
0x50: {  	[hbm4b:s12+s3] =	stream.linear.scatter [tilespmem:s16], [sflag:$0x3], $0x4000, $0x38;
	[tilespmem:$0xE180] =	vst v63  }
0x51: {  	_ =	swait.ge [sflag:s28], $0x4000  }
0x52: {  	[sflag:s28] =	ssyncset.done $0x0  }
0x53: {  	s6 =	simm.s32 @!p0 $0x1;
	[sflag:s28] =	ssyncadd.s32 $0xFFFFC000  }
0x54: {  	_ =	swait.ge @!p0 [sflag:s6], $0x4000  }
0x55: {  	[sflag:s6] =	ssyncset.done @!p0 $0x0  }
0x56: {  	[sflag:s6] =	ssyncadd.s32 @!p0 $0xFFFFC000  }
0x57: {  	_ =	swait.ge @!p0 [sflag:s6], $0x4000  }
0x58: {  	[sflag:s6] =	ssyncset.done @!p0 $0x0  }
0x59: {  	[sflag:s6] =	ssyncadd.s32 @!p0 $0xFFFFC000  }
0x5a: {  	_ =	swait.ge @!p0 [sflag:s6], $0x4000  }
0x5b: {  	[sflag:s6] =	ssyncset.done @!p0 $0x0  }
0x5c: {  	[sflag:s6] =	ssyncadd.s32 @!p0 $0xFFFFC000  }
0x5d: {  	_ =	swait.ge @!p0 [sflag:s6], $0x4000  }
0x5e: {  	[sflag:s6] =	ssyncset.done @!p0 $0x0  }
0x5f: {  	[sflag:s6] =	ssyncadd.s32 @!p0 $0xFFFFC000  }
0x60: {  	_ =	swait.ge @!p0 [sflag:s6], $0x4000  }
0x61: {  	[sflag:s6] =	ssyncset.done @!p0 $0x0  }
0x62: {  	[sflag:s6] =	ssyncadd.s32 @!p0 $0xFFFFC000  }
0x63: {  	_ =	swait.ge @!p0 [sflag:s6], $0x4000  }
0x64: {  	[sflag:s6] =	ssyncset.done @!p0 $0x0  }
0x65: {  	[sflag:s6] =	ssyncadd.s32 @!p0 $0xFFFFC000  }
0x66: {  	_ =	swait.ge @!p0 [sflag:s6], $0x4000  }
0x67: {  	[sflag:s6] =	ssyncset.done @!p0 $0x0  }
0x68: {  	[sflag:s6] =	ssyncadd.s32 @!p0 $0xFFFFC000  }
0x69: {  	_ =	swait.ge @!p0 [sflag:s6], $0x4000  }
0x6a: {  	[sflag:s6] =	ssyncset.done @!p0 $0x0  }
0x6b: {  	[sflag:s6] =	ssyncadd.s32 @!p0 $0xFFFFC000  }
0x6c: {  	_ =	swait.ge @!p0 [sflag:s6], $0x4000  }
0x6d: {  	[sflag:s6] =	ssyncset.done @!p0 $0x0  }
0x6e: {  	s7 =	simm.s32 @!p0 $0x1000;
	[sflag:s6] =	ssyncadd.s32 @!p0 $0xFFFFC000;
	s6 =	simm.s32 @!p0 $0x0  }
0x6f: {  	[hbm4b:s13+s6] =	stream.linear.scatter @!p0 [tilespmem:s7], [sflag:$0x3], $0x4000, $0x38;
	[tilespmem:$0xE180] =	vst v63  }
0x70: {  	s6 =	simm.s32 @!p0 $0x3  }
0x71: {  	_ =	swait.ge @!p0 [sflag:s6], $0x4000  }
0x72: {  	s11 =	sshrl.u32 s5, $0x3;
	s30 =	sadd.s32 $0x1, s30;
	[sflag:s6] =	ssyncset.done @!p0 $0x0  }
0x73: {  	s31 =	simm.s32 $0x20;
	p1 =	sne.s32 s30, s15;
	[sflag:s6] =	ssyncadd.s32 @!p0 $0xFFFFC000  }
.Ltmp1:
0x74: {  	s10 =	simm.s32 $0x10;
	[bflag:$0x0] =	sbarrier.arrive $0xFFFF;
	(pc) =	sbr.rel @!p1 .LBB2_12-.Ltmp1, $4  }
0x75: {  	[hbm:s14@s31], [sflag:s18] =	dma.strided [spmem:s11@s10], $0x50, s26, $0x10   }
0x76: {  	_ =	swait.ge [sflag:s17], $0x50  }
0x77: {  	[sflag:s17] =	ssyncset.done $0x0  }
0x78: {  	[sflag:s17] =	ssyncadd.s32 $0xFFFFFFB0  }
.LBB2_1:
0x79: {  	[tilespmem:$0xB800] =	vst v0  }
0x7a: {  	[tilespmem:$0xB810] =	vst v0  }
0x7b: {  	[tilespmem:$0xB820] =	vst v0  }
0x7c: {  	[tilespmem:$0xB830] =	vst v0  }
0x7d: {  	[tilespmem:$0xB840] =	vst v0  }
0x7e: {  	[tilespmem:$0xB850] =	vst v0  }
0x7f: {  	[tilespmem:$0xB860] =	vst v0  }
0x80: {  	[tilespmem:$0xB870] =	vst v0  }
0x81: {  	[tilespmem:$0xB880] =	vst v1  }
0x82: {  	[tilespmem:$0xB890] =	vst v1  }
0x83: {  	[tilespmem:$0xB8A0] =	vst v1  }
0x84: {  	[tilespmem:$0xB8B0] =	vst v1  }
0x85: {  	[tilespmem:$0xB8C0] =	vst v1  }
0x86: {  	[tilespmem:$0xB8D0] =	vst v1  }
0x87: {  	[tilespmem:$0xB8E0] =	vst v1  }
0x88: {  	[tilespmem:$0xB8F0] =	vst v1  }
0x89: {  	[tilespmem:$0xB900] =	vst v1  }
0x8a: {  	[tilespmem:$0xB910] =	vst v1  }
0x8b: {  	[tilespmem:$0xB920] =	vst v1  }
0x8c: {  	[tilespmem:$0xB930] =	vst v1  }
0x8d: {  	[tilespmem:$0xB940] =	vst v1  }
0x8e: {  	[tilespmem:$0xB950] =	vst v1  }
0x8f: {  	[tilespmem:$0xB960] =	vst v1  }
0x90: {  	[tilespmem:$0xB970] =	vst v1  }
0x91: {  	[tilespmem:$0xB980] =	vst v1  }
0x92: {  	[tilespmem:$0xB990] =	vst v1  }
0x93: {  	[tilespmem:$0xB9A0] =	vst v1  }
0x94: {  	[tilespmem:$0xB9B0] =	vst v1  }
0x95: {  	[tilespmem:$0xB9C0] =	vst v1  }
0x96: {  	[tilespmem:$0xB9D0] =	vst v1  }
0x97: {  	[tilespmem:$0xB9E0] =	vst v1  }
0x98: {  	[tilespmem:$0xB9F0] =	vst v1  }
0x99: {  	[tilespmem:$0xBA00] =	vst v1  }
0x9a: {  	[tilespmem:$0xBA10] =	vst v1  }
0x9b: {  	[tilespmem:$0xBA20] =	vst v1  }
0x9c: {  	[tilespmem:$0xBA30] =	vst v1  }
0x9d: {  	[tilespmem:$0xBA40] =	vst v1  }
0x9e: {  	[tilespmem:$0xBA50] =	vst v1  }
0x9f: {  	[tilespmem:$0xBA60] =	vst v1  }
0xa0: {  	[tilespmem:$0xBA70] =	vst v1  }
0xa1: {  	[tilespmem:$0xBA80] =	vst v1  }
0xa2: {  	[tilespmem:$0xBA90] =	vst v1  }
0xa3: {  	[tilespmem:$0xBAA0] =	vst v1  }
0xa4: {  	[tilespmem:$0xBAB0] =	vst v1  }
0xa5: {  	[tilespmem:$0xBAC0] =	vst v1  }
0xa6: {  	[tilespmem:$0xBAD0] =	vst v1  }
0xa7: {  	[tilespmem:$0xBAE0] =	vst v1  }
0xa8: {  	[tilespmem:$0xBAF0] =	vst v1;
	s6 =	simm.s32 $0xB880  }
0xa9: {  	[spmem:s5] =	stream.linear.scatter [tilespmem:s6], [sflag:$0x5], $0x280, $0x38;
	[tilespmem:$0xE180] =	vst v63  }
0xaa: {  	_ =	swait.ge [sflag:s17], $0x280  }
0xab: {  	[sflag:s17] =	ssyncset.done $0x0  }
0xac: {  	s11 =	rddreg [dreg:$0x6];
	[sflag:s17] =	ssyncadd.s32 $0xFFFFFD80  }
0xad: {  	[spmem:s19], [sflag:s18] =	dma.local [hbm:s11], $0x480  }
0xae: {  	_ =	swait.ge [sflag:s17], $0x480  }
0xaf: {  	[sflag:s17] =	ssyncset.done $0x0  }
0xb0: {  	[sflag:s17] =	ssyncadd.s32 $0xFFFFFB80  }
0xb1: {  	[bflag:$0x0] =	sbarrier.arrive $0xFFFF  }
0xb2: {  	s7 =	simm.s32 $0x9000;
	s31 =	rddreg [dreg:$0x7]  }
0xb3: {  	[tilespmem:s7], [sflag:$0x5] =	stream.linear.gather [hbm4b:s31+s3], $0x2800, $0x38;
	[tilespmem:$0xE180] =	vst v63  }
0xb4: {  	_ =	swait.ge [sflag:s17], $0x2800  }
0xb5: {  	[sflag:s17] =	ssyncset.done $0x0  }
0xb6: {  	[sflag:s17] =	ssyncadd.s32 $0xFFFFD800  }
0xb7: {  	[tilespmem:s3], [sflag:$0x5] =	stream.linear.gather [hbm4b:s8+s3], $0x400, $0x38;
	[tilespmem:$0xE180] =	vst v63  }
0xb8: {  	_ = 	snop  }
0xb9: {  	[tilespmem:s22], [sflag:$0x5] =	stream.linear.gather [hbm4b:s21+s3], $0x80, $0x38;
	[tilespmem:$0xE180] =	vst v63  }
0xba: {  	_ =	swait.ge [sflag:s17], $0x480  }
0xbb: {  	[sflag:s17] =	ssyncset.done $0x0  }
0xbc: {  	[sflag:s17] =	ssyncadd.s32 $0xFFFFFB80  }
0xbd: {  	v2 =	vld [tilespmem:$0x80]  }
0xbe: {  	v3 =	vld [tilespmem:$0x90]  }
0xbf: {  	v4 =	vld [tilespmem:$0xA0]  }
0xc0: {  	v5 =	vld [tilespmem:$0xB0]  }
0xc1: {  	v6 =	vld [tilespmem:$0xC0]  }
0xc2: {  	v7 =	vld [tilespmem:$0xD0];
	v2 =	vadd.s32 $0x80, v2  }
0xc3: {  	[tilespmem:$0x80] =	vst v2;
	v2 =	vadd.s32 $0x80, v3;
	v3 =	vld [tilespmem:$0xE0]  }
0xc4: {  	v18 =	vld [tilespmem:$0xF0];
	[tilespmem:$0x90] =	vst v2;
	v2 =	vadd.s32 $0x80, v4  }
0xc5: {  	v19 =	vld [tilespmem:$0x100];
	[tilespmem:$0xA0] =	vst v2;
	v2 =	vadd.s32 $0x80, v5  }
0xc6: {  	v20 =	vld [tilespmem:$0x110];
	[tilespmem:$0xB0] =	vst v2;
	v2 =	vadd.s32 $0x80, v6  }
0xc7: {  	v21 =	vld [tilespmem:$0x120];
	[tilespmem:$0xC0] =	vst v2;
	v2 =	vadd.s32 $0x80, v7  }
0xc8: {  	[tilespmem:$0xD0] =	vst v2;
	v2 =	vadd.s32 $0x80, v3;
	v3 =	vld [tilespmem:$0x130]  }
0xc9: {  	v22 =	vld [tilespmem:$0x140];
	[tilespmem:$0xE0] =	vst v2;
	v2 =	vadd.s32 $0x80, v18  }
0xca: {  	v23 =	vld [tilespmem:$0x150];
	[tilespmem:$0xF0] =	vst v2;
	v2 =	vadd.s32 $0x100, v19  }
0xcb: {  	v24 =	vld [tilespmem:$0x160];
	[tilespmem:$0x100] =	vst v2;
	v2 =	vadd.s32 $0x100, v20  }
0xcc: {  	v25 =	vld [tilespmem:$0x170];
	[tilespmem:$0x110] =	vst v2;
	v2 =	vadd.s32 $0x100, v21  }
0xcd: {  	[tilespmem:$0x120] =	vst v2;
	v2 =	vadd.s32 $0x100, v3;
	v3 =	vld [tilespmem:$0x180]  }
0xce: {  	v26 =	vld [tilespmem:$0x190];
	[tilespmem:$0x130] =	vst v2;
	v2 =	vadd.s32 $0x100, v22  }
0xcf: {  	v27 =	vld [tilespmem:$0x1A0];
	[tilespmem:$0x140] =	vst v2;
	v2 =	vadd.s32 $0x100, v23  }
0xd0: {  	v28 =	vld [tilespmem:$0x1B0];
	[tilespmem:$0x150] =	vst v2;
	v2 =	vadd.s32 $0x100, v24  }
0xd1: {  	v29 =	vld [tilespmem:$0x1C0];
	[tilespmem:$0x160] =	vst v2;
	v2 =	vadd.s32 $0x100, v25  }
0xd2: {  	[tilespmem:$0x170] =	vst v2;
	v2 =	vadd.s32 $0x180, v3;
	v3 =	vld [tilespmem:$0x1D0]  }
0xd3: {  	v30 =	vld [tilespmem:$0x1E0];
	[tilespmem:$0x180] =	vst v2;
	v2 =	vadd.s32 $0x180, v26  }
0xd4: {  	v31 =	vld [tilespmem:$0x1F0];
	[tilespmem:$0x190] =	vst v2;
	v2 =	vadd.s32 $0x180, v27  }
0xd5: {  	v32 =	vld [tilespmem:$0x200];
	[tilespmem:$0x1A0] =	vst v2;
	v2 =	vadd.s32 $0x180, v28  }
0xd6: {  	v33 =	vld [tilespmem:$0x210];
	[tilespmem:$0x1B0] =	vst v2;
	v2 =	vadd.s32 $0x180, v29  }
0xd7: {  	[tilespmem:$0x1C0] =	vst v2;
	v2 =	vadd.s32 $0x180, v3;
	v3 =	vld [tilespmem:$0x220]  }
0xd8: {  	v34 =	vld [tilespmem:$0x230];
	[tilespmem:$0x1D0] =	vst v2;
	v2 =	vadd.s32 $0x180, v30  }
0xd9: {  	v35 =	vld [tilespmem:$0x240];
	[tilespmem:$0x1E0] =	vst v2;
	v2 =	vadd.s32 $0x180, v31  }
0xda: {  	v36 =	vld [tilespmem:$0x250];
	[tilespmem:$0x1F0] =	vst v2;
	v2 =	vadd.s32 $0x200, v32  }
0xdb: {  	v37 =	vld [tilespmem:$0x260];
	[tilespmem:$0x200] =	vst v2;
	v2 =	vadd.s32 $0x200, v33  }
0xdc: {  	[tilespmem:$0x210] =	vst v2;
	v2 =	vadd.s32 $0x200, v3;
	v3 =	vld [tilespmem:$0x270]  }
0xdd: {  	v38 =	vld [tilespmem:$0x280];
	[tilespmem:$0x220] =	vst v2;
	v2 =	vadd.s32 $0x200, v34  }
0xde: {  	v39 =	vld [tilespmem:$0x290];
	[tilespmem:$0x230] =	vst v2;
	v2 =	vadd.s32 $0x200, v35  }
0xdf: {  	v40 =	vld [tilespmem:$0x2A0];
	[tilespmem:$0x240] =	vst v2;
	v2 =	vadd.s32 $0x200, v36  }
0xe0: {  	v41 =	vld [tilespmem:$0x2B0];
	[tilespmem:$0x250] =	vst v2;
	v2 =	vadd.s32 $0x200, v37  }
0xe1: {  	[tilespmem:$0x260] =	vst v2;
	v2 =	vadd.s32 $0x200, v3;
	v3 =	vld [tilespmem:$0x2C0]  }
0xe2: {  	v42 =	vld [tilespmem:$0x2D0];
	[tilespmem:$0x270] =	vst v2;
	v2 =	vadd.s32 $0x280, v38  }
0xe3: {  	v43 =	vld [tilespmem:$0x2E0];
	[tilespmem:$0x280] =	vst v2;
	v2 =	vadd.s32 $0x280, v39  }
0xe4: {  	v44 =	vld [tilespmem:$0x2F0];
	[tilespmem:$0x290] =	vst v2;
	v2 =	vadd.s32 $0x280, v40  }
0xe5: {  	v45 =	vld [tilespmem:$0x300];
	[tilespmem:$0x2A0] =	vst v2;
	v2 =	vadd.s32 $0x280, v41  }
0xe6: {  	[tilespmem:$0x2B0] =	vst v2;
	v2 =	vadd.s32 $0x280, v3;
	v3 =	vld [tilespmem:$0x310]  }
0xe7: {  	v46 =	vld [tilespmem:$0x320];
	[tilespmem:$0x2C0] =	vst v2;
	v2 =	vadd.s32 $0x280, v42  }
0xe8: {  	v47 =	vld [tilespmem:$0x330];
	[tilespmem:$0x2D0] =	vst v2;
	v2 =	vadd.s32 $0x280, v43  }
0xe9: {  	v48 =	vld [tilespmem:$0x340];
	[tilespmem:$0x2E0] =	vst v2;
	v2 =	vadd.s32 $0x280, v44  }
0xea: {  	v49 =	vld [tilespmem:$0x350];
	[tilespmem:$0x2F0] =	vst v2;
	v2 =	vadd.s32 $0x300, v45  }
0xeb: {  	[tilespmem:$0x300] =	vst v2;
	v2 =	vadd.s32 $0x300, v3;
	v3 =	vld [tilespmem:$0x360]  }
0xec: {  	v50 =	vld [tilespmem:$0x370];
	[tilespmem:$0x310] =	vst v2;
	v2 =	vadd.s32 $0x300, v46  }
0xed: {  	v51 =	vld [tilespmem:$0x380];
	[tilespmem:$0x320] =	vst v2;
	v2 =	vadd.s32 $0x300, v47  }
0xee: {  	v52 =	vld [tilespmem:$0x390];
	[tilespmem:$0x330] =	vst v2;
	v2 =	vadd.s32 $0x300, v48  }
0xef: {  	v53 =	vld [tilespmem:$0x3A0];
	[tilespmem:$0x340] =	vst v2;
	v2 =	vadd.s32 $0x300, v49  }
0xf0: {  	[tilespmem:$0x350] =	vst v2;
	v2 =	vadd.s32 $0x300, v3;
	v3 =	vld [tilespmem:$0x3B0]  }
0xf1: {  	v54 =	vld [tilespmem:$0x3C0];
	[tilespmem:$0x360] =	vst v2;
	v2 =	vadd.s32 $0x300, v50  }
0xf2: {  	v55 =	vld [tilespmem:$0x3D0];
	[tilespmem:$0x370] =	vst v2;
	v2 =	vadd.s32 $0x380, v51  }
0xf3: {  	v56 =	vld [tilespmem:$0x3E0];
	[tilespmem:$0x380] =	vst v2;
	v2 =	vadd.s32 $0x380, v52  }
0xf4: {  	v57 =	vld [tilespmem:$0x3F0];
	[tilespmem:$0x390] =	vst v2;
	v2 =	vadd.s32 $0x380, v53  }
0xf5: {  	[tilespmem:$0x3A0] =	vst v2;
	v2 =	vadd.s32 $0x380, v3;
	v3 =	vld [tilespmem:$0x400]  }
0xf6: {  	v58 =	vld [tilespmem:$0x410];
	[tilespmem:$0x3B0] =	vst v2;
	v2 =	vadd.s32 $0x380, v54  }
0xf7: {  	v59 =	vld [tilespmem:$0x420];
	[tilespmem:$0x3C0] =	vst v2;
	v2 =	vadd.s32 $0x380, v55  }
0xf8: {  	v60 =	vld [tilespmem:$0x430];
	[tilespmem:$0x3D0] =	vst v2;
	v2 =	vadd.s32 $0x380, v56  }
0xf9: {  	v61 =	vld [tilespmem:$0x440];
	[tilespmem:$0x3E0] =	vst v2;
	v2 =	vadd.s32 $0x380, v57  }
0xfa: {  	[tilespmem:$0x3F0] =	vst v2;
	v2 =	vadd.s32 $0x400, v3;
	v3 =	vld [tilespmem:$0x450]  }
0xfb: {  	v62 =	vld [tilespmem:$0x460];
	[tilespmem:$0x400] =	vst v2;
	v2 =	vadd.s32 $0x400, v58  }
0xfc: {  	v63 =	vld [tilespmem:$0x470];
	[tilespmem:$0x410] =	vst v2;
	v2 =	vadd.s32 $0x400, v59  }
0xfd: {  	[tilespmem:$0x420] =	vst v2;
	v2 =	vadd.s32 $0x400, v60  }
0xfe: {  	[tilespmem:$0x430] =	vst v2;
	v2 =	vadd.s32 $0x400, v61  }
0xff: {  	[tilespmem:$0x440] =	vst v2;
	v2 =	vadd.s32 $0x400, v3  }
0x100: {  	[tilespmem:$0x450] =	vst v2;
	v2 =	vadd.s32 $0x400, v62  }
0x101: {  	[tilespmem:$0x460] =	vst v2;
	v2 =	vadd.s32 $0x400, v63  }
0x102: {  	s6 =	simm.s32 $0x0;
	s7 =	simm.s32 $0x200;
	[tilespmem:$0x470] =	vst v2  }
.LBB2_2:
0x103: {  	p1 =	sne.s32 s7, $0xFE00;
	[tilespmem:s6+$0x1070] =	vst v1  }
0x104: {  	[tilespmem:s6+$0x1000] =	vst v1  }
0x105: {  	[tilespmem:s6+$0x1010] =	vst v1  }
.Ltmp2:
0x106: {  	[tilespmem:s6+$0x1020] =	vst v1;
	(pc) =	sbr.rel @p1 .LBB2_2-.Ltmp2, $4  }
0x107: {  	[tilespmem:s6+$0x1030] =	vst v1  }
0x108: {  	[tilespmem:s6+$0x1040] =	vst v1  }
0x109: {  	[tilespmem:s6+$0x1050] =	vst v1  }
0x10a: {  	[tilespmem:s6+$0x1060] =	vst v1;
	s6 =	sshra.s32 s7, $0x2;
	s7 =	sadd.s32 $0x200, s7  }
0x10b: {  	[tilespmem:s6+$0x1070] =	vst v1  }
0x10c: {  	[tilespmem:s6+$0x1000] =	vst v1  }
0x10d: {  	[tilespmem:s6+$0x1010] =	vst v1  }
0x10e: {  	[tilespmem:s6+$0x1020] =	vst v1  }
0x10f: {  	[tilespmem:s6+$0x1030] =	vst v1  }
0x110: {  	[tilespmem:s6+$0x1040] =	vst v1  }
0x111: {  	[tilespmem:s6+$0x1050] =	vst v1  }
0x112: {  	[tilespmem:s6+$0x1060] =	vst v1;
	s6 =	simm.s32 $0x0  }
0x113: {  	[tilespmem:s24], [sflag:$0x1] =	stream.indirect.gather.add.f32 [spmem:s1], $0x80, s6, s23, $0xb8;
	[tilespmem:$0xE180] =	vst v63  }
0x114: {  	_ = 	snop  }
0x115: {  	[tilespmem:s24], [sflag:$0x1] =	stream.indirect.gather.add.f32 [spmem:s1], $0x80, s23, s23, $0xb8;
	[tilespmem:$0xE180] =	vst v63  }
0x116: {  	s7 =	simm.s32 $0x100  }
0x117: {  	[tilespmem:s24], [sflag:$0x1] =	stream.indirect.gather.add.f32 [spmem:s1], $0x80, s7, s23, $0xb8;
	[tilespmem:$0xE180] =	vst v63  }
0x118: {  	s10 =	simm.s32 $0x180  }
0x119: {  	[tilespmem:s24], [sflag:$0x1] =	stream.indirect.gather.add.f32 [spmem:s1], $0x80, s10, s23, $0xb8;
	[tilespmem:$0xE180] =	vst v63  }
0x11a: {  	s11 =	simm.s32 $0x200  }
0x11b: {  	[tilespmem:s24], [sflag:$0x1] =	stream.indirect.gather.add.f32 [spmem:s1], $0x80, s11, s23, $0xb8;
	[tilespmem:$0xE180] =	vst v63  }
0x11c: {  	s31 =	simm.s32 $0x280  }
0x11d: {  	[tilespmem:s24], [sflag:$0x1] =	stream.indirect.gather.add.f32 [spmem:s1], $0x80, s31, s23, $0xb8;
	[tilespmem:$0xE180] =	vst v63  }
0x11e: {  	s10 =	simm.s32 $0x300  }
0x11f: {  	[tilespmem:s24], [sflag:$0x1] =	stream.indirect.gather.add.f32 [spmem:s1], $0x80, s10, s23, $0xb8;
	[tilespmem:$0xE180] =	vst v63  }
0x120: {  	s11 =	simm.s32 $0x380  }
0x121: {  	[tilespmem:s24], [sflag:$0x1] =	stream.indirect.gather.add.f32 [spmem:s1], $0x80, s11, s23, $0xb8;
	[tilespmem:$0xE180] =	vst v63  }
0x122: {  	_ = 	snop  }
0x123: {  	[tilespmem:s24], [sflag:$0x1] =	stream.indirect.gather.add.f32 [spmem:s1], $0x80, s22, s23, $0xb8;
	[tilespmem:$0xE180] =	vst v63  }
0x124: {  	_ = 	snop  }
0x125: {  	[tilespmem:s0], [sflag:$0x5] =	stream.linear.gather [hbm4b:s9+s6], $0x400, $0x38;
	[tilespmem:$0xE180] =	vst v63  }
0x126: {  	s31 =	sadd.s32 $0x2800, s9  }
0x127: {  	[tilespmem:s4], [sflag:$0x5] =	stream.linear.gather [hbm4b:s31+s6], $0x80, $0x38;
	[tilespmem:$0xE180] =	vst v63  }
0x128: {  	_ =	swait.ge [sflag:s17], $0x480  }
0x129: {  	[sflag:s17] =	ssyncset.done $0x0  }
0x12a: {  	[sflag:s17] =	ssyncadd.s32 $0xFFFFFB80  }
0x12b: {  	v2 =	vld [tilespmem:$0x880]  }
0x12c: {  	v3 =	vld [tilespmem:$0x890]  }
0x12d: {  	v4 =	vld [tilespmem:$0x8A0]  }
0x12e: {  	v5 =	vld [tilespmem:$0x8B0]  }
0x12f: {  	v6 =	vld [tilespmem:$0x8C0]  }
0x130: {  	v7 =	vld [tilespmem:$0x8D0];
	v2 =	vadd.s32 $0x80, v2  }
0x131: {  	[tilespmem:$0x880] =	vst v2;
	v2 =	vadd.s32 $0x80, v3;
	v3 =	vld [tilespmem:$0x8E0]  }
0x132: {  	v18 =	vld [tilespmem:$0x8F0];
	[tilespmem:$0x890] =	vst v2;
	v2 =	vadd.s32 $0x80, v4  }
0x133: {  	v19 =	vld [tilespmem:$0x900];
	[tilespmem:$0x8A0] =	vst v2;
	v2 =	vadd.s32 $0x80, v5  }
0x134: {  	v20 =	vld [tilespmem:$0x910];
	[tilespmem:$0x8B0] =	vst v2;
	v2 =	vadd.s32 $0x80, v6  }
0x135: {  	v21 =	vld [tilespmem:$0x920];
	[tilespmem:$0x8C0] =	vst v2;
	v2 =	vadd.s32 $0x80, v7  }
0x136: {  	[tilespmem:$0x8D0] =	vst v2;
	v2 =	vadd.s32 $0x80, v3;
	v3 =	vld [tilespmem:$0x930]  }
0x137: {  	v22 =	vld [tilespmem:$0x940];
	[tilespmem:$0x8E0] =	vst v2;
	v2 =	vadd.s32 $0x80, v18  }
0x138: {  	v23 =	vld [tilespmem:$0x950];
	[tilespmem:$0x8F0] =	vst v2;
	v2 =	vadd.s32 $0x100, v19  }
0x139: {  	v24 =	vld [tilespmem:$0x960];
	[tilespmem:$0x900] =	vst v2;
	v2 =	vadd.s32 $0x100, v20  }
0x13a: {  	v25 =	vld [tilespmem:$0x970];
	[tilespmem:$0x910] =	vst v2;
	v2 =	vadd.s32 $0x100, v21  }
0x13b: {  	[tilespmem:$0x920] =	vst v2;
	v2 =	vadd.s32 $0x100, v3;
	v3 =	vld [tilespmem:$0x980]  }
0x13c: {  	v26 =	vld [tilespmem:$0x990];
	[tilespmem:$0x930] =	vst v2;
	v2 =	vadd.s32 $0x100, v22  }
0x13d: {  	v27 =	vld [tilespmem:$0x9A0];
	[tilespmem:$0x940] =	vst v2;
	v2 =	vadd.s32 $0x100, v23  }
0x13e: {  	v28 =	vld [tilespmem:$0x9B0];
	[tilespmem:$0x950] =	vst v2;
	v2 =	vadd.s32 $0x100, v24  }
0x13f: {  	v29 =	vld [tilespmem:$0x9C0];
	[tilespmem:$0x960] =	vst v2;
	v2 =	vadd.s32 $0x100, v25  }
0x140: {  	[tilespmem:$0x970] =	vst v2;
	v2 =	vadd.s32 $0x180, v3;
	v3 =	vld [tilespmem:$0x9D0]  }
0x141: {  	v30 =	vld [tilespmem:$0x9E0];
	[tilespmem:$0x980] =	vst v2;
	v2 =	vadd.s32 $0x180, v26  }
0x142: {  	v31 =	vld [tilespmem:$0x9F0];
	[tilespmem:$0x990] =	vst v2;
	v2 =	vadd.s32 $0x180, v27  }
0x143: {  	v32 =	vld [tilespmem:$0xA00];
	[tilespmem:$0x9A0] =	vst v2;
	v2 =	vadd.s32 $0x180, v28  }
0x144: {  	v33 =	vld [tilespmem:$0xA10];
	[tilespmem:$0x9B0] =	vst v2;
	v2 =	vadd.s32 $0x180, v29  }
0x145: {  	[tilespmem:$0x9C0] =	vst v2;
	v2 =	vadd.s32 $0x180, v3;
	v3 =	vld [tilespmem:$0xA20]  }
0x146: {  	v34 =	vld [tilespmem:$0xA30];
	[tilespmem:$0x9D0] =	vst v2;
	v2 =	vadd.s32 $0x180, v30  }
0x147: {  	v35 =	vld [tilespmem:$0xA40];
	[tilespmem:$0x9E0] =	vst v2;
	v2 =	vadd.s32 $0x180, v31  }
0x148: {  	v36 =	vld [tilespmem:$0xA50];
	[tilespmem:$0x9F0] =	vst v2;
	v2 =	vadd.s32 $0x200, v32  }
0x149: {  	v37 =	vld [tilespmem:$0xA60];
	[tilespmem:$0xA00] =	vst v2;
	v2 =	vadd.s32 $0x200, v33  }
0x14a: {  	[tilespmem:$0xA10] =	vst v2;
	v2 =	vadd.s32 $0x200, v3;
	v3 =	vld [tilespmem:$0xA70]  }
0x14b: {  	v38 =	vld [tilespmem:$0xA80];
	[tilespmem:$0xA20] =	vst v2;
	v2 =	vadd.s32 $0x200, v34  }
0x14c: {  	v39 =	vld [tilespmem:$0xA90];
	[tilespmem:$0xA30] =	vst v2;
	v2 =	vadd.s32 $0x200, v35  }
0x14d: {  	v40 =	vld [tilespmem:$0xAA0];
	[tilespmem:$0xA40] =	vst v2;
	v2 =	vadd.s32 $0x200, v36  }
0x14e: {  	v41 =	vld [tilespmem:$0xAB0];
	[tilespmem:$0xA50] =	vst v2;
	v2 =	vadd.s32 $0x200, v37  }
0x14f: {  	[tilespmem:$0xA60] =	vst v2;
	v2 =	vadd.s32 $0x200, v3;
	v3 =	vld [tilespmem:$0xAC0]  }
0x150: {  	v42 =	vld [tilespmem:$0xAD0];
	[tilespmem:$0xA70] =	vst v2;
	v2 =	vadd.s32 $0x280, v38  }
0x151: {  	v43 =	vld [tilespmem:$0xAE0];
	[tilespmem:$0xA80] =	vst v2;
	v2 =	vadd.s32 $0x280, v39  }
0x152: {  	v44 =	vld [tilespmem:$0xAF0];
	[tilespmem:$0xA90] =	vst v2;
	v2 =	vadd.s32 $0x280, v40  }
0x153: {  	v45 =	vld [tilespmem:$0xB00];
	[tilespmem:$0xAA0] =	vst v2;
	v2 =	vadd.s32 $0x280, v41  }
0x154: {  	[tilespmem:$0xAB0] =	vst v2;
	v2 =	vadd.s32 $0x280, v3;
	v3 =	vld [tilespmem:$0xB10]  }
0x155: {  	v46 =	vld [tilespmem:$0xB20];
	[tilespmem:$0xAC0] =	vst v2;
	v2 =	vadd.s32 $0x280, v42  }
0x156: {  	v47 =	vld [tilespmem:$0xB30];
	[tilespmem:$0xAD0] =	vst v2;
	v2 =	vadd.s32 $0x280, v43  }
0x157: {  	v48 =	vld [tilespmem:$0xB40];
	[tilespmem:$0xAE0] =	vst v2;
	v2 =	vadd.s32 $0x280, v44  }
0x158: {  	v49 =	vld [tilespmem:$0xB50];
	[tilespmem:$0xAF0] =	vst v2;
	v2 =	vadd.s32 $0x300, v45  }
0x159: {  	[tilespmem:$0xB00] =	vst v2;
	v2 =	vadd.s32 $0x300, v3;
	v3 =	vld [tilespmem:$0xB60]  }
0x15a: {  	v50 =	vld [tilespmem:$0xB70];
	[tilespmem:$0xB10] =	vst v2;
	v2 =	vadd.s32 $0x300, v46  }
0x15b: {  	v51 =	vld [tilespmem:$0xB80];
	[tilespmem:$0xB20] =	vst v2;
	v2 =	vadd.s32 $0x300, v47  }
0x15c: {  	v52 =	vld [tilespmem:$0xB90];
	[tilespmem:$0xB30] =	vst v2;
	v2 =	vadd.s32 $0x300, v48  }
0x15d: {  	v53 =	vld [tilespmem:$0xBA0];
	[tilespmem:$0xB40] =	vst v2;
	v2 =	vadd.s32 $0x300, v49  }
0x15e: {  	[tilespmem:$0xB50] =	vst v2;
	v2 =	vadd.s32 $0x300, v3;
	v3 =	vld [tilespmem:$0xBB0]  }
0x15f: {  	v54 =	vld [tilespmem:$0xBC0];
	[tilespmem:$0xB60] =	vst v2;
	v2 =	vadd.s32 $0x300, v50  }
0x160: {  	v55 =	vld [tilespmem:$0xBD0];
	[tilespmem:$0xB70] =	vst v2;
	v2 =	vadd.s32 $0x380, v51  }
0x161: {  	v56 =	vld [tilespmem:$0xBE0];
	[tilespmem:$0xB80] =	vst v2;
	v2 =	vadd.s32 $0x380, v52  }
0x162: {  	v57 =	vld [tilespmem:$0xBF0];
	[tilespmem:$0xB90] =	vst v2;
	v2 =	vadd.s32 $0x380, v53  }
0x163: {  	[tilespmem:$0xBA0] =	vst v2;
	v2 =	vadd.s32 $0x380, v3;
	v3 =	vld [tilespmem:$0xC00]  }
0x164: {  	v58 =	vld [tilespmem:$0xC10];
	[tilespmem:$0xBB0] =	vst v2;
	v2 =	vadd.s32 $0x380, v54  }
0x165: {  	v59 =	vld [tilespmem:$0xC20];
	[tilespmem:$0xBC0] =	vst v2;
	v2 =	vadd.s32 $0x380, v55  }
0x166: {  	v60 =	vld [tilespmem:$0xC30];
	[tilespmem:$0xBD0] =	vst v2;
	v2 =	vadd.s32 $0x380, v56  }
0x167: {  	v61 =	vld [tilespmem:$0xC40];
	[tilespmem:$0xBE0] =	vst v2;
	v2 =	vadd.s32 $0x380, v57  }
0x168: {  	[tilespmem:$0xBF0] =	vst v2;
	v2 =	vadd.s32 $0x400, v3;
	v3 =	vld [tilespmem:$0xC50]  }
0x169: {  	v62 =	vld [tilespmem:$0xC60];
	[tilespmem:$0xC00] =	vst v2;
	v2 =	vadd.s32 $0x400, v58  }
0x16a: {  	v63 =	vld [tilespmem:$0xC70];
	[tilespmem:$0xC10] =	vst v2;
	v2 =	vadd.s32 $0x400, v59  }
0x16b: {  	[tilespmem:$0xC20] =	vst v2;
	v2 =	vadd.s32 $0x400, v60  }
0x16c: {  	[tilespmem:$0xC30] =	vst v2;
	v2 =	vadd.s32 $0x400, v61  }
0x16d: {  	[tilespmem:$0xC40] =	vst v2;
	v2 =	vadd.s32 $0x400, v3  }
0x16e: {  	[tilespmem:$0xC50] =	vst v2;
	v2 =	vadd.s32 $0x400, v62  }
0x16f: {  	[tilespmem:$0xC60] =	vst v2;
	v2 =	vadd.s32 $0x400, v63  }
0x170: {  	s7 =	simm.s32 $0x200;
	s6 =	simm.s32 $0x0;
	[tilespmem:$0xC70] =	vst v2  }
.LBB2_4:
0x171: {  	p1 =	sne.s32 s7, $0xFE00;
	[tilespmem:s6+$0x5070] =	vst v1  }
0x172: {  	[tilespmem:s6+$0x5000] =	vst v1  }
0x173: {  	[tilespmem:s6+$0x5010] =	vst v1  }
.Ltmp3:
0x174: {  	[tilespmem:s6+$0x5020] =	vst v1;
	(pc) =	sbr.rel @p1 .LBB2_4-.Ltmp3, $4  }
0x175: {  	[tilespmem:s6+$0x5030] =	vst v1  }
0x176: {  	[tilespmem:s6+$0x5040] =	vst v1  }
0x177: {  	[tilespmem:s6+$0x5050] =	vst v1  }
0x178: {  	[tilespmem:s6+$0x5060] =	vst v1;
	s6 =	sshra.s32 s7, $0x2;
	s7 =	sadd.s32 $0x200, s7  }
0x179: {  	[tilespmem:s6+$0x5070] =	vst v1  }
0x17a: {  	[tilespmem:s6+$0x5000] =	vst v1  }
0x17b: {  	[tilespmem:s6+$0x5010] =	vst v1  }
0x17c: {  	[tilespmem:s6+$0x5020] =	vst v1  }
0x17d: {  	[tilespmem:s6+$0x5030] =	vst v1  }
0x17e: {  	[tilespmem:s6+$0x5040] =	vst v1  }
0x17f: {  	[tilespmem:s6+$0x5050] =	vst v1  }
0x180: {  	[tilespmem:s6+$0x5060] =	vst v1  }
0x181: {  	[tilespmem:s16], [sflag:$0x2] =	stream.indirect.gather.add.f32 [spmem:s1], $0x80, s0, s23, $0xb8;
	[tilespmem:$0xE180] =	vst v63  }
0x182: {  	s10 =	simm.s32 $0x880  }
0x183: {  	[tilespmem:s16], [sflag:$0x2] =	stream.indirect.gather.add.f32 [spmem:s1], $0x80, s10, s23, $0xb8;
	[tilespmem:$0xE180] =	vst v63  }
0x184: {  	s11 =	simm.s32 $0x900  }
0x185: {  	[tilespmem:s16], [sflag:$0x2] =	stream.indirect.gather.add.f32 [spmem:s1], $0x80, s11, s23, $0xb8;
	[tilespmem:$0xE180] =	vst v63  }
0x186: {  	s7 =	simm.s32 $0x980  }
0x187: {  	[tilespmem:s16], [sflag:$0x2] =	stream.indirect.gather.add.f32 [spmem:s1], $0x80, s7, s23, $0xb8;
	[tilespmem:$0xE180] =	vst v63  }
0x188: {  	s10 =	simm.s32 $0xA00  }
0x189: {  	[tilespmem:s16], [sflag:$0x2] =	stream.indirect.gather.add.f32 [spmem:s1], $0x80, s10, s23, $0xb8;
	[tilespmem:$0xE180] =	vst v63  }
0x18a: {  	s11 =	simm.s32 $0xA80  }
0x18b: {  	[tilespmem:s16], [sflag:$0x2] =	stream.indirect.gather.add.f32 [spmem:s1], $0x80, s11, s23, $0xb8;
	[tilespmem:$0xE180] =	vst v63  }
0x18c: {  	s7 =	simm.s32 $0xB00  }
0x18d: {  	[tilespmem:s16], [sflag:$0x2] =	stream.indirect.gather.add.f32 [spmem:s1], $0x80, s7, s23, $0xb8;
	[tilespmem:$0xE180] =	vst v63  }
0x18e: {  	s10 =	simm.s32 $0xB80  }
0x18f: {  	[tilespmem:s16], [sflag:$0x2] =	stream.indirect.gather.add.f32 [spmem:s1], $0x80, s10, s23, $0xb8;
	[tilespmem:$0xE180] =	vst v63  }
0x190: {  	_ = 	snop  }
0x191: {  	[tilespmem:s16], [sflag:$0x2] =	stream.indirect.gather.add.f32 [spmem:s1], $0x80, s4, s23, $0xb8;
	[tilespmem:$0xE180] =	vst v63  }
0x192: {  	s11 =	simm.s32 $0x9000  }
0x193: {  	[spmem:s2] =	stream.indirect.scatter.add.f32 [tilespmem:s20], [sflag:$0x4], $0x1, s11, s23, $0xb8;
	[tilespmem:$0xE180] =	vst v63  }
0x194: {  	s7 =	simm.s32 $0x9080  }
0x195: {  	[spmem:s2] =	stream.indirect.scatter.add.f32 [tilespmem:s20], [sflag:$0x4], $0x1, s7, s23, $0xb8;
	[tilespmem:$0xE180] =	vst v63  }
0x196: {  	s10 =	simm.s32 $0x9100  }
0x197: {  	[spmem:s2] =	stream.indirect.scatter.add.f32 [tilespmem:s20], [sflag:$0x4], $0x1, s10, s23, $0xb8;
	[tilespmem:$0xE180] =	vst v63  }
0x198: {  	s11 =	simm.s32 $0x9180  }
0x199: {  	[spmem:s2] =	stream.indirect.scatter.add.f32 [tilespmem:s20], [sflag:$0x4], $0x1, s11, s23, $0xb8;
	[tilespmem:$0xE180] =	vst v63  }
0x19a: {  	s7 =	simm.s32 $0x9200  }
0x19b: {  	[spmem:s2] =	stream.indirect.scatter.add.f32 [tilespmem:s20], [sflag:$0x4], $0x1, s7, s23, $0xb8;
	[tilespmem:$0xE180] =	vst v63  }
0x19c: {  	s10 =	simm.s32 $0x9280  }
0x19d: {  	[spmem:s2] =	stream.indirect.scatter.add.f32 [tilespmem:s20], [sflag:$0x4], $0x1, s10, s23, $0xb8;
	[tilespmem:$0xE180] =	vst v63  }
0x19e: {  	s11 =	simm.s32 $0x9300  }
0x19f: {  	[spmem:s2] =	stream.indirect.scatter.add.f32 [tilespmem:s20], [sflag:$0x4], $0x1, s11, s23, $0xb8;
	[tilespmem:$0xE180] =	vst v63  }
0x1a0: {  	s7 =	simm.s32 $0x9380  }
0x1a1: {  	[spmem:s2] =	stream.indirect.scatter.add.f32 [tilespmem:s20], [sflag:$0x4], $0x1, s7, s23, $0xb8;
	[tilespmem:$0xE180] =	vst v63  }
0x1a2: {  	s10 =	simm.s32 $0x9400  }
0x1a3: {  	[spmem:s2] =	stream.indirect.scatter.add.f32 [tilespmem:s20], [sflag:$0x4], $0x1, s10, s23, $0xb8;
	[tilespmem:$0xE180] =	vst v63  }
0x1a4: {  	s11 =	simm.s32 $0x9480  }
0x1a5: {  	[spmem:s2] =	stream.indirect.scatter.add.f32 [tilespmem:s20], [sflag:$0x4], $0x1, s11, s23, $0xb8;
	[tilespmem:$0xE180] =	vst v63  }
0x1a6: {  	s7 =	simm.s32 $0x9500  }
0x1a7: {  	[spmem:s2] =	stream.indirect.scatter.add.f32 [tilespmem:s20], [sflag:$0x4], $0x1, s7, s23, $0xb8;
	[tilespmem:$0xE180] =	vst v63  }
0x1a8: {  	s10 =	simm.s32 $0x9580  }
0x1a9: {  	[spmem:s2] =	stream.indirect.scatter.add.f32 [tilespmem:s20], [sflag:$0x4], $0x1, s10, s23, $0xb8;
	[tilespmem:$0xE180] =	vst v63  }
0x1aa: {  	s11 =	simm.s32 $0x9600  }
0x1ab: {  	[spmem:s2] =	stream.indirect.scatter.add.f32 [tilespmem:s20], [sflag:$0x4], $0x1, s11, s23, $0xb8;
	[tilespmem:$0xE180] =	vst v63  }
0x1ac: {  	s7 =	simm.s32 $0x9680  }
0x1ad: {  	[spmem:s2] =	stream.indirect.scatter.add.f32 [tilespmem:s20], [sflag:$0x4], $0x1, s7, s23, $0xb8;
	[tilespmem:$0xE180] =	vst v63  }
0x1ae: {  	s10 =	simm.s32 $0x9700  }
0x1af: {  	[spmem:s2] =	stream.indirect.scatter.add.f32 [tilespmem:s20], [sflag:$0x4], $0x1, s10, s23, $0xb8;
	[tilespmem:$0xE180] =	vst v63  }
0x1b0: {  	s11 =	simm.s32 $0x9780  }
0x1b1: {  	[spmem:s2] =	stream.indirect.scatter.add.f32 [tilespmem:s20], [sflag:$0x4], $0x1, s11, s23, $0xb8;
	[tilespmem:$0xE180] =	vst v63  }
0x1b2: {  	_ =	swait.ge [sflag:s25], $0x80  }
0x1b3: {  	[sflag:s25] =	ssyncset.done $0x0  }
0x1b4: {  	[sflag:s25] =	ssyncadd.s32 $0xFFFFFF80  }
0x1b5: {  	_ =	swait.ge [sflag:s25], $0x80  }
0x1b6: {  	[sflag:s25] =	ssyncset.done $0x0  }
0x1b7: {  	[sflag:s25] =	ssyncadd.s32 $0xFFFFFF80  }
0x1b8: {  	_ =	swait.ge [sflag:s25], $0x80  }
0x1b9: {  	[sflag:s25] =	ssyncset.done $0x0  }
0x1ba: {  	[sflag:s25] =	ssyncadd.s32 $0xFFFFFF80  }
0x1bb: {  	_ =	swait.ge [sflag:s25], $0x80  }
0x1bc: {  	[sflag:s25] =	ssyncset.done $0x0  }
0x1bd: {  	[sflag:s25] =	ssyncadd.s32 $0xFFFFFF80  }
0x1be: {  	_ =	swait.ge [sflag:s25], $0x80  }
0x1bf: {  	[sflag:s25] =	ssyncset.done $0x0  }
0x1c0: {  	[sflag:s25] =	ssyncadd.s32 $0xFFFFFF80  }
0x1c1: {  	_ =	swait.ge [sflag:s25], $0x80  }
0x1c2: {  	[sflag:s25] =	ssyncset.done $0x0  }
0x1c3: {  	[sflag:s25] =	ssyncadd.s32 $0xFFFFFF80  }
0x1c4: {  	_ =	swait.ge [sflag:s25], $0x80  }
0x1c5: {  	[sflag:s25] =	ssyncset.done $0x0  }
0x1c6: {  	[sflag:s25] =	ssyncadd.s32 $0xFFFFFF80  }
0x1c7: {  	_ =	swait.ge [sflag:s25], $0x80  }
0x1c8: {  	[sflag:s25] =	ssyncset.done $0x0  }
0x1c9: {  	[sflag:s25] =	ssyncadd.s32 $0xFFFFFF80  }
0x1ca: {  	_ =	swait.ge [sflag:s25], $0x80  }
0x1cb: {  	[sflag:s25] =	ssyncset.done $0x0  }
0x1cc: {  	[sflag:s25] =	ssyncadd.s32 $0xFFFFFF80  }
0x1cd: {  	_ =	swait.ge [sflag:s25], $0x80  }
0x1ce: {  	[sflag:s25] =	ssyncset.done $0x0  }
0x1cf: {  	[sflag:s25] =	ssyncadd.s32 $0xFFFFFF80  }
0x1d0: {  	_ =	swait.ge [sflag:s25], $0x80  }
0x1d1: {  	[sflag:s25] =	ssyncset.done $0x0  }
0x1d2: {  	[sflag:s25] =	ssyncadd.s32 $0xFFFFFF80  }
0x1d3: {  	_ =	swait.ge [sflag:s25], $0x80  }
0x1d4: {  	[sflag:s25] =	ssyncset.done $0x0  }
0x1d5: {  	[sflag:s25] =	ssyncadd.s32 $0xFFFFFF80  }
0x1d6: {  	_ =	swait.ge [sflag:s25], $0x80  }
0x1d7: {  	[sflag:s25] =	ssyncset.done $0x0  }
0x1d8: {  	[sflag:s25] =	ssyncadd.s32 $0xFFFFFF80  }
0x1d9: {  	_ =	swait.ge [sflag:s25], $0x80  }
0x1da: {  	[sflag:s25] =	ssyncset.done $0x0  }
0x1db: {  	[sflag:s25] =	ssyncadd.s32 $0xFFFFFF80  }
0x1dc: {  	_ =	swait.ge [sflag:s25], $0x80  }
0x1dd: {  	[sflag:s25] =	ssyncset.done $0x0  }
0x1de: {  	[sflag:s25] =	ssyncadd.s32 $0xFFFFFF80  }
0x1df: {  	_ =	swait.ge [sflag:s25], $0x80  }
0x1e0: {  	s31 =	simm.s32 $0x4000;
	s7 =	simm.s32 $0x800;
	[sflag:s25] =	ssyncset.done $0x0  }
.LBB2_6:
0x1e1: {  	s11 =	sadd.s32 $0x9000, s7  }
0x1e2: {  	[sflag:s25] =	ssyncadd.s32 $0xFFFFFF80;
	s6 =	smov.u32 s31;
	s10 =	sadd.s32 $0x2000, s31  }
0x1e3: {  	[spmem:s2] =	stream.indirect.scatter.add.f32 [tilespmem:s20], [sflag:$0x4], $0x1, s11, s23, $0xb8;
	[tilespmem:$0xE180] =	vst v63  }
0x1e4: {  	p1 =	sne.s32 s31, $0x8000;
	s11 =	sadd.s32 $0x9080, s7  }
0x1e5: {  	[spmem:s2] =	stream.indirect.scatter.add.f32 [tilespmem:s20], [sflag:$0x4], $0x1, s11, s23, $0xb8;
	[tilespmem:$0xE180] =	vst v63  }
0x1e6: {  	s11 =	sadd.s32 $0x9100, s7  }
0x1e7: {  	[spmem:s2] =	stream.indirect.scatter.add.f32 [tilespmem:s20], [sflag:$0x4], $0x1, s11, s23, $0xb8;
	[tilespmem:$0xE180] =	vst v63  }
0x1e8: {  	s11 =	sadd.s32 $0x9180, s7  }
0x1e9: {  	[spmem:s2] =	stream.indirect.scatter.add.f32 [tilespmem:s20], [sflag:$0x4], $0x1, s11, s23, $0xb8;
	[tilespmem:$0xE180] =	vst v63  }
0x1ea: {  	s11 =	sadd.s32 $0x9200, s7  }
0x1eb: {  	[spmem:s2] =	stream.indirect.scatter.add.f32 [tilespmem:s20], [sflag:$0x4], $0x1, s11, s23, $0xb8;
	[tilespmem:$0xE180] =	vst v63  }
0x1ec: {  	s11 =	sadd.s32 $0x9280, s7  }
0x1ed: {  	[spmem:s2] =	stream.indirect.scatter.add.f32 [tilespmem:s20], [sflag:$0x4], $0x1, s11, s23, $0xb8;
	[tilespmem:$0xE180] =	vst v63  }
0x1ee: {  	s11 =	sadd.s32 $0x9300, s7  }
0x1ef: {  	[spmem:s2] =	stream.indirect.scatter.add.f32 [tilespmem:s20], [sflag:$0x4], $0x1, s11, s23, $0xb8;
	[tilespmem:$0xE180] =	vst v63  }
0x1f0: {  	s11 =	sadd.s32 $0x9380, s7  }
0x1f1: {  	[spmem:s2] =	stream.indirect.scatter.add.f32 [tilespmem:s20], [sflag:$0x4], $0x1, s11, s23, $0xb8;
	[tilespmem:$0xE180] =	vst v63  }
0x1f2: {  	s11 =	sadd.s32 $0x9400, s7  }
0x1f3: {  	[spmem:s2] =	stream.indirect.scatter.add.f32 [tilespmem:s20], [sflag:$0x4], $0x1, s11, s23, $0xb8;
	[tilespmem:$0xE180] =	vst v63  }
0x1f4: {  	s11 =	sadd.s32 $0x9480, s7  }
0x1f5: {  	[spmem:s2] =	stream.indirect.scatter.add.f32 [tilespmem:s20], [sflag:$0x4], $0x1, s11, s23, $0xb8;
	[tilespmem:$0xE180] =	vst v63  }
0x1f6: {  	s11 =	sadd.s32 $0x9500, s7  }
0x1f7: {  	[spmem:s2] =	stream.indirect.scatter.add.f32 [tilespmem:s20], [sflag:$0x4], $0x1, s11, s23, $0xb8;
	[tilespmem:$0xE180] =	vst v63  }
0x1f8: {  	s11 =	sadd.s32 $0x9580, s7  }
0x1f9: {  	[spmem:s2] =	stream.indirect.scatter.add.f32 [tilespmem:s20], [sflag:$0x4], $0x1, s11, s23, $0xb8;
	[tilespmem:$0xE180] =	vst v63  }
0x1fa: {  	s11 =	sadd.s32 $0x9600, s7  }
0x1fb: {  	[spmem:s2] =	stream.indirect.scatter.add.f32 [tilespmem:s20], [sflag:$0x4], $0x1, s11, s23, $0xb8;
	[tilespmem:$0xE180] =	vst v63  }
0x1fc: {  	s11 =	sadd.s32 $0x9680, s7  }
0x1fd: {  	[spmem:s2] =	stream.indirect.scatter.add.f32 [tilespmem:s20], [sflag:$0x4], $0x1, s11, s23, $0xb8;
	[tilespmem:$0xE180] =	vst v63  }
0x1fe: {  	s11 =	sadd.s32 $0x9700, s7  }
0x1ff: {  	[spmem:s2] =	stream.indirect.scatter.add.f32 [tilespmem:s20], [sflag:$0x4], $0x1, s11, s23, $0xb8;
	[tilespmem:$0xE180] =	vst v63  }
0x200: {  	s7 =	sadd.s32 $0x9780, s7  }
0x201: {  	[spmem:s2] =	stream.indirect.scatter.add.f32 [tilespmem:s20], [sflag:$0x4], $0x1, s7, s23, $0xb8;
	[tilespmem:$0xE180] =	vst v63  }
0x202: {  	_ =	swait.ge [sflag:s25], $0x80  }
0x203: {  	[sflag:s25] =	ssyncset.done $0x0  }
0x204: {  	[sflag:s25] =	ssyncadd.s32 $0xFFFFFF80  }
0x205: {  	_ =	swait.ge [sflag:s25], $0x80  }
0x206: {  	[sflag:s25] =	ssyncset.done $0x0  }
0x207: {  	[sflag:s25] =	ssyncadd.s32 $0xFFFFFF80  }
0x208: {  	_ =	swait.ge [sflag:s25], $0x80  }
0x209: {  	[sflag:s25] =	ssyncset.done $0x0  }
0x20a: {  	[sflag:s25] =	ssyncadd.s32 $0xFFFFFF80  }
0x20b: {  	_ =	swait.ge [sflag:s25], $0x80  }
0x20c: {  	[sflag:s25] =	ssyncset.done $0x0  }
0x20d: {  	[sflag:s25] =	ssyncadd.s32 $0xFFFFFF80  }
0x20e: {  	_ =	swait.ge [sflag:s25], $0x80  }
0x20f: {  	[sflag:s25] =	ssyncset.done $0x0  }
0x210: {  	[sflag:s25] =	ssyncadd.s32 $0xFFFFFF80  }
0x211: {  	_ =	swait.ge [sflag:s25], $0x80  }
0x212: {  	[sflag:s25] =	ssyncset.done $0x0  }
0x213: {  	[sflag:s25] =	ssyncadd.s32 $0xFFFFFF80  }
0x214: {  	_ =	swait.ge [sflag:s25], $0x80  }
0x215: {  	[sflag:s25] =	ssyncset.done $0x0  }
0x216: {  	[sflag:s25] =	ssyncadd.s32 $0xFFFFFF80  }
0x217: {  	_ =	swait.ge [sflag:s25], $0x80  }
0x218: {  	[sflag:s25] =	ssyncset.done $0x0  }
0x219: {  	[sflag:s25] =	ssyncadd.s32 $0xFFFFFF80  }
0x21a: {  	_ =	swait.ge [sflag:s25], $0x80  }
0x21b: {  	[sflag:s25] =	ssyncset.done $0x0  }
0x21c: {  	[sflag:s25] =	ssyncadd.s32 $0xFFFFFF80  }
0x21d: {  	_ =	swait.ge [sflag:s25], $0x80  }
0x21e: {  	[sflag:s25] =	ssyncset.done $0x0  }
0x21f: {  	[sflag:s25] =	ssyncadd.s32 $0xFFFFFF80  }
0x220: {  	_ =	swait.ge [sflag:s25], $0x80  }
0x221: {  	[sflag:s25] =	ssyncset.done $0x0  }
0x222: {  	[sflag:s25] =	ssyncadd.s32 $0xFFFFFF80  }
0x223: {  	_ =	swait.ge [sflag:s25], $0x80  }
0x224: {  	[sflag:s25] =	ssyncset.done $0x0  }
0x225: {  	[sflag:s25] =	ssyncadd.s32 $0xFFFFFF80  }
0x226: {  	_ =	swait.ge [sflag:s25], $0x80  }
0x227: {  	[sflag:s25] =	ssyncset.done $0x0  }
0x228: {  	[sflag:s25] =	ssyncadd.s32 $0xFFFFFF80  }
0x229: {  	_ =	swait.ge [sflag:s25], $0x80  }
0x22a: {  	[sflag:s25] =	ssyncset.done $0x0  }
0x22b: {  	[sflag:s25] =	ssyncadd.s32 $0xFFFFFF80  }
.Ltmp4:
0x22c: {  	_ =	swait.ge [sflag:s25], $0x80;
	(pc) =	sbr.rel @p1 .LBB2_6-.Ltmp4, $4  }
0x22d: {  	[sflag:s25] =	ssyncset.done $0x0  }
0x22e: {  	[sflag:s25] =	ssyncadd.s32 $0xFFFFFF80  }
0x22f: {  	_ =	swait.ge [sflag:s25], $0x80  }
0x230: {  	s31 =	smov.u32 s10;
	s7 =	sshra.s32 s6, $0x2;
	[sflag:s25] =	ssyncset.done $0x0  }
0x231: {  	s6 =	sadd.s32 $0x9000, s7;
	[sflag:s25] =	ssyncadd.s32 $0xFFFFFF80  }
0x232: {  	[spmem:s2] =	stream.indirect.scatter.add.f32 [tilespmem:s20], [sflag:$0x4], $0x1, s6, s23, $0xb8;
	[tilespmem:$0xE180] =	vst v63  }
0x233: {  	s31 =	sadd.s32 $0x9080, s7  }
0x234: {  	[spmem:s2] =	stream.indirect.scatter.add.f32 [tilespmem:s20], [sflag:$0x4], $0x1, s31, s23, $0xb8;
	[tilespmem:$0xE180] =	vst v63  }
0x235: {  	s10 =	sadd.s32 $0x9100, s7  }
0x236: {  	[spmem:s2] =	stream.indirect.scatter.add.f32 [tilespmem:s20], [sflag:$0x4], $0x1, s10, s23, $0xb8;
	[tilespmem:$0xE180] =	vst v63  }
0x237: {  	s11 =	sadd.s32 $0x9180, s7  }
0x238: {  	[spmem:s2] =	stream.indirect.scatter.add.f32 [tilespmem:s20], [sflag:$0x4], $0x1, s11, s23, $0xb8;
	[tilespmem:$0xE180] =	vst v63  }
0x239: {  	s31 =	sadd.s32 $0x9200, s7  }
0x23a: {  	[spmem:s2] =	stream.indirect.scatter.add.f32 [tilespmem:s20], [sflag:$0x4], $0x1, s31, s23, $0xb8;
	[tilespmem:$0xE180] =	vst v63  }
0x23b: {  	s10 =	sadd.s32 $0x9280, s7  }
0x23c: {  	[spmem:s2] =	stream.indirect.scatter.add.f32 [tilespmem:s20], [sflag:$0x4], $0x1, s10, s23, $0xb8;
	[tilespmem:$0xE180] =	vst v63  }
0x23d: {  	s11 =	sadd.s32 $0x9300, s7  }
0x23e: {  	[spmem:s2] =	stream.indirect.scatter.add.f32 [tilespmem:s20], [sflag:$0x4], $0x1, s11, s23, $0xb8;
	[tilespmem:$0xE180] =	vst v63  }
0x23f: {  	s31 =	sadd.s32 $0x9380, s7  }
0x240: {  	[spmem:s2] =	stream.indirect.scatter.add.f32 [tilespmem:s20], [sflag:$0x4], $0x1, s31, s23, $0xb8;
	[tilespmem:$0xE180] =	vst v63  }
0x241: {  	s10 =	sadd.s32 $0x9400, s7  }
0x242: {  	[spmem:s2] =	stream.indirect.scatter.add.f32 [tilespmem:s20], [sflag:$0x4], $0x1, s10, s23, $0xb8;
	[tilespmem:$0xE180] =	vst v63  }
0x243: {  	s11 =	sadd.s32 $0x9480, s7  }
0x244: {  	[spmem:s2] =	stream.indirect.scatter.add.f32 [tilespmem:s20], [sflag:$0x4], $0x1, s11, s23, $0xb8;
	[tilespmem:$0xE180] =	vst v63  }
0x245: {  	s31 =	sadd.s32 $0x9500, s7  }
0x246: {  	[spmem:s2] =	stream.indirect.scatter.add.f32 [tilespmem:s20], [sflag:$0x4], $0x1, s31, s23, $0xb8;
	[tilespmem:$0xE180] =	vst v63  }
0x247: {  	s10 =	sadd.s32 $0x9580, s7  }
0x248: {  	[spmem:s2] =	stream.indirect.scatter.add.f32 [tilespmem:s20], [sflag:$0x4], $0x1, s10, s23, $0xb8;
	[tilespmem:$0xE180] =	vst v63  }
0x249: {  	s11 =	sadd.s32 $0x9600, s7  }
0x24a: {  	[spmem:s2] =	stream.indirect.scatter.add.f32 [tilespmem:s20], [sflag:$0x4], $0x1, s11, s23, $0xb8;
	[tilespmem:$0xE180] =	vst v63  }
0x24b: {  	s31 =	sadd.s32 $0x9680, s7  }
0x24c: {  	[spmem:s2] =	stream.indirect.scatter.add.f32 [tilespmem:s20], [sflag:$0x4], $0x1, s31, s23, $0xb8;
	[tilespmem:$0xE180] =	vst v63  }
0x24d: {  	s10 =	sadd.s32 $0x9700, s7  }
0x24e: {  	[spmem:s2] =	stream.indirect.scatter.add.f32 [tilespmem:s20], [sflag:$0x4], $0x1, s10, s23, $0xb8;
	[tilespmem:$0xE180] =	vst v63  }
0x24f: {  	s11 =	sadd.s32 $0x9780, s7  }
0x250: {  	[spmem:s2] =	stream.indirect.scatter.add.f32 [tilespmem:s20], [sflag:$0x4], $0x1, s11, s23, $0xb8;
	[tilespmem:$0xE180] =	vst v63  }
0x251: {  	_ =	swait.ge [sflag:s25], $0x80  }
0x252: {  	[sflag:s25] =	ssyncset.done $0x0  }
0x253: {  	[sflag:s25] =	ssyncadd.s32 $0xFFFFFF80  }
0x254: {  	_ =	swait.ge [sflag:s25], $0x80  }
0x255: {  	[sflag:s25] =	ssyncset.done $0x0  }
0x256: {  	[sflag:s25] =	ssyncadd.s32 $0xFFFFFF80  }
0x257: {  	_ =	swait.ge [sflag:s25], $0x80  }
0x258: {  	[sflag:s25] =	ssyncset.done $0x0  }
0x259: {  	[sflag:s25] =	ssyncadd.s32 $0xFFFFFF80  }
0x25a: {  	_ =	swait.ge [sflag:s25], $0x80  }
0x25b: {  	[sflag:s25] =	ssyncset.done $0x0  }
0x25c: {  	[sflag:s25] =	ssyncadd.s32 $0xFFFFFF80  }
0x25d: {  	_ =	swait.ge [sflag:s25], $0x80  }
0x25e: {  	[sflag:s25] =	ssyncset.done $0x0  }
0x25f: {  	[sflag:s25] =	ssyncadd.s32 $0xFFFFFF80  }
0x260: {  	_ =	swait.ge [sflag:s25], $0x80  }
0x261: {  	[sflag:s25] =	ssyncset.done $0x0  }
0x262: {  	[sflag:s25] =	ssyncadd.s32 $0xFFFFFF80  }
0x263: {  	_ =	swait.ge [sflag:s25], $0x80  }
0x264: {  	[sflag:s25] =	ssyncset.done $0x0  }
0x265: {  	[sflag:s25] =	ssyncadd.s32 $0xFFFFFF80  }
0x266: {  	_ =	swait.ge [sflag:s25], $0x80  }
0x267: {  	[sflag:s25] =	ssyncset.done $0x0  }
0x268: {  	[sflag:s25] =	ssyncadd.s32 $0xFFFFFF80  }
0x269: {  	_ =	swait.ge [sflag:s25], $0x80  }
0x26a: {  	[sflag:s25] =	ssyncset.done $0x0  }
0x26b: {  	[sflag:s25] =	ssyncadd.s32 $0xFFFFFF80  }
0x26c: {  	_ =	swait.ge [sflag:s25], $0x80  }
0x26d: {  	[sflag:s25] =	ssyncset.done $0x0  }
0x26e: {  	[sflag:s25] =	ssyncadd.s32 $0xFFFFFF80  }
0x26f: {  	_ =	swait.ge [sflag:s25], $0x80  }
0x270: {  	[sflag:s25] =	ssyncset.done $0x0  }
0x271: {  	[sflag:s25] =	ssyncadd.s32 $0xFFFFFF80  }
0x272: {  	_ =	swait.ge [sflag:s25], $0x80  }
0x273: {  	[sflag:s25] =	ssyncset.done $0x0  }
0x274: {  	[sflag:s25] =	ssyncadd.s32 $0xFFFFFF80  }
0x275: {  	_ =	swait.ge [sflag:s25], $0x80  }
0x276: {  	[sflag:s25] =	ssyncset.done $0x0  }
0x277: {  	[sflag:s25] =	ssyncadd.s32 $0xFFFFFF80  }
0x278: {  	_ =	swait.ge [sflag:s25], $0x80  }
0x279: {  	[sflag:s25] =	ssyncset.done $0x0  }
0x27a: {  	[sflag:s25] =	ssyncadd.s32 $0xFFFFFF80  }
0x27b: {  	_ =	swait.ge [sflag:s25], $0x80  }
0x27c: {  	[sflag:s25] =	ssyncset.done $0x0  }
0x27d: {  	[sflag:s25] =	ssyncadd.s32 $0xFFFFFF80  }
0x27e: {  	_ =	swait.ge [sflag:s25], $0x80  }
0x27f: {  	[sflag:s25] =	ssyncset.done $0x0  }
0x280: {  	[sflag:s25] =	ssyncadd.s32 $0xFFFFFF80  }
0x281: {  	_ =	swait.ge [sflag:s26], $0x4000  }
0x282: {  	[sflag:s26] =	ssyncset.done $0x0  }
0x283: {  	[sflag:s26] =	ssyncadd.s32 $0xFFFFC000  }
0x284: {  	_ =	swait.ge [sflag:s26], $0x4000  }
0x285: {  	[sflag:s26] =	ssyncset.done $0x0  }
0x286: {  	[sflag:s26] =	ssyncadd.s32 $0xFFFFC000  }
0x287: {  	_ =	swait.ge [sflag:s26], $0x4000  }
0x288: {  	[sflag:s26] =	ssyncset.done $0x0  }
0x289: {  	[sflag:s26] =	ssyncadd.s32 $0xFFFFC000  }
0x28a: {  	_ =	swait.ge [sflag:s26], $0x4000  }
0x28b: {  	[sflag:s26] =	ssyncset.done $0x0  }
0x28c: {  	[sflag:s26] =	ssyncadd.s32 $0xFFFFC000  }
0x28d: {  	_ =	swait.ge [sflag:s26], $0x4000  }
0x28e: {  	[sflag:s26] =	ssyncset.done $0x0  }
0x28f: {  	[sflag:s26] =	ssyncadd.s32 $0xFFFFC000  }
0x290: {  	_ =	swait.ge [sflag:s26], $0x4000  }
0x291: {  	[sflag:s26] =	ssyncset.done $0x0  }
0x292: {  	[sflag:s26] =	ssyncadd.s32 $0xFFFFC000  }
0x293: {  	_ =	swait.ge [sflag:s26], $0x4000  }
0x294: {  	[sflag:s26] =	ssyncset.done $0x0  }
0x295: {  	[sflag:s26] =	ssyncadd.s32 $0xFFFFC000  }
0x296: {  	_ =	swait.ge [sflag:s26], $0x4000  }
0x297: {  	[sflag:s26] =	ssyncset.done $0x0  }
0x298: {  	[sflag:s26] =	ssyncadd.s32 $0xFFFFC000  }
0x299: {  	_ =	swait.ge [sflag:s26], $0x4000  }
0x29a: {  	[sflag:s26] =	ssyncset.done $0x0  }
.Ltmp5:
0x29b: {  	s31 =	rddreg [dreg:$0x8];
	[sflag:s26] =	ssyncadd.s32 $0xFFFFC000;
	(pc) =	sbr.rel @p0 .LBB2_11-.Ltmp5, $4  }
0x29c: {  	[hbm4b:s31+s3] =	stream.linear.scatter [tilespmem:s24], [sflag:$0x3], $0x4000, $0x38;
	[tilespmem:$0xE180] =	vst v63  }
0x29d: {  	_ =	swait.ge [sflag:s28], $0x4000  }
0x29e: {  	[sflag:s28] =	ssyncset.done $0x0  }
0x29f: {  	[sflag:s28] =	ssyncadd.s32 $0xFFFFC000  }
0x2a0: {  	s6 =	simm.s32 $0x0;
	s7 =	rddreg [dreg:$0x9]  }
0x2a1: {  	[tilespmem:s6], [sflag:$0x5] =	stream.linear.gather [hbm4b:s7+s6], $0x400, $0x38;
	[tilespmem:$0xE180] =	vst v63  }
0x2a2: {  	s7 =	sadd.s32 $0x2800, s7  }
0x2a3: {  	[tilespmem:s22], [sflag:$0x5] =	stream.linear.gather [hbm4b:s7+s6], $0x80, $0x38;
	[tilespmem:$0xE180] =	vst v63  }
0x2a4: {  	_ =	swait.ge [sflag:s17], $0x480  }
0x2a5: {  	[sflag:s17] =	ssyncset.done $0x0  }
0x2a6: {  	[sflag:s17] =	ssyncadd.s32 $0xFFFFFB80  }
0x2a7: {  	v2 =	vld [tilespmem:$0x80]  }
0x2a8: {  	v3 =	vld [tilespmem:$0x90]  }
0x2a9: {  	v4 =	vld [tilespmem:$0xA0]  }
0x2aa: {  	v5 =	vld [tilespmem:$0xB0]  }
0x2ab: {  	v6 =	vld [tilespmem:$0xC0]  }
0x2ac: {  	v7 =	vld [tilespmem:$0xD0];
	v2 =	vadd.s32 $0x80, v2  }
0x2ad: {  	[tilespmem:$0x80] =	vst v2;
	v2 =	vadd.s32 $0x80, v3;
	v3 =	vld [tilespmem:$0xE0]  }
0x2ae: {  	v18 =	vld [tilespmem:$0xF0];
	[tilespmem:$0x90] =	vst v2;
	v2 =	vadd.s32 $0x80, v4  }
0x2af: {  	v19 =	vld [tilespmem:$0x100];
	[tilespmem:$0xA0] =	vst v2;
	v2 =	vadd.s32 $0x80, v5  }
0x2b0: {  	v20 =	vld [tilespmem:$0x110];
	[tilespmem:$0xB0] =	vst v2;
	v2 =	vadd.s32 $0x80, v6  }
0x2b1: {  	v21 =	vld [tilespmem:$0x120];
	[tilespmem:$0xC0] =	vst v2;
	v2 =	vadd.s32 $0x80, v7  }
0x2b2: {  	[tilespmem:$0xD0] =	vst v2;
	v2 =	vadd.s32 $0x80, v3;
	v3 =	vld [tilespmem:$0x130]  }
0x2b3: {  	v22 =	vld [tilespmem:$0x140];
	[tilespmem:$0xE0] =	vst v2;
	v2 =	vadd.s32 $0x80, v18  }
0x2b4: {  	v23 =	vld [tilespmem:$0x150];
	[tilespmem:$0xF0] =	vst v2;
	v2 =	vadd.s32 $0x100, v19  }
0x2b5: {  	v24 =	vld [tilespmem:$0x160];
	[tilespmem:$0x100] =	vst v2;
	v2 =	vadd.s32 $0x100, v20  }
0x2b6: {  	v25 =	vld [tilespmem:$0x170];
	[tilespmem:$0x110] =	vst v2;
	v2 =	vadd.s32 $0x100, v21  }
0x2b7: {  	[tilespmem:$0x120] =	vst v2;
	v2 =	vadd.s32 $0x100, v3;
	v3 =	vld [tilespmem:$0x180]  }
0x2b8: {  	v26 =	vld [tilespmem:$0x190];
	[tilespmem:$0x130] =	vst v2;
	v2 =	vadd.s32 $0x100, v22  }
0x2b9: {  	v27 =	vld [tilespmem:$0x1A0];
	[tilespmem:$0x140] =	vst v2;
	v2 =	vadd.s32 $0x100, v23  }
0x2ba: {  	v28 =	vld [tilespmem:$0x1B0];
	[tilespmem:$0x150] =	vst v2;
	v2 =	vadd.s32 $0x100, v24  }
0x2bb: {  	v29 =	vld [tilespmem:$0x1C0];
	[tilespmem:$0x160] =	vst v2;
	v2 =	vadd.s32 $0x100, v25  }
0x2bc: {  	[tilespmem:$0x170] =	vst v2;
	v2 =	vadd.s32 $0x180, v3;
	v3 =	vld [tilespmem:$0x1D0]  }
0x2bd: {  	v30 =	vld [tilespmem:$0x1E0];
	[tilespmem:$0x180] =	vst v2;
	v2 =	vadd.s32 $0x180, v26  }
0x2be: {  	v31 =	vld [tilespmem:$0x1F0];
	[tilespmem:$0x190] =	vst v2;
	v2 =	vadd.s32 $0x180, v27  }
0x2bf: {  	v32 =	vld [tilespmem:$0x200];
	[tilespmem:$0x1A0] =	vst v2;
	v2 =	vadd.s32 $0x180, v28  }
0x2c0: {  	v33 =	vld [tilespmem:$0x210];
	[tilespmem:$0x1B0] =	vst v2;
	v2 =	vadd.s32 $0x180, v29  }
0x2c1: {  	[tilespmem:$0x1C0] =	vst v2;
	v2 =	vadd.s32 $0x180, v3;
	v3 =	vld [tilespmem:$0x220]  }
0x2c2: {  	v34 =	vld [tilespmem:$0x230];
	[tilespmem:$0x1D0] =	vst v2;
	v2 =	vadd.s32 $0x180, v30  }
0x2c3: {  	v35 =	vld [tilespmem:$0x240];
	[tilespmem:$0x1E0] =	vst v2;
	v2 =	vadd.s32 $0x180, v31  }
0x2c4: {  	v36 =	vld [tilespmem:$0x250];
	[tilespmem:$0x1F0] =	vst v2;
	v2 =	vadd.s32 $0x200, v32  }
0x2c5: {  	v37 =	vld [tilespmem:$0x260];
	[tilespmem:$0x200] =	vst v2;
	v2 =	vadd.s32 $0x200, v33  }
0x2c6: {  	[tilespmem:$0x210] =	vst v2;
	v2 =	vadd.s32 $0x200, v3;
	v3 =	vld [tilespmem:$0x270]  }
0x2c7: {  	v38 =	vld [tilespmem:$0x280];
	[tilespmem:$0x220] =	vst v2;
	v2 =	vadd.s32 $0x200, v34  }
0x2c8: {  	v39 =	vld [tilespmem:$0x290];
	[tilespmem:$0x230] =	vst v2;
	v2 =	vadd.s32 $0x200, v35  }
0x2c9: {  	v40 =	vld [tilespmem:$0x2A0];
	[tilespmem:$0x240] =	vst v2;
	v2 =	vadd.s32 $0x200, v36  }
0x2ca: {  	v41 =	vld [tilespmem:$0x2B0];
	[tilespmem:$0x250] =	vst v2;
	v2 =	vadd.s32 $0x200, v37  }
0x2cb: {  	[tilespmem:$0x260] =	vst v2;
	v2 =	vadd.s32 $0x200, v3;
	v3 =	vld [tilespmem:$0x2C0]  }
0x2cc: {  	v42 =	vld [tilespmem:$0x2D0];
	[tilespmem:$0x270] =	vst v2;
	v2 =	vadd.s32 $0x280, v38  }
0x2cd: {  	v43 =	vld [tilespmem:$0x2E0];
	[tilespmem:$0x280] =	vst v2;
	v2 =	vadd.s32 $0x280, v39  }
0x2ce: {  	v44 =	vld [tilespmem:$0x2F0];
	[tilespmem:$0x290] =	vst v2;
	v2 =	vadd.s32 $0x280, v40  }
0x2cf: {  	v45 =	vld [tilespmem:$0x300];
	[tilespmem:$0x2A0] =	vst v2;
	v2 =	vadd.s32 $0x280, v41  }
0x2d0: {  	[tilespmem:$0x2B0] =	vst v2;
	v2 =	vadd.s32 $0x280, v3;
	v3 =	vld [tilespmem:$0x310]  }
0x2d1: {  	v46 =	vld [tilespmem:$0x320];
	[tilespmem:$0x2C0] =	vst v2;
	v2 =	vadd.s32 $0x280, v42  }
0x2d2: {  	v47 =	vld [tilespmem:$0x330];
	[tilespmem:$0x2D0] =	vst v2;
	v2 =	vadd.s32 $0x280, v43  }
0x2d3: {  	v48 =	vld [tilespmem:$0x340];
	[tilespmem:$0x2E0] =	vst v2;
	v2 =	vadd.s32 $0x280, v44  }
0x2d4: {  	v49 =	vld [tilespmem:$0x350];
	[tilespmem:$0x2F0] =	vst v2;
	v2 =	vadd.s32 $0x300, v45  }
0x2d5: {  	[tilespmem:$0x300] =	vst v2;
	v2 =	vadd.s32 $0x300, v3;
	v3 =	vld [tilespmem:$0x360]  }
0x2d6: {  	v50 =	vld [tilespmem:$0x370];
	[tilespmem:$0x310] =	vst v2;
	v2 =	vadd.s32 $0x300, v46  }
0x2d7: {  	v51 =	vld [tilespmem:$0x380];
	[tilespmem:$0x320] =	vst v2;
	v2 =	vadd.s32 $0x300, v47  }
0x2d8: {  	v52 =	vld [tilespmem:$0x390];
	[tilespmem:$0x330] =	vst v2;
	v2 =	vadd.s32 $0x300, v48  }
0x2d9: {  	v53 =	vld [tilespmem:$0x3A0];
	[tilespmem:$0x340] =	vst v2;
	v2 =	vadd.s32 $0x300, v49  }
0x2da: {  	[tilespmem:$0x350] =	vst v2;
	v2 =	vadd.s32 $0x300, v3;
	v3 =	vld [tilespmem:$0x3B0]  }
0x2db: {  	v54 =	vld [tilespmem:$0x3C0];
	[tilespmem:$0x360] =	vst v2;
	v2 =	vadd.s32 $0x300, v50  }
0x2dc: {  	v55 =	vld [tilespmem:$0x3D0];
	[tilespmem:$0x370] =	vst v2;
	v2 =	vadd.s32 $0x380, v51  }
0x2dd: {  	v56 =	vld [tilespmem:$0x3E0];
	[tilespmem:$0x380] =	vst v2;
	v2 =	vadd.s32 $0x380, v52  }
0x2de: {  	v57 =	vld [tilespmem:$0x3F0];
	[tilespmem:$0x390] =	vst v2;
	v2 =	vadd.s32 $0x380, v53  }
0x2df: {  	[tilespmem:$0x3A0] =	vst v2;
	v2 =	vadd.s32 $0x380, v3;
	v3 =	vld [tilespmem:$0x400]  }
0x2e0: {  	v58 =	vld [tilespmem:$0x410];
	[tilespmem:$0x3B0] =	vst v2;
	v2 =	vadd.s32 $0x380, v54  }
0x2e1: {  	v59 =	vld [tilespmem:$0x420];
	[tilespmem:$0x3C0] =	vst v2;
	v2 =	vadd.s32 $0x380, v55  }
0x2e2: {  	v60 =	vld [tilespmem:$0x430];
	[tilespmem:$0x3D0] =	vst v2;
	v2 =	vadd.s32 $0x380, v56  }
0x2e3: {  	v61 =	vld [tilespmem:$0x440];
	[tilespmem:$0x3E0] =	vst v2;
	v2 =	vadd.s32 $0x380, v57  }
0x2e4: {  	[tilespmem:$0x3F0] =	vst v2;
	v2 =	vadd.s32 $0x400, v3;
	v3 =	vld [tilespmem:$0x450]  }
0x2e5: {  	v62 =	vld [tilespmem:$0x460];
	[tilespmem:$0x400] =	vst v2;
	v2 =	vadd.s32 $0x400, v58  }
0x2e6: {  	v63 =	vld [tilespmem:$0x470];
	[tilespmem:$0x410] =	vst v2;
	v2 =	vadd.s32 $0x400, v59  }
0x2e7: {  	[tilespmem:$0x420] =	vst v2;
	v2 =	vadd.s32 $0x400, v60  }
0x2e8: {  	[tilespmem:$0x430] =	vst v2;
	v2 =	vadd.s32 $0x400, v61  }
0x2e9: {  	[tilespmem:$0x440] =	vst v2;
	v2 =	vadd.s32 $0x400, v3  }
0x2ea: {  	[tilespmem:$0x450] =	vst v2;
	v2 =	vadd.s32 $0x400, v62  }
0x2eb: {  	[tilespmem:$0x460] =	vst v2;
	v2 =	vadd.s32 $0x400, v63  }
0x2ec: {  	s6 =	simm.s32 $0x0;
	s7 =	simm.s32 $0x200;
	[tilespmem:$0x470] =	vst v2  }
.LBB2_9:
0x2ed: {  	p1 =	sne.s32 s7, $0xFE00;
	[tilespmem:s6+$0x1070] =	vst v1  }
0x2ee: {  	[tilespmem:s6+$0x1000] =	vst v1  }
0x2ef: {  	[tilespmem:s6+$0x1010] =	vst v1  }
.Ltmp6:
0x2f0: {  	[tilespmem:s6+$0x1020] =	vst v1;
	(pc) =	sbr.rel @p1 .LBB2_9-.Ltmp6, $4  }
0x2f1: {  	[tilespmem:s6+$0x1030] =	vst v1  }
0x2f2: {  	[tilespmem:s6+$0x1040] =	vst v1  }
0x2f3: {  	[tilespmem:s6+$0x1050] =	vst v1  }
0x2f4: {  	[tilespmem:s6+$0x1060] =	vst v1;
	s6 =	sshra.s32 s7, $0x2;
	s7 =	sadd.s32 $0x200, s7  }
.Ltmp7:
0x2f5: {  	_ = 	snop;
	(pc) =	sbr.rel .LBB2_10-.Ltmp7, $1  }
0x2f6: {  	_ =	sdelay $0x3  }
.LBB2_12:
0x2f7: {  	_ =	sfence.sel $0x180000  }
0x2f8: {  	[bflag:$0x0] =	sbarrier.arrive $0xFFFF  }
0x2f9: {  	_ =	strace $0x90000047  }
0x2fa: {  	s0 =	stileid.u32;
	[bflag:$0x2] =	sbarrier.arrive $0xFFFF  }
0x2fb: {  	p0 =	sne.s32 s0, $0x0;
	s0 =	rddreg [dreg:$0x5]  }
0x2fc: {  	s0 =	sadd.s32 @!p0 $0x100000, s0  }
0x2fd: {  	[sflag:s0] =	ssyncadd.tile.s32 @!p0 $0x1;
	_ =	shalt  }
.Lfunc_end2:
_tile_overlayer_lowered:
.L_overlay_start_2:
0x2fe: {  	(tag) =	ssettag $0x2  }
0x2ff: {  	s0 =	rddreg [dreg:$0x0];
	s2 =	stileid.u32  }
0x300: {  	s1 =	rddreg [dreg:$0x1];
	p0 =	sne.s32 s2, $0x0  }
0x301: {  	s3 =	rddreg [dreg:$0x2];
	[bflag:$0x3] =	sbarrier.arrive $0xFFFF;
	s2 =	simm.s32 @!p0 $0x1C05  }
0x302: {  	[timem:s3], [sflag:s2] =	dma.local @!p0 [hbm:s0], s1  }
0x303: {  	s0 =	simm.s32 @!p0 $0x5  }
0x304: {  	_ =	swait.ge @!p0 [sflag:s0], s1  }
0x305: {  	s1 =	ssub.s32 @!p0 $0x0, s1;
	[sflag:s0] =	ssyncset.done @!p0 $0x0  }
0x306: {  	[sflag:s0] =	ssyncadd.s32 @!p0 s1  }
0x307: {  	[bflag:$0x3] =	sbarrier.arrive $0xFFFF  }
0x308: {  	_ =	shalt  }

// kernel: kernel.9.cloned.1.call-start
scs
__scs_entry_jumppad:
0x0: {  	(pc) =	sbr.rel $0x88, $3  }
0x1: {  	(tag) =	ssettag $0x0;
	lr =	simm.s32 $0x1  }
0x2: {  	[smem:$0x3F97] =	sst lr;
	_ =	strace $0xD0000000  }
0x3: {  	_ = 	snop  }
0x4: {  	_ = 	snop  }
0x5: {  	_ = 	snop  }
0x6: {  	_ = 	snop  }
0x7: {  	_ = 	snop  }
__scs_overlays_trampoline_lowered:
0x8: {  	[smem:$0x3FA6] =	sst s0  }
0x9: {  	[smem:$0x3FA7] =	sst s1  }
0xa: {  	[smem:$0x3FA8] =	sst s2  }
0xb: {  	[smem:$0x3FA9] =	sst s3  }
0xc: {  	[smem:$0x3FAA] =	sst s4  }
0xd: {  	[smem:$0x3FAB] =	sst s5  }
0xe: {  	[smem:$0x3FAC] =	sst s6  }
0xf: {  	[smem:$0x3FAD] =	sst s7  }
0x10: {  	[smem:$0x3FAE] =	sst s8  }
0x11: {  	[smem:$0x3FAF] =	sst s9;
	s0 =	simm.s32 @!p0 $0x0  }
0x12: {  	s1 =	sld [smem:$0x3F95];
	s0 =	simm.s32 @p0 $0x1  }
0x13: {  	[smem:$0x3FB0] =	sst s0;
	s0 =	simm.s32 @!p1 $0x0  }
0x14: {  	s2 =	sld [smem:$0x3F94];
	s0 =	simm.s32 @p1 $0x1  }
0x15: {  	[smem:$0x3FB1] =	sst s0;
	s0 =	simm.s32 @!p2 $0x0  }
0x16: {  	s3 =	sld [smem:$0x3FDB];
	s0 =	simm.s32 @p2 $0x1  }
0x17: {  	s4 =	simm.s32 $0x1BF5;
	[smem:$0x3FB3] =	sst s0  }
0x18: {  	s0 =	sld [smem:$0x3F96];
	_ =	swait.ge [sflag:s4], $0x0  }
0x19: {  	s7 =	sld [smem:$0x3F97]  }
0x1a: {  	s8 =	sadd.s32 $0xFFFFE003, lr  }
0x1b: {  	s9 =	sadd.s32 $0xFFFFFEF7, lr;
	s5 =	simm.s32 $0xFFFFFFFF;
	p2 =	slt.u32 s8, $0xFFFFF086  }
0x1c: {  	p1 =	slt.u32 s9, $0xF7A;
	s5 =	simm.s32 @!p2 $0x0  }
0x1d: {  	s5 =	simm.s32 @p1 $0x1;
	p0 =	seq.s32 s7, s2  }
0x1e: {  	s7 =	smul.u32 @!p0 $0xF7A, s2;
	p2 =	seq.s32 @!p0 s5, $0x0  }
0x1f: {  	s9 =	smul.u32 $0xF7A, s1;
	s8 =	simm.s32 @!p0 $0x1BF5;
	p2 =	por !p2, p0  }
0x20: {  	[sflag:s8] =	ssyncset.s32 @!p0 $0xFFFFF086;
	s6 =	sadd.s32 @!p0 s3, s7;
	s7 =	simm.s32 @!p0 $0x108  }
0x21: {  	s3 =	sadd.s32 s3, s9;
	s6 =	sadd.s32 @!p0 $0x88, s6;
	s7 =	simm.s32 @p2 $0x1082  }
0x22: {  	[simem:s7], [sflag:s8] =	dma.local @!p0 [hbm:s6], $0xF7A  }
0x23: {  	s9 =	sor.u32 $0xD0000000, s2;
	s6 =	simm.s32 $0x108;
	_ =	swait.ge @!p0 [sflag:s8], $0x0  }
0x24: {  	s3 =	sadd.s32 $0x88, s3;
	s6 =	simm.s32 @!p1 $0x1082;
	[sflag:s4] =	ssyncset.s32 $0xFFFFF086  }
0x25: {  	[simem:s6], [sflag:s4] =	dma.local [hbm:s3], $0xF7A  }
0x26: {  	[smem:$0x3F97] =	sst s1;
	(tag) =	ssettag s2;
	_ =	strace s9  }
0x27: {  	s1 =	sld [smem:$0x3FA7]  }
0x28: {  	s2 =	sld [smem:$0x3FA8]  }
0x29: {  	s4 =	sld [smem:$0x3FAA]  }
0x2a: {  	p0 =	seq.s32 s5, $0x0;
	s5 =	sld [smem:$0x3FAB]  }
0x2b: {  	s6 =	sld [smem:$0x3FAC]  }
0x2c: {  	s7 =	sld [smem:$0x3FAD]  }
0x2d: {  	s3 =	simm.s32 $0x108;
	s8 =	sld [smem:$0x3FAE]  }
0x2e: {  	s3 =	simm.s32 @!p0 $0x1082;
	s9 =	sld [smem:$0x3FAF]  }
0x2f: {  	lr =	sadd.s32 s0, s3;
	s0 =	sld [smem:$0x3FA6]  }
0x30: {  	s3 =	sld [smem:$0x3FA9]  }
0x31: {  	[smem:$0x3FB2] =	sst s10  }
0x32: {  	s10 =	sld [smem:$0x3FB0];
	_ =	sdelay $0x3  }
0x33: {  	p0 =	seq.s32 s10, $0x1;
	s10 =	sld [smem:$0x3FB2];
	_ =	sdelay $0x3  }
0x34: {  	[smem:$0x3FB2] =	sst s10  }
0x35: {  	s10 =	sld [smem:$0x3FB1];
	_ =	sdelay $0x3  }
0x36: {  	p1 =	seq.s32 s10, $0x1;
	s10 =	sld [smem:$0x3FB2];
	_ =	sdelay $0x3  }
0x37: {  	[smem:$0x3FB2] =	sst s10  }
0x38: {  	s10 =	sld [smem:$0x3FB3]  }
0x39: {  	_ = 	snop;
	(pc) =	sbr.ind lr, $3  }
0x3a: {  	_ = 	snop  }
0x3b: {  	_ = 	snop  }
0x3c: {  	p2 =	seq.s32 s10, $0x1;
	s10 =	sld [smem:$0x3FB2]  }
0x3d: {  	_ =	shalt  }
0x3e: {  	_ =	shalt  }
0x3f: {  	_ =	shalt  }
0x40: {  	_ =	shalt  }
0x41: {  	_ =	shalt  }
0x42: {  	_ =	shalt  }
0x43: {  	_ =	shalt  }
0x44: {  	_ =	shalt  }
0x45: {  	_ =	shalt  }
0x46: {  	_ =	shalt  }
0x47: {  	_ =	shalt  }
0x48: {  	_ =	shalt  }
0x49: {  	_ =	shalt  }
0x4a: {  	_ =	shalt  }
0x4b: {  	_ =	shalt  }
0x4c: {  	_ =	shalt  }
0x4d: {  	_ =	shalt  }
0x4e: {  	_ =	shalt  }
0x4f: {  	_ =	shalt  }
0x50: {  	_ =	shalt  }
0x51: {  	_ =	shalt  }
0x52: {  	_ =	shalt  }
0x53: {  	_ =	shalt  }
0x54: {  	_ =	shalt  }
0x55: {  	_ =	shalt  }
0x56: {  	_ =	shalt  }
0x57: {  	_ =	shalt  }
0x58: {  	_ =	shalt  }
0x59: {  	_ =	shalt  }
0x5a: {  	_ =	shalt  }
0x5b: {  	_ =	shalt  }
0x5c: {  	_ =	shalt  }
0x5d: {  	_ =	shalt  }
0x5e: {  	_ =	shalt  }
0x5f: {  	_ =	shalt  }
0x60: {  	_ =	shalt  }
0x61: {  	_ =	shalt  }
0x62: {  	_ =	shalt  }
0x63: {  	_ =	shalt  }
0x64: {  	_ =	shalt  }
0x65: {  	_ =	shalt  }
0x66: {  	_ =	shalt  }
0x67: {  	_ =	shalt  }
0x68: {  	_ =	shalt  }
0x69: {  	_ =	shalt  }
0x6a: {  	_ =	shalt  }
0x6b: {  	_ =	shalt  }
0x6c: {  	_ =	shalt  }
0x6d: {  	_ =	shalt  }
0x6e: {  	_ =	shalt  }
0x6f: {  	_ =	shalt  }
0x70: {  	_ =	shalt  }
0x71: {  	_ =	shalt  }
0x72: {  	_ =	shalt  }
0x73: {  	_ =	shalt  }
0x74: {  	_ =	shalt  }
0x75: {  	_ =	shalt  }
0x76: {  	_ =	shalt  }
0x77: {  	_ =	shalt  }
0x78: {  	_ =	shalt  }
0x79: {  	_ =	shalt  }
0x7a: {  	_ =	shalt  }
0x7b: {  	_ =	shalt  }
0x7c: {  	_ =	shalt  }
0x7d: {  	_ =	shalt  }
0x7e: {  	_ =	shalt  }
0x7f: {  	_ =	shalt  }
0x80: {  	_ =	shalt  }
0x81: {  	_ =	shalt  }
0x82: {  	_ =	shalt  }
0x83: {  	_ =	shalt  }
0x84: {  	_ =	shalt  }
0x85: {  	_ =	shalt  }
0x86: {  	_ =	shalt  }
0x87: {  	_ =	shalt  }
.Lfunc_end0:
.L_simem_size_0:
called_computation.1_lowered:
.L_overlay_start_0:
0x88: {  	s2 =	sld [smem:$0x3FD9]  }
0x89: {  	s3 =	sld [smem:$0x3FFE];
	_ =	sdelay $0x1  }
0x8a: {  	s1 =	srdreg.scid  }
0x8b: {  	s0 =	sand.u32 $0x1, s1  }
0x8c: {  	s16 =	sshll.u32 s0, $0xA;
	s2 =	sadd.s32 s3, s2  }
0x8d: {  	s2 =	sadd.s32 s2, s16  }
0x8e: {  	[smem:$0x3FBE] =	sst s2  }
0x8f: {  	_ = 	snop  }
0x90: {  	(tm) =	ssettm $0x1  }
0x91: {  	s17 =	sld [smem:$0x3FFB];
	_ =	sdelay $0x3  }
0x92: {  	_ =	strace s17  }
0x93: {  	s2 =	sld [smem:$0x3FFC];
	_ =	sdelay $0x3  }
0x94: {  	_ =	strace s2  }
0x95: {  	s2 =	sld [smem:$0x3FFD];
	_ =	sdelay $0x3  }
0x96: {  	_ =	strace s2  }
0x97: {  	_ =	strace $0x8FFFFFFF  }
0x98: {  	s18 =	sld [smem:$0x3FDB];
	_ =	sdelay $0x1  }
0x99: {  	s19 =	simm.s32 $_scs_section_size  }
0x9a: {  	s4 =	simm.s32 $_size__tile_overlayer_lowered;
	s5 =	simm.s32 $_tile_overlayer_lowered  }
0x9b: {  	s22 =	simm.s32 $0x1BFF;
	s21 =	sshll.u32 s5, $0x1;
	s2 =	sadd.s32 s19, s18  }
0x9c: {  	s6 =	simm.s32 $0x0;
	s20 =	sshll.u32 s4, $0x1;
	s4 =	sadd.s32 s21, s2  }
0x9d: {  	[timem:s6], [sflag:s22] =	dma.local [hbm:s4], s20  }
0x9e: {  	_ =	swait.ge [sflag:s22], s20  }
0x9f: {  	s3 =	ssub.s32 $0x0, s20;
	[sflag:s22] =	ssyncset.done $0x0  }
0xa0: {  	[sflag:s22] =	ssyncadd.s32 s3;
	_ =	sdelay $0x1  }
0xa1: {  	s23 =	simm.s32 $0x1B8B  }
0xa2: {  	_ =	swait.ge [sflag:s23], $0x1  }
0xa3: {  	[sflag:s23] =	ssyncset.done $0x0  }
0xa4: {  	s25 =	simm.s32 $0x1B8E;
	s24 =	sld [smem:$0x3FFE];
	[sflag:s23] =	ssyncadd.s32 $0xFFFFFFFF  }
0xa5: {  	s26 =	simm.s32 $execute0_lowered;
	[smem:$0x3FD2] =	sst s25  }
0xa6: {  	s4 =	sshll.u32 s26, $0x1;
	_ =	strace $0x80000049;
	[dreg:$0x1] =	wrdreg $0xFFFFFFFF  }
0xa7: {  	s28 =	simm.s32 $_size_execute0_lowered;
	s2 =	sadd.s32 s2, s4;
	[dreg:$0x0] =	wrdreg $0x0  }
0xa8: {  	s4 =	sshll.u32 s28, $0x1;
	[dreg:$0x2] =	wrdreg s2  }
0xa9: {  	[dreg:$0x3] =	wrdreg s4  }
0xaa: {  	[dreg:$0x4] =	wrdreg $0xC0  }
0xab: {  	_ =	task [dreg:s6], $0x5FFFF  }
0xac: {  	[dreg:$0x1] =	wrdreg $0xFFFFFFFF  }
0xad: {  	[dreg:$0x0] =	wrdreg $0x60  }
0xae: {  	[dreg:$0x2] =	wrdreg s24  }
0xaf: {  	[dreg:$0x3] =	wrdreg $0xA8000  }
0xb0: {  	[dreg:$0x4] =	wrdreg $0x9  }
0xb1: {  	_ =	task.clear_ibuf [dreg:s6], $0x5FFFF;
	_ =	strace $0x90000049  }
0xb2: {  	s29 =	simm.s32 $0x9;
	_ =	strace $0x8000004B  }
0xb3: {  	_ =	swait.ge [sflag:s29], $0x1  }
0xb4: {  	[sflag:s29] =	ssyncadd.s32 $0xFFFFFFFF  }
0xb5: {  	_ =	strace $0x9000004B  }
0xb6: {  	_ =	sfence  }
0xb7: {  	s30 =	sld [smem:$0x0];
	_ =	sdelay $0x2  }
0xb8: {  	s31 =	sshll.u32 s1, $0xD;
	s1 =	sshrl.u32 s1, $0x2  }
0xb9: {  	s3 =	sand.u32 $0x4000, s31;
	s1 =	sadd.s32 s1, s30  }
0xba: {  	s0 =	sor.u32 s3, s0;
	s1 =	sshll.u32 s1, $0x11  }
0xbb: {  	s0 =	sor.u32 s1, s0  }
0xbc: {  	s0 =	sadd.s32 $0x8F2B, s0  }
0xbd: {  	[sflag:s0] =	ssyncadd.remote.s32 $0x1  }
0xbe: {  	_ =	sfence.sel $0xFFFF  }
0xbf: {  	[dreg:$0x0] =	wrdreg $0xFFFFFFFF;
	(pc) =	sbr.abs _section_cstart, $3  }
0xc0: {  	[dreg:$0x1] =	wrdreg $0xFFFFFFFF  }
0xc1: {  	_ =	task.clear_ibuf [dreg:s6], $0x2FFFF;
	_ =	strace $0x9FFFFFFF  }
0xc2: {  	(tm) =	ssettm $0x7FFFFFFF  }
0xc3: {  	_ =	shalt  }
tec
execute0_lowered:
.L_overlay_start_1:
0x0: {  	(tag) =	ssettag $0x1  }
0x1: {  	s1 =	srdreg.scid  }
0x2: {  	s0 =	stileid.u32;
	s5 =	rddreg [dreg:$0x0]  }
0x3: {  	s2 =	rddreg [dreg:$0x1];
	s3 =	simm.s32 $0x0;
	s20 =	simm.s32 $0x2800  }
0x4: {  	s21 =	simm.s32 $0x3;
	s22 =	simm.s32 $0x1400;
	s28 =	simm.s32 $0x2700  }
0x5: {  	s29 =	simm.s32 $0x2780;
	s6 =	sand.u32 $0x1, s1;
	s8 =	smul.u32 $0x50000, s0  }
0x6: {  	s23 =	sshll.u32 s0, $0x1;
	[smem:$0x7FF] =	sst s3;
	s10 =	smul.u32 $0x14000, s0  }
0x7: {  	s14 =	sadd.s32 $0x3EC00, s5;
	s4 =	sor.u32 s6, s23;
	_ =	strace $0x8000004A  }
0x8: {  	s7 =	ssub.s32 $0x2, s6;
	s12 =	smul.u32 $0x140000, s6;
	s23 =	simm.s32 $0x80  }
0x9: {  	s4 =	smul.u32 $0x2800, s4;
	s9 =	sshrl.u32 s7, $0x1;
	s24 =	sshrl.u32 s8, $0x2  }
0xa: {  	s25 =	sadd.s32 $0x4000, s10;
	s13 =	sadd.s32 $0x8000, s10;
	s16 =	sadd.s32 $0xC000, s10  }
0xb: {  	s17 =	sadd.s32 $0x10000, s10;
	s15 =	ssub.s32 s7, s9;
	s6 =	sadd.s32 s25, s2  }
0xc: {  	s7 =	sadd.s32 s13, s2;
	s8 =	sadd.s32 s16, s2;
	s11 =	sadd.s32 s10, s12  }
0xd: {  	s30 =	sadd.s32 s12, s25;
	s9 =	sadd.s32 s17, s2;
	s13 =	sadd.s32 s12, s13  }
0xe: {  	s16 =	sadd.s32 s12, s16;
	s17 =	sadd.s32 s12, s17;
	s25 =	simm.s32 $0x1  }
0xf: {  	s4 =	sshrl.u32 s4, $0x3;
	s26 =	sshrl.u32 s11, $0x3;
	s11 =	sshrl.u32 s30, $0x3  }
0x10: {  	s13 =	sshrl.u32 s13, $0x3;
	s16 =	sshrl.u32 s16, $0x3;
	s31 =	sshrl.u32 s17, $0x3  }
0x11: {  	s15 =	smax.u32 s15, $0x1;
	s19 =	sadd.s32 s4, s5;
	s4 =	sadd.s32 $0x16C00, s5  }
0x12: {  	s5 =	sadd.s32 s24, s2;
	s10 =	sadd.s32 s14, s26;
	s11 =	sadd.s32 s14, s11  }
0x13: {  	s12 =	sadd.s32 s14, s13;
	s13 =	sadd.s32 s14, s16;
	s14 =	sadd.s32 s14, s31  }
0x14: {  	s24 =	simm.s32 $0x6800;
	s26 =	simm.s32 $0x2;
	s16 =	sadd.s32 $0x2C00, s19  }
0x15: {  	v0 =	vimm.f32 $0.0e+00;
	s17 =	sadd.s32 $0xCC00, s19;
	s18 =	sadd.s32 $0x2E80, s19;
	s19 =	sadd.s32 $0xCE80, s19  }
.LBB2_1:
0x16: {  	s30 =	simm.s32 $0x0;
	s31 =	simm.s32 $0x200  }
.LBB2_2:
0x17: {  	p0 =	sne.s32 s31, $0xFE00;
	[tilespmem:s30+$0x2870] =	vst v0  }
0x18: {  	[tilespmem:s30+$0x2800] =	vst v0  }
0x19: {  	[tilespmem:s30+$0x2810] =	vst v0  }
.Ltmp0:
0x1a: {  	[tilespmem:s30+$0x2820] =	vst v0;
	(pc) =	sbr.rel @p0 .LBB2_2-.Ltmp0, $4  }
0x1b: {  	[tilespmem:s30+$0x2830] =	vst v0  }
0x1c: {  	[tilespmem:s30+$0x2840] =	vst v0  }
0x1d: {  	[tilespmem:s30+$0x2850] =	vst v0  }
0x1e: {  	[tilespmem:s30+$0x2860] =	vst v0;
	s30 =	sshra.s32 s31, $0x2;
	s31 =	sadd.s32 $0x200, s31  }
0x1f: {  	[tilespmem:s30+$0x2870] =	vst v0  }
0x20: {  	[tilespmem:s30+$0x2800] =	vst v0  }
0x21: {  	[tilespmem:s30+$0x2810] =	vst v0  }
0x22: {  	[tilespmem:s30+$0x2820] =	vst v0  }
0x23: {  	[tilespmem:s30+$0x2830] =	vst v0  }
0x24: {  	[tilespmem:s30+$0x2840] =	vst v0  }
0x25: {  	[tilespmem:s30+$0x2850] =	vst v0  }
0x26: {  	[tilespmem:s30+$0x2860] =	vst v0  }
0x27: {  	[spmem:s5] =	stream.linear.scatter [tilespmem:s20], [sflag:$0x3], $0x4000, $0x38;
	[tilespmem:$0x1E800] =	vst v63  }
0x28: {  	_ =	swait.ge [sflag:s21], $0x4000  }
0x29: {  	[sflag:s21] =	ssyncset.done $0x0  }
0x2a: {  	[sflag:s21] =	ssyncadd.s32 $0xFFFFC000  }
0x2b: {  	[spmem:s6] =	stream.linear.scatter [tilespmem:s20], [sflag:$0x3], $0x4000, $0x38;
	[tilespmem:$0x1E800] =	vst v63  }
0x2c: {  	_ =	swait.ge [sflag:s21], $0x4000  }
0x2d: {  	[sflag:s21] =	ssyncset.done $0x0  }
0x2e: {  	[sflag:s21] =	ssyncadd.s32 $0xFFFFC000  }
0x2f: {  	[spmem:s7] =	stream.linear.scatter [tilespmem:s20], [sflag:$0x3], $0x4000, $0x38;
	[tilespmem:$0x1E800] =	vst v63  }
0x30: {  	_ =	swait.ge [sflag:s21], $0x4000  }
0x31: {  	[sflag:s21] =	ssyncset.done $0x0  }
0x32: {  	[sflag:s21] =	ssyncadd.s32 $0xFFFFC000  }
0x33: {  	[spmem:s8] =	stream.linear.scatter [tilespmem:s20], [sflag:$0x3], $0x4000, $0x38;
	[tilespmem:$0x1E800] =	vst v63  }
0x34: {  	_ =	swait.ge [sflag:s21], $0x4000  }
0x35: {  	[sflag:s21] =	ssyncset.done $0x0  }
0x36: {  	[sflag:s21] =	ssyncadd.s32 $0xFFFFC000  }
0x37: {  	[spmem:s9] =	stream.linear.scatter [tilespmem:s20], [sflag:$0x3], $0x4000, $0x38;
	[tilespmem:$0x1E800] =	vst v63  }
0x38: {  	_ =	swait.ge [sflag:s21], $0x4000  }
0x39: {  	[sflag:s21] =	ssyncset.done $0x0  }
0x3a: {  	[sflag:s21] =	ssyncadd.s32 $0xFFFFC000  }
0x3b: {  	s30 =	simm.s32 $0x0;
	[bflag:$0x0] =	sbarrier.arrive $0xFFFF  }
0x3c: {  	[tilespmem:s30], [sflag:$0x3] =	stream.linear.gather [hbm4b:s16+s30], $0x1400, $0x38;
	[tilespmem:$0x1E800] =	vst v63  }
0x3d: {  	_ =	swait.ge [sflag:s21], $0x1400  }
0x3e: {  	[sflag:s21] =	ssyncset.done $0x0  }
0x3f: {  	[sflag:s21] =	ssyncadd.s32 $0xFFFFEC00  }
0x40: {  	[tilespmem:s22], [sflag:$0x3] =	stream.linear.gather [hbm4b:s17+s30], $0x1400, $0x38;
	[tilespmem:$0x1E800] =	vst v63  }
0x41: {  	_ =	swait.ge [sflag:s21], $0x1400  }
0x42: {  	[sflag:s21] =	ssyncset.done $0x0  }
0x43: {  	[sflag:s21] =	ssyncadd.s32 $0xFFFFEC00  }
0x44: {  	[tilespmem:s20], [sflag:$0x1] =	stream.indirect.gather [hbm4b:s4+s23], $0x80, s30, s23, $0xb8;
	[tilespmem:$0x1E800] =	vst v63  }
0x45: {  	_ = 	snop  }
0x46: {  	[tilespmem:s24], [sflag:$0x2] =	stream.indirect.gather [hbm4b:s4+s23], $0x80, s23, s23, $0xb8;
	[tilespmem:$0x1E800] =	vst v63  }
0x47: {  	_ =	swait.ge [sflag:s25], $0x4000  }
0x48: {  	[sflag:s25] =	ssyncset.done $0x0  }
0x49: {  	s30 =	simm.s32 $0x1400;
	[sflag:s25] =	ssyncadd.s32 $0xFFFFC000  }
0x4a: {  	[spmem:s2] =	stream.indirect.scatter.add.f32 [tilespmem:s20], [sflag:$0x3], $0x80, s30, s23, $0xb8;
	[tilespmem:$0x1E800] =	vst v63  }
0x4b: {  	_ =	swait.ge [sflag:s21], $0x4000  }
0x4c: {  	[sflag:s21] =	ssyncset.done $0x0  }
0x4d: {  	s30 =	simm.s32 $0x100;
	[sflag:s21] =	ssyncadd.s32 $0xFFFFC000  }
0x4e: {  	[tilespmem:s20], [sflag:$0x1] =	stream.indirect.gather [hbm4b:s4+s23], $0x80, s30, s23, $0xb8;
	[tilespmem:$0x1E800] =	vst v63  }
0x4f: {  	_ =	swait.ge [sflag:s26], $0x4000  }
0x50: {  	[sflag:s26] =	ssyncset.done $0x0  }
0x51: {  	s30 =	simm.s32 $0x1480;
	[sflag:s26] =	ssyncadd.s32 $0xFFFFC000  }
0x52: {  	[spmem:s2] =	stream.indirect.scatter.add.f32 [tilespmem:s24], [sflag:$0x3], $0x80, s30, s23, $0xb8;
	[tilespmem:$0x1E800] =	vst v63  }
0x53: {  	_ =	swait.ge [sflag:s21], $0x4000  }
0x54: {  	[sflag:s21] =	ssyncset.done $0x0  }
0x55: {  	s31 =	simm.s32 $0x180;
	s30 =	simm.s32 $0x400;
	[sflag:s21] =	ssyncadd.s32 $0xFFFFC000  }
.LBB2_4:
0x56: {  	[tilespmem:s24], [sflag:$0x2] =	stream.indirect.gather [hbm4b:s4+s23], $0x80, s31, s23, $0xb8;
	[tilespmem:$0x1E800] =	vst v63  }
0x57: {  	s31 =	smov.u32 s30  }
0x58: {  	p0 =	sne.s32 s30, $0x4800;
	s30 =	sadd.s32 $0x400, s30;
	_ =	swait.ge [sflag:s25], $0x4000  }
0x59: {  	s31 =	sshra.s32 s31, $0x2;
	[sflag:s25] =	ssyncset.done $0x0  }
0x5a: {  	s1 =	sadd.s32 $0x1400, s31;
	[sflag:s25] =	ssyncadd.s32 $0xFFFFC000  }
0x5b: {  	[spmem:s2] =	stream.indirect.scatter.add.f32 [tilespmem:s20], [sflag:$0x3], $0x80, s1, s23, $0xb8;
	[tilespmem:$0x1E800] =	vst v63  }
0x5c: {  	_ =	swait.ge [sflag:s21], $0x4000  }
0x5d: {  	[sflag:s21] =	ssyncset.done $0x0  }
0x5e: {  	s1 =	sadd.s32 $0x100, s31;
	[sflag:s21] =	ssyncadd.s32 $0xFFFFC000  }
0x5f: {  	[tilespmem:s20], [sflag:$0x1] =	stream.indirect.gather [hbm4b:s4+s23], $0x80, s1, s23, $0xb8;
	[tilespmem:$0x1E800] =	vst v63  }
0x60: {  	_ =	swait.ge [sflag:s26], $0x4000  }
0x61: {  	[sflag:s26] =	ssyncset.done $0x0  }
.Ltmp1:
0x62: {  	s1 =	sadd.s32 $0x1480, s31;
	[sflag:s26] =	ssyncadd.s32 $0xFFFFC000;
	(pc) =	sbr.rel @p0 .LBB2_4-.Ltmp1, $4  }
0x63: {  	[spmem:s2] =	stream.indirect.scatter.add.f32 [tilespmem:s24], [sflag:$0x3], $0x80, s1, s23, $0xb8;
	[tilespmem:$0x1E800] =	vst v63  }
0x64: {  	_ =	swait.ge [sflag:s21], $0x4000  }
0x65: {  	[sflag:s21] =	ssyncset.done $0x0  }
0x66: {  	s31 =	sadd.s32 $0x180, s31;
	[sflag:s21] =	ssyncadd.s32 $0xFFFFC000  }
0x67: {  	[tilespmem:s24], [sflag:$0x2] =	stream.indirect.gather [hbm4b:s4+s23], $0x80, s31, s23, $0xb8;
	[tilespmem:$0x1E800] =	vst v63  }
0x68: {  	_ =	swait.ge [sflag:s25], $0x4000  }
0x69: {  	[sflag:s25] =	ssyncset.done $0x0  }
0x6a: {  	[sflag:s25] =	ssyncadd.s32 $0xFFFFC000  }
0x6b: {  	[spmem:s2] =	stream.indirect.scatter.add.f32 [tilespmem:s20], [sflag:$0x3], $0x80, s28, s23, $0xb8;
	[tilespmem:$0x1E800] =	vst v63  }
0x6c: {  	_ =	swait.ge [sflag:s21], $0x4000  }
0x6d: {  	[sflag:s21] =	ssyncset.done $0x0  }
0x6e: {  	[sflag:s21] =	ssyncadd.s32 $0xFFFFC000  }
0x6f: {  	_ =	swait.ge [sflag:s26], $0x4000  }
0x70: {  	[sflag:s26] =	ssyncset.done $0x0  }
0x71: {  	[sflag:s26] =	ssyncadd.s32 $0xFFFFC000  }
0x72: {  	[spmem:s2] =	stream.indirect.scatter.add.f32 [tilespmem:s24], [sflag:$0x3], $0x80, s29, s23, $0xb8;
	[tilespmem:$0x1E800] =	vst v63  }
0x73: {  	_ =	swait.ge [sflag:s21], $0x4000  }
0x74: {  	[sflag:s21] =	ssyncset.done $0x0  }
0x75: {  	s1 =	simm.s32 $0x0;
	[sflag:s21] =	ssyncadd.s32 $0xFFFFC000  }
0x76: {  	[tilespmem:s1], [sflag:$0x3] =	stream.linear.gather [hbm4b:s18+s1], $0x1400, $0x38;
	[tilespmem:$0x1E800] =	vst v63  }
0x77: {  	_ =	swait.ge [sflag:s21], $0x1400  }
0x78: {  	[sflag:s21] =	ssyncset.done $0x0  }
0x79: {  	[sflag:s21] =	ssyncadd.s32 $0xFFFFEC00  }
0x7a: {  	[tilespmem:s22], [sflag:$0x3] =	stream.linear.gather [hbm4b:s19+s1], $0x1400, $0x38;
	[tilespmem:$0x1E800] =	vst v63  }
0x7b: {  	_ =	swait.ge [sflag:s21], $0x1400  }
0x7c: {  	[sflag:s21] =	ssyncset.done $0x0  }
0x7d: {  	[sflag:s21] =	ssyncadd.s32 $0xFFFFEC00  }
0x7e: {  	[tilespmem:s20], [sflag:$0x1] =	stream.indirect.gather [hbm4b:s4+s23], $0x80, s1, s23, $0xb8;
	[tilespmem:$0x1E800] =	vst v63  }
0x7f: {  	_ = 	snop  }
0x80: {  	[tilespmem:s24], [sflag:$0x2] =	stream.indirect.gather [hbm4b:s4+s23], $0x80, s23, s23, $0xb8;
	[tilespmem:$0x1E800] =	vst v63  }
0x81: {  	_ =	swait.ge [sflag:s25], $0x4000  }
0x82: {  	[sflag:s25] =	ssyncset.done $0x0  }
0x83: {  	s1 =	simm.s32 $0x1400;
	[sflag:s25] =	ssyncadd.s32 $0xFFFFC000  }
0x84: {  	[spmem:s2] =	stream.indirect.scatter.add.f32 [tilespmem:s20], [sflag:$0x3], $0x80, s1, s23, $0xb8;
	[tilespmem:$0x1E800] =	vst v63  }
0x85: {  	_ =	swait.ge [sflag:s21], $0x4000  }
0x86: {  	[sflag:s21] =	ssyncset.done $0x0  }
0x87: {  	s1 =	simm.s32 $0x100;
	[sflag:s21] =	ssyncadd.s32 $0xFFFFC000  }
0x88: {  	[tilespmem:s20], [sflag:$0x1] =	stream.indirect.gather [hbm4b:s4+s23], $0x80, s1, s23, $0xb8;
	[tilespmem:$0x1E800] =	vst v63  }
0x89: {  	_ =	swait.ge [sflag:s26], $0x4000  }
0x8a: {  	[sflag:s26] =	ssyncset.done $0x0  }
0x8b: {  	s1 =	simm.s32 $0x1480;
	[sflag:s26] =	ssyncadd.s32 $0xFFFFC000  }
0x8c: {  	[spmem:s2] =	stream.indirect.scatter.add.f32 [tilespmem:s24], [sflag:$0x3], $0x80, s1, s23, $0xb8;
	[tilespmem:$0x1E800] =	vst v63  }
0x8d: {  	_ =	swait.ge [sflag:s21], $0x4000  }
0x8e: {  	[sflag:s21] =	ssyncset.done $0x0  }
0x8f: {  	s30 =	simm.s32 $0x400;
	s31 =	simm.s32 $0x180;
	[sflag:s21] =	ssyncadd.s32 $0xFFFFC000  }
.LBB2_6:
0x90: {  	[tilespmem:s24], [sflag:$0x2] =	stream.indirect.gather [hbm4b:s4+s23], $0x80, s31, s23, $0xb8;
	[tilespmem:$0x1E800] =	vst v63  }
0x91: {  	s1 =	smov.u32 s30  }
0x92: {  	p0 =	sne.s32 s30, $0x4800;
	s30 =	sadd.s32 $0x400, s30;
	_ =	swait.ge [sflag:s25], $0x4000  }
0x93: {  	s1 =	sshra.s32 s1, $0x2;
	[sflag:s25] =	ssyncset.done $0x0  }
0x94: {  	s31 =	sadd.s32 $0x1400, s1;
	[sflag:s25] =	ssyncadd.s32 $0xFFFFC000  }
0x95: {  	[spmem:s2] =	stream.indirect.scatter.add.f32 [tilespmem:s20], [sflag:$0x3], $0x80, s31, s23, $0xb8;
	[tilespmem:$0x1E800] =	vst v63  }
0x96: {  	_ =	swait.ge [sflag:s21], $0x4000  }
0x97: {  	[sflag:s21] =	ssyncset.done $0x0  }
0x98: {  	s31 =	sadd.s32 $0x100, s1;
	[sflag:s21] =	ssyncadd.s32 $0xFFFFC000  }
0x99: {  	[tilespmem:s20], [sflag:$0x1] =	stream.indirect.gather [hbm4b:s4+s23], $0x80, s31, s23, $0xb8;
	[tilespmem:$0x1E800] =	vst v63  }
0x9a: {  	_ =	swait.ge [sflag:s26], $0x4000  }
0x9b: {  	[sflag:s26] =	ssyncset.done $0x0  }
.Ltmp2:
0x9c: {  	s31 =	sadd.s32 $0x1480, s1;
	[sflag:s26] =	ssyncadd.s32 $0xFFFFC000;
	(pc) =	sbr.rel @p0 .LBB2_6-.Ltmp2, $4  }
0x9d: {  	[spmem:s2] =	stream.indirect.scatter.add.f32 [tilespmem:s24], [sflag:$0x3], $0x80, s31, s23, $0xb8;
	[tilespmem:$0x1E800] =	vst v63  }
0x9e: {  	_ =	swait.ge [sflag:s21], $0x4000  }
0x9f: {  	[sflag:s21] =	ssyncset.done $0x0  }
0xa0: {  	s31 =	sadd.s32 $0x180, s1;
	[sflag:s21] =	ssyncadd.s32 $0xFFFFC000  }
0xa1: {  	[tilespmem:s24], [sflag:$0x2] =	stream.indirect.gather [hbm4b:s4+s23], $0x80, s31, s23, $0xb8;
	[tilespmem:$0x1E800] =	vst v63  }
0xa2: {  	_ =	swait.ge [sflag:s25], $0x4000  }
0xa3: {  	[sflag:s25] =	ssyncset.done $0x0  }
0xa4: {  	[sflag:s25] =	ssyncadd.s32 $0xFFFFC000  }
0xa5: {  	[spmem:s2] =	stream.indirect.scatter.add.f32 [tilespmem:s20], [sflag:$0x3], $0x80, s28, s23, $0xb8;
	[tilespmem:$0x1E800] =	vst v63  }
0xa6: {  	_ =	swait.ge [sflag:s21], $0x4000  }
0xa7: {  	[sflag:s21] =	ssyncset.done $0x0  }
0xa8: {  	[sflag:s21] =	ssyncadd.s32 $0xFFFFC000  }
0xa9: {  	_ =	swait.ge [sflag:s26], $0x4000  }
0xaa: {  	[sflag:s26] =	ssyncset.done $0x0  }
0xab: {  	[sflag:s26] =	ssyncadd.s32 $0xFFFFC000  }
0xac: {  	[spmem:s2] =	stream.indirect.scatter.add.f32 [tilespmem:s24], [sflag:$0x3], $0x80, s29, s23, $0xb8;
	[tilespmem:$0x1E800] =	vst v63  }
0xad: {  	_ =	swait.ge [sflag:s21], $0x4000  }
0xae: {  	[sflag:s21] =	ssyncset.done $0x0  }
0xaf: {  	s1 =	sshll.u32 s0, $0x6;
	[sflag:s21] =	ssyncadd.s32 $0xFFFFC000  }
0xb0: {  	s30 =	sshrl.u32 s5, $0x3;
	s1 =	sor.u32 $0x1C03, s1;
	[bflag:$0x0] =	sbarrier.arrive $0xFFFF  }
0xb1: {  	[hbm:s10], [sflag:s1] =	dma.local [spmem:s30], $0x800  }
0xb2: {  	_ =	swait.ge [sflag:s21], $0x800  }
0xb3: {  	[sflag:s21] =	ssyncset.done $0x0  }
0xb4: {  	s31 =	sshrl.u32 s6, $0x3;
	[sflag:s21] =	ssyncadd.s32 $0xFFFFF800  }
0xb5: {  	[hbm:s11], [sflag:s1] =	dma.local [spmem:s31], $0x800  }
0xb6: {  	_ =	swait.ge [sflag:s21], $0x800  }
0xb7: {  	[sflag:s21] =	ssyncset.done $0x0  }
0xb8: {  	s31 =	sshrl.u32 s7, $0x3;
	[sflag:s21] =	ssyncadd.s32 $0xFFFFF800  }
0xb9: {  	[hbm:s12], [sflag:s1] =	dma.local [spmem:s31], $0x800  }
0xba: {  	_ =	swait.ge [sflag:s21], $0x800  }
0xbb: {  	[sflag:s21] =	ssyncset.done $0x0  }
0xbc: {  	s31 =	sshrl.u32 s8, $0x3;
	[sflag:s21] =	ssyncadd.s32 $0xFFFFF800  }
0xbd: {  	[hbm:s13], [sflag:s1] =	dma.local [spmem:s31], $0x800  }
0xbe: {  	s3 =	sadd.s32 $0x1, s3;
	_ =	swait.ge [sflag:s21], $0x800  }
0xbf: {  	p0 =	sne.s32 s3, s15;
	[sflag:s21] =	ssyncset.done $0x0  }
.Ltmp3:
0xc0: {  	s31 =	sshrl.u32 s9, $0x3;
	[sflag:s21] =	ssyncadd.s32 $0xFFFFF800;
	(pc) =	sbr.rel @p0 .LBB2_1-.Ltmp3, $4  }
0xc1: {  	[hbm:s14], [sflag:s1] =	dma.local [spmem:s31], $0x800  }
0xc2: {  	_ =	swait.ge [sflag:s21], $0x800  }
0xc3: {  	[sflag:s21] =	ssyncset.done $0x0  }
0xc4: {  	[sflag:s21] =	ssyncadd.s32 $0xFFFFF800  }
0xc5: {  	_ =	sfence.sel $0x180000  }
0xc6: {  	[bflag:$0x0] =	sbarrier.arrive $0xFFFF  }
0xc7: {  	_ =	strace $0x9000004A  }
0xc8: {  	[bflag:$0x2] =	sbarrier.arrive $0xFFFF  }
0xc9: {  	p0 =	sne.s32 s0, $0x0;
	s0 =	rddreg [dreg:$0x2]  }
0xca: {  	s0 =	sadd.s32 @!p0 $0x100000, s0  }
0xcb: {  	[sflag:s0] =	ssyncadd.tile.s32 @!p0 $0x1;
	_ =	shalt  }
.Lfunc_end2:
_tile_overlayer_lowered:
.L_overlay_start_2:
0xcc: {  	(tag) =	ssettag $0x2  }
0xcd: {  	s0 =	rddreg [dreg:$0x0];
	s2 =	stileid.u32  }
0xce: {  	s1 =	rddreg [dreg:$0x1];
	p0 =	sne.s32 s2, $0x0  }
0xcf: {  	s3 =	rddreg [dreg:$0x2];
	[bflag:$0x3] =	sbarrier.arrive $0xFFFF;
	s2 =	simm.s32 @!p0 $0x1C03  }
0xd0: {  	[timem:s3], [sflag:s2] =	dma.local @!p0 [hbm:s0], s1  }
0xd1: {  	s0 =	simm.s32 @!p0 $0x3  }
0xd2: {  	_ =	swait.ge @!p0 [sflag:s0], s1  }
0xd3: {  	s1 =	ssub.s32 @!p0 $0x0, s1;
	[sflag:s0] =	ssyncset.done @!p0 $0x0  }
0xd4: {  	[sflag:s0] =	ssyncadd.s32 @!p0 s1  }
0xd5: {  	[bflag:$0x3] =	sbarrier.arrive $0xFFFF  }
0xd6: {  	_ =	shalt  }

</sc_bundles>
